<compile_context>
chip_gen: v7x
topology: tpu7x:2x2x1
jax: 0.10.2.dev20260603
libtpu: 0.0.44.dev20260713+nightly
codegen_flags: <defaults>
</compile_context>

<pallas_src>
import functools

import jax
import jax.numpy as jnp
from jax import lax
from jax.experimental import pallas as pl
from jax.experimental.pallas import tpu as pltpu
from jax.experimental.pallas import tpu_sc as plsc

_CH = 128
_UNROLL = 8


def _sc_info():
    try:
        info = plsc.get_sparse_core_info()
        return info.num_cores, info.num_subcores
    except Exception:
        return 2, 16


def _sc_cp():
    return pltpu.CompilerParams(
        needs_layout_passes=False, use_tc_tiling_on_sc=False)


def _make_gather(L, FP, B, NC, NS):
    NW = NC * NS
    bpw = B // NW
    nch = bpw // _CH
    mesh = plsc.VectorSubcoreMesh(core_axis_name="c", subcore_axis_name="s")

    @functools.partial(
        pl.kernel,
        out_type=jax.ShapeDtypeStruct((B, FP), jnp.float32),
        mesh=mesh,
        scratch_types=[
            pltpu.VMEM((nch, _CH), jnp.int32),
            pltpu.VMEM((2, _CH, FP), jnp.float32),
            pltpu.VMEM((nch, _CH), jnp.int32),
            pltpu.SemaphoreType.DMA,
            pltpu.SemaphoreType.DMA,
        ],
        compiler_params=_sc_cp(),
    )
    def k(fb, lb, ind2, fo_out, idx4, rows2, lbl4, semr, seml):
        cid = lax.axis_index("c")
        sid = lax.axis_index("s")
        w = sid * NC + cid
        base = w * bpw
        lanes = lax.iota(jnp.int32, 16)
        pltpu.sync_copy(ind2.at[pl.ds(w * nch, nch)], idx4)
        lg = [pltpu.async_copy(lb.at[idx4.at[c]], lbl4.at[c], seml)
              for c in range(nch)]
        gd = [None, None]

        def fire(c):
            gd[c % 2] = pltpu.async_copy(fb.at[idx4.at[c]], rows2.at[c % 2],
                                         semr)

        def put(c):
            s = c % 2
            gd[s].wait()
            lg[c].wait()
            for j in range(_CH // 16):
                lv = plsc.bitcast(lbl4[c, pl.ds(j * 16, 16)], jnp.float32)
                plsc.store_scatter(
                    rows2, [jnp.full((16,), s, jnp.int32),
                            j * 16 + lanes,
                            jnp.full((16,), 64, jnp.int32)], lv)
            pltpu.sync_copy(rows2.at[s],
                            fo_out.at[pl.ds(base + c * _CH, _CH)])

        fire(0)
        for c in range(nch):
            if c + 1 < nch:
                fire(c + 1)
            put(c)

    return k


def _make_stamp(L, B, NC, NS):
    NW = NC * NS
    HB = B // 2
    lcw = ((L // NW) + 7) // 8 * 8
    mesh = plsc.VectorSubcoreMesh(core_axis_name="c", subcore_axis_name="s")

    @functools.partial(
        pl.kernel,
        out_type=(
            jax.ShapeDtypeStruct((L,), jnp.int32),
            jax.ShapeDtypeStruct((L,), jnp.int32),
        ),
        mesh=mesh,
        scratch_types=[
            pltpu.VMEM((HB // _CH, _CH), jnp.int32),
            pltpu.VMEM((L,), jnp.int32),
        ],
        compiler_params=_sc_cp(),
    )
    def k(lb, ind2, st_out, lbc_out, indh, stampv):
        cid = lax.axis_index("c")
        sid = lax.axis_index("s")
        w = sid * NC + cid
        lanes = lax.iota(jnp.int32, 16)
        lco = w * lcw
        ltail = L - (NW - 1) * lcw

        @pl.when(w < NW - 1)
        def _copy_body():
            pltpu.sync_copy(lb.at[pl.ds(lco, lcw)],
                            lbc_out.at[pl.ds(lco, lcw)])

        @pl.when(w == NW - 1)
        def _copy_tail():
            pltpu.sync_copy(lb.at[pl.ds(lco, ltail)],
                            lbc_out.at[pl.ds(lco, ltail)])

        @pl.when(w == 0)
        def _():
            nhr = HB // _CH
            for h in range(2):
                pltpu.sync_copy(ind2.at[pl.ds(h * nhr, nhr)], indh)

                def body(i, carry):
                    gbase = h * HB + i * _CH
                    idxs, bs = [], []
                    for u in range(_UNROLL):
                        idx16 = indh[i, pl.ds(u * 16, 16)]
                        b16 = gbase + u * 16 + lanes
                        plsc.store_scatter(stampv, [idx16], b16)
                        idxs.append(idx16)
                        bs.append(b16)
                    ok = None
                    for u in range(_UNROLL):
                        g = plsc.load_gather(stampv, [idxs[u]])
                        e = g == bs[u]
                        ok = e if ok is None else jnp.logical_and(ok, e)
                    dup = jnp.logical_not(jnp.all(ok))

                    @pl.when(dup)
                    def _fix():
                        for u in range(_UNROLL):
                            for kk in range(16):
                                plsc.store_scatter(stampv, [idxs[u]], bs[u],
                                                   mask=lanes == kk)

                    return carry

                lax.fori_loop(0, nhr, body, 0)
            pltpu.sync_copy(stampv, st_out)

    return k


def _make_scatter(L, FP, B, NC, NS):
    NW = NC * NS
    bpw = B // NW
    nch = bpw // _CH
    mesh = plsc.VectorSubcoreMesh(core_axis_name="c", subcore_axis_name="s")

    @functools.partial(
        pl.kernel,
        out_type=(),
        mesh=mesh,
        scratch_types=[
            pltpu.VMEM((nch, _CH), jnp.int32),
            pltpu.VMEM((nch, _CH), jnp.int32),
            pltpu.VMEM((nch, _CH, FP), jnp.float32),
            pltpu.VMEM((nch, _CH), jnp.int32),
            [pltpu.SemaphoreType.DMA] * 4,
            [pltpu.SemaphoreType.DMA] * 4,
            pltpu.SemaphoreType.DMA,
            pltpu.SemaphoreType.DMA,
        ],
        compiler_params=_sc_cp(),
    )
    def k(fb_ref, lb_ref, ind2, stamp, fnew, idx4, gc4, rows4, lbl4,
          sgs, rgs, semr, seml):
        cid = lax.axis_index("c")
        sid = lax.axis_index("s")
        w = sid * NC + cid
        lanes = lax.iota(jnp.int32, 16)
        pltpu.sync_copy(ind2.at[pl.ds(w * nch, nch)], idx4)
        sg = [pltpu.async_copy(stamp.at[idx4.at[c]], gc4.at[c], sgs[c])
              for c in range(nch)]
        rg = [None] * nch
        rs, ls = [], []
        for c in range(nch):
            sg[c].wait()
            rg[c] = pltpu.async_copy(fnew.at[gc4.at[c]], rows4.at[c], rgs[c])
        for c in range(nch):
            rg[c].wait()
            for j in range(_CH // 16):
                lv = plsc.load_gather(
                    rows4, [jnp.full((16,), c, jnp.int32),
                            j * 16 + lanes,
                            jnp.full((16,), 64, jnp.int32)])
                lbl4[c, pl.ds(j * 16, 16)] = plsc.bitcast(lv, jnp.int32)
            rs.append(pltpu.async_copy(rows4.at[c], fb_ref.at[idx4.at[c]],
                                       semr))
            ls.append(pltpu.async_copy(lbl4.at[c], lb_ref.at[idx4.at[c]],
                                       seml))
        for d in rs:
            d.wait()
        for d in ls:
            d.wait()

    return k


def _make_dense(C, F, FP, B, BB):
    G = B // BB

    def body(f_ref, fo_ref, c_ref, fn_ref, cs_ref):
        pid = pl.program_id(0)
        f = f_ref[...]
        foe = fo_ref[...]
        fo = foe[:, :F]
        ol = lax.bitcast_convert_type(foe[:, F:F + 1], jnp.int32)
        cen = c_ref[...]
        fn = f / (jnp.sqrt(jnp.sum(f * f, axis=1, keepdims=True)) + 1e-10)
        fnew = 0.5 * fo + 0.5 * fn
        fnew = fnew / (jnp.sqrt(jnp.sum(fnew * fnew, axis=1, keepdims=True))
                       + 1e-10)
        sims = lax.dot_general(fnew, cen, (((1,), (1,)), ((), ())),
                               preferred_element_type=jnp.float32)
        lbl = jnp.argmax(sims, axis=1).astype(jnp.int32)[:, None]
        pad = jnp.zeros((BB, FP - F - 1), jnp.float32)
        fn_ref[...] = jnp.concatenate(
            [fnew, lax.bitcast_convert_type(lbl, jnp.float32), pad], axis=1)
        neq = (lbl != ol).astype(jnp.float32)
        s = jnp.sum(neq, axis=0, keepdims=True)

        @pl.when(pid == 0)
        def _():
            cs_ref[...] = jnp.zeros((1, 1), jnp.float32)

        cs_ref[...] += s * (1.0 / B)

    return pl.pallas_call(
        body,
        grid=(G,),
        in_specs=[
            pl.BlockSpec((BB, F), lambda i: (i, 0)),
            pl.BlockSpec((BB, FP), lambda i: (i, 0)),
            pl.BlockSpec((C, F), lambda i: (0, 0)),
        ],
        out_specs=[
            pl.BlockSpec((BB, FP), lambda i: (i, 0)),
            pl.BlockSpec((1, 1), lambda i: (0, 0)),
        ],
        out_shape=[
            jax.ShapeDtypeStruct((B, FP), jnp.float32),
            jax.ShapeDtypeStruct((1, 1), jnp.float32),
        ],
    )


def kernel(feature_bank, centroids, feature, label_bank, ind):
    L, F = feature_bank.shape
    C = centroids.shape[0]
    B = ind.shape[0]
    FP = 128
    NC, NS = _sc_info()
    BB = 2048

    fb128 = jnp.pad(feature_bank, ((0, 0), (0, FP - F)))

    ind2 = ind.astype(jnp.int32).reshape(B // _CH, _CH)
    stamp, lbc = _make_stamp(L, B, NC, NS)(label_bank, ind2)
    fo128 = _make_gather(L, FP, B, NC, NS)(fb128, label_bank, ind2)
    fnew128, cs = _make_dense(C, F, FP, B, BB)(feature, fo128, centroids)

    fb_ref = jax.new_ref(fb128)
    lb_ref = jax.new_ref(lbc)
    _make_scatter(L, FP, B, NC, NS)(fb_ref, lb_ref, ind2, stamp, fnew128)
    return fb_ref[...][:, :F], lb_ref[...], cs[0, 0]

# --- scband reference (transcript-rebuilt; emitter-appended) ---
"""Pipeline reference for scband-odc-50663434224361 (READ-ONLY COPY).

The authoritative reference and input builder live on the scoring server;
editing this copy changes nothing except your own understanding.
"""

import jax, jax.numpy as jnp
import numpy as np

LENGTH = 100000
FEAT_DIM = 64
NUM_CLASSES = 1000
MOMENTUM = 0.5
BATCH = 16384


def setup_inputs(seed: int = 0) -> dict:
    key = jax.random.key(seed)
    k1, k2, k3, k4, k5 = jax.random.split(key, 5)
    # forward args per input_specs
    ind = jax.random.randint(k1, (BATCH,), 0, LENGTH)
    feature = jax.random.normal(k2, (BATCH, FEAT_DIM), dtype=jnp.float32)
    # module state (buffers) sized per init_kwargs
    fb = jax.random.normal(k3, (LENGTH, FEAT_DIM), dtype=jnp.float32)
    feature_bank = fb / (jnp.linalg.norm(fb, axis=1, keepdims=True) + 1e-10)
    label_bank = jax.random.randint(k4, (LENGTH,), 0, NUM_CLASSES)
    centroids = jax.random.normal(k5, (NUM_CLASSES, FEAT_DIM), dtype=jnp.float32)
    return {
        "feature_bank": feature_bank,
        "centroids": centroids,
        "feature": feature,
        "label_bank": label_bank,
        "ind": ind,
    }


def reference(feature_bank, centroids, feature, label_bank, ind):
    # ODCMemory.update_samples_memory(ind, feature), functional form.
    momentum = MOMENTUM
    # normalize incoming features
    feature_norm = feature / (jnp.linalg.norm(feature, axis=1, keepdims=True) + 1e-10)
    # gather old features from samples memory
    feature_old = feature_bank[ind, :]
    # momentum update + renormalize
    feature_new = (1.0 - momentum) * feature_old + momentum * feature_norm
    feature_new = feature_new / (jnp.linalg.norm(feature_new, axis=1, keepdims=True) + 1e-10)
    # scatter-overwrite updated rows into the memory bank
    new_feature_bank = feature_bank.at[ind, :].set(feature_new)
    # assign new labels via similarity to centroids
    similarity_to_centroids = jnp.matmul(centroids, feature_new.T)  # [C, B]
    newlabel = jnp.argmax(similarity_to_centroids, axis=0)  # [B]
    old_labels = label_bank[ind]
    change_ratio = jnp.sum((newlabel != old_labels).astype(jnp.float32)) / float(BATCH)
    new_label_bank = label_bank.at[ind].set(newlabel)
    return new_feature_bank, new_label_bank, change_ratio

if __name__ == "__main__":
    import jax
    _d = setup_inputs()
    print(jax.jit(kernel)(*tuple(_d.values())))

</pallas_src>

<mosaic_0001>
#map = affine_map<(d0, d1) -> (0, 0)>
#map1 = affine_map<(d0, d1) -> (0)>
module attributes {stable_mosaic.version = 14 : i64} {
  func.func @k(%arg0: i32, %arg1: i32, %arg2: memref<100000x128xf32, #tpu.memory_space<hbm>>, %arg3: memref<100000xi32, #tpu.memory_space<hbm>>, %arg4: memref<128x128xi32, #tpu.memory_space<hbm>>, %arg5: memref<16384x128xf32, #tpu.memory_space<hbm>>, %arg6: memref<4x128xi32, #tpu.memory_space<vmem>>, %arg7: memref<2x128x128xf32, #tpu.memory_space<vmem>>, %arg8: memref<4x128xi32, #tpu.memory_space<vmem>>, %arg9: memref<!tpu.dma_semaphore, #tpu.memory_space<semaphore_mem>>, %arg10: memref<!tpu.dma_semaphore, #tpu.memory_space<semaphore_mem>>) attributes {dimension_semantics = [#tpu.dimension_semantics<core_parallel>, #tpu.dimension_semantics<subcore_parallel>], iteration_bounds = array<i64: 2, 16>, scalar_prefetch = 0 : i64, scratch_operands = 5 : i64, tpu.core_type = #tpu.core_type<sc_vector_subcore>, window_params = [{transform_indices = #map}, {transform_indices = #map1}, {transform_indices = #map}, {transform_indices = #map}]} {
    %mul3A = arith.constant 2 : i32
    %mul3A_0 = arith.muli %arg1, %mul3A : i32
    %add3A = arith.addi %mul3A_0, %arg0 : i32
    %mul3A_1 = arith.constant 512 : i32
    %mul3A_2 = arith.muli %add3A, %mul3A_1 : i32
    %iota3A = tpu.iota {dimensions = array<i32: 0>} : vector<16xi32>
    %mul3A_3 = arith.constant 4 : i32
    %mul3A_4 = arith.muli %add3A, %mul3A_3 : i32
    "tpu.region"() ({
      %run_scoped3A_571 = tpu.sem_alloc : memref<!tpu.dma_semaphore, #tpu.memory_space<semaphore_mem>>
      %dma_start3A_572 = arith.constant 0 : i32
      %dma_start3A_573 = tpu.memref_slice %arg4[%mul3A_4, %dma_start3A_572] : memref<128x128xi32, #tpu.memory_space<hbm>> -> memref<4x128xi32, #tpu.memory_space<hbm>>
      %dma_start3A_574 = arith.constant 0 : i32
      %dma_start3A_575 = tpu.memref_slice %arg4[%mul3A_4, %dma_start3A_574] : memref<128x128xi32, #tpu.memory_space<hbm>> -> memref<4x128xi32, #tpu.memory_space<hbm>>
      tpu.enqueue_dma source(%dma_start3A_575 : memref<4x128xi32, #tpu.memory_space<hbm>>) target(%arg6 : memref<4x128xi32, #tpu.memory_space<vmem>>) target_semaphore(%run_scoped3A_571 : memref<!tpu.dma_semaphore, #tpu.memory_space<semaphore_mem>>)
      %dma_wait3A_576 = arith.constant 0 : i32
      %dma_wait3A_577 = tpu.memref_slice %arg4[%mul3A_4, %dma_wait3A_576] : memref<128x128xi32, #tpu.memory_space<hbm>> -> memref<4x128xi32, #tpu.memory_space<hbm>>
      %dma_wait3A_578 = arith.constant 0 : i32
      %dma_wait3A_579 = tpu.memref_slice %arg4[%mul3A_4, %dma_wait3A_578] : memref<128x128xi32, #tpu.memory_space<hbm>> -> memref<4x128xi32, #tpu.memory_space<hbm>>
      tpu.wait_dma2 semaphore(%run_scoped3A_571 : memref<!tpu.dma_semaphore, #tpu.memory_space<semaphore_mem>>) src(%dma_wait3A_579 : memref<4x128xi32, #tpu.memory_space<hbm>>) dst(%arg6 : memref<4x128xi32, #tpu.memory_space<vmem>>)
      tpu.yield
    }) : () -> ()
    %dma_start3A = arith.constant 0 : i32
    %dma_start3A_5 = arith.constant 0 : i32
    %dma_start3A_6 = arith.constant 0 : i32
    %dma_start3A_7 = tpu.memref_slice %arg8[%dma_start3A_5, %dma_start3A_6] : memref<4x128xi32, #tpu.memory_space<vmem>> -> memref<1x128xi32, #tpu.memory_space<vmem>>
    %dma_start3A_8 = tpu.memref_squeeze %dma_start3A_7 : memref<1x128xi32, #tpu.memory_space<vmem>> -> memref<128xi32, #tpu.memory_space<vmem>>
    %dma_start3A_9 = arith.constant 0 : i32
    %dma_start3A_10 = tpu.memref_slice %arg6[%dma_start3A, %dma_start3A_9] : memref<4x128xi32, #tpu.memory_space<vmem>> -> memref<1x128xi32, #tpu.memory_space<vmem>>
    %dma_start3A_11 = tpu.memref_squeeze %dma_start3A_10 : memref<1x128xi32, #tpu.memory_space<vmem>> -> memref<128xi32, #tpu.memory_space<vmem>>
    %dma_start3A_12 = arith.constant 0 : i32
    %dma_start3A_13 = tpu.memref_slice %arg3[%dma_start3A_12] : memref<100000xi32, #tpu.memory_space<hbm>> -> memref<100000xi32, #tpu.memory_space<hbm>>
    tpu.enqueue_indirect_dma source(%dma_start3A_13 : memref<100000xi32, #tpu.memory_space<hbm>>) target(%dma_start3A_8 : memref<128xi32, #tpu.memory_space<vmem>>) offsets(%dma_start3A_11 : memref<128xi32, #tpu.memory_space<vmem>>) semaphore(%arg10 : memref<!tpu.dma_semaphore, #tpu.memory_space<semaphore_mem>>)
    %dma_start3A_14 = arith.constant 1 : i32
    %dma_start3A_15 = arith.constant 1 : i32
    %dma_start3A_16 = arith.constant 0 : i32
    %dma_start3A_17 = tpu.memref_slice %arg8[%dma_start3A_15, %dma_start3A_16] : memref<4x128xi32, #tpu.memory_space<vmem>> -> memref<1x128xi32, #tpu.memory_space<vmem>>
    %dma_start3A_18 = tpu.memref_squeeze %dma_start3A_17 : memref<1x128xi32, #tpu.memory_space<vmem>> -> memref<128xi32, #tpu.memory_space<vmem>>
    %dma_start3A_19 = arith.constant 0 : i32
    %dma_start3A_20 = tpu.memref_slice %arg6[%dma_start3A_14, %dma_start3A_19] : memref<4x128xi32, #tpu.memory_space<vmem>> -> memref<1x128xi32, #tpu.memory_space<vmem>>
    %dma_start3A_21 = tpu.memref_squeeze %dma_start3A_20 : memref<1x128xi32, #tpu.memory_space<vmem>> -> memref<128xi32, #tpu.memory_space<vmem>>
    %dma_start3A_22 = arith.constant 0 : i32
    %dma_start3A_23 = tpu.memref_slice %arg3[%dma_start3A_22] : memref<100000xi32, #tpu.memory_space<hbm>> -> memref<100000xi32, #tpu.memory_space<hbm>>
    tpu.enqueue_indirect_dma source(%dma_start3A_23 : memref<100000xi32, #tpu.memory_space<hbm>>) target(%dma_start3A_18 : memref<128xi32, #tpu.memory_space<vmem>>) offsets(%dma_start3A_21 : memref<128xi32, #tpu.memory_space<vmem>>) semaphore(%arg10 : memref<!tpu.dma_semaphore, #tpu.memory_space<semaphore_mem>>)
    %dma_start3A_24 = arith.constant 2 : i32
    %dma_start3A_25 = arith.constant 2 : i32
    %dma_start3A_26 = arith.constant 0 : i32
    %dma_start3A_27 = tpu.memref_slice %arg8[%dma_start3A_25, %dma_start3A_26] : memref<4x128xi32, #tpu.memory_space<vmem>> -> memref<1x128xi32, #tpu.memory_space<vmem>>
    %dma_start3A_28 = tpu.memref_squeeze %dma_start3A_27 : memref<1x128xi32, #tpu.memory_space<vmem>> -> memref<128xi32, #tpu.memory_space<vmem>>
    %dma_start3A_29 = arith.constant 0 : i32
    %dma_start3A_30 = tpu.memref_slice %arg6[%dma_start3A_24, %dma_start3A_29] : memref<4x128xi32, #tpu.memory_space<vmem>> -> memref<1x128xi32, #tpu.memory_space<vmem>>
    %dma_start3A_31 = tpu.memref_squeeze %dma_start3A_30 : memref<1x128xi32, #tpu.memory_space<vmem>> -> memref<128xi32, #tpu.memory_space<vmem>>
    %dma_start3A_32 = arith.constant 0 : i32
    %dma_start3A_33 = tpu.memref_slice %arg3[%dma_start3A_32] : memref<100000xi32, #tpu.memory_space<hbm>> -> memref<100000xi32, #tpu.memory_space<hbm>>
    tpu.enqueue_indirect_dma source(%dma_start3A_33 : memref<100000xi32, #tpu.memory_space<hbm>>) target(%dma_start3A_28 : memref<128xi32, #tpu.memory_space<vmem>>) offsets(%dma_start3A_31 : memref<128xi32, #tpu.memory_space<vmem>>) semaphore(%arg10 : memref<!tpu.dma_semaphore, #tpu.memory_space<semaphore_mem>>)
    %dma_start3A_34 = arith.constant 3 : i32
    %dma_start3A_35 = arith.constant 3 : i32
    %dma_start3A_36 = arith.constant 0 : i32
    %dma_start3A_37 = tpu.memref_slice %arg8[%dma_start3A_35, %dma_start3A_36] : memref<4x128xi32, #tpu.memory_space<vmem>> -> memref<1x128xi32, #tpu.memory_space<vmem>>
    %dma_start3A_38 = tpu.memref_squeeze %dma_start3A_37 : memref<1x128xi32, #tpu.memory_space<vmem>> -> memref<128xi32, #tpu.memory_space<vmem>>
    %dma_start3A_39 = arith.constant 0 : i32
    %dma_start3A_40 = tpu.memref_slice %arg6[%dma_start3A_34, %dma_start3A_39] : memref<4x128xi32, #tpu.memory_space<vmem>> -> memref<1x128xi32, #tpu.memory_space<vmem>>
    %dma_start3A_41 = tpu.memref_squeeze %dma_start3A_40 : memref<1x128xi32, #tpu.memory_space<vmem>> -> memref<128xi32, #tpu.memory_space<vmem>>
    %dma_start3A_42 = arith.constant 0 : i32
    %dma_start3A_43 = tpu.memref_slice %arg3[%dma_start3A_42] : memref<100000xi32, #tpu.memory_space<hbm>> -> memref<100000xi32, #tpu.memory_space<hbm>>
    tpu.enqueue_indirect_dma source(%dma_start3A_43 : memref<100000xi32, #tpu.memory_space<hbm>>) target(%dma_start3A_38 : memref<128xi32, #tpu.memory_space<vmem>>) offsets(%dma_start3A_41 : memref<128xi32, #tpu.memory_space<vmem>>) semaphore(%arg10 : memref<!tpu.dma_semaphore, #tpu.memory_space<semaphore_mem>>)
    %dma_start3A_44 = arith.constant 0 : i32
    %dma_start3A_45 = arith.constant 0 : i32
    %dma_start3A_46 = arith.constant 0 : i32
    %dma_start3A_47 = arith.constant 0 : i32
    %dma_start3A_48 = tpu.memref_slice %arg7[%dma_start3A_45, %dma_start3A_46, %dma_start3A_47] : memref<2x128x128xf32, #tpu.memory_space<vmem>> -> memref<1x128x128xf32, #tpu.memory_space<vmem>>
    %dma_start3A_49 = tpu.memref_squeeze %dma_start3A_48 : memref<1x128x128xf32, #tpu.memory_space<vmem>> -> memref<128x128xf32, #tpu.memory_space<vmem>>
    %dma_start3A_50 = arith.constant 0 : i32
    %dma_start3A_51 = tpu.memref_slice %arg6[%dma_start3A_44, %dma_start3A_50] : memref<4x128xi32, #tpu.memory_space<vmem>> -> memref<1x128xi32, #tpu.memory_space<vmem>>
    %dma_start3A_52 = tpu.memref_squeeze %dma_start3A_51 : memref<1x128xi32, #tpu.memory_space<vmem>> -> memref<128xi32, #tpu.memory_space<vmem>>
    %dma_start3A_53 = arith.constant 0 : i32
    %dma_start3A_54 = arith.constant 0 : i32
    %dma_start3A_55 = tpu.memref_slice %arg2[%dma_start3A_53, %dma_start3A_54] : memref<100000x128xf32, #tpu.memory_space<hbm>> -> memref<100000x128xf32, #tpu.memory_space<hbm>>
    tpu.enqueue_indirect_dma source(%dma_start3A_55 : memref<100000x128xf32, #tpu.memory_space<hbm>>) target(%dma_start3A_49 : memref<128x128xf32, #tpu.memory_space<vmem>>) offsets(%dma_start3A_52 : memref<128xi32, #tpu.memory_space<vmem>>) semaphore(%arg9 : memref<!tpu.dma_semaphore, #tpu.memory_space<semaphore_mem>>)
    %dma_start3A_56 = arith.constant 1 : i32
    %dma_start3A_57 = arith.constant 1 : i32
    %dma_start3A_58 = arith.constant 0 : i32
    %dma_start3A_59 = arith.constant 0 : i32
    %dma_start3A_60 = tpu.memref_slice %arg7[%dma_start3A_57, %dma_start3A_58, %dma_start3A_59] : memref<2x128x128xf32, #tpu.memory_space<vmem>> -> memref<1x128x128xf32, #tpu.memory_space<vmem>>
    %dma_start3A_61 = tpu.memref_squeeze %dma_start3A_60 : memref<1x128x128xf32, #tpu.memory_space<vmem>> -> memref<128x128xf32, #tpu.memory_space<vmem>>
    %dma_start3A_62 = arith.constant 0 : i32
    %dma_start3A_63 = tpu.memref_slice %arg6[%dma_start3A_56, %dma_start3A_62] : memref<4x128xi32, #tpu.memory_space<vmem>> -> memref<1x128xi32, #tpu.memory_space<vmem>>
    %dma_start3A_64 = tpu.memref_squeeze %dma_start3A_63 : memref<1x128xi32, #tpu.memory_space<vmem>> -> memref<128xi32, #tpu.memory_space<vmem>>
    %dma_start3A_65 = arith.constant 0 : i32
    %dma_start3A_66 = arith.constant 0 : i32
    %dma_start3A_67 = tpu.memref_slice %arg2[%dma_start3A_65, %dma_start3A_66] : memref<100000x128xf32, #tpu.memory_space<hbm>> -> memref<100000x128xf32, #tpu.memory_space<hbm>>
    tpu.enqueue_indirect_dma source(%dma_start3A_67 : memref<100000x128xf32, #tpu.memory_space<hbm>>) target(%dma_start3A_61 : memref<128x128xf32, #tpu.memory_space<vmem>>) offsets(%dma_start3A_64 : memref<128xi32, #tpu.memory_space<vmem>>) semaphore(%arg9 : memref<!tpu.dma_semaphore, #tpu.memory_space<semaphore_mem>>)
    %dma_wait3A = arith.constant 0 : i32
    %dma_wait3A_68 = arith.constant 0 : i32
    %dma_wait3A_69 = arith.constant 0 : i32
    %dma_wait3A_70 = arith.constant 0 : i32
    %dma_wait3A_71 = tpu.memref_slice %arg7[%dma_wait3A_68, %dma_wait3A_69, %dma_wait3A_70] : memref<2x128x128xf32, #tpu.memory_space<vmem>> -> memref<1x128x128xf32, #tpu.memory_space<vmem>>
    %dma_wait3A_72 = tpu.memref_squeeze %dma_wait3A_71 : memref<1x128x128xf32, #tpu.memory_space<vmem>> -> memref<128x128xf32, #tpu.memory_space<vmem>>
    %dma_wait3A_73 = arith.constant 0 : i32
    %dma_wait3A_74 = tpu.memref_slice %arg6[%dma_wait3A, %dma_wait3A_73] : memref<4x128xi32, #tpu.memory_space<vmem>> -> memref<1x128xi32, #tpu.memory_space<vmem>>
    %dma_wait3A_75 = tpu.memref_squeeze %dma_wait3A_74 : memref<1x128xi32, #tpu.memory_space<vmem>> -> memref<128xi32, #tpu.memory_space<vmem>>
    %dma_wait3A_76 = arith.constant 0 : i32
    %dma_wait3A_77 = arith.constant 0 : i32
    %dma_wait3A_78 = tpu.memref_slice %arg2[%dma_wait3A_76, %dma_wait3A_77] : memref<100000x128xf32, #tpu.memory_space<hbm>> -> memref<100000x128xf32, #tpu.memory_space<hbm>>
    tpu.wait_indirect_dma semaphore(%arg9 : memref<!tpu.dma_semaphore, #tpu.memory_space<semaphore_mem>>) src(%dma_wait3A_78 : memref<100000x128xf32, #tpu.memory_space<hbm>>) dst(%dma_wait3A_72 : memref<128x128xf32, #tpu.memory_space<vmem>>)
    %dma_wait3A_79 = arith.constant 0 : i32
    %dma_wait3A_80 = arith.constant 0 : i32
    %dma_wait3A_81 = arith.constant 0 : i32
    %dma_wait3A_82 = tpu.memref_slice %arg8[%dma_wait3A_80, %dma_wait3A_81] : memref<4x128xi32, #tpu.memory_space<vmem>> -> memref<1x128xi32, #tpu.memory_space<vmem>>
    %dma_wait3A_83 = tpu.memref_squeeze %dma_wait3A_82 : memref<1x128xi32, #tpu.memory_space<vmem>> -> memref<128xi32, #tpu.memory_space<vmem>>
    %dma_wait3A_84 = arith.constant 0 : i32
    %dma_wait3A_85 = tpu.memref_slice %arg6[%dma_wait3A_79, %dma_wait3A_84] : memref<4x128xi32, #tpu.memory_space<vmem>> -> memref<1x128xi32, #tpu.memory_space<vmem>>
    %dma_wait3A_86 = tpu.memref_squeeze %dma_wait3A_85 : memref<1x128xi32, #tpu.memory_space<vmem>> -> memref<128xi32, #tpu.memory_space<vmem>>
    %dma_wait3A_87 = arith.constant 0 : i32
    %dma_wait3A_88 = tpu.memref_slice %arg3[%dma_wait3A_87] : memref<100000xi32, #tpu.memory_space<hbm>> -> memref<100000xi32, #tpu.memory_space<hbm>>
    tpu.wait_indirect_dma semaphore(%arg10 : memref<!tpu.dma_semaphore, #tpu.memory_space<semaphore_mem>>) src(%dma_wait3A_88 : memref<100000xi32, #tpu.memory_space<hbm>>) dst(%dma_wait3A_83 : memref<128xi32, #tpu.memory_space<vmem>>)
    %get3A = arith.constant 0 : i32
    %get3A_89 = arith.index_cast %get3A : i32 to index
    %get3A_90 = arith.constant 0 : index
    %get3A_91 = tpu.vector_load %arg8[%get3A_89, %get3A_90] {strides = array<i32>} : memref<4x128xi32, #tpu.memory_space<vmem>>, vector<16xi32>,
    %bitcast3A = vector.bitcast %get3A_91 : vector<16xi32> to vector<16xf32>
    %broadcast_in_dim3A = arith.constant 0 : i32
    %broadcast_in_dim3A_92 = vector.broadcast %broadcast_in_dim3A : i32 to vector<16xi32>
    %add3A_93 = arith.constant 0 : i32
    %add3A_94 = vector.broadcast %add3A_93 : i32 to vector<16xi32>
    %add3A_95 = arith.addi %add3A_94, %iota3A : vector<16xi32>
    %broadcast_in_dim3A_96 = arith.constant 64 : i32
    %broadcast_in_dim3A_97 = vector.broadcast %broadcast_in_dim3A_96 : i32 to vector<16xi32>
    tpu.vector_store_idx %arg7[%broadcast_in_dim3A_92, %add3A_95, %broadcast_in_dim3A_97], %bitcast3A : memref<2x128x128xf32, #tpu.memory_space<vmem>>[vector<16xi32>, vector<16xi32>, vector<16xi32>], vector<16xf32>,
    %get3A_98 = arith.constant 0 : i32
    %get3A_99 = arith.index_cast %get3A_98 : i32 to index
    %get3A_100 = arith.constant 16 : index
    %get3A_101 = tpu.vector_load %arg8[%get3A_99, %get3A_100] {strides = array<i32>} : memref<4x128xi32, #tpu.memory_space<vmem>>, vector<16xi32>,
    %bitcast3A_102 = vector.bitcast %get3A_101 : vector<16xi32> to vector<16xf32>
    %broadcast_in_dim3A_103 = arith.constant 0 : i32
    %broadcast_in_dim3A_104 = vector.broadcast %broadcast_in_dim3A_103 : i32 to vector<16xi32>
    %add3A_105 = arith.constant 16 : i32
    %add3A_106 = vector.broadcast %add3A_105 : i32 to vector<16xi32>
    %add3A_107 = arith.addi %add3A_106, %iota3A : vector<16xi32>
    %broadcast_in_dim3A_108 = arith.constant 64 : i32
    %broadcast_in_dim3A_109 = vector.broadcast %broadcast_in_dim3A_108 : i32 to vector<16xi32>
    tpu.vector_store_idx %arg7[%broadcast_in_dim3A_104, %add3A_107, %broadcast_in_dim3A_109], %bitcast3A_102 : memref<2x128x128xf32, #tpu.memory_space<vmem>>[vector<16xi32>, vector<16xi32>, vector<16xi32>], vector<16xf32>,
    %get3A_110 = arith.constant 0 : i32
    %get3A_111 = arith.index_cast %get3A_110 : i32 to index
    %get3A_112 = arith.constant 32 : index
    %get3A_113 = tpu.vector_load %arg8[%get3A_111, %get3A_112] {strides = array<i32>} : memref<4x128xi32, #tpu.memory_space<vmem>>, vector<16xi32>,
    %bitcast3A_114 = vector.bitcast %get3A_113 : vector<16xi32> to vector<16xf32>
    %broadcast_in_dim3A_115 = arith.constant 0 : i32
    %broadcast_in_dim3A_116 = vector.broadcast %broadcast_in_dim3A_115 : i32 to vector<16xi32>
    %add3A_117 = arith.constant 32 : i32
    %add3A_118 = vector.broadcast %add3A_117 : i32 to vector<16xi32>
    %add3A_119 = arith.addi %add3A_118, %iota3A : vector<16xi32>
    %broadcast_in_dim3A_120 = arith.constant 64 : i32
    %broadcast_in_dim3A_121 = vector.broadcast %broadcast_in_dim3A_120 : i32 to vector<16xi32>
    tpu.vector_store_idx %arg7[%broadcast_in_dim3A_116, %add3A_119, %broadcast_in_dim3A_121], %bitcast3A_114 : memref<2x128x128xf32, #tpu.memory_space<vmem>>[vector<16xi32>, vector<16xi32>, vector<16xi32>], vector<16xf32>,
    %get3A_122 = arith.constant 0 : i32
    %get3A_123 = arith.index_cast %get3A_122 : i32 to index
    %get3A_124 = arith.constant 48 : index
    %get3A_125 = tpu.vector_load %arg8[%get3A_123, %get3A_124] {strides = array<i32>} : memref<4x128xi32, #tpu.memory_space<vmem>>, vector<16xi32>,
    %bitcast3A_126 = vector.bitcast %get3A_125 : vector<16xi32> to vector<16xf32>
    %broadcast_in_dim3A_127 = arith.constant 0 : i32
    %broadcast_in_dim3A_128 = vector.broadcast %broadcast_in_dim3A_127 : i32 to vector<16xi32>
    %add3A_129 = arith.constant 48 : i32
    %add3A_130 = vector.broadcast %add3A_129 : i32 to vector<16xi32>
    %add3A_131 = arith.addi %add3A_130, %iota3A : vector<16xi32>
    %broadcast_in_dim3A_132 = arith.constant 64 : i32
    %broadcast_in_dim3A_133 = vector.broadcast %broadcast_in_dim3A_132 : i32 to vector<16xi32>
    tpu.vector_store_idx %arg7[%broadcast_in_dim3A_128, %add3A_131, %broadcast_in_dim3A_133], %bitcast3A_126 : memref<2x128x128xf32, #tpu.memory_space<vmem>>[vector<16xi32>, vector<16xi32>, vector<16xi32>], vector<16xf32>,
    %get3A_134 = arith.constant 0 : i32
    %get3A_135 = arith.index_cast %get3A_134 : i32 to index
    %get3A_136 = arith.constant 64 : index
    %get3A_137 = tpu.vector_load %arg8[%get3A_135, %get3A_136] {strides = array<i32>} : memref<4x128xi32, #tpu.memory_space<vmem>>, vector<16xi32>,
    %bitcast3A_138 = vector.bitcast %get3A_137 : vector<16xi32> to vector<16xf32>
    %broadcast_in_dim3A_139 = arith.constant 0 : i32
    %broadcast_in_dim3A_140 = vector.broadcast %broadcast_in_dim3A_139 : i32 to vector<16xi32>
    %add3A_141 = arith.constant 64 : i32
    %add3A_142 = vector.broadcast %add3A_141 : i32 to vector<16xi32>
    %add3A_143 = arith.addi %add3A_142, %iota3A : vector<16xi32>
    %broadcast_in_dim3A_144 = arith.constant 64 : i32
    %broadcast_in_dim3A_145 = vector.broadcast %broadcast_in_dim3A_144 : i32 to vector<16xi32>
    tpu.vector_store_idx %arg7[%broadcast_in_dim3A_140, %add3A_143, %broadcast_in_dim3A_145], %bitcast3A_138 : memref<2x128x128xf32, #tpu.memory_space<vmem>>[vector<16xi32>, vector<16xi32>, vector<16xi32>], vector<16xf32>,
    %get3A_146 = arith.constant 0 : i32
    %get3A_147 = arith.index_cast %get3A_146 : i32 to index
    %get3A_148 = arith.constant 80 : index
    %get3A_149 = tpu.vector_load %arg8[%get3A_147, %get3A_148] {strides = array<i32>} : memref<4x128xi32, #tpu.memory_space<vmem>>, vector<16xi32>,
    %bitcast3A_150 = vector.bitcast %get3A_149 : vector<16xi32> to vector<16xf32>
    %broadcast_in_dim3A_151 = arith.constant 0 : i32
    %broadcast_in_dim3A_152 = vector.broadcast %broadcast_in_dim3A_151 : i32 to vector<16xi32>
    %add3A_153 = arith.constant 80 : i32
    %add3A_154 = vector.broadcast %add3A_153 : i32 to vector<16xi32>
    %add3A_155 = arith.addi %add3A_154, %iota3A : vector<16xi32>
    %broadcast_in_dim3A_156 = arith.constant 64 : i32
    %broadcast_in_dim3A_157 = vector.broadcast %broadcast_in_dim3A_156 : i32 to vector<16xi32>
    tpu.vector_store_idx %arg7[%broadcast_in_dim3A_152, %add3A_155, %broadcast_in_dim3A_157], %bitcast3A_150 : memref<2x128x128xf32, #tpu.memory_space<vmem>>[vector<16xi32>, vector<16xi32>, vector<16xi32>], vector<16xf32>,
    %get3A_158 = arith.constant 0 : i32
    %get3A_159 = arith.index_cast %get3A_158 : i32 to index
    %get3A_160 = arith.constant 96 : index
    %get3A_161 = tpu.vector_load %arg8[%get3A_159, %get3A_160] {strides = array<i32>} : memref<4x128xi32, #tpu.memory_space<vmem>>, vector<16xi32>,
    %bitcast3A_162 = vector.bitcast %get3A_161 : vector<16xi32> to vector<16xf32>
    %broadcast_in_dim3A_163 = arith.constant 0 : i32
    %broadcast_in_dim3A_164 = vector.broadcast %broadcast_in_dim3A_163 : i32 to vector<16xi32>
    %add3A_165 = arith.constant 96 : i32
    %add3A_166 = vector.broadcast %add3A_165 : i32 to vector<16xi32>
    %add3A_167 = arith.addi %add3A_166, %iota3A : vector<16xi32>
    %broadcast_in_dim3A_168 = arith.constant 64 : i32
    %broadcast_in_dim3A_169 = vector.broadcast %broadcast_in_dim3A_168 : i32 to vector<16xi32>
    tpu.vector_store_idx %arg7[%broadcast_in_dim3A_164, %add3A_167, %broadcast_in_dim3A_169], %bitcast3A_162 : memref<2x128x128xf32, #tpu.memory_space<vmem>>[vector<16xi32>, vector<16xi32>, vector<16xi32>], vector<16xf32>,
    %get3A_170 = arith.constant 0 : i32
    %get3A_171 = arith.index_cast %get3A_170 : i32 to index
    %get3A_172 = arith.constant 112 : index
    %get3A_173 = tpu.vector_load %arg8[%get3A_171, %get3A_172] {strides = array<i32>} : memref<4x128xi32, #tpu.memory_space<vmem>>, vector<16xi32>,
    %bitcast3A_174 = vector.bitcast %get3A_173 : vector<16xi32> to vector<16xf32>
    %broadcast_in_dim3A_175 = arith.constant 0 : i32
    %broadcast_in_dim3A_176 = vector.broadcast %broadcast_in_dim3A_175 : i32 to vector<16xi32>
    %add3A_177 = arith.constant 112 : i32
    %add3A_178 = vector.broadcast %add3A_177 : i32 to vector<16xi32>
    %add3A_179 = arith.addi %add3A_178, %iota3A : vector<16xi32>
    %broadcast_in_dim3A_180 = arith.constant 64 : i32
    %broadcast_in_dim3A_181 = vector.broadcast %broadcast_in_dim3A_180 : i32 to vector<16xi32>
    tpu.vector_store_idx %arg7[%broadcast_in_dim3A_176, %add3A_179, %broadcast_in_dim3A_181], %bitcast3A_174 : memref<2x128x128xf32, #tpu.memory_space<vmem>>[vector<16xi32>, vector<16xi32>, vector<16xi32>], vector<16xf32>,
    %add3A_182 = arith.constant 0 : i32
    %add3A_183 = arith.addi %mul3A_2, %add3A_182 : i32
    %run_scoped3A = arith.constant 0 : i32
    "tpu.region"() ({
      %run_scoped3A_571 = tpu.sem_alloc : memref<!tpu.dma_semaphore, #tpu.memory_space<semaphore_mem>>
      %dma_start3A_572 = arith.constant 0 : i32
      %dma_start3A_573 = arith.constant 0 : i32
      %dma_start3A_574 = tpu.memref_slice %arg7[%run_scoped3A, %dma_start3A_572, %dma_start3A_573] : memref<2x128x128xf32, #tpu.memory_space<vmem>> -> memref<1x128x128xf32, #tpu.memory_space<vmem>>
      %dma_start3A_575 = tpu.memref_squeeze %dma_start3A_574 : memref<1x128x128xf32, #tpu.memory_space<vmem>> -> memref<128x128xf32, #tpu.memory_space<vmem>>
      %dma_start3A_576 = arith.constant 0 : i32
      %dma_start3A_577 = tpu.memref_slice %arg5[%add3A_183, %dma_start3A_576] : memref<16384x128xf32, #tpu.memory_space<hbm>> -> memref<128x128xf32, #tpu.memory_space<hbm>>
      %dma_start3A_578 = arith.constant 0 : i32
      %dma_start3A_579 = tpu.memref_slice %arg5[%add3A_183, %dma_start3A_578] : memref<16384x128xf32, #tpu.memory_space<hbm>> -> memref<128x128xf32, #tpu.memory_space<hbm>>
      %dma_start3A_580 = arith.constant 0 : i32
      %dma_start3A_581 = arith.constant 0 : i32
      %dma_start3A_582 = tpu.memref_slice %arg7[%run_scoped3A, %dma_start3A_580, %dma_start3A_581] : memref<2x128x128xf32, #tpu.memory_space<vmem>> -> memref<1x128x128xf32, #tpu.memory_space<vmem>>
      %dma_start3A_583 = tpu.memref_squeeze %dma_start3A_582 : memref<1x128x128xf32, #tpu.memory_space<vmem>> -> memref<128x128xf32, #tpu.memory_space<vmem>>
      tpu.enqueue_dma source(%dma_start3A_583 : memref<128x128xf32, #tpu.memory_space<vmem>>) target(%dma_start3A_579 : memref<128x128xf32, #tpu.memory_space<hbm>>) target_semaphore(%run_scoped3A_571 : memref<!tpu.dma_semaphore, #tpu.memory_space<semaphore_mem>>)
      %dma_wait3A_584 = arith.constant 0 : i32
      %dma_wait3A_585 = arith.constant 0 : i32
      %dma_wait3A_586 = tpu.memref_slice %arg7[%run_scoped3A, %dma_wait3A_584, %dma_wait3A_585] : memref<2x128x128xf32, #tpu.memory_space<vmem>> -> memref<1x128x128xf32, #tpu.memory_space<vmem>>
      %dma_wait3A_587 = tpu.memref_squeeze %dma_wait3A_586 : memref<1x128x128xf32, #tpu.memory_space<vmem>> -> memref<128x128xf32, #tpu.memory_space<vmem>>
      %dma_wait3A_588 = arith.constant 0 : i32
      %dma_wait3A_589 = tpu.memref_slice %arg5[%add3A_183, %dma_wait3A_588] : memref<16384x128xf32, #tpu.memory_space<hbm>> -> memref<128x128xf32, #tpu.memory_space<hbm>>
      %dma_wait3A_590 = arith.constant 0 : i32
      %dma_wait3A_591 = tpu.memref_slice %arg5[%add3A_183, %dma_wait3A_590] : memref<16384x128xf32, #tpu.memory_space<hbm>> -> memref<128x128xf32, #tpu.memory_space<hbm>>
      %dma_wait3A_592 = arith.constant 0 : i32
      %dma_wait3A_593 = arith.constant 0 : i32
      %dma_wait3A_594 = tpu.memref_slice %arg7[%run_scoped3A, %dma_wait3A_592, %dma_wait3A_593] : memref<2x128x128xf32, #tpu.memory_space<vmem>> -> memref<1x128x128xf32, #tpu.memory_space<vmem>>
      %dma_wait3A_595 = tpu.memref_squeeze %dma_wait3A_594 : memref<1x128x128xf32, #tpu.memory_space<vmem>> -> memref<128x128xf32, #tpu.memory_space<vmem>>
      tpu.wait_dma2 semaphore(%run_scoped3A_571 : memref<!tpu.dma_semaphore, #tpu.memory_space<semaphore_mem>>) src(%dma_wait3A_595 : memref<128x128xf32, #tpu.memory_space<vmem>>) dst(%dma_wait3A_591 : memref<128x128xf32, #tpu.memory_space<hbm>>)
      tpu.yield
    }) : () -> ()
    %dma_start3A_184 = arith.constant 2 : i32
    %dma_start3A_185 = arith.constant 0 : i32
    %dma_start3A_186 = arith.constant 0 : i32
    %dma_start3A_187 = arith.constant 0 : i32
    %dma_start3A_188 = tpu.memref_slice %arg7[%dma_start3A_185, %dma_start3A_186, %dma_start3A_187] : memref<2x128x128xf32, #tpu.memory_space<vmem>> -> memref<1x128x128xf32, #tpu.memory_space<vmem>>
    %dma_start3A_189 = tpu.memref_squeeze %dma_start3A_188 : memref<1x128x128xf32, #tpu.memory_space<vmem>> -> memref<128x128xf32, #tpu.memory_space<vmem>>
    %dma_start3A_190 = arith.constant 0 : i32
    %dma_start3A_191 = tpu.memref_slice %arg6[%dma_start3A_184, %dma_start3A_190] : memref<4x128xi32, #tpu.memory_space<vmem>> -> memref<1x128xi32, #tpu.memory_space<vmem>>
    %dma_start3A_192 = tpu.memref_squeeze %dma_start3A_191 : memref<1x128xi32, #tpu.memory_space<vmem>> -> memref<128xi32, #tpu.memory_space<vmem>>
    %dma_start3A_193 = arith.constant 0 : i32
    %dma_start3A_194 = arith.constant 0 : i32
    %dma_start3A_195 = tpu.memref_slice %arg2[%dma_start3A_193, %dma_start3A_194] : memref<100000x128xf32, #tpu.memory_space<hbm>> -> memref<100000x128xf32, #tpu.memory_space<hbm>>
    tpu.enqueue_indirect_dma source(%dma_start3A_195 : memref<100000x128xf32, #tpu.memory_space<hbm>>) target(%dma_start3A_189 : memref<128x128xf32, #tpu.memory_space<vmem>>) offsets(%dma_start3A_192 : memref<128xi32, #tpu.memory_space<vmem>>) semaphore(%arg9 : memref<!tpu.dma_semaphore, #tpu.memory_space<semaphore_mem>>)
    %dma_wait3A_196 = arith.constant 1 : i32
    %dma_wait3A_197 = arith.constant 1 : i32
    %dma_wait3A_198 = arith.constant 0 : i32
    %dma_wait3A_199 = arith.constant 0 : i32
    %dma_wait3A_200 = tpu.memref_slice %arg7[%dma_wait3A_197, %dma_wait3A_198, %dma_wait3A_199] : memref<2x128x128xf32, #tpu.memory_space<vmem>> -> memref<1x128x128xf32, #tpu.memory_space<vmem>>
    %dma_wait3A_201 = tpu.memref_squeeze %dma_wait3A_200 : memref<1x128x128xf32, #tpu.memory_space<vmem>> -> memref<128x128xf32, #tpu.memory_space<vmem>>
    %dma_wait3A_202 = arith.constant 0 : i32
    %dma_wait3A_203 = tpu.memref_slice %arg6[%dma_wait3A_196, %dma_wait3A_202] : memref<4x128xi32, #tpu.memory_space<vmem>> -> memref<1x128xi32, #tpu.memory_space<vmem>>
    %dma_wait3A_204 = tpu.memref_squeeze %dma_wait3A_203 : memref<1x128xi32, #tpu.memory_space<vmem>> -> memref<128xi32, #tpu.memory_space<vmem>>
    %dma_wait3A_205 = arith.constant 0 : i32
    %dma_wait3A_206 = arith.constant 0 : i32
    %dma_wait3A_207 = tpu.memref_slice %arg2[%dma_wait3A_205, %dma_wait3A_206] : memref<100000x128xf32, #tpu.memory_space<hbm>> -> memref<100000x128xf32, #tpu.memory_space<hbm>>
    tpu.wait_indirect_dma semaphore(%arg9 : memref<!tpu.dma_semaphore, #tpu.memory_space<semaphore_mem>>) src(%dma_wait3A_207 : memref<100000x128xf32, #tpu.memory_space<hbm>>) dst(%dma_wait3A_201 : memref<128x128xf32, #tpu.memory_space<vmem>>)
    %dma_wait3A_208 = arith.constant 1 : i32
    %dma_wait3A_209 = arith.constant 1 : i32
    %dma_wait3A_210 = arith.constant 0 : i32
    %dma_wait3A_211 = tpu.memref_slice %arg8[%dma_wait3A_209, %dma_wait3A_210] : memref<4x128xi32, #tpu.memory_space<vmem>> -> memref<1x128xi32, #tpu.memory_space<vmem>>
    %dma_wait3A_212 = tpu.memref_squeeze %dma_wait3A_211 : memref<1x128xi32, #tpu.memory_space<vmem>> -> memref<128xi32, #tpu.memory_space<vmem>>
    %dma_wait3A_213 = arith.constant 0 : i32
    %dma_wait3A_214 = tpu.memref_slice %arg6[%dma_wait3A_208, %dma_wait3A_213] : memref<4x128xi32, #tpu.memory_space<vmem>> -> memref<1x128xi32, #tpu.memory_space<vmem>>
    %dma_wait3A_215 = tpu.memref_squeeze %dma_wait3A_214 : memref<1x128xi32, #tpu.memory_space<vmem>> -> memref<128xi32, #tpu.memory_space<vmem>>
    %dma_wait3A_216 = arith.constant 0 : i32
    %dma_wait3A_217 = tpu.memref_slice %arg3[%dma_wait3A_216] : memref<100000xi32, #tpu.memory_space<hbm>> -> memref<100000xi32, #tpu.memory_space<hbm>>
    tpu.wait_indirect_dma semaphore(%arg10 : memref<!tpu.dma_semaphore, #tpu.memory_space<semaphore_mem>>) src(%dma_wait3A_217 : memref<100000xi32, #tpu.memory_space<hbm>>) dst(%dma_wait3A_212 : memref<128xi32, #tpu.memory_space<vmem>>)
    %get3A_218 = arith.constant 1 : i32
    %get3A_219 = arith.index_cast %get3A_218 : i32 to index
    %get3A_220 = arith.constant 0 : index
    %get3A_221 = tpu.vector_load %arg8[%get3A_219, %get3A_220] {strides = array<i32>} : memref<4x128xi32, #tpu.memory_space<vmem>>, vector<16xi32>,
    %bitcast3A_222 = vector.bitcast %get3A_221 : vector<16xi32> to vector<16xf32>
    %broadcast_in_dim3A_223 = arith.constant 1 : i32
    %broadcast_in_dim3A_224 = vector.broadcast %broadcast_in_dim3A_223 : i32 to vector<16xi32>
    %add3A_225 = arith.constant 0 : i32
    %add3A_226 = vector.broadcast %add3A_225 : i32 to vector<16xi32>
    %add3A_227 = arith.addi %add3A_226, %iota3A : vector<16xi32>
    %broadcast_in_dim3A_228 = arith.constant 64 : i32
    %broadcast_in_dim3A_229 = vector.broadcast %broadcast_in_dim3A_228 : i32 to vector<16xi32>
    tpu.vector_store_idx %arg7[%broadcast_in_dim3A_224, %add3A_227, %broadcast_in_dim3A_229], %bitcast3A_222 : memref<2x128x128xf32, #tpu.memory_space<vmem>>[vector<16xi32>, vector<16xi32>, vector<16xi32>], vector<16xf32>,
    %get3A_230 = arith.constant 1 : i32
    %get3A_231 = arith.index_cast %get3A_230 : i32 to index
    %get3A_232 = arith.constant 16 : index
    %get3A_233 = tpu.vector_load %arg8[%get3A_231, %get3A_232] {strides = array<i32>} : memref<4x128xi32, #tpu.memory_space<vmem>>, vector<16xi32>,
    %bitcast3A_234 = vector.bitcast %get3A_233 : vector<16xi32> to vector<16xf32>
    %broadcast_in_dim3A_235 = arith.constant 1 : i32
    %broadcast_in_dim3A_236 = vector.broadcast %broadcast_in_dim3A_235 : i32 to vector<16xi32>
    %add3A_237 = arith.constant 16 : i32
    %add3A_238 = vector.broadcast %add3A_237 : i32 to vector<16xi32>
    %add3A_239 = arith.addi %add3A_238, %iota3A : vector<16xi32>
    %broadcast_in_dim3A_240 = arith.constant 64 : i32
    %broadcast_in_dim3A_241 = vector.broadcast %broadcast_in_dim3A_240 : i32 to vector<16xi32>
    tpu.vector_store_idx %arg7[%broadcast_in_dim3A_236, %add3A_239, %broadcast_in_dim3A_241], %bitcast3A_234 : memref<2x128x128xf32, #tpu.memory_space<vmem>>[vector<16xi32>, vector<16xi32>, vector<16xi32>], vector<16xf32>,
    %get3A_242 = arith.constant 1 : i32
    %get3A_243 = arith.index_cast %get3A_242 : i32 to index
    %get3A_244 = arith.constant 32 : index
    %get3A_245 = tpu.vector_load %arg8[%get3A_243, %get3A_244] {strides = array<i32>} : memref<4x128xi32, #tpu.memory_space<vmem>>, vector<16xi32>,
    %bitcast3A_246 = vector.bitcast %get3A_245 : vector<16xi32> to vector<16xf32>
    %broadcast_in_dim3A_247 = arith.constant 1 : i32
    %broadcast_in_dim3A_248 = vector.broadcast %broadcast_in_dim3A_247 : i32 to vector<16xi32>
    %add3A_249 = arith.constant 32 : i32
    %add3A_250 = vector.broadcast %add3A_249 : i32 to vector<16xi32>
    %add3A_251 = arith.addi %add3A_250, %iota3A : vector<16xi32>
    %broadcast_in_dim3A_252 = arith.constant 64 : i32
    %broadcast_in_dim3A_253 = vector.broadcast %broadcast_in_dim3A_252 : i32 to vector<16xi32>
    tpu.vector_store_idx %arg7[%broadcast_in_dim3A_248, %add3A_251, %broadcast_in_dim3A_253], %bitcast3A_246 : memref<2x128x128xf32, #tpu.memory_space<vmem>>[vector<16xi32>, vector<16xi32>, vector<16xi32>], vector<16xf32>,
    %get3A_254 = arith.constant 1 : i32
    %get3A_255 = arith.index_cast %get3A_254 : i32 to index
    %get3A_256 = arith.constant 48 : index
    %get3A_257 = tpu.vector_load %arg8[%get3A_255, %get3A_256] {strides = array<i32>} : memref<4x128xi32, #tpu.memory_space<vmem>>, vector<16xi32>,
    %bitcast3A_258 = vector.bitcast %get3A_257 : vector<16xi32> to vector<16xf32>
    %broadcast_in_dim3A_259 = arith.constant 1 : i32
    %broadcast_in_dim3A_260 = vector.broadcast %broadcast_in_dim3A_259 : i32 to vector<16xi32>
    %add3A_261 = arith.constant 48 : i32
    %add3A_262 = vector.broadcast %add3A_261 : i32 to vector<16xi32>
    %add3A_263 = arith.addi %add3A_262, %iota3A : vector<16xi32>
    %broadcast_in_dim3A_264 = arith.constant 64 : i32
    %broadcast_in_dim3A_265 = vector.broadcast %broadcast_in_dim3A_264 : i32 to vector<16xi32>
    tpu.vector_store_idx %arg7[%broadcast_in_dim3A_260, %add3A_263, %broadcast_in_dim3A_265], %bitcast3A_258 : memref<2x128x128xf32, #tpu.memory_space<vmem>>[vector<16xi32>, vector<16xi32>, vector<16xi32>], vector<16xf32>,
    %get3A_266 = arith.constant 1 : i32
    %get3A_267 = arith.index_cast %get3A_266 : i32 to index
    %get3A_268 = arith.constant 64 : index
    %get3A_269 = tpu.vector_load %arg8[%get3A_267, %get3A_268] {strides = array<i32>} : memref<4x128xi32, #tpu.memory_space<vmem>>, vector<16xi32>,
    %bitcast3A_270 = vector.bitcast %get3A_269 : vector<16xi32> to vector<16xf32>
    %broadcast_in_dim3A_271 = arith.constant 1 : i32
    %broadcast_in_dim3A_272 = vector.broadcast %broadcast_in_dim3A_271 : i32 to vector<16xi32>
    %add3A_273 = arith.constant 64 : i32
    %add3A_274 = vector.broadcast %add3A_273 : i32 to vector<16xi32>
    %add3A_275 = arith.addi %add3A_274, %iota3A : vector<16xi32>
    %broadcast_in_dim3A_276 = arith.constant 64 : i32
    %broadcast_in_dim3A_277 = vector.broadcast %broadcast_in_dim3A_276 : i32 to vector<16xi32>
    tpu.vector_store_idx %arg7[%broadcast_in_dim3A_272, %add3A_275, %broadcast_in_dim3A_277], %bitcast3A_270 : memref<2x128x128xf32, #tpu.memory_space<vmem>>[vector<16xi32>, vector<16xi32>, vector<16xi32>], vector<16xf32>,
    %get3A_278 = arith.constant 1 : i32
    %get3A_279 = arith.index_cast %get3A_278 : i32 to index
    %get3A_280 = arith.constant 80 : index
    %get3A_281 = tpu.vector_load %arg8[%get3A_279, %get3A_280] {strides = array<i32>} : memref<4x128xi32, #tpu.memory_space<vmem>>, vector<16xi32>,
    %bitcast3A_282 = vector.bitcast %get3A_281 : vector<16xi32> to vector<16xf32>
    %broadcast_in_dim3A_283 = arith.constant 1 : i32
    %broadcast_in_dim3A_284 = vector.broadcast %broadcast_in_dim3A_283 : i32 to vector<16xi32>
    %add3A_285 = arith.constant 80 : i32
    %add3A_286 = vector.broadcast %add3A_285 : i32 to vector<16xi32>
    %add3A_287 = arith.addi %add3A_286, %iota3A : vector<16xi32>
    %broadcast_in_dim3A_288 = arith.constant 64 : i32
    %broadcast_in_dim3A_289 = vector.broadcast %broadcast_in_dim3A_288 : i32 to vector<16xi32>
    tpu.vector_store_idx %arg7[%broadcast_in_dim3A_284, %add3A_287, %broadcast_in_dim3A_289], %bitcast3A_282 : memref<2x128x128xf32, #tpu.memory_space<vmem>>[vector<16xi32>, vector<16xi32>, vector<16xi32>], vector<16xf32>,
    %get3A_290 = arith.constant 1 : i32
    %get3A_291 = arith.index_cast %get3A_290 : i32 to index
    %get3A_292 = arith.constant 96 : index
    %get3A_293 = tpu.vector_load %arg8[%get3A_291, %get3A_292] {strides = array<i32>} : memref<4x128xi32, #tpu.memory_space<vmem>>, vector<16xi32>,
    %bitcast3A_294 = vector.bitcast %get3A_293 : vector<16xi32> to vector<16xf32>
    %broadcast_in_dim3A_295 = arith.constant 1 : i32
    %broadcast_in_dim3A_296 = vector.broadcast %broadcast_in_dim3A_295 : i32 to vector<16xi32>
    %add3A_297 = arith.constant 96 : i32
    %add3A_298 = vector.broadcast %add3A_297 : i32 to vector<16xi32>
    %add3A_299 = arith.addi %add3A_298, %iota3A : vector<16xi32>
    %broadcast_in_dim3A_300 = arith.constant 64 : i32
    %broadcast_in_dim3A_301 = vector.broadcast %broadcast_in_dim3A_300 : i32 to vector<16xi32>
    tpu.vector_store_idx %arg7[%broadcast_in_dim3A_296, %add3A_299, %broadcast_in_dim3A_301], %bitcast3A_294 : memref<2x128x128xf32, #tpu.memory_space<vmem>>[vector<16xi32>, vector<16xi32>, vector<16xi32>], vector<16xf32>,
    %get3A_302 = arith.constant 1 : i32
    %get3A_303 = arith.index_cast %get3A_302 : i32 to index
    %get3A_304 = arith.constant 112 : index
    %get3A_305 = tpu.vector_load %arg8[%get3A_303, %get3A_304] {strides = array<i32>} : memref<4x128xi32, #tpu.memory_space<vmem>>, vector<16xi32>,
    %bitcast3A_306 = vector.bitcast %get3A_305 : vector<16xi32> to vector<16xf32>
    %broadcast_in_dim3A_307 = arith.constant 1 : i32
    %broadcast_in_dim3A_308 = vector.broadcast %broadcast_in_dim3A_307 : i32 to vector<16xi32>
    %add3A_309 = arith.constant 112 : i32
    %add3A_310 = vector.broadcast %add3A_309 : i32 to vector<16xi32>
    %add3A_311 = arith.addi %add3A_310, %iota3A : vector<16xi32>
    %broadcast_in_dim3A_312 = arith.constant 64 : i32
    %broadcast_in_dim3A_313 = vector.broadcast %broadcast_in_dim3A_312 : i32 to vector<16xi32>
    tpu.vector_store_idx %arg7[%broadcast_in_dim3A_308, %add3A_311, %broadcast_in_dim3A_313], %bitcast3A_306 : memref<2x128x128xf32, #tpu.memory_space<vmem>>[vector<16xi32>, vector<16xi32>, vector<16xi32>], vector<16xf32>,
    %add3A_314 = arith.constant 128 : i32
    %add3A_315 = arith.addi %mul3A_2, %add3A_314 : i32
    %run_scoped3A_316 = arith.constant 1 : i32
    "tpu.region"() ({
      %run_scoped3A_571 = tpu.sem_alloc : memref<!tpu.dma_semaphore, #tpu.memory_space<semaphore_mem>>
      %dma_start3A_572 = arith.constant 0 : i32
      %dma_start3A_573 = arith.constant 0 : i32
      %dma_start3A_574 = tpu.memref_slice %arg7[%run_scoped3A_316, %dma_start3A_572, %dma_start3A_573] : memref<2x128x128xf32, #tpu.memory_space<vmem>> -> memref<1x128x128xf32, #tpu.memory_space<vmem>>
      %dma_start3A_575 = tpu.memref_squeeze %dma_start3A_574 : memref<1x128x128xf32, #tpu.memory_space<vmem>> -> memref<128x128xf32, #tpu.memory_space<vmem>>
      %dma_start3A_576 = arith.constant 0 : i32
      %dma_start3A_577 = tpu.memref_slice %arg5[%add3A_315, %dma_start3A_576] : memref<16384x128xf32, #tpu.memory_space<hbm>> -> memref<128x128xf32, #tpu.memory_space<hbm>>
      %dma_start3A_578 = arith.constant 0 : i32
      %dma_start3A_579 = tpu.memref_slice %arg5[%add3A_315, %dma_start3A_578] : memref<16384x128xf32, #tpu.memory_space<hbm>> -> memref<128x128xf32, #tpu.memory_space<hbm>>
      %dma_start3A_580 = arith.constant 0 : i32
      %dma_start3A_581 = arith.constant 0 : i32
      %dma_start3A_582 = tpu.memref_slice %arg7[%run_scoped3A_316, %dma_start3A_580, %dma_start3A_581] : memref<2x128x128xf32, #tpu.memory_space<vmem>> -> memref<1x128x128xf32, #tpu.memory_space<vmem>>
      %dma_start3A_583 = tpu.memref_squeeze %dma_start3A_582 : memref<1x128x128xf32, #tpu.memory_space<vmem>> -> memref<128x128xf32, #tpu.memory_space<vmem>>
      tpu.enqueue_dma source(%dma_start3A_583 : memref<128x128xf32, #tpu.memory_space<vmem>>) target(%dma_start3A_579 : memref<128x128xf32, #tpu.memory_space<hbm>>) target_semaphore(%run_scoped3A_571 : memref<!tpu.dma_semaphore, #tpu.memory_space<semaphore_mem>>)
      %dma_wait3A_584 = arith.constant 0 : i32
      %dma_wait3A_585 = arith.constant 0 : i32
      %dma_wait3A_586 = tpu.memref_slice %arg7[%run_scoped3A_316, %dma_wait3A_584, %dma_wait3A_585] : memref<2x128x128xf32, #tpu.memory_space<vmem>> -> memref<1x128x128xf32, #tpu.memory_space<vmem>>
      %dma_wait3A_587 = tpu.memref_squeeze %dma_wait3A_586 : memref<1x128x128xf32, #tpu.memory_space<vmem>> -> memref<128x128xf32, #tpu.memory_space<vmem>>
      %dma_wait3A_588 = arith.constant 0 : i32
      %dma_wait3A_589 = tpu.memref_slice %arg5[%add3A_315, %dma_wait3A_588] : memref<16384x128xf32, #tpu.memory_space<hbm>> -> memref<128x128xf32, #tpu.memory_space<hbm>>
      %dma_wait3A_590 = arith.constant 0 : i32
      %dma_wait3A_591 = tpu.memref_slice %arg5[%add3A_315, %dma_wait3A_590] : memref<16384x128xf32, #tpu.memory_space<hbm>> -> memref<128x128xf32, #tpu.memory_space<hbm>>
      %dma_wait3A_592 = arith.constant 0 : i32
      %dma_wait3A_593 = arith.constant 0 : i32
      %dma_wait3A_594 = tpu.memref_slice %arg7[%run_scoped3A_316, %dma_wait3A_592, %dma_wait3A_593] : memref<2x128x128xf32, #tpu.memory_space<vmem>> -> memref<1x128x128xf32, #tpu.memory_space<vmem>>
      %dma_wait3A_595 = tpu.memref_squeeze %dma_wait3A_594 : memref<1x128x128xf32, #tpu.memory_space<vmem>> -> memref<128x128xf32, #tpu.memory_space<vmem>>
      tpu.wait_dma2 semaphore(%run_scoped3A_571 : memref<!tpu.dma_semaphore, #tpu.memory_space<semaphore_mem>>) src(%dma_wait3A_595 : memref<128x128xf32, #tpu.memory_space<vmem>>) dst(%dma_wait3A_591 : memref<128x128xf32, #tpu.memory_space<hbm>>)
      tpu.yield
    }) : () -> ()
    %dma_start3A_317 = arith.constant 3 : i32
    %dma_start3A_318 = arith.constant 1 : i32
    %dma_start3A_319 = arith.constant 0 : i32
    %dma_start3A_320 = arith.constant 0 : i32
    %dma_start3A_321 = tpu.memref_slice %arg7[%dma_start3A_318, %dma_start3A_319, %dma_start3A_320] : memref<2x128x128xf32, #tpu.memory_space<vmem>> -> memref<1x128x128xf32, #tpu.memory_space<vmem>>
    %dma_start3A_322 = tpu.memref_squeeze %dma_start3A_321 : memref<1x128x128xf32, #tpu.memory_space<vmem>> -> memref<128x128xf32, #tpu.memory_space<vmem>>
    %dma_start3A_323 = arith.constant 0 : i32
    %dma_start3A_324 = tpu.memref_slice %arg6[%dma_start3A_317, %dma_start3A_323] : memref<4x128xi32, #tpu.memory_space<vmem>> -> memref<1x128xi32, #tpu.memory_space<vmem>>
    %dma_start3A_325 = tpu.memref_squeeze %dma_start3A_324 : memref<1x128xi32, #tpu.memory_space<vmem>> -> memref<128xi32, #tpu.memory_space<vmem>>
    %dma_start3A_326 = arith.constant 0 : i32
    %dma_start3A_327 = arith.constant 0 : i32
    %dma_start3A_328 = tpu.memref_slice %arg2[%dma_start3A_326, %dma_start3A_327] : memref<100000x128xf32, #tpu.memory_space<hbm>> -> memref<100000x128xf32, #tpu.memory_space<hbm>>
    tpu.enqueue_indirect_dma source(%dma_start3A_328 : memref<100000x128xf32, #tpu.memory_space<hbm>>) target(%dma_start3A_322 : memref<128x128xf32, #tpu.memory_space<vmem>>) offsets(%dma_start3A_325 : memref<128xi32, #tpu.memory_space<vmem>>) semaphore(%arg9 : memref<!tpu.dma_semaphore, #tpu.memory_space<semaphore_mem>>)
    %dma_wait3A_329 = arith.constant 2 : i32
    %dma_wait3A_330 = arith.constant 0 : i32
    %dma_wait3A_331 = arith.constant 0 : i32
    %dma_wait3A_332 = arith.constant 0 : i32
    %dma_wait3A_333 = tpu.memref_slice %arg7[%dma_wait3A_330, %dma_wait3A_331, %dma_wait3A_332] : memref<2x128x128xf32, #tpu.memory_space<vmem>> -> memref<1x128x128xf32, #tpu.memory_space<vmem>>
    %dma_wait3A_334 = tpu.memref_squeeze %dma_wait3A_333 : memref<1x128x128xf32, #tpu.memory_space<vmem>> -> memref<128x128xf32, #tpu.memory_space<vmem>>
    %dma_wait3A_335 = arith.constant 0 : i32
    %dma_wait3A_336 = tpu.memref_slice %arg6[%dma_wait3A_329, %dma_wait3A_335] : memref<4x128xi32, #tpu.memory_space<vmem>> -> memref<1x128xi32, #tpu.memory_space<vmem>>
    %dma_wait3A_337 = tpu.memref_squeeze %dma_wait3A_336 : memref<1x128xi32, #tpu.memory_space<vmem>> -> memref<128xi32, #tpu.memory_space<vmem>>
    %dma_wait3A_338 = arith.constant 0 : i32
    %dma_wait3A_339 = arith.constant 0 : i32
    %dma_wait3A_340 = tpu.memref_slice %arg2[%dma_wait3A_338, %dma_wait3A_339] : memref<100000x128xf32, #tpu.memory_space<hbm>> -> memref<100000x128xf32, #tpu.memory_space<hbm>>
    tpu.wait_indirect_dma semaphore(%arg9 : memref<!tpu.dma_semaphore, #tpu.memory_space<semaphore_mem>>) src(%dma_wait3A_340 : memref<100000x128xf32, #tpu.memory_space<hbm>>) dst(%dma_wait3A_334 : memref<128x128xf32, #tpu.memory_space<vmem>>)
    %dma_wait3A_341 = arith.constant 2 : i32
    %dma_wait3A_342 = arith.constant 2 : i32
    %dma_wait3A_343 = arith.constant 0 : i32
    %dma_wait3A_344 = tpu.memref_slice %arg8[%dma_wait3A_342, %dma_wait3A_343] : memref<4x128xi32, #tpu.memory_space<vmem>> -> memref<1x128xi32, #tpu.memory_space<vmem>>
    %dma_wait3A_345 = tpu.memref_squeeze %dma_wait3A_344 : memref<1x128xi32, #tpu.memory_space<vmem>> -> memref<128xi32, #tpu.memory_space<vmem>>
    %dma_wait3A_346 = arith.constant 0 : i32
    %dma_wait3A_347 = tpu.memref_slice %arg6[%dma_wait3A_341, %dma_wait3A_346] : memref<4x128xi32, #tpu.memory_space<vmem>> -> memref<1x128xi32, #tpu.memory_space<vmem>>
    %dma_wait3A_348 = tpu.memref_squeeze %dma_wait3A_347 : memref<1x128xi32, #tpu.memory_space<vmem>> -> memref<128xi32, #tpu.memory_space<vmem>>
    %dma_wait3A_349 = arith.constant 0 : i32
    %dma_wait3A_350 = tpu.memref_slice %arg3[%dma_wait3A_349] : memref<100000xi32, #tpu.memory_space<hbm>> -> memref<100000xi32, #tpu.memory_space<hbm>>
    tpu.wait_indirect_dma semaphore(%arg10 : memref<!tpu.dma_semaphore, #tpu.memory_space<semaphore_mem>>) src(%dma_wait3A_350 : memref<100000xi32, #tpu.memory_space<hbm>>) dst(%dma_wait3A_345 : memref<128xi32, #tpu.memory_space<vmem>>)
    %get3A_351 = arith.constant 2 : i32
    %get3A_352 = arith.index_cast %get3A_351 : i32 to index
    %get3A_353 = arith.constant 0 : index
    %get3A_354 = tpu.vector_load %arg8[%get3A_352, %get3A_353] {strides = array<i32>} : memref<4x128xi32, #tpu.memory_space<vmem>>, vector<16xi32>,
    %bitcast3A_355 = vector.bitcast %get3A_354 : vector<16xi32> to vector<16xf32>
    %broadcast_in_dim3A_356 = arith.constant 0 : i32
    %broadcast_in_dim3A_357 = vector.broadcast %broadcast_in_dim3A_356 : i32 to vector<16xi32>
    %add3A_358 = arith.constant 0 : i32
    %add3A_359 = vector.broadcast %add3A_358 : i32 to vector<16xi32>
    %add3A_360 = arith.addi %add3A_359, %iota3A : vector<16xi32>
    %broadcast_in_dim3A_361 = arith.constant 64 : i32
    %broadcast_in_dim3A_362 = vector.broadcast %broadcast_in_dim3A_361 : i32 to vector<16xi32>
    tpu.vector_store_idx %arg7[%broadcast_in_dim3A_357, %add3A_360, %broadcast_in_dim3A_362], %bitcast3A_355 : memref<2x128x128xf32, #tpu.memory_space<vmem>>[vector<16xi32>, vector<16xi32>, vector<16xi32>], vector<16xf32>,
    %get3A_363 = arith.constant 2 : i32
    %get3A_364 = arith.index_cast %get3A_363 : i32 to index
    %get3A_365 = arith.constant 16 : index
    %get3A_366 = tpu.vector_load %arg8[%get3A_364, %get3A_365] {strides = array<i32>} : memref<4x128xi32, #tpu.memory_space<vmem>>, vector<16xi32>,
    %bitcast3A_367 = vector.bitcast %get3A_366 : vector<16xi32> to vector<16xf32>
    %broadcast_in_dim3A_368 = arith.constant 0 : i32
    %broadcast_in_dim3A_369 = vector.broadcast %broadcast_in_dim3A_368 : i32 to vector<16xi32>
    %add3A_370 = arith.constant 16 : i32
    %add3A_371 = vector.broadcast %add3A_370 : i32 to vector<16xi32>
    %add3A_372 = arith.addi %add3A_371, %iota3A : vector<16xi32>
    %broadcast_in_dim3A_373 = arith.constant 64 : i32
    %broadcast_in_dim3A_374 = vector.broadcast %broadcast_in_dim3A_373 : i32 to vector<16xi32>
    tpu.vector_store_idx %arg7[%broadcast_in_dim3A_369, %add3A_372, %broadcast_in_dim3A_374], %bitcast3A_367 : memref<2x128x128xf32, #tpu.memory_space<vmem>>[vector<16xi32>, vector<16xi32>, vector<16xi32>], vector<16xf32>,
    %get3A_375 = arith.constant 2 : i32
    %get3A_376 = arith.index_cast %get3A_375 : i32 to index
    %get3A_377 = arith.constant 32 : index
    %get3A_378 = tpu.vector_load %arg8[%get3A_376, %get3A_377] {strides = array<i32>} : memref<4x128xi32, #tpu.memory_space<vmem>>, vector<16xi32>,
    %bitcast3A_379 = vector.bitcast %get3A_378 : vector<16xi32> to vector<16xf32>
    %broadcast_in_dim3A_380 = arith.constant 0 : i32
    %broadcast_in_dim3A_381 = vector.broadcast %broadcast_in_dim3A_380 : i32 to vector<16xi32>
    %add3A_382 = arith.constant 32 : i32
    %add3A_383 = vector.broadcast %add3A_382 : i32 to vector<16xi32>
    %add3A_384 = arith.addi %add3A_383, %iota3A : vector<16xi32>
    %broadcast_in_dim3A_385 = arith.constant 64 : i32
    %broadcast_in_dim3A_386 = vector.broadcast %broadcast_in_dim3A_385 : i32 to vector<16xi32>
    tpu.vector_store_idx %arg7[%broadcast_in_dim3A_381, %add3A_384, %broadcast_in_dim3A_386], %bitcast3A_379 : memref<2x128x128xf32, #tpu.memory_space<vmem>>[vector<16xi32>, vector<16xi32>, vector<16xi32>], vector<16xf32>,
    %get3A_387 = arith.constant 2 : i32
    %get3A_388 = arith.index_cast %get3A_387 : i32 to index
    %get3A_389 = arith.constant 48 : index
    %get3A_390 = tpu.vector_load %arg8[%get3A_388, %get3A_389] {strides = array<i32>} : memref<4x128xi32, #tpu.memory_space<vmem>>, vector<16xi32>,
    %bitcast3A_391 = vector.bitcast %get3A_390 : vector<16xi32> to vector<16xf32>
    %broadcast_in_dim3A_392 = arith.constant 0 : i32
    %broadcast_in_dim3A_393 = vector.broadcast %broadcast_in_dim3A_392 : i32 to vector<16xi32>
    %add3A_394 = arith.constant 48 : i32
    %add3A_395 = vector.broadcast %add3A_394 : i32 to vector<16xi32>
    %add3A_396 = arith.addi %add3A_395, %iota3A : vector<16xi32>
    %broadcast_in_dim3A_397 = arith.constant 64 : i32
    %broadcast_in_dim3A_398 = vector.broadcast %broadcast_in_dim3A_397 : i32 to vector<16xi32>
    tpu.vector_store_idx %arg7[%broadcast_in_dim3A_393, %add3A_396, %broadcast_in_dim3A_398], %bitcast3A_391 : memref<2x128x128xf32, #tpu.memory_space<vmem>>[vector<16xi32>, vector<16xi32>, vector<16xi32>], vector<16xf32>,
    %get3A_399 = arith.constant 2 : i32
    %get3A_400 = arith.index_cast %get3A_399 : i32 to index
    %get3A_401 = arith.constant 64 : index
    %get3A_402 = tpu.vector_load %arg8[%get3A_400, %get3A_401] {strides = array<i32>} : memref<4x128xi32, #tpu.memory_space<vmem>>, vector<16xi32>,
    %bitcast3A_403 = vector.bitcast %get3A_402 : vector<16xi32> to vector<16xf32>
    %broadcast_in_dim3A_404 = arith.constant 0 : i32
    %broadcast_in_dim3A_405 = vector.broadcast %broadcast_in_dim3A_404 : i32 to vector<16xi32>
    %add3A_406 = arith.constant 64 : i32
    %add3A_407 = vector.broadcast %add3A_406 : i32 to vector<16xi32>
    %add3A_408 = arith.addi %add3A_407, %iota3A : vector<16xi32>
    %broadcast_in_dim3A_409 = arith.constant 64 : i32
    %broadcast_in_dim3A_410 = vector.broadcast %broadcast_in_dim3A_409 : i32 to vector<16xi32>
    tpu.vector_store_idx %arg7[%broadcast_in_dim3A_405, %add3A_408, %broadcast_in_dim3A_410], %bitcast3A_403 : memref<2x128x128xf32, #tpu.memory_space<vmem>>[vector<16xi32>, vector<16xi32>, vector<16xi32>], vector<16xf32>,
    %get3A_411 = arith.constant 2 : i32
    %get3A_412 = arith.index_cast %get3A_411 : i32 to index
    %get3A_413 = arith.constant 80 : index
    %get3A_414 = tpu.vector_load %arg8[%get3A_412, %get3A_413] {strides = array<i32>} : memref<4x128xi32, #tpu.memory_space<vmem>>, vector<16xi32>,
    %bitcast3A_415 = vector.bitcast %get3A_414 : vector<16xi32> to vector<16xf32>
    %broadcast_in_dim3A_416 = arith.constant 0 : i32
    %broadcast_in_dim3A_417 = vector.broadcast %broadcast_in_dim3A_416 : i32 to vector<16xi32>
    %add3A_418 = arith.constant 80 : i32
    %add3A_419 = vector.broadcast %add3A_418 : i32 to vector<16xi32>
    %add3A_420 = arith.addi %add3A_419, %iota3A : vector<16xi32>
    %broadcast_in_dim3A_421 = arith.constant 64 : i32
    %broadcast_in_dim3A_422 = vector.broadcast %broadcast_in_dim3A_421 : i32 to vector<16xi32>
    tpu.vector_store_idx %arg7[%broadcast_in_dim3A_417, %add3A_420, %broadcast_in_dim3A_422], %bitcast3A_415 : memref<2x128x128xf32, #tpu.memory_space<vmem>>[vector<16xi32>, vector<16xi32>, vector<16xi32>], vector<16xf32>,
    %get3A_423 = arith.constant 2 : i32
    %get3A_424 = arith.index_cast %get3A_423 : i32 to index
    %get3A_425 = arith.constant 96 : index
    %get3A_426 = tpu.vector_load %arg8[%get3A_424, %get3A_425] {strides = array<i32>} : memref<4x128xi32, #tpu.memory_space<vmem>>, vector<16xi32>,
    %bitcast3A_427 = vector.bitcast %get3A_426 : vector<16xi32> to vector<16xf32>
    %broadcast_in_dim3A_428 = arith.constant 0 : i32
    %broadcast_in_dim3A_429 = vector.broadcast %broadcast_in_dim3A_428 : i32 to vector<16xi32>
    %add3A_430 = arith.constant 96 : i32
    %add3A_431 = vector.broadcast %add3A_430 : i32 to vector<16xi32>
    %add3A_432 = arith.addi %add3A_431, %iota3A : vector<16xi32>
    %broadcast_in_dim3A_433 = arith.constant 64 : i32
    %broadcast_in_dim3A_434 = vector.broadcast %broadcast_in_dim3A_433 : i32 to vector<16xi32>
    tpu.vector_store_idx %arg7[%broadcast_in_dim3A_429, %add3A_432, %broadcast_in_dim3A_434], %bitcast3A_427 : memref<2x128x128xf32, #tpu.memory_space<vmem>>[vector<16xi32>, vector<16xi32>, vector<16xi32>], vector<16xf32>,
    %get3A_435 = arith.constant 2 : i32
    %get3A_436 = arith.index_cast %get3A_435 : i32 to index
    %get3A_437 = arith.constant 112 : index
    %get3A_438 = tpu.vector_load %arg8[%get3A_436, %get3A_437] {strides = array<i32>} : memref<4x128xi32, #tpu.memory_space<vmem>>, vector<16xi32>,
    %bitcast3A_439 = vector.bitcast %get3A_438 : vector<16xi32> to vector<16xf32>
    %broadcast_in_dim3A_440 = arith.constant 0 : i32
    %broadcast_in_dim3A_441 = vector.broadcast %broadcast_in_dim3A_440 : i32 to vector<16xi32>
    %add3A_442 = arith.constant 112 : i32
    %add3A_443 = vector.broadcast %add3A_442 : i32 to vector<16xi32>
    %add3A_444 = arith.addi %add3A_443, %iota3A : vector<16xi32>
    %broadcast_in_dim3A_445 = arith.constant 64 : i32
    %broadcast_in_dim3A_446 = vector.broadcast %broadcast_in_dim3A_445 : i32 to vector<16xi32>
    tpu.vector_store_idx %arg7[%broadcast_in_dim3A_441, %add3A_444, %broadcast_in_dim3A_446], %bitcast3A_439 : memref<2x128x128xf32, #tpu.memory_space<vmem>>[vector<16xi32>, vector<16xi32>, vector<16xi32>], vector<16xf32>,
    %add3A_447 = arith.constant 256 : i32
    %add3A_448 = arith.addi %mul3A_2, %add3A_447 : i32
    %run_scoped3A_449 = arith.constant 0 : i32
    "tpu.region"() ({
      %run_scoped3A_571 = tpu.sem_alloc : memref<!tpu.dma_semaphore, #tpu.memory_space<semaphore_mem>>
      %dma_start3A_572 = arith.constant 0 : i32
      %dma_start3A_573 = arith.constant 0 : i32
      %dma_start3A_574 = tpu.memref_slice %arg7[%run_scoped3A_449, %dma_start3A_572, %dma_start3A_573] : memref<2x128x128xf32, #tpu.memory_space<vmem>> -> memref<1x128x128xf32, #tpu.memory_space<vmem>>
      %dma_start3A_575 = tpu.memref_squeeze %dma_start3A_574 : memref<1x128x128xf32, #tpu.memory_space<vmem>> -> memref<128x128xf32, #tpu.memory_space<vmem>>
      %dma_start3A_576 = arith.constant 0 : i32
      %dma_start3A_577 = tpu.memref_slice %arg5[%add3A_448, %dma_start3A_576] : memref<16384x128xf32, #tpu.memory_space<hbm>> -> memref<128x128xf32, #tpu.memory_space<hbm>>
      %dma_start3A_578 = arith.constant 0 : i32
      %dma_start3A_579 = tpu.memref_slice %arg5[%add3A_448, %dma_start3A_578] : memref<16384x128xf32, #tpu.memory_space<hbm>> -> memref<128x128xf32, #tpu.memory_space<hbm>>
      %dma_start3A_580 = arith.constant 0 : i32
      %dma_start3A_581 = arith.constant 0 : i32
      %dma_start3A_582 = tpu.memref_slice %arg7[%run_scoped3A_449, %dma_start3A_580, %dma_start3A_581] : memref<2x128x128xf32, #tpu.memory_space<vmem>> -> memref<1x128x128xf32, #tpu.memory_space<vmem>>
      %dma_start3A_583 = tpu.memref_squeeze %dma_start3A_582 : memref<1x128x128xf32, #tpu.memory_space<vmem>> -> memref<128x128xf32, #tpu.memory_space<vmem>>
      tpu.enqueue_dma source(%dma_start3A_583 : memref<128x128xf32, #tpu.memory_space<vmem>>) target(%dma_start3A_579 : memref<128x128xf32, #tpu.memory_space<hbm>>) target_semaphore(%run_scoped3A_571 : memref<!tpu.dma_semaphore, #tpu.memory_space<semaphore_mem>>)
      %dma_wait3A_584 = arith.constant 0 : i32
      %dma_wait3A_585 = arith.constant 0 : i32
      %dma_wait3A_586 = tpu.memref_slice %arg7[%run_scoped3A_449, %dma_wait3A_584, %dma_wait3A_585] : memref<2x128x128xf32, #tpu.memory_space<vmem>> -> memref<1x128x128xf32, #tpu.memory_space<vmem>>
      %dma_wait3A_587 = tpu.memref_squeeze %dma_wait3A_586 : memref<1x128x128xf32, #tpu.memory_space<vmem>> -> memref<128x128xf32, #tpu.memory_space<vmem>>
      %dma_wait3A_588 = arith.constant 0 : i32
      %dma_wait3A_589 = tpu.memref_slice %arg5[%add3A_448, %dma_wait3A_588] : memref<16384x128xf32, #tpu.memory_space<hbm>> -> memref<128x128xf32, #tpu.memory_space<hbm>>
      %dma_wait3A_590 = arith.constant 0 : i32
      %dma_wait3A_591 = tpu.memref_slice %arg5[%add3A_448, %dma_wait3A_590] : memref<16384x128xf32, #tpu.memory_space<hbm>> -> memref<128x128xf32, #tpu.memory_space<hbm>>
      %dma_wait3A_592 = arith.constant 0 : i32
      %dma_wait3A_593 = arith.constant 0 : i32
      %dma_wait3A_594 = tpu.memref_slice %arg7[%run_scoped3A_449, %dma_wait3A_592, %dma_wait3A_593] : memref<2x128x128xf32, #tpu.memory_space<vmem>> -> memref<1x128x128xf32, #tpu.memory_space<vmem>>
      %dma_wait3A_595 = tpu.memref_squeeze %dma_wait3A_594 : memref<1x128x128xf32, #tpu.memory_space<vmem>> -> memref<128x128xf32, #tpu.memory_space<vmem>>
      tpu.wait_dma2 semaphore(%run_scoped3A_571 : memref<!tpu.dma_semaphore, #tpu.memory_space<semaphore_mem>>) src(%dma_wait3A_595 : memref<128x128xf32, #tpu.memory_space<vmem>>) dst(%dma_wait3A_591 : memref<128x128xf32, #tpu.memory_space<hbm>>)
      tpu.yield
    }) : () -> ()
    %dma_wait3A_450 = arith.constant 3 : i32
    %dma_wait3A_451 = arith.constant 1 : i32
    %dma_wait3A_452 = arith.constant 0 : i32
    %dma_wait3A_453 = arith.constant 0 : i32
    %dma_wait3A_454 = tpu.memref_slice %arg7[%dma_wait3A_451, %dma_wait3A_452, %dma_wait3A_453] : memref<2x128x128xf32, #tpu.memory_space<vmem>> -> memref<1x128x128xf32, #tpu.memory_space<vmem>>
    %dma_wait3A_455 = tpu.memref_squeeze %dma_wait3A_454 : memref<1x128x128xf32, #tpu.memory_space<vmem>> -> memref<128x128xf32, #tpu.memory_space<vmem>>
    %dma_wait3A_456 = arith.constant 0 : i32
    %dma_wait3A_457 = tpu.memref_slice %arg6[%dma_wait3A_450, %dma_wait3A_456] : memref<4x128xi32, #tpu.memory_space<vmem>> -> memref<1x128xi32, #tpu.memory_space<vmem>>
    %dma_wait3A_458 = tpu.memref_squeeze %dma_wait3A_457 : memref<1x128xi32, #tpu.memory_space<vmem>> -> memref<128xi32, #tpu.memory_space<vmem>>
    %dma_wait3A_459 = arith.constant 0 : i32
    %dma_wait3A_460 = arith.constant 0 : i32
    %dma_wait3A_461 = tpu.memref_slice %arg2[%dma_wait3A_459, %dma_wait3A_460] : memref<100000x128xf32, #tpu.memory_space<hbm>> -> memref<100000x128xf32, #tpu.memory_space<hbm>>
    tpu.wait_indirect_dma semaphore(%arg9 : memref<!tpu.dma_semaphore, #tpu.memory_space<semaphore_mem>>) src(%dma_wait3A_461 : memref<100000x128xf32, #tpu.memory_space<hbm>>) dst(%dma_wait3A_455 : memref<128x128xf32, #tpu.memory_space<vmem>>)
    %dma_wait3A_462 = arith.constant 3 : i32
    %dma_wait3A_463 = arith.constant 3 : i32
    %dma_wait3A_464 = arith.constant 0 : i32
    %dma_wait3A_465 = tpu.memref_slice %arg8[%dma_wait3A_463, %dma_wait3A_464] : memref<4x128xi32, #tpu.memory_space<vmem>> -> memref<1x128xi32, #tpu.memory_space<vmem>>
    %dma_wait3A_466 = tpu.memref_squeeze %dma_wait3A_465 : memref<1x128xi32, #tpu.memory_space<vmem>> -> memref<128xi32, #tpu.memory_space<vmem>>
    %dma_wait3A_467 = arith.constant 0 : i32
    %dma_wait3A_468 = tpu.memref_slice %arg6[%dma_wait3A_462, %dma_wait3A_467] : memref<4x128xi32, #tpu.memory_space<vmem>> -> memref<1x128xi32, #tpu.memory_space<vmem>>
    %dma_wait3A_469 = tpu.memref_squeeze %dma_wait3A_468 : memref<1x128xi32, #tpu.memory_space<vmem>> -> memref<128xi32, #tpu.memory_space<vmem>>
    %dma_wait3A_470 = arith.constant 0 : i32
    %dma_wait3A_471 = tpu.memref_slice %arg3[%dma_wait3A_470] : memref<100000xi32, #tpu.memory_space<hbm>> -> memref<100000xi32, #tpu.memory_space<hbm>>
    tpu.wait_indirect_dma semaphore(%arg10 : memref<!tpu.dma_semaphore, #tpu.memory_space<semaphore_mem>>) src(%dma_wait3A_471 : memref<100000xi32, #tpu.memory_space<hbm>>) dst(%dma_wait3A_466 : memref<128xi32, #tpu.memory_space<vmem>>)
    %get3A_472 = arith.constant 3 : i32
    %get3A_473 = arith.index_cast %get3A_472 : i32 to index
    %get3A_474 = arith.constant 0 : index
    %get3A_475 = tpu.vector_load %arg8[%get3A_473, %get3A_474] {strides = array<i32>} : memref<4x128xi32, #tpu.memory_space<vmem>>, vector<16xi32>,
    %bitcast3A_476 = vector.bitcast %get3A_475 : vector<16xi32> to vector<16xf32>
    %broadcast_in_dim3A_477 = arith.constant 1 : i32
    %broadcast_in_dim3A_478 = vector.broadcast %broadcast_in_dim3A_477 : i32 to vector<16xi32>
    %add3A_479 = arith.constant 0 : i32
    %add3A_480 = vector.broadcast %add3A_479 : i32 to vector<16xi32>
    %add3A_481 = arith.addi %add3A_480, %iota3A : vector<16xi32>
    %broadcast_in_dim3A_482 = arith.constant 64 : i32
    %broadcast_in_dim3A_483 = vector.broadcast %broadcast_in_dim3A_482 : i32 to vector<16xi32>
    tpu.vector_store_idx %arg7[%broadcast_in_dim3A_478, %add3A_481, %broadcast_in_dim3A_483], %bitcast3A_476 : memref<2x128x128xf32, #tpu.memory_space<vmem>>[vector<16xi32>, vector<16xi32>, vector<16xi32>], vector<16xf32>,
    %get3A_484 = arith.constant 3 : i32
    %get3A_485 = arith.index_cast %get3A_484 : i32 to index
    %get3A_486 = arith.constant 16 : index
    %get3A_487 = tpu.vector_load %arg8[%get3A_485, %get3A_486] {strides = array<i32>} : memref<4x128xi32, #tpu.memory_space<vmem>>, vector<16xi32>,
    %bitcast3A_488 = vector.bitcast %get3A_487 : vector<16xi32> to vector<16xf32>
    %broadcast_in_dim3A_489 = arith.constant 1 : i32
    %broadcast_in_dim3A_490 = vector.broadcast %broadcast_in_dim3A_489 : i32 to vector<16xi32>
    %add3A_491 = arith.constant 16 : i32
    %add3A_492 = vector.broadcast %add3A_491 : i32 to vector<16xi32>
    %add3A_493 = arith.addi %add3A_492, %iota3A : vector<16xi32>
    %broadcast_in_dim3A_494 = arith.constant 64 : i32
    %broadcast_in_dim3A_495 = vector.broadcast %broadcast_in_dim3A_494 : i32 to vector<16xi32>
    tpu.vector_store_idx %arg7[%broadcast_in_dim3A_490, %add3A_493, %broadcast_in_dim3A_495], %bitcast3A_488 : memref<2x128x128xf32, #tpu.memory_space<vmem>>[vector<16xi32>, vector<16xi32>, vector<16xi32>], vector<16xf32>,
    %get3A_496 = arith.constant 3 : i32
    %get3A_497 = arith.index_cast %get3A_496 : i32 to index
    %get3A_498 = arith.constant 32 : index
    %get3A_499 = tpu.vector_load %arg8[%get3A_497, %get3A_498] {strides = array<i32>} : memref<4x128xi32, #tpu.memory_space<vmem>>, vector<16xi32>,
    %bitcast3A_500 = vector.bitcast %get3A_499 : vector<16xi32> to vector<16xf32>
    %broadcast_in_dim3A_501 = arith.constant 1 : i32
    %broadcast_in_dim3A_502 = vector.broadcast %broadcast_in_dim3A_501 : i32 to vector<16xi32>
    %add3A_503 = arith.constant 32 : i32
    %add3A_504 = vector.broadcast %add3A_503 : i32 to vector<16xi32>
    %add3A_505 = arith.addi %add3A_504, %iota3A : vector<16xi32>
    %broadcast_in_dim3A_506 = arith.constant 64 : i32
    %broadcast_in_dim3A_507 = vector.broadcast %broadcast_in_dim3A_506 : i32 to vector<16xi32>
    tpu.vector_store_idx %arg7[%broadcast_in_dim3A_502, %add3A_505, %broadcast_in_dim3A_507], %bitcast3A_500 : memref<2x128x128xf32, #tpu.memory_space<vmem>>[vector<16xi32>, vector<16xi32>, vector<16xi32>], vector<16xf32>,
    %get3A_508 = arith.constant 3 : i32
    %get3A_509 = arith.index_cast %get3A_508 : i32 to index
    %get3A_510 = arith.constant 48 : index
    %get3A_511 = tpu.vector_load %arg8[%get3A_509, %get3A_510] {strides = array<i32>} : memref<4x128xi32, #tpu.memory_space<vmem>>, vector<16xi32>,
    %bitcast3A_512 = vector.bitcast %get3A_511 : vector<16xi32> to vector<16xf32>
    %broadcast_in_dim3A_513 = arith.constant 1 : i32
    %broadcast_in_dim3A_514 = vector.broadcast %broadcast_in_dim3A_513 : i32 to vector<16xi32>
    %add3A_515 = arith.constant 48 : i32
    %add3A_516 = vector.broadcast %add3A_515 : i32 to vector<16xi32>
    %add3A_517 = arith.addi %add3A_516, %iota3A : vector<16xi32>
    %broadcast_in_dim3A_518 = arith.constant 64 : i32
    %broadcast_in_dim3A_519 = vector.broadcast %broadcast_in_dim3A_518 : i32 to vector<16xi32>
    tpu.vector_store_idx %arg7[%broadcast_in_dim3A_514, %add3A_517, %broadcast_in_dim3A_519], %bitcast3A_512 : memref<2x128x128xf32, #tpu.memory_space<vmem>>[vector<16xi32>, vector<16xi32>, vector<16xi32>], vector<16xf32>,
    %get3A_520 = arith.constant 3 : i32
    %get3A_521 = arith.index_cast %get3A_520 : i32 to index
    %get3A_522 = arith.constant 64 : index
    %get3A_523 = tpu.vector_load %arg8[%get3A_521, %get3A_522] {strides = array<i32>} : memref<4x128xi32, #tpu.memory_space<vmem>>, vector<16xi32>,
    %bitcast3A_524 = vector.bitcast %get3A_523 : vector<16xi32> to vector<16xf32>
    %broadcast_in_dim3A_525 = arith.constant 1 : i32
    %broadcast_in_dim3A_526 = vector.broadcast %broadcast_in_dim3A_525 : i32 to vector<16xi32>
    %add3A_527 = arith.constant 64 : i32
    %add3A_528 = vector.broadcast %add3A_527 : i32 to vector<16xi32>
    %add3A_529 = arith.addi %add3A_528, %iota3A : vector<16xi32>
    %broadcast_in_dim3A_530 = arith.constant 64 : i32
    %broadcast_in_dim3A_531 = vector.broadcast %broadcast_in_dim3A_530 : i32 to vector<16xi32>
    tpu.vector_store_idx %arg7[%broadcast_in_dim3A_526, %add3A_529, %broadcast_in_dim3A_531], %bitcast3A_524 : memref<2x128x128xf32, #tpu.memory_space<vmem>>[vector<16xi32>, vector<16xi32>, vector<16xi32>], vector<16xf32>,
    %get3A_532 = arith.constant 3 : i32
    %get3A_533 = arith.index_cast %get3A_532 : i32 to index
    %get3A_534 = arith.constant 80 : index
    %get3A_535 = tpu.vector_load %arg8[%get3A_533, %get3A_534] {strides = array<i32>} : memref<4x128xi32, #tpu.memory_space<vmem>>, vector<16xi32>,
    %bitcast3A_536 = vector.bitcast %get3A_535 : vector<16xi32> to vector<16xf32>
    %broadcast_in_dim3A_537 = arith.constant 1 : i32
    %broadcast_in_dim3A_538 = vector.broadcast %broadcast_in_dim3A_537 : i32 to vector<16xi32>
    %add3A_539 = arith.constant 80 : i32
    %add3A_540 = vector.broadcast %add3A_539 : i32 to vector<16xi32>
    %add3A_541 = arith.addi %add3A_540, %iota3A : vector<16xi32>
    %broadcast_in_dim3A_542 = arith.constant 64 : i32
    %broadcast_in_dim3A_543 = vector.broadcast %broadcast_in_dim3A_542 : i32 to vector<16xi32>
    tpu.vector_store_idx %arg7[%broadcast_in_dim3A_538, %add3A_541, %broadcast_in_dim3A_543], %bitcast3A_536 : memref<2x128x128xf32, #tpu.memory_space<vmem>>[vector<16xi32>, vector<16xi32>, vector<16xi32>], vector<16xf32>,
    %get3A_544 = arith.constant 3 : i32
    %get3A_545 = arith.index_cast %get3A_544 : i32 to index
    %get3A_546 = arith.constant 96 : index
    %get3A_547 = tpu.vector_load %arg8[%get3A_545, %get3A_546] {strides = array<i32>} : memref<4x128xi32, #tpu.memory_space<vmem>>, vector<16xi32>,
    %bitcast3A_548 = vector.bitcast %get3A_547 : vector<16xi32> to vector<16xf32>
    %broadcast_in_dim3A_549 = arith.constant 1 : i32
    %broadcast_in_dim3A_550 = vector.broadcast %broadcast_in_dim3A_549 : i32 to vector<16xi32>
    %add3A_551 = arith.constant 96 : i32
    %add3A_552 = vector.broadcast %add3A_551 : i32 to vector<16xi32>
    %add3A_553 = arith.addi %add3A_552, %iota3A : vector<16xi32>
    %broadcast_in_dim3A_554 = arith.constant 64 : i32
    %broadcast_in_dim3A_555 = vector.broadcast %broadcast_in_dim3A_554 : i32 to vector<16xi32>
    tpu.vector_store_idx %arg7[%broadcast_in_dim3A_550, %add3A_553, %broadcast_in_dim3A_555], %bitcast3A_548 : memref<2x128x128xf32, #tpu.memory_space<vmem>>[vector<16xi32>, vector<16xi32>, vector<16xi32>], vector<16xf32>,
    %get3A_556 = arith.constant 3 : i32
    %get3A_557 = arith.index_cast %get3A_556 : i32 to index
    %get3A_558 = arith.constant 112 : index
    %get3A_559 = tpu.vector_load %arg8[%get3A_557, %get3A_558] {strides = array<i32>} : memref<4x128xi32, #tpu.memory_space<vmem>>, vector<16xi32>,
    %bitcast3A_560 = vector.bitcast %get3A_559 : vector<16xi32> to vector<16xf32>
    %broadcast_in_dim3A_561 = arith.constant 1 : i32
    %broadcast_in_dim3A_562 = vector.broadcast %broadcast_in_dim3A_561 : i32 to vector<16xi32>
    %add3A_563 = arith.constant 112 : i32
    %add3A_564 = vector.broadcast %add3A_563 : i32 to vector<16xi32>
    %add3A_565 = arith.addi %add3A_564, %iota3A : vector<16xi32>
    %broadcast_in_dim3A_566 = arith.constant 64 : i32
    %broadcast_in_dim3A_567 = vector.broadcast %broadcast_in_dim3A_566 : i32 to vector<16xi32>
    tpu.vector_store_idx %arg7[%broadcast_in_dim3A_562, %add3A_565, %broadcast_in_dim3A_567], %bitcast3A_560 : memref<2x128x128xf32, #tpu.memory_space<vmem>>[vector<16xi32>, vector<16xi32>, vector<16xi32>], vector<16xf32>,
    %add3A_568 = arith.constant 384 : i32
    %add3A_569 = arith.addi %mul3A_2, %add3A_568 : i32
    %run_scoped3A_570 = arith.constant 1 : i32
    "tpu.region"() ({
      %run_scoped3A_571 = tpu.sem_alloc : memref<!tpu.dma_semaphore, #tpu.memory_space<semaphore_mem>>
      %dma_start3A_572 = arith.constant 0 : i32
      %dma_start3A_573 = arith.constant 0 : i32
      %dma_start3A_574 = tpu.memref_slice %arg7[%run_scoped3A_570, %dma_start3A_572, %dma_start3A_573] : memref<2x128x128xf32, #tpu.memory_space<vmem>> -> memref<1x128x128xf32, #tpu.memory_space<vmem>>
      %dma_start3A_575 = tpu.memref_squeeze %dma_start3A_574 : memref<1x128x128xf32, #tpu.memory_space<vmem>> -> memref<128x128xf32, #tpu.memory_space<vmem>>
      %dma_start3A_576 = arith.constant 0 : i32
      %dma_start3A_577 = tpu.memref_slice %arg5[%add3A_569, %dma_start3A_576] : memref<16384x128xf32, #tpu.memory_space<hbm>> -> memref<128x128xf32, #tpu.memory_space<hbm>>
      %dma_start3A_578 = arith.constant 0 : i32
      %dma_start3A_579 = tpu.memref_slice %arg5[%add3A_569, %dma_start3A_578] : memref<16384x128xf32, #tpu.memory_space<hbm>> -> memref<128x128xf32, #tpu.memory_space<hbm>>
      %dma_start3A_580 = arith.constant 0 : i32
      %dma_start3A_581 = arith.constant 0 : i32
      %dma_start3A_582 = tpu.memref_slice %arg7[%run_scoped3A_570, %dma_start3A_580, %dma_start3A_581] : memref<2x128x128xf32, #tpu.memory_space<vmem>> -> memref<1x128x128xf32, #tpu.memory_space<vmem>>
      %dma_start3A_583 = tpu.memref_squeeze %dma_start3A_582 : memref<1x128x128xf32, #tpu.memory_space<vmem>> -> memref<128x128xf32, #tpu.memory_space<vmem>>
      tpu.enqueue_dma source(%dma_start3A_583 : memref<128x128xf32, #tpu.memory_space<vmem>>) target(%dma_start3A_579 : memref<128x128xf32, #tpu.memory_space<hbm>>) target_semaphore(%run_scoped3A_571 : memref<!tpu.dma_semaphore, #tpu.memory_space<semaphore_mem>>)
      %dma_wait3A_584 = arith.constant 0 : i32
      %dma_wait3A_585 = arith.constant 0 : i32
      %dma_wait3A_586 = tpu.memref_slice %arg7[%run_scoped3A_570, %dma_wait3A_584, %dma_wait3A_585] : memref<2x128x128xf32, #tpu.memory_space<vmem>> -> memref<1x128x128xf32, #tpu.memory_space<vmem>>
      %dma_wait3A_587 = tpu.memref_squeeze %dma_wait3A_586 : memref<1x128x128xf32, #tpu.memory_space<vmem>> -> memref<128x128xf32, #tpu.memory_space<vmem>>
      %dma_wait3A_588 = arith.constant 0 : i32
      %dma_wait3A_589 = tpu.memref_slice %arg5[%add3A_569, %dma_wait3A_588] : memref<16384x128xf32, #tpu.memory_space<hbm>> -> memref<128x128xf32, #tpu.memory_space<hbm>>
      %dma_wait3A_590 = arith.constant 0 : i32
      %dma_wait3A_591 = tpu.memref_slice %arg5[%add3A_569, %dma_wait3A_590] : memref<16384x128xf32, #tpu.memory_space<hbm>> -> memref<128x128xf32, #tpu.memory_space<hbm>>
      %dma_wait3A_592 = arith.constant 0 : i32
      %dma_wait3A_593 = arith.constant 0 : i32
      %dma_wait3A_594 = tpu.memref_slice %arg7[%run_scoped3A_570, %dma_wait3A_592, %dma_wait3A_593] : memref<2x128x128xf32, #tpu.memory_space<vmem>> -> memref<1x128x128xf32, #tpu.memory_space<vmem>>
      %dma_wait3A_595 = tpu.memref_squeeze %dma_wait3A_594 : memref<1x128x128xf32, #tpu.memory_space<vmem>> -> memref<128x128xf32, #tpu.memory_space<vmem>>
      tpu.wait_dma2 semaphore(%run_scoped3A_571 : memref<!tpu.dma_semaphore, #tpu.memory_space<semaphore_mem>>) src(%dma_wait3A_595 : memref<128x128xf32, #tpu.memory_space<vmem>>) dst(%dma_wait3A_591 : memref<128x128xf32, #tpu.memory_space<hbm>>)
      tpu.yield
    }) : () -> ()
    return
  }
}

#map = affine_map<(d0, d1) -> (0)>
#map1 = affine_map<(d0, d1) -> (0, 0)>
module attributes {stable_mosaic.version = 14 : i64} {
  func.func @k(%arg0: i32, %arg1: i32, %arg2: memref<100000xi32, #tpu.memory_space<hbm>>, %arg3: memref<128x128xi32, #tpu.memory_space<hbm>>, %arg4: memref<100000xi32, #tpu.memory_space<hbm>>, %arg5: memref<100000xi32, #tpu.memory_space<hbm>>, %arg6: memref<64x128xi32, #tpu.memory_space<vmem>>, %arg7: memref<100000xi32, #tpu.memory_space<vmem>>) attributes {dimension_semantics = [#tpu.dimension_semantics<core_parallel>, #tpu.dimension_semantics<subcore_parallel>], iteration_bounds = array<i64: 2, 16>, scalar_prefetch = 0 : i64, scratch_operands = 2 : i64, tpu.core_type = #tpu.core_type<sc_vector_subcore>, window_params = [{transform_indices = #map}, {transform_indices = #map1}, {transform_indices = #map}, {transform_indices = #map}]} {
    %mul3A = arith.constant 2 : i32
    %mul3A_0 = arith.muli %arg1, %mul3A : i32
    %add3A = arith.addi %mul3A_0, %arg0 : i32
    %iota3A = tpu.iota {dimensions = array<i32: 0>} : vector<16xi32>
    %mul3A_1 = arith.constant 3128 : i32
    %mul3A_2 = arith.muli %add3A, %mul3A_1 : i32
    %lt3A = arith.constant 31 : i32
    %lt3A_3 = arith.cmpi slt, %add3A, %lt3A : i32
    %convert_element_type3A = arith.extui %lt3A_3 : i1 to i32
    %cond3A = arith.constant 0 : i32
    %cond3A_4 = arith.cmpi ne, %convert_element_type3A, %cond3A : i32
    scf.if %cond3A_4 {
      "tpu.region"() ({
        %run_scoped3A = tpu.sem_alloc : memref<!tpu.dma_semaphore, #tpu.memory_space<semaphore_mem>>
        %dma_start3A = tpu.memref_slice %arg5[%mul3A_2] : memref<100000xi32, #tpu.memory_space<hbm>> -> memref<3128xi32, #tpu.memory_space<hbm>>
        %dma_start3A_14 = tpu.memref_slice %arg2[%mul3A_2] : memref<100000xi32, #tpu.memory_space<hbm>> -> memref<3128xi32, #tpu.memory_space<hbm>>
        tpu.enqueue_dma source(%dma_start3A_14 : memref<3128xi32, #tpu.memory_space<hbm>>) target(%dma_start3A : memref<3128xi32, #tpu.memory_space<hbm>>) target_semaphore(%run_scoped3A : memref<!tpu.dma_semaphore, #tpu.memory_space<semaphore_mem>>)
        %dma_wait3A = tpu.memref_slice %arg5[%mul3A_2] : memref<100000xi32, #tpu.memory_space<hbm>> -> memref<3128xi32, #tpu.memory_space<hbm>>
        %dma_wait3A_15 = tpu.memref_slice %arg2[%mul3A_2] : memref<100000xi32, #tpu.memory_space<hbm>> -> memref<3128xi32, #tpu.memory_space<hbm>>
        tpu.wait_dma2 semaphore(%run_scoped3A : memref<!tpu.dma_semaphore, #tpu.memory_space<semaphore_mem>>) src(%dma_wait3A_15 : memref<3128xi32, #tpu.memory_space<hbm>>) dst(%dma_wait3A : memref<3128xi32, #tpu.memory_space<hbm>>)
        tpu.yield
      }) : () -> ()
    } else {
    }
    %eq3A = arith.constant 31 : i32
    %eq3A_5 = arith.cmpi eq, %add3A, %eq3A : i32
    %convert_element_type3A_6 = arith.extui %eq3A_5 : i1 to i32
    %cond3A_7 = arith.constant 0 : i32
    %cond3A_8 = arith.cmpi ne, %convert_element_type3A_6, %cond3A_7 : i32
    scf.if %cond3A_8 {
      "tpu.region"() ({
        %run_scoped3A = tpu.sem_alloc : memref<!tpu.dma_semaphore, #tpu.memory_space<semaphore_mem>>
        %dma_start3A = tpu.memref_slice %arg5[%mul3A_2] : memref<100000xi32, #tpu.memory_space<hbm>> -> memref<3032xi32, #tpu.memory_space<hbm>>
        %dma_start3A_14 = tpu.memref_slice %arg2[%mul3A_2] : memref<100000xi32, #tpu.memory_space<hbm>> -> memref<3032xi32, #tpu.memory_space<hbm>>
        tpu.enqueue_dma source(%dma_start3A_14 : memref<3032xi32, #tpu.memory_space<hbm>>) target(%dma_start3A : memref<3032xi32, #tpu.memory_space<hbm>>) target_semaphore(%run_scoped3A : memref<!tpu.dma_semaphore, #tpu.memory_space<semaphore_mem>>)
        %dma_wait3A = tpu.memref_slice %arg5[%mul3A_2] : memref<100000xi32, #tpu.memory_space<hbm>> -> memref<3032xi32, #tpu.memory_space<hbm>>
        %dma_wait3A_15 = tpu.memref_slice %arg2[%mul3A_2] : memref<100000xi32, #tpu.memory_space<hbm>> -> memref<3032xi32, #tpu.memory_space<hbm>>
        tpu.wait_dma2 semaphore(%run_scoped3A : memref<!tpu.dma_semaphore, #tpu.memory_space<semaphore_mem>>) src(%dma_wait3A_15 : memref<3032xi32, #tpu.memory_space<hbm>>) dst(%dma_wait3A : memref<3032xi32, #tpu.memory_space<hbm>>)
        tpu.yield
      }) : () -> ()
    } else {
    }
    %eq3A_9 = arith.constant 0 : i32
    %eq3A_10 = arith.cmpi eq, %add3A, %eq3A_9 : i32
    %convert_element_type3A_11 = arith.extui %eq3A_10 : i1 to i32
    %cond3A_12 = arith.constant 0 : i32
    %cond3A_13 = arith.cmpi ne, %convert_element_type3A_11, %cond3A_12 : i32
    scf.if %cond3A_13 {
      "tpu.region"() ({
        %run_scoped3A = tpu.sem_alloc : memref<!tpu.dma_semaphore, #tpu.memory_space<semaphore_mem>>
        %dma_start3A = arith.constant 0 : i32
        %dma_start3A_25 = arith.constant 0 : i32
        %dma_start3A_26 = tpu.memref_slice %arg3[%dma_start3A, %dma_start3A_25] : memref<128x128xi32, #tpu.memory_space<hbm>> -> memref<64x128xi32, #tpu.memory_space<hbm>>
        %dma_start3A_27 = arith.constant 0 : i32
        %dma_start3A_28 = arith.constant 0 : i32
        %dma_start3A_29 = tpu.memref_slice %arg3[%dma_start3A_27, %dma_start3A_28] : memref<128x128xi32, #tpu.memory_space<hbm>> -> memref<64x128xi32, #tpu.memory_space<hbm>>
        tpu.enqueue_dma source(%dma_start3A_29 : memref<64x128xi32, #tpu.memory_space<hbm>>) target(%arg6 : memref<64x128xi32, #tpu.memory_space<vmem>>) target_semaphore(%run_scoped3A : memref<!tpu.dma_semaphore, #tpu.memory_space<semaphore_mem>>)
        %dma_wait3A = arith.constant 0 : i32
        %dma_wait3A_30 = arith.constant 0 : i32
        %dma_wait3A_31 = tpu.memref_slice %arg3[%dma_wait3A, %dma_wait3A_30] : memref<128x128xi32, #tpu.memory_space<hbm>> -> memref<64x128xi32, #tpu.memory_space<hbm>>
        %dma_wait3A_32 = arith.constant 0 : i32
        %dma_wait3A_33 = arith.constant 0 : i32
        %dma_wait3A_34 = tpu.memref_slice %arg3[%dma_wait3A_32, %dma_wait3A_33] : memref<128x128xi32, #tpu.memory_space<hbm>> -> memref<64x128xi32, #tpu.memory_space<hbm>>
        tpu.wait_dma2 semaphore(%run_scoped3A : memref<!tpu.dma_semaphore, #tpu.memory_space<semaphore_mem>>) src(%dma_wait3A_34 : memref<64x128xi32, #tpu.memory_space<hbm>>) dst(%arg6 : memref<64x128xi32, #tpu.memory_space<vmem>>)
        tpu.yield
      }) : () -> ()
      %scan3A = arith.constant 0 : i32
      %scan3A_14 = arith.constant 0 : i32
      %scan3A_15 = arith.constant 64 : i32
      %scan3A_16 = arith.addi %scan3A_14, %scan3A_15 : i32
      %scan3A_17 = arith.constant 1 : i32
      scf.for %scan3A_25 = %scan3A_14 to %scan3A_16 step %scan3A_17  : i32 {
        %mul3A_26 = arith.constant 128 : i32
        %mul3A_27 = arith.muli %scan3A_25, %mul3A_26 : i32
        %add3A_28 = arith.constant 0 : i32
        %add3A_29 = arith.addi %add3A_28, %mul3A_27 : i32
        %get3A = arith.index_cast %scan3A_25 : i32 to index
        %get3A_30 = arith.constant 0 : index
        %get3A_31 = tpu.vector_load %arg6[%get3A, %get3A_30] {strides = array<i32>} : memref<64x128xi32, #tpu.memory_space<vmem>>, vector<16xi32>,
        %add3A_32 = arith.constant 0 : i32
        %add3A_33 = arith.addi %add3A_29, %add3A_32 : i32
        %add3A_34 = vector.broadcast %add3A_33 : i32 to vector<16xi32>
        %add3A_35 = arith.addi %add3A_34, %iota3A : vector<16xi32>
        tpu.vector_store_idx %arg7[%get3A_31], %add3A_35 : memref<100000xi32, #tpu.memory_space<vmem>>[vector<16xi32>], vector<16xi32>,
        %get3A_36 = arith.index_cast %scan3A_25 : i32 to index
        %get3A_37 = arith.constant 16 : index
        %get3A_38 = tpu.vector_load %arg6[%get3A_36, %get3A_37] {strides = array<i32>} : memref<64x128xi32, #tpu.memory_space<vmem>>, vector<16xi32>,
        %add3A_39 = arith.constant 16 : i32
        %add3A_40 = arith.addi %add3A_29, %add3A_39 : i32
        %add3A_41 = vector.broadcast %add3A_40 : i32 to vector<16xi32>
        %add3A_42 = arith.addi %add3A_41, %iota3A : vector<16xi32>
        tpu.vector_store_idx %arg7[%get3A_38], %add3A_42 : memref<100000xi32, #tpu.memory_space<vmem>>[vector<16xi32>], vector<16xi32>,
        %get3A_43 = arith.index_cast %scan3A_25 : i32 to index
        %get3A_44 = arith.constant 32 : index
        %get3A_45 = tpu.vector_load %arg6[%get3A_43, %get3A_44] {strides = array<i32>} : memref<64x128xi32, #tpu.memory_space<vmem>>, vector<16xi32>,
        %add3A_46 = arith.constant 32 : i32
        %add3A_47 = arith.addi %add3A_29, %add3A_46 : i32
        %add3A_48 = vector.broadcast %add3A_47 : i32 to vector<16xi32>
        %add3A_49 = arith.addi %add3A_48, %iota3A : vector<16xi32>
        tpu.vector_store_idx %arg7[%get3A_45], %add3A_49 : memref<100000xi32, #tpu.memory_space<vmem>>[vector<16xi32>], vector<16xi32>,
        %get3A_50 = arith.index_cast %scan3A_25 : i32 to index
        %get3A_51 = arith.constant 48 : index
        %get3A_52 = tpu.vector_load %arg6[%get3A_50, %get3A_51] {strides = array<i32>} : memref<64x128xi32, #tpu.memory_space<vmem>>, vector<16xi32>,
        %add3A_53 = arith.constant 48 : i32
        %add3A_54 = arith.addi %add3A_29, %add3A_53 : i32
        %add3A_55 = vector.broadcast %add3A_54 : i32 to vector<16xi32>
        %add3A_56 = arith.addi %add3A_55, %iota3A : vector<16xi32>
        tpu.vector_store_idx %arg7[%get3A_52], %add3A_56 : memref<100000xi32, #tpu.memory_space<vmem>>[vector<16xi32>], vector<16xi32>,
        %get3A_57 = arith.index_cast %scan3A_25 : i32 to index
        %get3A_58 = arith.constant 64 : index
        %get3A_59 = tpu.vector_load %arg6[%get3A_57, %get3A_58] {strides = array<i32>} : memref<64x128xi32, #tpu.memory_space<vmem>>, vector<16xi32>,
        %add3A_60 = arith.constant 64 : i32
        %add3A_61 = arith.addi %add3A_29, %add3A_60 : i32
        %add3A_62 = vector.broadcast %add3A_61 : i32 to vector<16xi32>
        %add3A_63 = arith.addi %add3A_62, %iota3A : vector<16xi32>
        tpu.vector_store_idx %arg7[%get3A_59], %add3A_63 : memref<100000xi32, #tpu.memory_space<vmem>>[vector<16xi32>], vector<16xi32>,
        %get3A_64 = arith.index_cast %scan3A_25 : i32 to index
        %get3A_65 = arith.constant 80 : index
        %get3A_66 = tpu.vector_load %arg6[%get3A_64, %get3A_65] {strides = array<i32>} : memref<64x128xi32, #tpu.memory_space<vmem>>, vector<16xi32>,
        %add3A_67 = arith.constant 80 : i32
        %add3A_68 = arith.addi %add3A_29, %add3A_67 : i32
        %add3A_69 = vector.broadcast %add3A_68 : i32 to vector<16xi32>
        %add3A_70 = arith.addi %add3A_69, %iota3A : vector<16xi32>
        tpu.vector_store_idx %arg7[%get3A_66], %add3A_70 : memref<100000xi32, #tpu.memory_space<vmem>>[vector<16xi32>], vector<16xi32>,
        %get3A_71 = arith.index_cast %scan3A_25 : i32 to index
        %get3A_72 = arith.constant 96 : index
        %get3A_73 = tpu.vector_load %arg6[%get3A_71, %get3A_72] {strides = array<i32>} : memref<64x128xi32, #tpu.memory_space<vmem>>, vector<16xi32>,
        %add3A_74 = arith.constant 96 : i32
        %add3A_75 = arith.addi %add3A_29, %add3A_74 : i32
        %add3A_76 = vector.broadcast %add3A_75 : i32 to vector<16xi32>
        %add3A_77 = arith.addi %add3A_76, %iota3A : vector<16xi32>
        tpu.vector_store_idx %arg7[%get3A_73], %add3A_77 : memref<100000xi32, #tpu.memory_space<vmem>>[vector<16xi32>], vector<16xi32>,
        %get3A_78 = arith.index_cast %scan3A_25 : i32 to index
        %get3A_79 = arith.constant 112 : index
        %get3A_80 = tpu.vector_load %arg6[%get3A_78, %get3A_79] {strides = array<i32>} : memref<64x128xi32, #tpu.memory_space<vmem>>, vector<16xi32>,
        %add3A_81 = arith.constant 112 : i32
        %add3A_82 = arith.addi %add3A_29, %add3A_81 : i32
        %add3A_83 = vector.broadcast %add3A_82 : i32 to vector<16xi32>
        %add3A_84 = arith.addi %add3A_83, %iota3A : vector<16xi32>
        tpu.vector_store_idx %arg7[%get3A_80], %add3A_84 : memref<100000xi32, #tpu.memory_space<vmem>>[vector<16xi32>], vector<16xi32>,
        %gather3A = tpu.vector_load_idx %arg7[%get3A_31] : memref<100000xi32, #tpu.memory_space<vmem>>[vector<16xi32>], vector<16xi32>,
        %eq3A_85 = arith.cmpi eq, %gather3A, %add3A_35 : vector<16xi32>
        %gather3A_86 = tpu.vector_load_idx %arg7[%get3A_38] : memref<100000xi32, #tpu.memory_space<vmem>>[vector<16xi32>], vector<16xi32>,
        %eq3A_87 = arith.cmpi eq, %gather3A_86, %add3A_42 : vector<16xi32>
        %and3A = arith.andi %eq3A_85, %eq3A_87 : vector<16xi1>
        %gather3A_88 = tpu.vector_load_idx %arg7[%get3A_45] : memref<100000xi32, #tpu.memory_space<vmem>>[vector<16xi32>], vector<16xi32>,
        %eq3A_89 = arith.cmpi eq, %gather3A_88, %add3A_49 : vector<16xi32>
        %and3A_90 = arith.andi %and3A, %eq3A_89 : vector<16xi1>
        %gather3A_91 = tpu.vector_load_idx %arg7[%get3A_52] : memref<100000xi32, #tpu.memory_space<vmem>>[vector<16xi32>], vector<16xi32>,
        %eq3A_92 = arith.cmpi eq, %gather3A_91, %add3A_56 : vector<16xi32>
        %and3A_93 = arith.andi %and3A_90, %eq3A_92 : vector<16xi1>
        %gather3A_94 = tpu.vector_load_idx %arg7[%get3A_59] : memref<100000xi32, #tpu.memory_space<vmem>>[vector<16xi32>], vector<16xi32>,
        %eq3A_95 = arith.cmpi eq, %gather3A_94, %add3A_63 : vector<16xi32>
        %and3A_96 = arith.andi %and3A_93, %eq3A_95 : vector<16xi1>
        %gather3A_97 = tpu.vector_load_idx %arg7[%get3A_66] : memref<100000xi32, #tpu.memory_space<vmem>>[vector<16xi32>], vector<16xi32>,
        %eq3A_98 = arith.cmpi eq, %gather3A_97, %add3A_70 : vector<16xi32>
        %and3A_99 = arith.andi %and3A_96, %eq3A_98 : vector<16xi1>
        %gather3A_100 = tpu.vector_load_idx %arg7[%get3A_73] : memref<100000xi32, #tpu.memory_space<vmem>>[vector<16xi32>], vector<16xi32>,
        %eq3A_101 = arith.cmpi eq, %gather3A_100, %add3A_77 : vector<16xi32>
        %and3A_102 = arith.andi %and3A_99, %eq3A_101 : vector<16xi1>
        %gather3A_103 = tpu.vector_load_idx %arg7[%get3A_80] : memref<100000xi32, #tpu.memory_space<vmem>>[vector<16xi32>], vector<16xi32>,
        %eq3A_104 = arith.cmpi eq, %gather3A_103, %add3A_84 : vector<16xi32>
        %and3A_105 = arith.andi %and3A_102, %eq3A_104 : vector<16xi1>
        %reduce_and3A = arith.constant 1.000000e+00 : f32
        %reduce_and3A_106 = arith.constant 0.000000e+00 : f32
        %reduce_and3A_107 = vector.broadcast %reduce_and3A : f32 to vector<16xf32>
        %reduce_and3A_108 = vector.broadcast %reduce_and3A_106 : f32 to vector<16xf32>
        %reduce_and3A_109 = arith.select %and3A_105, %reduce_and3A_107, %reduce_and3A_108 : vector<16xi1>, vector<16xf32>
        %reduce_and3A_110 = arith.constant true
        %reduce_and3A_111 = vector.broadcast %reduce_and3A_110 : i1 to vector<16xi1>
        %reduce_and3A_112 = tpu.scan <min>, %reduce_and3A_109 masked %reduce_and3A_111 : vector<16xf32>, vector<16xi1> -> vector<16xf32>
        %reduce_and3A_113 = vector.extract %reduce_and3A_112[15] : f32 from vector<16xf32>
        %reduce_and3A_114 = arith.constant 0.000000e+00 : f32
        %reduce_and3A_115 = arith.cmpf ogt, %reduce_and3A_113, %reduce_and3A_114 : f32
        %not3A = arith.constant true
        %not3A_116 = arith.xori %reduce_and3A_115, %not3A : i1
        %convert_element_type3A_117 = arith.extui %not3A_116 : i1 to i32
        %cond3A_118 = arith.constant 0 : i32
        %cond3A_119 = arith.cmpi ne, %convert_element_type3A_117, %cond3A_118 : i32
        scf.if %cond3A_119 {
          %eq3A_120 = arith.constant 0 : i32
          %eq3A_121 = vector.broadcast %eq3A_120 : i32 to vector<16xi32>
          %eq3A_122 = arith.cmpi eq, %iota3A, %eq3A_121 : vector<16xi32>
          tpu.vector_store_idx %arg7[%get3A_31], %add3A_35 masked %eq3A_122 : memref<100000xi32, #tpu.memory_space<vmem>>[vector<16xi32>], vector<16xi32>, vector<16xi1>
          %eq3A_123 = arith.constant 1 : i32
          %eq3A_124 = vector.broadcast %eq3A_123 : i32 to vector<16xi32>
          %eq3A_125 = arith.cmpi eq, %iota3A, %eq3A_124 : vector<16xi32>
          tpu.vector_store_idx %arg7[%get3A_31], %add3A_35 masked %eq3A_125 : memref<100000xi32, #tpu.memory_space<vmem>>[vector<16xi32>], vector<16xi32>, vector<16xi1>
          %eq3A_126 = arith.constant 2 : i32
          %eq3A_127 = vector.broadcast %eq3A_126 : i32 to vector<16xi32>
          %eq3A_128 = arith.cmpi eq, %iota3A, %eq3A_127 : vector<16xi32>
          tpu.vector_store_idx %arg7[%get3A_31], %add3A_35 masked %eq3A_128 : memref<100000xi32, #tpu.memory_space<vmem>>[vector<16xi32>], vector<16xi32>, vector<16xi1>
          %eq3A_129 = arith.constant 3 : i32
          %eq3A_130 = vector.broadcast %eq3A_129 : i32 to vector<16xi32>
          %eq3A_131 = arith.cmpi eq, %iota3A, %eq3A_130 : vector<16xi32>
          tpu.vector_store_idx %arg7[%get3A_31], %add3A_35 masked %eq3A_131 : memref<100000xi32, #tpu.memory_space<vmem>>[vector<16xi32>], vector<16xi32>, vector<16xi1>
          %eq3A_132 = arith.constant 4 : i32
          %eq3A_133 = vector.broadcast %eq3A_132 : i32 to vector<16xi32>
          %eq3A_134 = arith.cmpi eq, %iota3A, %eq3A_133 : vector<16xi32>
          tpu.vector_store_idx %arg7[%get3A_31], %add3A_35 masked %eq3A_134 : memref<100000xi32, #tpu.memory_space<vmem>>[vector<16xi32>], vector<16xi32>, vector<16xi1>
          %eq3A_135 = arith.constant 5 : i32
          %eq3A_136 = vector.broadcast %eq3A_135 : i32 to vector<16xi32>
          %eq3A_137 = arith.cmpi eq, %iota3A, %eq3A_136 : vector<16xi32>
          tpu.vector_store_idx %arg7[%get3A_31], %add3A_35 masked %eq3A_137 : memref<100000xi32, #tpu.memory_space<vmem>>[vector<16xi32>], vector<16xi32>, vector<16xi1>
          %eq3A_138 = arith.constant 6 : i32
          %eq3A_139 = vector.broadcast %eq3A_138 : i32 to vector<16xi32>
          %eq3A_140 = arith.cmpi eq, %iota3A, %eq3A_139 : vector<16xi32>
          tpu.vector_store_idx %arg7[%get3A_31], %add3A_35 masked %eq3A_140 : memref<100000xi32, #tpu.memory_space<vmem>>[vector<16xi32>], vector<16xi32>, vector<16xi1>
          %eq3A_141 = arith.constant 7 : i32
          %eq3A_142 = vector.broadcast %eq3A_141 : i32 to vector<16xi32>
          %eq3A_143 = arith.cmpi eq, %iota3A, %eq3A_142 : vector<16xi32>
          tpu.vector_store_idx %arg7[%get3A_31], %add3A_35 masked %eq3A_143 : memref<100000xi32, #tpu.memory_space<vmem>>[vector<16xi32>], vector<16xi32>, vector<16xi1>
          %eq3A_144 = arith.constant 8 : i32
          %eq3A_145 = vector.broadcast %eq3A_144 : i32 to vector<16xi32>
          %eq3A_146 = arith.cmpi eq, %iota3A, %eq3A_145 : vector<16xi32>
          tpu.vector_store_idx %arg7[%get3A_31], %add3A_35 masked %eq3A_146 : memref<100000xi32, #tpu.memory_space<vmem>>[vector<16xi32>], vector<16xi32>, vector<16xi1>
          %eq3A_147 = arith.constant 9 : i32
          %eq3A_148 = vector.broadcast %eq3A_147 : i32 to vector<16xi32>
          %eq3A_149 = arith.cmpi eq, %iota3A, %eq3A_148 : vector<16xi32>
          tpu.vector_store_idx %arg7[%get3A_31], %add3A_35 masked %eq3A_149 : memref<100000xi32, #tpu.memory_space<vmem>>[vector<16xi32>], vector<16xi32>, vector<16xi1>
          %eq3A_150 = arith.constant 10 : i32
          %eq3A_151 = vector.broadcast %eq3A_150 : i32 to vector<16xi32>
          %eq3A_152 = arith.cmpi eq, %iota3A, %eq3A_151 : vector<16xi32>
          tpu.vector_store_idx %arg7[%get3A_31], %add3A_35 masked %eq3A_152 : memref<100000xi32, #tpu.memory_space<vmem>>[vector<16xi32>], vector<16xi32>, vector<16xi1>
          %eq3A_153 = arith.constant 11 : i32
          %eq3A_154 = vector.broadcast %eq3A_153 : i32 to vector<16xi32>
          %eq3A_155 = arith.cmpi eq, %iota3A, %eq3A_154 : vector<16xi32>
          tpu.vector_store_idx %arg7[%get3A_31], %add3A_35 masked %eq3A_155 : memref<100000xi32, #tpu.memory_space<vmem>>[vector<16xi32>], vector<16xi32>, vector<16xi1>
          %eq3A_156 = arith.constant 12 : i32
          %eq3A_157 = vector.broadcast %eq3A_156 : i32 to vector<16xi32>
          %eq3A_158 = arith.cmpi eq, %iota3A, %eq3A_157 : vector<16xi32>
          tpu.vector_store_idx %arg7[%get3A_31], %add3A_35 masked %eq3A_158 : memref<100000xi32, #tpu.memory_space<vmem>>[vector<16xi32>], vector<16xi32>, vector<16xi1>
          %eq3A_159 = arith.constant 13 : i32
          %eq3A_160 = vector.broadcast %eq3A_159 : i32 to vector<16xi32>
          %eq3A_161 = arith.cmpi eq, %iota3A, %eq3A_160 : vector<16xi32>
          tpu.vector_store_idx %arg7[%get3A_31], %add3A_35 masked %eq3A_161 : memref<100000xi32, #tpu.memory_space<vmem>>[vector<16xi32>], vector<16xi32>, vector<16xi1>
          %eq3A_162 = arith.constant 14 : i32
          %eq3A_163 = vector.broadcast %eq3A_162 : i32 to vector<16xi32>
          %eq3A_164 = arith.cmpi eq, %iota3A, %eq3A_163 : vector<16xi32>
          tpu.vector_store_idx %arg7[%get3A_31], %add3A_35 masked %eq3A_164 : memref<100000xi32, #tpu.memory_space<vmem>>[vector<16xi32>], vector<16xi32>, vector<16xi1>
          %eq3A_165 = arith.constant 15 : i32
          %eq3A_166 = vector.broadcast %eq3A_165 : i32 to vector<16xi32>
          %eq3A_167 = arith.cmpi eq, %iota3A, %eq3A_166 : vector<16xi32>
          tpu.vector_store_idx %arg7[%get3A_31], %add3A_35 masked %eq3A_167 : memref<100000xi32, #tpu.memory_space<vmem>>[vector<16xi32>], vector<16xi32>, vector<16xi1>
          %eq3A_168 = arith.constant 0 : i32
          %eq3A_169 = vector.broadcast %eq3A_168 : i32 to vector<16xi32>
          %eq3A_170 = arith.cmpi eq, %iota3A, %eq3A_169 : vector<16xi32>
          tpu.vector_store_idx %arg7[%get3A_38], %add3A_42 masked %eq3A_170 : memref<100000xi32, #tpu.memory_space<vmem>>[vector<16xi32>], vector<16xi32>, vector<16xi1>
          %eq3A_171 = arith.constant 1 : i32
          %eq3A_172 = vector.broadcast %eq3A_171 : i32 to vector<16xi32>
          %eq3A_173 = arith.cmpi eq, %iota3A, %eq3A_172 : vector<16xi32>
          tpu.vector_store_idx %arg7[%get3A_38], %add3A_42 masked %eq3A_173 : memref<100000xi32, #tpu.memory_space<vmem>>[vector<16xi32>], vector<16xi32>, vector<16xi1>
          %eq3A_174 = arith.constant 2 : i32
          %eq3A_175 = vector.broadcast %eq3A_174 : i32 to vector<16xi32>
          %eq3A_176 = arith.cmpi eq, %iota3A, %eq3A_175 : vector<16xi32>
          tpu.vector_store_idx %arg7[%get3A_38], %add3A_42 masked %eq3A_176 : memref<100000xi32, #tpu.memory_space<vmem>>[vector<16xi32>], vector<16xi32>, vector<16xi1>
          %eq3A_177 = arith.constant 3 : i32
          %eq3A_178 = vector.broadcast %eq3A_177 : i32 to vector<16xi32>
          %eq3A_179 = arith.cmpi eq, %iota3A, %eq3A_178 : vector<16xi32>
          tpu.vector_store_idx %arg7[%get3A_38], %add3A_42 masked %eq3A_179 : memref<100000xi32, #tpu.memory_space<vmem>>[vector<16xi32>], vector<16xi32>, vector<16xi1>
          %eq3A_180 = arith.constant 4 : i32
          %eq3A_181 = vector.broadcast %eq3A_180 : i32 to vector<16xi32>
          %eq3A_182 = arith.cmpi eq, %iota3A, %eq3A_181 : vector<16xi32>
          tpu.vector_store_idx %arg7[%get3A_38], %add3A_42 masked %eq3A_182 : memref<100000xi32, #tpu.memory_space<vmem>>[vector<16xi32>], vector<16xi32>, vector<16xi1>
          %eq3A_183 = arith.constant 5 : i32
          %eq3A_184 = vector.broadcast %eq3A_183 : i32 to vector<16xi32>
          %eq3A_185 = arith.cmpi eq, %iota3A, %eq3A_184 : vector<16xi32>
          tpu.vector_store_idx %arg7[%get3A_38], %add3A_42 masked %eq3A_185 : memref<100000xi32, #tpu.memory_space<vmem>>[vector<16xi32>], vector<16xi32>, vector<16xi1>
          %eq3A_186 = arith.constant 6 : i32
          %eq3A_187 = vector.broadcast %eq3A_186 : i32 to vector<16xi32>
          %eq3A_188 = arith.cmpi eq, %iota3A, %eq3A_187 : vector<16xi32>
          tpu.vector_store_idx %arg7[%get3A_38], %add3A_42 masked %eq3A_188 : memref<100000xi32, #tpu.memory_space<vmem>>[vector<16xi32>], vector<16xi32>, vector<16xi1>
          %eq3A_189 = arith.constant 7 : i32
          %eq3A_190 = vector.broadcast %eq3A_189 : i32 to vector<16xi32>
          %eq3A_191 = arith.cmpi eq, %iota3A, %eq3A_190 : vector<16xi32>
          tpu.vector_store_idx %arg7[%get3A_38], %add3A_42 masked %eq3A_191 : memref<100000xi32, #tpu.memory_space<vmem>>[vector<16xi32>], vector<16xi32>, vector<16xi1>
          %eq3A_192 = arith.constant 8 : i32
          %eq3A_193 = vector.broadcast %eq3A_192 : i32 to vector<16xi32>
          %eq3A_194 = arith.cmpi eq, %iota3A, %eq3A_193 : vector<16xi32>
          tpu.vector_store_idx %arg7[%get3A_38], %add3A_42 masked %eq3A_194 : memref<100000xi32, #tpu.memory_space<vmem>>[vector<16xi32>], vector<16xi32>, vector<16xi1>
          %eq3A_195 = arith.constant 9 : i32
          %eq3A_196 = vector.broadcast %eq3A_195 : i32 to vector<16xi32>
          %eq3A_197 = arith.cmpi eq, %iota3A, %eq3A_196 : vector<16xi32>
          tpu.vector_store_idx %arg7[%get3A_38], %add3A_42 masked %eq3A_197 : memref<100000xi32, #tpu.memory_space<vmem>>[vector<16xi32>], vector<16xi32>, vector<16xi1>
          %eq3A_198 = arith.constant 10 : i32
          %eq3A_199 = vector.broadcast %eq3A_198 : i32 to vector<16xi32>
          %eq3A_200 = arith.cmpi eq, %iota3A, %eq3A_199 : vector<16xi32>
          tpu.vector_store_idx %arg7[%get3A_38], %add3A_42 masked %eq3A_200 : memref<100000xi32, #tpu.memory_space<vmem>>[vector<16xi32>], vector<16xi32>, vector<16xi1>
          %eq3A_201 = arith.constant 11 : i32
          %eq3A_202 = vector.broadcast %eq3A_201 : i32 to vector<16xi32>
          %eq3A_203 = arith.cmpi eq, %iota3A, %eq3A_202 : vector<16xi32>
          tpu.vector_store_idx %arg7[%get3A_38], %add3A_42 masked %eq3A_203 : memref<100000xi32, #tpu.memory_space<vmem>>[vector<16xi32>], vector<16xi32>, vector<16xi1>
          %eq3A_204 = arith.constant 12 : i32
          %eq3A_205 = vector.broadcast %eq3A_204 : i32 to vector<16xi32>
          %eq3A_206 = arith.cmpi eq, %iota3A, %eq3A_205 : vector<16xi32>
          tpu.vector_store_idx %arg7[%get3A_38], %add3A_42 masked %eq3A_206 : memref<100000xi32, #tpu.memory_space<vmem>>[vector<16xi32>], vector<16xi32>, vector<16xi1>
          %eq3A_207 = arith.constant 13 : i32
          %eq3A_208 = vector.broadcast %eq3A_207 : i32 to vector<16xi32>
          %eq3A_209 = arith.cmpi eq, %iota3A, %eq3A_208 : vector<16xi32>
          tpu.vector_store_idx %arg7[%get3A_38], %add3A_42 masked %eq3A_209 : memref<100000xi32, #tpu.memory_space<vmem>>[vector<16xi32>], vector<16xi32>, vector<16xi1>
          %eq3A_210 = arith.constant 14 : i32
          %eq3A_211 = vector.broadcast %eq3A_210 : i32 to vector<16xi32>
          %eq3A_212 = arith.cmpi eq, %iota3A, %eq3A_211 : vector<16xi32>
          tpu.vector_store_idx %arg7[%get3A_38], %add3A_42 masked %eq3A_212 : memref<100000xi32, #tpu.memory_space<vmem>>[vector<16xi32>], vector<16xi32>, vector<16xi1>
          %eq3A_213 = arith.constant 15 : i32
          %eq3A_214 = vector.broadcast %eq3A_213 : i32 to vector<16xi32>
          %eq3A_215 = arith.cmpi eq, %iota3A, %eq3A_214 : vector<16xi32>
          tpu.vector_store_idx %arg7[%get3A_38], %add3A_42 masked %eq3A_215 : memref<100000xi32, #tpu.memory_space<vmem>>[vector<16xi32>], vector<16xi32>, vector<16xi1>
          %eq3A_216 = arith.constant 0 : i32
          %eq3A_217 = vector.broadcast %eq3A_216 : i32 to vector<16xi32>
          %eq3A_218 = arith.cmpi eq, %iota3A, %eq3A_217 : vector<16xi32>
          tpu.vector_store_idx %arg7[%get3A_45], %add3A_49 masked %eq3A_218 : memref<100000xi32, #tpu.memory_space<vmem>>[vector<16xi32>], vector<16xi32>, vector<16xi1>
          %eq3A_219 = arith.constant 1 : i32
          %eq3A_220 = vector.broadcast %eq3A_219 : i32 to vector<16xi32>
          %eq3A_221 = arith.cmpi eq, %iota3A, %eq3A_220 : vector<16xi32>
          tpu.vector_store_idx %arg7[%get3A_45], %add3A_49 masked %eq3A_221 : memref<100000xi32, #tpu.memory_space<vmem>>[vector<16xi32>], vector<16xi32>, vector<16xi1>
          %eq3A_222 = arith.constant 2 : i32
          %eq3A_223 = vector.broadcast %eq3A_222 : i32 to vector<16xi32>
          %eq3A_224 = arith.cmpi eq, %iota3A, %eq3A_223 : vector<16xi32>
          tpu.vector_store_idx %arg7[%get3A_45], %add3A_49 masked %eq3A_224 : memref<100000xi32, #tpu.memory_space<vmem>>[vector<16xi32>], vector<16xi32>, vector<16xi1>
          %eq3A_225 = arith.constant 3 : i32
          %eq3A_226 = vector.broadcast %eq3A_225 : i32 to vector<16xi32>
          %eq3A_227 = arith.cmpi eq, %iota3A, %eq3A_226 : vector<16xi32>
          tpu.vector_store_idx %arg7[%get3A_45], %add3A_49 masked %eq3A_227 : memref<100000xi32, #tpu.memory_space<vmem>>[vector<16xi32>], vector<16xi32>, vector<16xi1>
          %eq3A_228 = arith.constant 4 : i32
          %eq3A_229 = vector.broadcast %eq3A_228 : i32 to vector<16xi32>
          %eq3A_230 = arith.cmpi eq, %iota3A, %eq3A_229 : vector<16xi32>
          tpu.vector_store_idx %arg7[%get3A_45], %add3A_49 masked %eq3A_230 : memref<100000xi32, #tpu.memory_space<vmem>>[vector<16xi32>], vector<16xi32>, vector<16xi1>
          %eq3A_231 = arith.constant 5 : i32
          %eq3A_232 = vector.broadcast %eq3A_231 : i32 to vector<16xi32>
          %eq3A_233 = arith.cmpi eq, %iota3A, %eq3A_232 : vector<16xi32>
          tpu.vector_store_idx %arg7[%get3A_45], %add3A_49 masked %eq3A_233 : memref<100000xi32, #tpu.memory_space<vmem>>[vector<16xi32>], vector<16xi32>, vector<16xi1>
          %eq3A_234 = arith.constant 6 : i32
          %eq3A_235 = vector.broadcast %eq3A_234 : i32 to vector<16xi32>
          %eq3A_236 = arith.cmpi eq, %iota3A, %eq3A_235 : vector<16xi32>
          tpu.vector_store_idx %arg7[%get3A_45], %add3A_49 masked %eq3A_236 : memref<100000xi32, #tpu.memory_space<vmem>>[vector<16xi32>], vector<16xi32>, vector<16xi1>
          %eq3A_237 = arith.constant 7 : i32
          %eq3A_238 = vector.broadcast %eq3A_237 : i32 to vector<16xi32>
          %eq3A_239 = arith.cmpi eq, %iota3A, %eq3A_238 : vector<16xi32>
          tpu.vector_store_idx %arg7[%get3A_45], %add3A_49 masked %eq3A_239 : memref<100000xi32, #tpu.memory_space<vmem>>[vector<16xi32>], vector<16xi32>, vector<16xi1>
          %eq3A_240 = arith.constant 8 : i32
          %eq3A_241 = vector.broadcast %eq3A_240 : i32 to vector<16xi32>
          %eq3A_242 = arith.cmpi eq, %iota3A, %eq3A_241 : vector<16xi32>
          tpu.vector_store_idx %arg7[%get3A_45], %add3A_49 masked %eq3A_242 : memref<100000xi32, #tpu.memory_space<vmem>>[vector<16xi32>], vector<16xi32>, vector<16xi1>
          %eq3A_243 = arith.constant 9 : i32
          %eq3A_244 = vector.broadcast %eq3A_243 : i32 to vector<16xi32>
          %eq3A_245 = arith.cmpi eq, %iota3A, %eq3A_244 : vector<16xi32>
          tpu.vector_store_idx %arg7[%get3A_45], %add3A_49 masked %eq3A_245 : memref<100000xi32, #tpu.memory_space<vmem>>[vector<16xi32>], vector<16xi32>, vector<16xi1>
          %eq3A_246 = arith.constant 10 : i32
          %eq3A_247 = vector.broadcast %eq3A_246 : i32 to vector<16xi32>
          %eq3A_248 = arith.cmpi eq, %iota3A, %eq3A_247 : vector<16xi32>
          tpu.vector_store_idx %arg7[%get3A_45], %add3A_49 masked %eq3A_248 : memref<100000xi32, #tpu.memory_space<vmem>>[vector<16xi32>], vector<16xi32>, vector<16xi1>
          %eq3A_249 = arith.constant 11 : i32
          %eq3A_250 = vector.broadcast %eq3A_249 : i32 to vector<16xi32>
          %eq3A_251 = arith.cmpi eq, %iota3A, %eq3A_250 : vector<16xi32>
          tpu.vector_store_idx %arg7[%get3A_45], %add3A_49 masked %eq3A_251 : memref<100000xi32, #tpu.memory_space<vmem>>[vector<16xi32>], vector<16xi32>, vector<16xi1>
          %eq3A_252 = arith.constant 12 : i32
          %eq3A_253 = vector.broadcast %eq3A_252 : i32 to vector<16xi32>
          %eq3A_254 = arith.cmpi eq, %iota3A, %eq3A_253 : vector<16xi32>
          tpu.vector_store_idx %arg7[%get3A_45], %add3A_49 masked %eq3A_254 : memref<100000xi32, #tpu.memory_space<vmem>>[vector<16xi32>], vector<16xi32>, vector<16xi1>
          %eq3A_255 = arith.constant 13 : i32
          %eq3A_256 = vector.broadcast %eq3A_255 : i32 to vector<16xi32>
          %eq3A_257 = arith.cmpi eq, %iota3A, %eq3A_256 : vector<16xi32>
          tpu.vector_store_idx %arg7[%get3A_45], %add3A_49 masked %eq3A_257 : memref<100000xi32, #tpu.memory_space<vmem>>[vector<16xi32>], vector<16xi32>, vector<16xi1>
          %eq3A_258 = arith.constant 14 : i32
          %eq3A_259 = vector.broadcast %eq3A_258 : i32 to vector<16xi32>
          %eq3A_260 = arith.cmpi eq, %iota3A, %eq3A_259 : vector<16xi32>
          tpu.vector_store_idx %arg7[%get3A_45], %add3A_49 masked %eq3A_260 : memref<100000xi32, #tpu.memory_space<vmem>>[vector<16xi32>], vector<16xi32>, vector<16xi1>
          %eq3A_261 = arith.constant 15 : i32
          %eq3A_262 = vector.broadcast %eq3A_261 : i32 to vector<16xi32>
          %eq3A_263 = arith.cmpi eq, %iota3A, %eq3A_262 : vector<16xi32>
          tpu.vector_store_idx %arg7[%get3A_45], %add3A_49 masked %eq3A_263 : memref<100000xi32, #tpu.memory_space<vmem>>[vector<16xi32>], vector<16xi32>, vector<16xi1>
          %eq3A_264 = arith.constant 0 : i32
          %eq3A_265 = vector.broadcast %eq3A_264 : i32 to vector<16xi32>
          %eq3A_266 = arith.cmpi eq, %iota3A, %eq3A_265 : vector<16xi32>
          tpu.vector_store_idx %arg7[%get3A_52], %add3A_56 masked %eq3A_266 : memref<100000xi32, #tpu.memory_space<vmem>>[vector<16xi32>], vector<16xi32>, vector<16xi1>
          %eq3A_267 = arith.constant 1 : i32
          %eq3A_268 = vector.broadcast %eq3A_267 : i32 to vector<16xi32>
          %eq3A_269 = arith.cmpi eq, %iota3A, %eq3A_268 : vector<16xi32>
          tpu.vector_store_idx %arg7[%get3A_52], %add3A_56 masked %eq3A_269 : memref<100000xi32, #tpu.memory_space<vmem>>[vector<16xi32>], vector<16xi32>, vector<16xi1>
          %eq3A_270 = arith.constant 2 : i32
          %eq3A_271 = vector.broadcast %eq3A_270 : i32 to vector<16xi32>
          %eq3A_272 = arith.cmpi eq, %iota3A, %eq3A_271 : vector<16xi32>
          tpu.vector_store_idx %arg7[%get3A_52], %add3A_56 masked %eq3A_272 : memref<100000xi32, #tpu.memory_space<vmem>>[vector<16xi32>], vector<16xi32>, vector<16xi1>
          %eq3A_273 = arith.constant 3 : i32
          %eq3A_274 = vector.broadcast %eq3A_273 : i32 to vector<16xi32>
          %eq3A_275 = arith.cmpi eq, %iota3A, %eq3A_274 : vector<16xi32>
          tpu.vector_store_idx %arg7[%get3A_52], %add3A_56 masked %eq3A_275 : memref<100000xi32, #tpu.memory_space<vmem>>[vector<16xi32>], vector<16xi32>, vector<16xi1>
          %eq3A_276 = arith.constant 4 : i32
          %eq3A_277 = vector.broadcast %eq3A_276 : i32 to vector<16xi32>
          %eq3A_278 = arith.cmpi eq, %iota3A, %eq3A_277 : vector<16xi32>
          tpu.vector_store_idx %arg7[%get3A_52], %add3A_56 masked %eq3A_278 : memref<100000xi32, #tpu.memory_space<vmem>>[vector<16xi32>], vector<16xi32>, vector<16xi1>
          %eq3A_279 = arith.constant 5 : i32
          %eq3A_280 = vector.broadcast %eq3A_279 : i32 to vector<16xi32>
          %eq3A_281 = arith.cmpi eq, %iota3A, %eq3A_280 : vector<16xi32>
          tpu.vector_store_idx %arg7[%get3A_52], %add3A_56 masked %eq3A_281 : memref<100000xi32, #tpu.memory_space<vmem>>[vector<16xi32>], vector<16xi32>, vector<16xi1>
          %eq3A_282 = arith.constant 6 : i32
          %eq3A_283 = vector.broadcast %eq3A_282 : i32 to vector<16xi32>
          %eq3A_284 = arith.cmpi eq, %iota3A, %eq3A_283 : vector<16xi32>
          tpu.vector_store_idx %arg7[%get3A_52], %add3A_56 masked %eq3A_284 : memref<100000xi32, #tpu.memory_space<vmem>>[vector<16xi32>], vector<16xi32>, vector<16xi1>
          %eq3A_285 = arith.constant 7 : i32
          %eq3A_286 = vector.broadcast %eq3A_285 : i32 to vector<16xi32>
          %eq3A_287 = arith.cmpi eq, %iota3A, %eq3A_286 : vector<16xi32>
          tpu.vector_store_idx %arg7[%get3A_52], %add3A_56 masked %eq3A_287 : memref<100000xi32, #tpu.memory_space<vmem>>[vector<16xi32>], vector<16xi32>, vector<16xi1>
          %eq3A_288 = arith.constant 8 : i32
          %eq3A_289 = vector.broadcast %eq3A_288 : i32 to vector<16xi32>
          %eq3A_290 = arith.cmpi eq, %iota3A, %eq3A_289 : vector<16xi32>
          tpu.vector_store_idx %arg7[%get3A_52], %add3A_56 masked %eq3A_290 : memref<100000xi32, #tpu.memory_space<vmem>>[vector<16xi32>], vector<16xi32>, vector<16xi1>
          %eq3A_291 = arith.constant 9 : i32
          %eq3A_292 = vector.broadcast %eq3A_291 : i32 to vector<16xi32>
          %eq3A_293 = arith.cmpi eq, %iota3A, %eq3A_292 : vector<16xi32>
          tpu.vector_store_idx %arg7[%get3A_52], %add3A_56 masked %eq3A_293 : memref<100000xi32, #tpu.memory_space<vmem>>[vector<16xi32>], vector<16xi32>, vector<16xi1>
          %eq3A_294 = arith.constant 10 : i32
          %eq3A_295 = vector.broadcast %eq3A_294 : i32 to vector<16xi32>
          %eq3A_296 = arith.cmpi eq, %iota3A, %eq3A_295 : vector<16xi32>
          tpu.vector_store_idx %arg7[%get3A_52], %add3A_56 masked %eq3A_296 : memref<100000xi32, #tpu.memory_space<vmem>>[vector<16xi32>], vector<16xi32>, vector<16xi1>
          %eq3A_297 = arith.constant 11 : i32
          %eq3A_298 = vector.broadcast %eq3A_297 : i32 to vector<16xi32>
          %eq3A_299 = arith.cmpi eq, %iota3A, %eq3A_298 : vector<16xi32>
          tpu.vector_store_idx %arg7[%get3A_52], %add3A_56 masked %eq3A_299 : memref<100000xi32, #tpu.memory_space<vmem>>[vector<16xi32>], vector<16xi32>, vector<16xi1>
          %eq3A_300 = arith.constant 12 : i32
          %eq3A_301 = vector.broadcast %eq3A_300 : i32 to vector<16xi32>
          %eq3A_302 = arith.cmpi eq, %iota3A, %eq3A_301 : vector<16xi32>
          tpu.vector_store_idx %arg7[%get3A_52], %add3A_56 masked %eq3A_302 : memref<100000xi32, #tpu.memory_space<vmem>>[vector<16xi32>], vector<16xi32>, vector<16xi1>
          %eq3A_303 = arith.constant 13 : i32
          %eq3A_304 = vector.broadcast %eq3A_303 : i32 to vector<16xi32>
          %eq3A_305 = arith.cmpi eq, %iota3A, %eq3A_304 : vector<16xi32>
          tpu.vector_store_idx %arg7[%get3A_52], %add3A_56 masked %eq3A_305 : memref<100000xi32, #tpu.memory_space<vmem>>[vector<16xi32>], vector<16xi32>, vector<16xi1>
          %eq3A_306 = arith.constant 14 : i32
          %eq3A_307 = vector.broadcast %eq3A_306 : i32 to vector<16xi32>
          %eq3A_308 = arith.cmpi eq, %iota3A, %eq3A_307 : vector<16xi32>
          tpu.vector_store_idx %arg7[%get3A_52], %add3A_56 masked %eq3A_308 : memref<100000xi32, #tpu.memory_space<vmem>>[vector<16xi32>], vector<16xi32>, vector<16xi1>
          %eq3A_309 = arith.constant 15 : i32
          %eq3A_310 = vector.broadcast %eq3A_309 : i32 to vector<16xi32>
          %eq3A_311 = arith.cmpi eq, %iota3A, %eq3A_310 : vector<16xi32>
          tpu.vector_store_idx %arg7[%get3A_52], %add3A_56 masked %eq3A_311 : memref<100000xi32, #tpu.memory_space<vmem>>[vector<16xi32>], vector<16xi32>, vector<16xi1>
          %eq3A_312 = arith.constant 0 : i32
          %eq3A_313 = vector.broadcast %eq3A_312 : i32 to vector<16xi32>
          %eq3A_314 = arith.cmpi eq, %iota3A, %eq3A_313 : vector<16xi32>
          tpu.vector_store_idx %arg7[%get3A_59], %add3A_63 masked %eq3A_314 : memref<100000xi32, #tpu.memory_space<vmem>>[vector<16xi32>], vector<16xi32>, vector<16xi1>
          %eq3A_315 = arith.constant 1 : i32
          %eq3A_316 = vector.broadcast %eq3A_315 : i32 to vector<16xi32>
          %eq3A_317 = arith.cmpi eq, %iota3A, %eq3A_316 : vector<16xi32>
          tpu.vector_store_idx %arg7[%get3A_59], %add3A_63 masked %eq3A_317 : memref<100000xi32, #tpu.memory_space<vmem>>[vector<16xi32>], vector<16xi32>, vector<16xi1>
          %eq3A_318 = arith.constant 2 : i32
          %eq3A_319 = vector.broadcast %eq3A_318 : i32 to vector<16xi32>
          %eq3A_320 = arith.cmpi eq, %iota3A, %eq3A_319 : vector<16xi32>
          tpu.vector_store_idx %arg7[%get3A_59], %add3A_63 masked %eq3A_320 : memref<100000xi32, #tpu.memory_space<vmem>>[vector<16xi32>], vector<16xi32>, vector<16xi1>
          %eq3A_321 = arith.constant 3 : i32
          %eq3A_322 = vector.broadcast %eq3A_321 : i32 to vector<16xi32>
          %eq3A_323 = arith.cmpi eq, %iota3A, %eq3A_322 : vector<16xi32>
          tpu.vector_store_idx %arg7[%get3A_59], %add3A_63 masked %eq3A_323 : memref<100000xi32, #tpu.memory_space<vmem>>[vector<16xi32>], vector<16xi32>, vector<16xi1>
          %eq3A_324 = arith.constant 4 : i32
          %eq3A_325 = vector.broadcast %eq3A_324 : i32 to vector<16xi32>
          %eq3A_326 = arith.cmpi eq, %iota3A, %eq3A_325 : vector<16xi32>
          tpu.vector_store_idx %arg7[%get3A_59], %add3A_63 masked %eq3A_326 : memref<100000xi32, #tpu.memory_space<vmem>>[vector<16xi32>], vector<16xi32>, vector<16xi1>
          %eq3A_327 = arith.constant 5 : i32
          %eq3A_328 = vector.broadcast %eq3A_327 : i32 to vector<16xi32>
          %eq3A_329 = arith.cmpi eq, %iota3A, %eq3A_328 : vector<16xi32>
          tpu.vector_store_idx %arg7[%get3A_59], %add3A_63 masked %eq3A_329 : memref<100000xi32, #tpu.memory_space<vmem>>[vector<16xi32>], vector<16xi32>, vector<16xi1>
          %eq3A_330 = arith.constant 6 : i32
          %eq3A_331 = vector.broadcast %eq3A_330 : i32 to vector<16xi32>
          %eq3A_332 = arith.cmpi eq, %iota3A, %eq3A_331 : vector<16xi32>
          tpu.vector_store_idx %arg7[%get3A_59], %add3A_63 masked %eq3A_332 : memref<100000xi32, #tpu.memory_space<vmem>>[vector<16xi32>], vector<16xi32>, vector<16xi1>
          %eq3A_333 = arith.constant 7 : i32
          %eq3A_334 = vector.broadcast %eq3A_333 : i32 to vector<16xi32>
          %eq3A_335 = arith.cmpi eq, %iota3A, %eq3A_334 : vector<16xi32>
          tpu.vector_store_idx %arg7[%get3A_59], %add3A_63 masked %eq3A_335 : memref<100000xi32, #tpu.memory_space<vmem>>[vector<16xi32>], vector<16xi32>, vector<16xi1>
          %eq3A_336 = arith.constant 8 : i32
          %eq3A_337 = vector.broadcast %eq3A_336 : i32 to vector<16xi32>
          %eq3A_338 = arith.cmpi eq, %iota3A, %eq3A_337 : vector<16xi32>
          tpu.vector_store_idx %arg7[%get3A_59], %add3A_63 masked %eq3A_338 : memref<100000xi32, #tpu.memory_space<vmem>>[vector<16xi32>], vector<16xi32>, vector<16xi1>
          %eq3A_339 = arith.constant 9 : i32
          %eq3A_340 = vector.broadcast %eq3A_339 : i32 to vector<16xi32>
          %eq3A_341 = arith.cmpi eq, %iota3A, %eq3A_340 : vector<16xi32>
          tpu.vector_store_idx %arg7[%get3A_59], %add3A_63 masked %eq3A_341 : memref<100000xi32, #tpu.memory_space<vmem>>[vector<16xi32>], vector<16xi32>, vector<16xi1>
          %eq3A_342 = arith.constant 10 : i32
          %eq3A_343 = vector.broadcast %eq3A_342 : i32 to vector<16xi32>
          %eq3A_344 = arith.cmpi eq, %iota3A, %eq3A_343 : vector<16xi32>
          tpu.vector_store_idx %arg7[%get3A_59], %add3A_63 masked %eq3A_344 : memref<100000xi32, #tpu.memory_space<vmem>>[vector<16xi32>], vector<16xi32>, vector<16xi1>
          %eq3A_345 = arith.constant 11 : i32
          %eq3A_346 = vector.broadcast %eq3A_345 : i32 to vector<16xi32>
          %eq3A_347 = arith.cmpi eq, %iota3A, %eq3A_346 : vector<16xi32>
          tpu.vector_store_idx %arg7[%get3A_59], %add3A_63 masked %eq3A_347 : memref<100000xi32, #tpu.memory_space<vmem>>[vector<16xi32>], vector<16xi32>, vector<16xi1>
          %eq3A_348 = arith.constant 12 : i32
          %eq3A_349 = vector.broadcast %eq3A_348 : i32 to vector<16xi32>
          %eq3A_350 = arith.cmpi eq, %iota3A, %eq3A_349 : vector<16xi32>
          tpu.vector_store_idx %arg7[%get3A_59], %add3A_63 masked %eq3A_350 : memref<100000xi32, #tpu.memory_space<vmem>>[vector<16xi32>], vector<16xi32>, vector<16xi1>
          %eq3A_351 = arith.constant 13 : i32
          %eq3A_352 = vector.broadcast %eq3A_351 : i32 to vector<16xi32>
          %eq3A_353 = arith.cmpi eq, %iota3A, %eq3A_352 : vector<16xi32>
          tpu.vector_store_idx %arg7[%get3A_59], %add3A_63 masked %eq3A_353 : memref<100000xi32, #tpu.memory_space<vmem>>[vector<16xi32>], vector<16xi32>, vector<16xi1>
          %eq3A_354 = arith.constant 14 : i32
          %eq3A_355 = vector.broadcast %eq3A_354 : i32 to vector<16xi32>
          %eq3A_356 = arith.cmpi eq, %iota3A, %eq3A_355 : vector<16xi32>
          tpu.vector_store_idx %arg7[%get3A_59], %add3A_63 masked %eq3A_356 : memref<100000xi32, #tpu.memory_space<vmem>>[vector<16xi32>], vector<16xi32>, vector<16xi1>
          %eq3A_357 = arith.constant 15 : i32
          %eq3A_358 = vector.broadcast %eq3A_357 : i32 to vector<16xi32>
          %eq3A_359 = arith.cmpi eq, %iota3A, %eq3A_358 : vector<16xi32>
          tpu.vector_store_idx %arg7[%get3A_59], %add3A_63 masked %eq3A_359 : memref<100000xi32, #tpu.memory_space<vmem>>[vector<16xi32>], vector<16xi32>, vector<16xi1>
          %eq3A_360 = arith.constant 0 : i32
          %eq3A_361 = vector.broadcast %eq3A_360 : i32 to vector<16xi32>
          %eq3A_362 = arith.cmpi eq, %iota3A, %eq3A_361 : vector<16xi32>
          tpu.vector_store_idx %arg7[%get3A_66], %add3A_70 masked %eq3A_362 : memref<100000xi32, #tpu.memory_space<vmem>>[vector<16xi32>], vector<16xi32>, vector<16xi1>
          %eq3A_363 = arith.constant 1 : i32
          %eq3A_364 = vector.broadcast %eq3A_363 : i32 to vector<16xi32>
          %eq3A_365 = arith.cmpi eq, %iota3A, %eq3A_364 : vector<16xi32>
          tpu.vector_store_idx %arg7[%get3A_66], %add3A_70 masked %eq3A_365 : memref<100000xi32, #tpu.memory_space<vmem>>[vector<16xi32>], vector<16xi32>, vector<16xi1>
          %eq3A_366 = arith.constant 2 : i32
          %eq3A_367 = vector.broadcast %eq3A_366 : i32 to vector<16xi32>
          %eq3A_368 = arith.cmpi eq, %iota3A, %eq3A_367 : vector<16xi32>
          tpu.vector_store_idx %arg7[%get3A_66], %add3A_70 masked %eq3A_368 : memref<100000xi32, #tpu.memory_space<vmem>>[vector<16xi32>], vector<16xi32>, vector<16xi1>
          %eq3A_369 = arith.constant 3 : i32
          %eq3A_370 = vector.broadcast %eq3A_369 : i32 to vector<16xi32>
          %eq3A_371 = arith.cmpi eq, %iota3A, %eq3A_370 : vector<16xi32>
          tpu.vector_store_idx %arg7[%get3A_66], %add3A_70 masked %eq3A_371 : memref<100000xi32, #tpu.memory_space<vmem>>[vector<16xi32>], vector<16xi32>, vector<16xi1>
          %eq3A_372 = arith.constant 4 : i32
          %eq3A_373 = vector.broadcast %eq3A_372 : i32 to vector<16xi32>
          %eq3A_374 = arith.cmpi eq, %iota3A, %eq3A_373 : vector<16xi32>
          tpu.vector_store_idx %arg7[%get3A_66], %add3A_70 masked %eq3A_374 : memref<100000xi32, #tpu.memory_space<vmem>>[vector<16xi32>], vector<16xi32>, vector<16xi1>
          %eq3A_375 = arith.constant 5 : i32
          %eq3A_376 = vector.broadcast %eq3A_375 : i32 to vector<16xi32>
          %eq3A_377 = arith.cmpi eq, %iota3A, %eq3A_376 : vector<16xi32>
          tpu.vector_store_idx %arg7[%get3A_66], %add3A_70 masked %eq3A_377 : memref<100000xi32, #tpu.memory_space<vmem>>[vector<16xi32>], vector<16xi32>, vector<16xi1>
          %eq3A_378 = arith.constant 6 : i32
          %eq3A_379 = vector.broadcast %eq3A_378 : i32 to vector<16xi32>
          %eq3A_380 = arith.cmpi eq, %iota3A, %eq3A_379 : vector<16xi32>
          tpu.vector_store_idx %arg7[%get3A_66], %add3A_70 masked %eq3A_380 : memref<100000xi32, #tpu.memory_space<vmem>>[vector<16xi32>], vector<16xi32>, vector<16xi1>
          %eq3A_381 = arith.constant 7 : i32
          %eq3A_382 = vector.broadcast %eq3A_381 : i32 to vector<16xi32>
          %eq3A_383 = arith.cmpi eq, %iota3A, %eq3A_382 : vector<16xi32>
          tpu.vector_store_idx %arg7[%get3A_66], %add3A_70 masked %eq3A_383 : memref<100000xi32, #tpu.memory_space<vmem>>[vector<16xi32>], vector<16xi32>, vector<16xi1>
          %eq3A_384 = arith.constant 8 : i32
          %eq3A_385 = vector.broadcast %eq3A_384 : i32 to vector<16xi32>
          %eq3A_386 = arith.cmpi eq, %iota3A, %eq3A_385 : vector<16xi32>
          tpu.vector_store_idx %arg7[%get3A_66], %add3A_70 masked %eq3A_386 : memref<100000xi32, #tpu.memory_space<vmem>>[vector<16xi32>], vector<16xi32>, vector<16xi1>
          %eq3A_387 = arith.constant 9 : i32
          %eq3A_388 = vector.broadcast %eq3A_387 : i32 to vector<16xi32>
          %eq3A_389 = arith.cmpi eq, %iota3A, %eq3A_388 : vector<16xi32>
          tpu.vector_store_idx %arg7[%get3A_66], %add3A_70 masked %eq3A_389 : memref<100000xi32, #tpu.memory_space<vmem>>[vector<16xi32>], vector<16xi32>, vector<16xi1>
          %eq3A_390 = arith.constant 10 : i32
          %eq3A_391 = vector.broadcast %eq3A_390 : i32 to vector<16xi32>
          %eq3A_392 = arith.cmpi eq, %iota3A, %eq3A_391 : vector<16xi32>
          tpu.vector_store_idx %arg7[%get3A_66], %add3A_70 masked %eq3A_392 : memref<100000xi32, #tpu.memory_space<vmem>>[vector<16xi32>], vector<16xi32>, vector<16xi1>
          %eq3A_393 = arith.constant 11 : i32
          %eq3A_394 = vector.broadcast %eq3A_393 : i32 to vector<16xi32>
          %eq3A_395 = arith.cmpi eq, %iota3A, %eq3A_394 : vector<16xi32>
          tpu.vector_store_idx %arg7[%get3A_66], %add3A_70 masked %eq3A_395 : memref<100000xi32, #tpu.memory_space<vmem>>[vector<16xi32>], vector<16xi32>, vector<16xi1>
          %eq3A_396 = arith.constant 12 : i32
          %eq3A_397 = vector.broadcast %eq3A_396 : i32 to vector<16xi32>
          %eq3A_398 = arith.cmpi eq, %iota3A, %eq3A_397 : vector<16xi32>
          tpu.vector_store_idx %arg7[%get3A_66], %add3A_70 masked %eq3A_398 : memref<100000xi32, #tpu.memory_space<vmem>>[vector<16xi32>], vector<16xi32>, vector<16xi1>
          %eq3A_399 = arith.constant 13 : i32
          %eq3A_400 = vector.broadcast %eq3A_399 : i32 to vector<16xi32>
          %eq3A_401 = arith.cmpi eq, %iota3A, %eq3A_400 : vector<16xi32>
          tpu.vector_store_idx %arg7[%get3A_66], %add3A_70 masked %eq3A_401 : memref<100000xi32, #tpu.memory_space<vmem>>[vector<16xi32>], vector<16xi32>, vector<16xi1>
          %eq3A_402 = arith.constant 14 : i32
          %eq3A_403 = vector.broadcast %eq3A_402 : i32 to vector<16xi32>
          %eq3A_404 = arith.cmpi eq, %iota3A, %eq3A_403 : vector<16xi32>
          tpu.vector_store_idx %arg7[%get3A_66], %add3A_70 masked %eq3A_404 : memref<100000xi32, #tpu.memory_space<vmem>>[vector<16xi32>], vector<16xi32>, vector<16xi1>
          %eq3A_405 = arith.constant 15 : i32
          %eq3A_406 = vector.broadcast %eq3A_405 : i32 to vector<16xi32>
          %eq3A_407 = arith.cmpi eq, %iota3A, %eq3A_406 : vector<16xi32>
          tpu.vector_store_idx %arg7[%get3A_66], %add3A_70 masked %eq3A_407 : memref<100000xi32, #tpu.memory_space<vmem>>[vector<16xi32>], vector<16xi32>, vector<16xi1>
          %eq3A_408 = arith.constant 0 : i32
          %eq3A_409 = vector.broadcast %eq3A_408 : i32 to vector<16xi32>
          %eq3A_410 = arith.cmpi eq, %iota3A, %eq3A_409 : vector<16xi32>
          tpu.vector_store_idx %arg7[%get3A_73], %add3A_77 masked %eq3A_410 : memref<100000xi32, #tpu.memory_space<vmem>>[vector<16xi32>], vector<16xi32>, vector<16xi1>
          %eq3A_411 = arith.constant 1 : i32
          %eq3A_412 = vector.broadcast %eq3A_411 : i32 to vector<16xi32>
          %eq3A_413 = arith.cmpi eq, %iota3A, %eq3A_412 : vector<16xi32>
          tpu.vector_store_idx %arg7[%get3A_73], %add3A_77 masked %eq3A_413 : memref<100000xi32, #tpu.memory_space<vmem>>[vector<16xi32>], vector<16xi32>, vector<16xi1>
          %eq3A_414 = arith.constant 2 : i32
          %eq3A_415 = vector.broadcast %eq3A_414 : i32 to vector<16xi32>
          %eq3A_416 = arith.cmpi eq, %iota3A, %eq3A_415 : vector<16xi32>
          tpu.vector_store_idx %arg7[%get3A_73], %add3A_77 masked %eq3A_416 : memref<100000xi32, #tpu.memory_space<vmem>>[vector<16xi32>], vector<16xi32>, vector<16xi1>
          %eq3A_417 = arith.constant 3 : i32
          %eq3A_418 = vector.broadcast %eq3A_417 : i32 to vector<16xi32>
          %eq3A_419 = arith.cmpi eq, %iota3A, %eq3A_418 : vector<16xi32>
          tpu.vector_store_idx %arg7[%get3A_73], %add3A_77 masked %eq3A_419 : memref<100000xi32, #tpu.memory_space<vmem>>[vector<16xi32>], vector<16xi32>, vector<16xi1>
          %eq3A_420 = arith.constant 4 : i32
          %eq3A_421 = vector.broadcast %eq3A_420 : i32 to vector<16xi32>
          %eq3A_422 = arith.cmpi eq, %iota3A, %eq3A_421 : vector<16xi32>
          tpu.vector_store_idx %arg7[%get3A_73], %add3A_77 masked %eq3A_422 : memref<100000xi32, #tpu.memory_space<vmem>>[vector<16xi32>], vector<16xi32>, vector<16xi1>
          %eq3A_423 = arith.constant 5 : i32
          %eq3A_424 = vector.broadcast %eq3A_423 : i32 to vector<16xi32>
          %eq3A_425 = arith.cmpi eq, %iota3A, %eq3A_424 : vector<16xi32>
          tpu.vector_store_idx %arg7[%get3A_73], %add3A_77 masked %eq3A_425 : memref<100000xi32, #tpu.memory_space<vmem>>[vector<16xi32>], vector<16xi32>, vector<16xi1>
          %eq3A_426 = arith.constant 6 : i32
          %eq3A_427 = vector.broadcast %eq3A_426 : i32 to vector<16xi32>
          %eq3A_428 = arith.cmpi eq, %iota3A, %eq3A_427 : vector<16xi32>
          tpu.vector_store_idx %arg7[%get3A_73], %add3A_77 masked %eq3A_428 : memref<100000xi32, #tpu.memory_space<vmem>>[vector<16xi32>], vector<16xi32>, vector<16xi1>
          %eq3A_429 = arith.constant 7 : i32
          %eq3A_430 = vector.broadcast %eq3A_429 : i32 to vector<16xi32>
          %eq3A_431 = arith.cmpi eq, %iota3A, %eq3A_430 : vector<16xi32>
          tpu.vector_store_idx %arg7[%get3A_73], %add3A_77 masked %eq3A_431 : memref<100000xi32, #tpu.memory_space<vmem>>[vector<16xi32>], vector<16xi32>, vector<16xi1>
          %eq3A_432 = arith.constant 8 : i32
          %eq3A_433 = vector.broadcast %eq3A_432 : i32 to vector<16xi32>
          %eq3A_434 = arith.cmpi eq, %iota3A, %eq3A_433 : vector<16xi32>
          tpu.vector_store_idx %arg7[%get3A_73], %add3A_77 masked %eq3A_434 : memref<100000xi32, #tpu.memory_space<vmem>>[vector<16xi32>], vector<16xi32>, vector<16xi1>
          %eq3A_435 = arith.constant 9 : i32
          %eq3A_436 = vector.broadcast %eq3A_435 : i32 to vector<16xi32>
          %eq3A_437 = arith.cmpi eq, %iota3A, %eq3A_436 : vector<16xi32>
          tpu.vector_store_idx %arg7[%get3A_73], %add3A_77 masked %eq3A_437 : memref<100000xi32, #tpu.memory_space<vmem>>[vector<16xi32>], vector<16xi32>, vector<16xi1>
          %eq3A_438 = arith.constant 10 : i32
          %eq3A_439 = vector.broadcast %eq3A_438 : i32 to vector<16xi32>
          %eq3A_440 = arith.cmpi eq, %iota3A, %eq3A_439 : vector<16xi32>
          tpu.vector_store_idx %arg7[%get3A_73], %add3A_77 masked %eq3A_440 : memref<100000xi32, #tpu.memory_space<vmem>>[vector<16xi32>], vector<16xi32>, vector<16xi1>
          %eq3A_441 = arith.constant 11 : i32
          %eq3A_442 = vector.broadcast %eq3A_441 : i32 to vector<16xi32>
          %eq3A_443 = arith.cmpi eq, %iota3A, %eq3A_442 : vector<16xi32>
          tpu.vector_store_idx %arg7[%get3A_73], %add3A_77 masked %eq3A_443 : memref<100000xi32, #tpu.memory_space<vmem>>[vector<16xi32>], vector<16xi32>, vector<16xi1>
          %eq3A_444 = arith.constant 12 : i32
          %eq3A_445 = vector.broadcast %eq3A_444 : i32 to vector<16xi32>
          %eq3A_446 = arith.cmpi eq, %iota3A, %eq3A_445 : vector<16xi32>
          tpu.vector_store_idx %arg7[%get3A_73], %add3A_77 masked %eq3A_446 : memref<100000xi32, #tpu.memory_space<vmem>>[vector<16xi32>], vector<16xi32>, vector<16xi1>
          %eq3A_447 = arith.constant 13 : i32
          %eq3A_448 = vector.broadcast %eq3A_447 : i32 to vector<16xi32>
          %eq3A_449 = arith.cmpi eq, %iota3A, %eq3A_448 : vector<16xi32>
          tpu.vector_store_idx %arg7[%get3A_73], %add3A_77 masked %eq3A_449 : memref<100000xi32, #tpu.memory_space<vmem>>[vector<16xi32>], vector<16xi32>, vector<16xi1>
          %eq3A_450 = arith.constant 14 : i32
          %eq3A_451 = vector.broadcast %eq3A_450 : i32 to vector<16xi32>
          %eq3A_452 = arith.cmpi eq, %iota3A, %eq3A_451 : vector<16xi32>
          tpu.vector_store_idx %arg7[%get3A_73], %add3A_77 masked %eq3A_452 : memref<100000xi32, #tpu.memory_space<vmem>>[vector<16xi32>], vector<16xi32>, vector<16xi1>
          %eq3A_453 = arith.constant 15 : i32
          %eq3A_454 = vector.broadcast %eq3A_453 : i32 to vector<16xi32>
          %eq3A_455 = arith.cmpi eq, %iota3A, %eq3A_454 : vector<16xi32>
          tpu.vector_store_idx %arg7[%get3A_73], %add3A_77 masked %eq3A_455 : memref<100000xi32, #tpu.memory_space<vmem>>[vector<16xi32>], vector<16xi32>, vector<16xi1>
          %eq3A_456 = arith.constant 0 : i32
          %eq3A_457 = vector.broadcast %eq3A_456 : i32 to vector<16xi32>
          %eq3A_458 = arith.cmpi eq, %iota3A, %eq3A_457 : vector<16xi32>
          tpu.vector_store_idx %arg7[%get3A_80], %add3A_84 masked %eq3A_458 : memref<100000xi32, #tpu.memory_space<vmem>>[vector<16xi32>], vector<16xi32>, vector<16xi1>
          %eq3A_459 = arith.constant 1 : i32
          %eq3A_460 = vector.broadcast %eq3A_459 : i32 to vector<16xi32>
          %eq3A_461 = arith.cmpi eq, %iota3A, %eq3A_460 : vector<16xi32>
          tpu.vector_store_idx %arg7[%get3A_80], %add3A_84 masked %eq3A_461 : memref<100000xi32, #tpu.memory_space<vmem>>[vector<16xi32>], vector<16xi32>, vector<16xi1>
          %eq3A_462 = arith.constant 2 : i32
          %eq3A_463 = vector.broadcast %eq3A_462 : i32 to vector<16xi32>
          %eq3A_464 = arith.cmpi eq, %iota3A, %eq3A_463 : vector<16xi32>
          tpu.vector_store_idx %arg7[%get3A_80], %add3A_84 masked %eq3A_464 : memref<100000xi32, #tpu.memory_space<vmem>>[vector<16xi32>], vector<16xi32>, vector<16xi1>
          %eq3A_465 = arith.constant 3 : i32
          %eq3A_466 = vector.broadcast %eq3A_465 : i32 to vector<16xi32>
          %eq3A_467 = arith.cmpi eq, %iota3A, %eq3A_466 : vector<16xi32>
          tpu.vector_store_idx %arg7[%get3A_80], %add3A_84 masked %eq3A_467 : memref<100000xi32, #tpu.memory_space<vmem>>[vector<16xi32>], vector<16xi32>, vector<16xi1>
          %eq3A_468 = arith.constant 4 : i32
          %eq3A_469 = vector.broadcast %eq3A_468 : i32 to vector<16xi32>
          %eq3A_470 = arith.cmpi eq, %iota3A, %eq3A_469 : vector<16xi32>
          tpu.vector_store_idx %arg7[%get3A_80], %add3A_84 masked %eq3A_470 : memref<100000xi32, #tpu.memory_space<vmem>>[vector<16xi32>], vector<16xi32>, vector<16xi1>
          %eq3A_471 = arith.constant 5 : i32
          %eq3A_472 = vector.broadcast %eq3A_471 : i32 to vector<16xi32>
          %eq3A_473 = arith.cmpi eq, %iota3A, %eq3A_472 : vector<16xi32>
          tpu.vector_store_idx %arg7[%get3A_80], %add3A_84 masked %eq3A_473 : memref<100000xi32, #tpu.memory_space<vmem>>[vector<16xi32>], vector<16xi32>, vector<16xi1>
          %eq3A_474 = arith.constant 6 : i32
          %eq3A_475 = vector.broadcast %eq3A_474 : i32 to vector<16xi32>
          %eq3A_476 = arith.cmpi eq, %iota3A, %eq3A_475 : vector<16xi32>
          tpu.vector_store_idx %arg7[%get3A_80], %add3A_84 masked %eq3A_476 : memref<100000xi32, #tpu.memory_space<vmem>>[vector<16xi32>], vector<16xi32>, vector<16xi1>
          %eq3A_477 = arith.constant 7 : i32
          %eq3A_478 = vector.broadcast %eq3A_477 : i32 to vector<16xi32>
          %eq3A_479 = arith.cmpi eq, %iota3A, %eq3A_478 : vector<16xi32>
          tpu.vector_store_idx %arg7[%get3A_80], %add3A_84 masked %eq3A_479 : memref<100000xi32, #tpu.memory_space<vmem>>[vector<16xi32>], vector<16xi32>, vector<16xi1>
          %eq3A_480 = arith.constant 8 : i32
          %eq3A_481 = vector.broadcast %eq3A_480 : i32 to vector<16xi32>
          %eq3A_482 = arith.cmpi eq, %iota3A, %eq3A_481 : vector<16xi32>
          tpu.vector_store_idx %arg7[%get3A_80], %add3A_84 masked %eq3A_482 : memref<100000xi32, #tpu.memory_space<vmem>>[vector<16xi32>], vector<16xi32>, vector<16xi1>
          %eq3A_483 = arith.constant 9 : i32
          %eq3A_484 = vector.broadcast %eq3A_483 : i32 to vector<16xi32>
          %eq3A_485 = arith.cmpi eq, %iota3A, %eq3A_484 : vector<16xi32>
          tpu.vector_store_idx %arg7[%get3A_80], %add3A_84 masked %eq3A_485 : memref<100000xi32, #tpu.memory_space<vmem>>[vector<16xi32>], vector<16xi32>, vector<16xi1>
          %eq3A_486 = arith.constant 10 : i32
          %eq3A_487 = vector.broadcast %eq3A_486 : i32 to vector<16xi32>
          %eq3A_488 = arith.cmpi eq, %iota3A, %eq3A_487 : vector<16xi32>
          tpu.vector_store_idx %arg7[%get3A_80], %add3A_84 masked %eq3A_488 : memref<100000xi32, #tpu.memory_space<vmem>>[vector<16xi32>], vector<16xi32>, vector<16xi1>
          %eq3A_489 = arith.constant 11 : i32
          %eq3A_490 = vector.broadcast %eq3A_489 : i32 to vector<16xi32>
          %eq3A_491 = arith.cmpi eq, %iota3A, %eq3A_490 : vector<16xi32>
          tpu.vector_store_idx %arg7[%get3A_80], %add3A_84 masked %eq3A_491 : memref<100000xi32, #tpu.memory_space<vmem>>[vector<16xi32>], vector<16xi32>, vector<16xi1>
          %eq3A_492 = arith.constant 12 : i32
          %eq3A_493 = vector.broadcast %eq3A_492 : i32 to vector<16xi32>
          %eq3A_494 = arith.cmpi eq, %iota3A, %eq3A_493 : vector<16xi32>
          tpu.vector_store_idx %arg7[%get3A_80], %add3A_84 masked %eq3A_494 : memref<100000xi32, #tpu.memory_space<vmem>>[vector<16xi32>], vector<16xi32>, vector<16xi1>
          %eq3A_495 = arith.constant 13 : i32
          %eq3A_496 = vector.broadcast %eq3A_495 : i32 to vector<16xi32>
          %eq3A_497 = arith.cmpi eq, %iota3A, %eq3A_496 : vector<16xi32>
          tpu.vector_store_idx %arg7[%get3A_80], %add3A_84 masked %eq3A_497 : memref<100000xi32, #tpu.memory_space<vmem>>[vector<16xi32>], vector<16xi32>, vector<16xi1>
          %eq3A_498 = arith.constant 14 : i32
          %eq3A_499 = vector.broadcast %eq3A_498 : i32 to vector<16xi32>
          %eq3A_500 = arith.cmpi eq, %iota3A, %eq3A_499 : vector<16xi32>
          tpu.vector_store_idx %arg7[%get3A_80], %add3A_84 masked %eq3A_500 : memref<100000xi32, #tpu.memory_space<vmem>>[vector<16xi32>], vector<16xi32>, vector<16xi1>
          %eq3A_501 = arith.constant 15 : i32
          %eq3A_502 = vector.broadcast %eq3A_501 : i32 to vector<16xi32>
          %eq3A_503 = arith.cmpi eq, %iota3A, %eq3A_502 : vector<16xi32>
          tpu.vector_store_idx %arg7[%get3A_80], %add3A_84 masked %eq3A_503 : memref<100000xi32, #tpu.memory_space<vmem>>[vector<16xi32>], vector<16xi32>, vector<16xi1>
        } else {
        }
      }
      %scan3A_18 = arith.constant 64 : i32
      "tpu.region"() ({
        %run_scoped3A = tpu.sem_alloc : memref<!tpu.dma_semaphore, #tpu.memory_space<semaphore_mem>>
        %dma_start3A = arith.constant 64 : i32
        %dma_start3A_25 = arith.constant 0 : i32
        %dma_start3A_26 = tpu.memref_slice %arg3[%dma_start3A, %dma_start3A_25] : memref<128x128xi32, #tpu.memory_space<hbm>> -> memref<64x128xi32, #tpu.memory_space<hbm>>
        %dma_start3A_27 = arith.constant 64 : i32
        %dma_start3A_28 = arith.constant 0 : i32
        %dma_start3A_29 = tpu.memref_slice %arg3[%dma_start3A_27, %dma_start3A_28] : memref<128x128xi32, #tpu.memory_space<hbm>> -> memref<64x128xi32, #tpu.memory_space<hbm>>
        tpu.enqueue_dma source(%dma_start3A_29 : memref<64x128xi32, #tpu.memory_space<hbm>>) target(%arg6 : memref<64x128xi32, #tpu.memory_space<vmem>>) target_semaphore(%run_scoped3A : memref<!tpu.dma_semaphore, #tpu.memory_space<semaphore_mem>>)
        %dma_wait3A = arith.constant 64 : i32
        %dma_wait3A_30 = arith.constant 0 : i32
        %dma_wait3A_31 = tpu.memref_slice %arg3[%dma_wait3A, %dma_wait3A_30] : memref<128x128xi32, #tpu.memory_space<hbm>> -> memref<64x128xi32, #tpu.memory_space<hbm>>
        %dma_wait3A_32 = arith.constant 64 : i32
        %dma_wait3A_33 = arith.constant 0 : i32
        %dma_wait3A_34 = tpu.memref_slice %arg3[%dma_wait3A_32, %dma_wait3A_33] : memref<128x128xi32, #tpu.memory_space<hbm>> -> memref<64x128xi32, #tpu.memory_space<hbm>>
        tpu.wait_dma2 semaphore(%run_scoped3A : memref<!tpu.dma_semaphore, #tpu.memory_space<semaphore_mem>>) src(%dma_wait3A_34 : memref<64x128xi32, #tpu.memory_space<hbm>>) dst(%arg6 : memref<64x128xi32, #tpu.memory_space<vmem>>)
        tpu.yield
      }) : () -> ()
      %scan3A_19 = arith.constant 0 : i32
      %scan3A_20 = arith.constant 0 : i32
      %scan3A_21 = arith.constant 64 : i32
      %scan3A_22 = arith.addi %scan3A_20, %scan3A_21 : i32
      %scan3A_23 = arith.constant 1 : i32
      scf.for %scan3A_25 = %scan3A_20 to %scan3A_22 step %scan3A_23  : i32 {
        %mul3A_26 = arith.constant 128 : i32
        %mul3A_27 = arith.muli %scan3A_25, %mul3A_26 : i32
        %add3A_28 = arith.constant 8192 : i32
        %add3A_29 = arith.addi %add3A_28, %mul3A_27 : i32
        %get3A = arith.index_cast %scan3A_25 : i32 to index
        %get3A_30 = arith.constant 0 : index
        %get3A_31 = tpu.vector_load %arg6[%get3A, %get3A_30] {strides = array<i32>} : memref<64x128xi32, #tpu.memory_space<vmem>>, vector<16xi32>,
        %add3A_32 = arith.constant 0 : i32
        %add3A_33 = arith.addi %add3A_29, %add3A_32 : i32
        %add3A_34 = vector.broadcast %add3A_33 : i32 to vector<16xi32>
        %add3A_35 = arith.addi %add3A_34, %iota3A : vector<16xi32>
        tpu.vector_store_idx %arg7[%get3A_31], %add3A_35 : memref<100000xi32, #tpu.memory_space<vmem>>[vector<16xi32>], vector<16xi32>,
        %get3A_36 = arith.index_cast %scan3A_25 : i32 to index
        %get3A_37 = arith.constant 16 : index
        %get3A_38 = tpu.vector_load %arg6[%get3A_36, %get3A_37] {strides = array<i32>} : memref<64x128xi32, #tpu.memory_space<vmem>>, vector<16xi32>,
        %add3A_39 = arith.constant 16 : i32
        %add3A_40 = arith.addi %add3A_29, %add3A_39 : i32
        %add3A_41 = vector.broadcast %add3A_40 : i32 to vector<16xi32>
        %add3A_42 = arith.addi %add3A_41, %iota3A : vector<16xi32>
        tpu.vector_store_idx %arg7[%get3A_38], %add3A_42 : memref<100000xi32, #tpu.memory_space<vmem>>[vector<16xi32>], vector<16xi32>,
        %get3A_43 = arith.index_cast %scan3A_25 : i32 to index
        %get3A_44 = arith.constant 32 : index
        %get3A_45 = tpu.vector_load %arg6[%get3A_43, %get3A_44] {strides = array<i32>} : memref<64x128xi32, #tpu.memory_space<vmem>>, vector<16xi32>,
        %add3A_46 = arith.constant 32 : i32
        %add3A_47 = arith.addi %add3A_29, %add3A_46 : i32
        %add3A_48 = vector.broadcast %add3A_47 : i32 to vector<16xi32>
        %add3A_49 = arith.addi %add3A_48, %iota3A : vector<16xi32>
        tpu.vector_store_idx %arg7[%get3A_45], %add3A_49 : memref<100000xi32, #tpu.memory_space<vmem>>[vector<16xi32>], vector<16xi32>,
        %get3A_50 = arith.index_cast %scan3A_25 : i32 to index
        %get3A_51 = arith.constant 48 : index
        %get3A_52 = tpu.vector_load %arg6[%get3A_50, %get3A_51] {strides = array<i32>} : memref<64x128xi32, #tpu.memory_space<vmem>>, vector<16xi32>,
        %add3A_53 = arith.constant 48 : i32
        %add3A_54 = arith.addi %add3A_29, %add3A_53 : i32
        %add3A_55 = vector.broadcast %add3A_54 : i32 to vector<16xi32>
        %add3A_56 = arith.addi %add3A_55, %iota3A : vector<16xi32>
        tpu.vector_store_idx %arg7[%get3A_52], %add3A_56 : memref<100000xi32, #tpu.memory_space<vmem>>[vector<16xi32>], vector<16xi32>,
        %get3A_57 = arith.index_cast %scan3A_25 : i32 to index
        %get3A_58 = arith.constant 64 : index
        %get3A_59 = tpu.vector_load %arg6[%get3A_57, %get3A_58] {strides = array<i32>} : memref<64x128xi32, #tpu.memory_space<vmem>>, vector<16xi32>,
        %add3A_60 = arith.constant 64 : i32
        %add3A_61 = arith.addi %add3A_29, %add3A_60 : i32
        %add3A_62 = vector.broadcast %add3A_61 : i32 to vector<16xi32>
        %add3A_63 = arith.addi %add3A_62, %iota3A : vector<16xi32>
        tpu.vector_store_idx %arg7[%get3A_59], %add3A_63 : memref<100000xi32, #tpu.memory_space<vmem>>[vector<16xi32>], vector<16xi32>,
        %get3A_64 = arith.index_cast %scan3A_25 : i32 to index
        %get3A_65 = arith.constant 80 : index
        %get3A_66 = tpu.vector_load %arg6[%get3A_64, %get3A_65] {strides = array<i32>} : memref<64x128xi32, #tpu.memory_space<vmem>>, vector<16xi32>,
        %add3A_67 = arith.constant 80 : i32
        %add3A_68 = arith.addi %add3A_29, %add3A_67 : i32
        %add3A_69 = vector.broadcast %add3A_68 : i32 to vector<16xi32>
        %add3A_70 = arith.addi %add3A_69, %iota3A : vector<16xi32>
        tpu.vector_store_idx %arg7[%get3A_66], %add3A_70 : memref<100000xi32, #tpu.memory_space<vmem>>[vector<16xi32>], vector<16xi32>,
        %get3A_71 = arith.index_cast %scan3A_25 : i32 to index
        %get3A_72 = arith.constant 96 : index
        %get3A_73 = tpu.vector_load %arg6[%get3A_71, %get3A_72] {strides = array<i32>} : memref<64x128xi32, #tpu.memory_space<vmem>>, vector<16xi32>,
        %add3A_74 = arith.constant 96 : i32
        %add3A_75 = arith.addi %add3A_29, %add3A_74 : i32
        %add3A_76 = vector.broadcast %add3A_75 : i32 to vector<16xi32>
        %add3A_77 = arith.addi %add3A_76, %iota3A : vector<16xi32>
        tpu.vector_store_idx %arg7[%get3A_73], %add3A_77 : memref<100000xi32, #tpu.memory_space<vmem>>[vector<16xi32>], vector<16xi32>,
        %get3A_78 = arith.index_cast %scan3A_25 : i32 to index
        %get3A_79 = arith.constant 112 : index
        %get3A_80 = tpu.vector_load %arg6[%get3A_78, %get3A_79] {strides = array<i32>} : memref<64x128xi32, #tpu.memory_space<vmem>>, vector<16xi32>,
        %add3A_81 = arith.constant 112 : i32
        %add3A_82 = arith.addi %add3A_29, %add3A_81 : i32
        %add3A_83 = vector.broadcast %add3A_82 : i32 to vector<16xi32>
        %add3A_84 = arith.addi %add3A_83, %iota3A : vector<16xi32>
        tpu.vector_store_idx %arg7[%get3A_80], %add3A_84 : memref<100000xi32, #tpu.memory_space<vmem>>[vector<16xi32>], vector<16xi32>,
        %gather3A = tpu.vector_load_idx %arg7[%get3A_31] : memref<100000xi32, #tpu.memory_space<vmem>>[vector<16xi32>], vector<16xi32>,
        %eq3A_85 = arith.cmpi eq, %gather3A, %add3A_35 : vector<16xi32>
        %gather3A_86 = tpu.vector_load_idx %arg7[%get3A_38] : memref<100000xi32, #tpu.memory_space<vmem>>[vector<16xi32>], vector<16xi32>,
        %eq3A_87 = arith.cmpi eq, %gather3A_86, %add3A_42 : vector<16xi32>
        %and3A = arith.andi %eq3A_85, %eq3A_87 : vector<16xi1>
        %gather3A_88 = tpu.vector_load_idx %arg7[%get3A_45] : memref<100000xi32, #tpu.memory_space<vmem>>[vector<16xi32>], vector<16xi32>,
        %eq3A_89 = arith.cmpi eq, %gather3A_88, %add3A_49 : vector<16xi32>
        %and3A_90 = arith.andi %and3A, %eq3A_89 : vector<16xi1>
        %gather3A_91 = tpu.vector_load_idx %arg7[%get3A_52] : memref<100000xi32, #tpu.memory_space<vmem>>[vector<16xi32>], vector<16xi32>,
        %eq3A_92 = arith.cmpi eq, %gather3A_91, %add3A_56 : vector<16xi32>
        %and3A_93 = arith.andi %and3A_90, %eq3A_92 : vector<16xi1>
        %gather3A_94 = tpu.vector_load_idx %arg7[%get3A_59] : memref<100000xi32, #tpu.memory_space<vmem>>[vector<16xi32>], vector<16xi32>,
        %eq3A_95 = arith.cmpi eq, %gather3A_94, %add3A_63 : vector<16xi32>
        %and3A_96 = arith.andi %and3A_93, %eq3A_95 : vector<16xi1>
        %gather3A_97 = tpu.vector_load_idx %arg7[%get3A_66] : memref<100000xi32, #tpu.memory_space<vmem>>[vector<16xi32>], vector<16xi32>,
        %eq3A_98 = arith.cmpi eq, %gather3A_97, %add3A_70 : vector<16xi32>
        %and3A_99 = arith.andi %and3A_96, %eq3A_98 : vector<16xi1>
        %gather3A_100 = tpu.vector_load_idx %arg7[%get3A_73] : memref<100000xi32, #tpu.memory_space<vmem>>[vector<16xi32>], vector<16xi32>,
        %eq3A_101 = arith.cmpi eq, %gather3A_100, %add3A_77 : vector<16xi32>
        %and3A_102 = arith.andi %and3A_99, %eq3A_101 : vector<16xi1>
        %gather3A_103 = tpu.vector_load_idx %arg7[%get3A_80] : memref<100000xi32, #tpu.memory_space<vmem>>[vector<16xi32>], vector<16xi32>,
        %eq3A_104 = arith.cmpi eq, %gather3A_103, %add3A_84 : vector<16xi32>
        %and3A_105 = arith.andi %and3A_102, %eq3A_104 : vector<16xi1>
        %reduce_and3A = arith.constant 1.000000e+00 : f32
        %reduce_and3A_106 = arith.constant 0.000000e+00 : f32
        %reduce_and3A_107 = vector.broadcast %reduce_and3A : f32 to vector<16xf32>
        %reduce_and3A_108 = vector.broadcast %reduce_and3A_106 : f32 to vector<16xf32>
        %reduce_and3A_109 = arith.select %and3A_105, %reduce_and3A_107, %reduce_and3A_108 : vector<16xi1>, vector<16xf32>
        %reduce_and3A_110 = arith.constant true
        %reduce_and3A_111 = vector.broadcast %reduce_and3A_110 : i1 to vector<16xi1>
        %reduce_and3A_112 = tpu.scan <min>, %reduce_and3A_109 masked %reduce_and3A_111 : vector<16xf32>, vector<16xi1> -> vector<16xf32>
        %reduce_and3A_113 = vector.extract %reduce_and3A_112[15] : f32 from vector<16xf32>
        %reduce_and3A_114 = arith.constant 0.000000e+00 : f32
        %reduce_and3A_115 = arith.cmpf ogt, %reduce_and3A_113, %reduce_and3A_114 : f32
        %not3A = arith.constant true
        %not3A_116 = arith.xori %reduce_and3A_115, %not3A : i1
        %convert_element_type3A_117 = arith.extui %not3A_116 : i1 to i32
        %cond3A_118 = arith.constant 0 : i32
        %cond3A_119 = arith.cmpi ne, %convert_element_type3A_117, %cond3A_118 : i32
        scf.if %cond3A_119 {
          %eq3A_120 = arith.constant 0 : i32
          %eq3A_121 = vector.broadcast %eq3A_120 : i32 to vector<16xi32>
          %eq3A_122 = arith.cmpi eq, %iota3A, %eq3A_121 : vector<16xi32>
          tpu.vector_store_idx %arg7[%get3A_31], %add3A_35 masked %eq3A_122 : memref<100000xi32, #tpu.memory_space<vmem>>[vector<16xi32>], vector<16xi32>, vector<16xi1>
          %eq3A_123 = arith.constant 1 : i32
          %eq3A_124 = vector.broadcast %eq3A_123 : i32 to vector<16xi32>
          %eq3A_125 = arith.cmpi eq, %iota3A, %eq3A_124 : vector<16xi32>
          tpu.vector_store_idx %arg7[%get3A_31], %add3A_35 masked %eq3A_125 : memref<100000xi32, #tpu.memory_space<vmem>>[vector<16xi32>], vector<16xi32>, vector<16xi1>
          %eq3A_126 = arith.constant 2 : i32
          %eq3A_127 = vector.broadcast %eq3A_126 : i32 to vector<16xi32>
          %eq3A_128 = arith.cmpi eq, %iota3A, %eq3A_127 : vector<16xi32>
          tpu.vector_store_idx %arg7[%get3A_31], %add3A_35 masked %eq3A_128 : memref<100000xi32, #tpu.memory_space<vmem>>[vector<16xi32>], vector<16xi32>, vector<16xi1>
          %eq3A_129 = arith.constant 3 : i32
          %eq3A_130 = vector.broadcast %eq3A_129 : i32 to vector<16xi32>
          %eq3A_131 = arith.cmpi eq, %iota3A, %eq3A_130 : vector<16xi32>
          tpu.vector_store_idx %arg7[%get3A_31], %add3A_35 masked %eq3A_131 : memref<100000xi32, #tpu.memory_space<vmem>>[vector<16xi32>], vector<16xi32>, vector<16xi1>
          %eq3A_132 = arith.constant 4 : i32
          %eq3A_133 = vector.broadcast %eq3A_132 : i32 to vector<16xi32>
          %eq3A_134 = arith.cmpi eq, %iota3A, %eq3A_133 : vector<16xi32>
          tpu.vector_store_idx %arg7[%get3A_31], %add3A_35 masked %eq3A_134 : memref<100000xi32, #tpu.memory_space<vmem>>[vector<16xi32>], vector<16xi32>, vector<16xi1>
          %eq3A_135 = arith.constant 5 : i32
          %eq3A_136 = vector.broadcast %eq3A_135 : i32 to vector<16xi32>
          %eq3A_137 = arith.cmpi eq, %iota3A, %eq3A_136 : vector<16xi32>
          tpu.vector_store_idx %arg7[%get3A_31], %add3A_35 masked %eq3A_137 : memref<100000xi32, #tpu.memory_space<vmem>>[vector<16xi32>], vector<16xi32>, vector<16xi1>
          %eq3A_138 = arith.constant 6 : i32
          %eq3A_139 = vector.broadcast %eq3A_138 : i32 to vector<16xi32>
          %eq3A_140 = arith.cmpi eq, %iota3A, %eq3A_139 : vector<16xi32>
          tpu.vector_store_idx %arg7[%get3A_31], %add3A_35 masked %eq3A_140 : memref<100000xi32, #tpu.memory_space<vmem>>[vector<16xi32>], vector<16xi32>, vector<16xi1>
          %eq3A_141 = arith.constant 7 : i32
          %eq3A_142 = vector.broadcast %eq3A_141 : i32 to vector<16xi32>
          %eq3A_143 = arith.cmpi eq, %iota3A, %eq3A_142 : vector<16xi32>
          tpu.vector_store_idx %arg7[%get3A_31], %add3A_35 masked %eq3A_143 : memref<100000xi32, #tpu.memory_space<vmem>>[vector<16xi32>], vector<16xi32>, vector<16xi1>
          %eq3A_144 = arith.constant 8 : i32
          %eq3A_145 = vector.broadcast %eq3A_144 : i32 to vector<16xi32>
          %eq3A_146 = arith.cmpi eq, %iota3A, %eq3A_145 : vector<16xi32>
          tpu.vector_store_idx %arg7[%get3A_31], %add3A_35 masked %eq3A_146 : memref<100000xi32, #tpu.memory_space<vmem>>[vector<16xi32>], vector<16xi32>, vector<16xi1>
          %eq3A_147 = arith.constant 9 : i32
          %eq3A_148 = vector.broadcast %eq3A_147 : i32 to vector<16xi32>
          %eq3A_149 = arith.cmpi eq, %iota3A, %eq3A_148 : vector<16xi32>
          tpu.vector_store_idx %arg7[%get3A_31], %add3A_35 masked %eq3A_149 : memref<100000xi32, #tpu.memory_space<vmem>>[vector<16xi32>], vector<16xi32>, vector<16xi1>
          %eq3A_150 = arith.constant 10 : i32
          %eq3A_151 = vector.broadcast %eq3A_150 : i32 to vector<16xi32>
          %eq3A_152 = arith.cmpi eq, %iota3A, %eq3A_151 : vector<16xi32>
          tpu.vector_store_idx %arg7[%get3A_31], %add3A_35 masked %eq3A_152 : memref<100000xi32, #tpu.memory_space<vmem>>[vector<16xi32>], vector<16xi32>, vector<16xi1>
          %eq3A_153 = arith.constant 11 : i32
          %eq3A_154 = vector.broadcast %eq3A_153 : i32 to vector<16xi32>
          %eq3A_155 = arith.cmpi eq, %iota3A, %eq3A_154 : vector<16xi32>
          tpu.vector_store_idx %arg7[%get3A_31], %add3A_35 masked %eq3A_155 : memref<100000xi32, #tpu.memory_space<vmem>>[vector<16xi32>], vector<16xi32>, vector<16xi1>
          %eq3A_156 = arith.constant 12 : i32
          %eq3A_157 = vector.broadcast %eq3A_156 : i32 to vector<16xi32>
          %eq3A_158 = arith.cmpi eq, %iota3A, %eq3A_157 : vector<16xi32>
          tpu.vector_store_idx %arg7[%get3A_31], %add3A_35 masked %eq3A_158 : memref<100000xi32, #tpu.memory_space<vmem>>[vector<16xi32>], vector<16xi32>, vector<16xi1>
          %eq3A_159 = arith.constant 13 : i32
          %eq3A_160 = vector.broadcast %eq3A_159 : i32 to vector<16xi32>
          %eq3A_161 = arith.cmpi eq, %iota3A, %eq3A_160 : vector<16xi32>
          tpu.vector_store_idx %arg7[%get3A_31], %add3A_35 masked %eq3A_161 : memref<100000xi32, #tpu.memory_space<vmem>>[vector<16xi32>], vector<16xi32>, vector<16xi1>
          %eq3A_162 = arith.constant 14 : i32
          %eq3A_163 = vector.broadcast %eq3A_162 : i32 to vector<16xi32>
          %eq3A_164 = arith.cmpi eq, %iota3A, %eq3A_163 : vector<16xi32>
          tpu.vector_store_idx %arg7[%get3A_31], %add3A_35 masked %eq3A_164 : memref<100000xi32, #tpu.memory_space<vmem>>[vector<16xi32>], vector<16xi32>, vector<16xi1>
          %eq3A_165 = arith.constant 15 : i32
          %eq3A_166 = vector.broadcast %eq3A_165 : i32 to vector<16xi32>
          %eq3A_167 = arith.cmpi eq, %iota3A, %eq3A_166 : vector<16xi32>
          tpu.vector_store_idx %arg7[%get3A_31], %add3A_35 masked %eq3A_167 : memref<100000xi32, #tpu.memory_space<vmem>>[vector<16xi32>], vector<16xi32>, vector<16xi1>
          %eq3A_168 = arith.constant 0 : i32
          %eq3A_169 = vector.broadcast %eq3A_168 : i32 to vector<16xi32>
          %eq3A_170 = arith.cmpi eq, %iota3A, %eq3A_169 : vector<16xi32>
          tpu.vector_store_idx %arg7[%get3A_38], %add3A_42 masked %eq3A_170 : memref<100000xi32, #tpu.memory_space<vmem>>[vector<16xi32>], vector<16xi32>, vector<16xi1>
          %eq3A_171 = arith.constant 1 : i32
          %eq3A_172 = vector.broadcast %eq3A_171 : i32 to vector<16xi32>
          %eq3A_173 = arith.cmpi eq, %iota3A, %eq3A_172 : vector<16xi32>
          tpu.vector_store_idx %arg7[%get3A_38], %add3A_42 masked %eq3A_173 : memref<100000xi32, #tpu.memory_space<vmem>>[vector<16xi32>], vector<16xi32>, vector<16xi1>
          %eq3A_174 = arith.constant 2 : i32
          %eq3A_175 = vector.broadcast %eq3A_174 : i32 to vector<16xi32>
          %eq3A_176 = arith.cmpi eq, %iota3A, %eq3A_175 : vector<16xi32>
          tpu.vector_store_idx %arg7[%get3A_38], %add3A_42 masked %eq3A_176 : memref<100000xi32, #tpu.memory_space<vmem>>[vector<16xi32>], vector<16xi32>, vector<16xi1>
          %eq3A_177 = arith.constant 3 : i32
          %eq3A_178 = vector.broadcast %eq3A_177 : i32 to vector<16xi32>
          %eq3A_179 = arith.cmpi eq, %iota3A, %eq3A_178 : vector<16xi32>
          tpu.vector_store_idx %arg7[%get3A_38], %add3A_42 masked %eq3A_179 : memref<100000xi32, #tpu.memory_space<vmem>>[vector<16xi32>], vector<16xi32>, vector<16xi1>
          %eq3A_180 = arith.constant 4 : i32
          %eq3A_181 = vector.broadcast %eq3A_180 : i32 to vector<16xi32>
          %eq3A_182 = arith.cmpi eq, %iota3A, %eq3A_181 : vector<16xi32>
          tpu.vector_store_idx %arg7[%get3A_38], %add3A_42 masked %eq3A_182 : memref<100000xi32, #tpu.memory_space<vmem>>[vector<16xi32>], vector<16xi32>, vector<16xi1>
          %eq3A_183 = arith.constant 5 : i32
          %eq3A_184 = vector.broadcast %eq3A_183 : i32 to vector<16xi32>
          %eq3A_185 = arith.cmpi eq, %iota3A, %eq3A_184 : vector<16xi32>
          tpu.vector_store_idx %arg7[%get3A_38], %add3A_42 masked %eq3A_185 : memref<100000xi32, #tpu.memory_space<vmem>>[vector<16xi32>], vector<16xi32>, vector<16xi1>
          %eq3A_186 = arith.constant 6 : i32
          %eq3A_187 = vector.broadcast %eq3A_186 : i32 to vector<16xi32>
          %eq3A_188 = arith.cmpi eq, %iota3A, %eq3A_187 : vector<16xi32>
          tpu.vector_store_idx %arg7[%get3A_38], %add3A_42 masked %eq3A_188 : memref<100000xi32, #tpu.memory_space<vmem>>[vector<16xi32>], vector<16xi32>, vector<16xi1>
          %eq3A_189 = arith.constant 7 : i32
          %eq3A_190 = vector.broadcast %eq3A_189 : i32 to vector<16xi32>
          %eq3A_191 = arith.cmpi eq, %iota3A, %eq3A_190 : vector<16xi32>
          tpu.vector_store_idx %arg7[%get3A_38], %add3A_42 masked %eq3A_191 : memref<100000xi32, #tpu.memory_space<vmem>>[vector<16xi32>], vector<16xi32>, vector<16xi1>
          %eq3A_192 = arith.constant 8 : i32
          %eq3A_193 = vector.broadcast %eq3A_192 : i32 to vector<16xi32>
          %eq3A_194 = arith.cmpi eq, %iota3A, %eq3A_193 : vector<16xi32>
          tpu.vector_store_idx %arg7[%get3A_38], %add3A_42 masked %eq3A_194 : memref<100000xi32, #tpu.memory_space<vmem>>[vector<16xi32>], vector<16xi32>, vector<16xi1>
          %eq3A_195 = arith.constant 9 : i32
          %eq3A_196 = vector.broadcast %eq3A_195 : i32 to vector<16xi32>
          %eq3A_197 = arith.cmpi eq, %iota3A, %eq3A_196 : vector<16xi32>
          tpu.vector_store_idx %arg7[%get3A_38], %add3A_42 masked %eq3A_197 : memref<100000xi32, #tpu.memory_space<vmem>>[vector<16xi32>], vector<16xi32>, vector<16xi1>
          %eq3A_198 = arith.constant 10 : i32
          %eq3A_199 = vector.broadcast %eq3A_198 : i32 to vector<16xi32>
          %eq3A_200 = arith.cmpi eq, %iota3A, %eq3A_199 : vector<16xi32>
          tpu.vector_store_idx %arg7[%get3A_38], %add3A_42 masked %eq3A_200 : memref<100000xi32, #tpu.memory_space<vmem>>[vector<16xi32>], vector<16xi32>, vector<16xi1>
          %eq3A_201 = arith.constant 11 : i32
          %eq3A_202 = vector.broadcast %eq3A_201 : i32 to vector<16xi32>
          %eq3A_203 = arith.cmpi eq, %iota3A, %eq3A_202 : vector<16xi32>
          tpu.vector_store_idx %arg7[%get3A_38], %add3A_42 masked %eq3A_203 : memref<100000xi32, #tpu.memory_space<vmem>>[vector<16xi32>], vector<16xi32>, vector<16xi1>
          %eq3A_204 = arith.constant 12 : i32
          %eq3A_205 = vector.broadcast %eq3A_204 : i32 to vector<16xi32>
          %eq3A_206 = arith.cmpi eq, %iota3A, %eq3A_205 : vector<16xi32>
          tpu.vector_store_idx %arg7[%get3A_38], %add3A_42 masked %eq3A_206 : memref<100000xi32, #tpu.memory_space<vmem>>[vector<16xi32>], vector<16xi32>, vector<16xi1>
          %eq3A_207 = arith.constant 13 : i32
          %eq3A_208 = vector.broadcast %eq3A_207 : i32 to vector<16xi32>
          %eq3A_209 = arith.cmpi eq, %iota3A, %eq3A_208 : vector<16xi32>
          tpu.vector_store_idx %arg7[%get3A_38], %add3A_42 masked %eq3A_209 : memref<100000xi32, #tpu.memory_space<vmem>>[vector<16xi32>], vector<16xi32>, vector<16xi1>
          %eq3A_210 = arith.constant 14 : i32
          %eq3A_211 = vector.broadcast %eq3A_210 : i32 to vector<16xi32>
          %eq3A_212 = arith.cmpi eq, %iota3A, %eq3A_211 : vector<16xi32>
          tpu.vector_store_idx %arg7[%get3A_38], %add3A_42 masked %eq3A_212 : memref<100000xi32, #tpu.memory_space<vmem>>[vector<16xi32>], vector<16xi32>, vector<16xi1>
          %eq3A_213 = arith.constant 15 : i32
          %eq3A_214 = vector.broadcast %eq3A_213 : i32 to vector<16xi32>
          %eq3A_215 = arith.cmpi eq, %iota3A, %eq3A_214 : vector<16xi32>
          tpu.vector_store_idx %arg7[%get3A_38], %add3A_42 masked %eq3A_215 : memref<100000xi32, #tpu.memory_space<vmem>>[vector<16xi32>], vector<16xi32>, vector<16xi1>
          %eq3A_216 = arith.constant 0 : i32
          %eq3A_217 = vector.broadcast %eq3A_216 : i32 to vector<16xi32>
          %eq3A_218 = arith.cmpi eq, %iota3A, %eq3A_217 : vector<16xi32>
          tpu.vector_store_idx %arg7[%get3A_45], %add3A_49 masked %eq3A_218 : memref<100000xi32, #tpu.memory_space<vmem>>[vector<16xi32>], vector<16xi32>, vector<16xi1>
          %eq3A_219 = arith.constant 1 : i32
          %eq3A_220 = vector.broadcast %eq3A_219 : i32 to vector<16xi32>
          %eq3A_221 = arith.cmpi eq, %iota3A, %eq3A_220 : vector<16xi32>
          tpu.vector_store_idx %arg7[%get3A_45], %add3A_49 masked %eq3A_221 : memref<100000xi32, #tpu.memory_space<vmem>>[vector<16xi32>], vector<16xi32>, vector<16xi1>
          %eq3A_222 = arith.constant 2 : i32
          %eq3A_223 = vector.broadcast %eq3A_222 : i32 to vector<16xi32>
          %eq3A_224 = arith.cmpi eq, %iota3A, %eq3A_223 : vector<16xi32>
          tpu.vector_store_idx %arg7[%get3A_45], %add3A_49 masked %eq3A_224 : memref<100000xi32, #tpu.memory_space<vmem>>[vector<16xi32>], vector<16xi32>, vector<16xi1>
          %eq3A_225 = arith.constant 3 : i32
          %eq3A_226 = vector.broadcast %eq3A_225 : i32 to vector<16xi32>
          %eq3A_227 = arith.cmpi eq, %iota3A, %eq3A_226 : vector<16xi32>
          tpu.vector_store_idx %arg7[%get3A_45], %add3A_49 masked %eq3A_227 : memref<100000xi32, #tpu.memory_space<vmem>>[vector<16xi32>], vector<16xi32>, vector<16xi1>
          %eq3A_228 = arith.constant 4 : i32
          %eq3A_229 = vector.broadcast %eq3A_228 : i32 to vector<16xi32>
          %eq3A_230 = arith.cmpi eq, %iota3A, %eq3A_229 : vector<16xi32>
          tpu.vector_store_idx %arg7[%get3A_45], %add3A_49 masked %eq3A_230 : memref<100000xi32, #tpu.memory_space<vmem>>[vector<16xi32>], vector<16xi32>, vector<16xi1>
          %eq3A_231 = arith.constant 5 : i32
          %eq3A_232 = vector.broadcast %eq3A_231 : i32 to vector<16xi32>
          %eq3A_233 = arith.cmpi eq, %iota3A, %eq3A_232 : vector<16xi32>
          tpu.vector_store_idx %arg7[%get3A_45], %add3A_49 masked %eq3A_233 : memref<100000xi32, #tpu.memory_space<vmem>>[vector<16xi32>], vector<16xi32>, vector<16xi1>
          %eq3A_234 = arith.constant 6 : i32
          %eq3A_235 = vector.broadcast %eq3A_234 : i32 to vector<16xi32>
          %eq3A_236 = arith.cmpi eq, %iota3A, %eq3A_235 : vector<16xi32>
          tpu.vector_store_idx %arg7[%get3A_45], %add3A_49 masked %eq3A_236 : memref<100000xi32, #tpu.memory_space<vmem>>[vector<16xi32>], vector<16xi32>, vector<16xi1>
          %eq3A_237 = arith.constant 7 : i32
          %eq3A_238 = vector.broadcast %eq3A_237 : i32 to vector<16xi32>
          %eq3A_239 = arith.cmpi eq, %iota3A, %eq3A_238 : vector<16xi32>
          tpu.vector_store_idx %arg7[%get3A_45], %add3A_49 masked %eq3A_239 : memref<100000xi32, #tpu.memory_space<vmem>>[vector<16xi32>], vector<16xi32>, vector<16xi1>
          %eq3A_240 = arith.constant 8 : i32
          %eq3A_241 = vector.broadcast %eq3A_240 : i32 to vector<16xi32>
          %eq3A_242 = arith.cmpi eq, %iota3A, %eq3A_241 : vector<16xi32>
          tpu.vector_store_idx %arg7[%get3A_45], %add3A_49 masked %eq3A_242 : memref<100000xi32, #tpu.memory_space<vmem>>[vector<16xi32>], vector<16xi32>, vector<16xi1>
          %eq3A_243 = arith.constant 9 : i32
          %eq3A_244 = vector.broadcast %eq3A_243 : i32 to vector<16xi32>
          %eq3A_245 = arith.cmpi eq, %iota3A, %eq3A_244 : vector<16xi32>
          tpu.vector_store_idx %arg7[%get3A_45], %add3A_49 masked %eq3A_245 : memref<100000xi32, #tpu.memory_space<vmem>>[vector<16xi32>], vector<16xi32>, vector<16xi1>
          %eq3A_246 = arith.constant 10 : i32
          %eq3A_247 = vector.broadcast %eq3A_246 : i32 to vector<16xi32>
          %eq3A_248 = arith.cmpi eq, %iota3A, %eq3A_247 : vector<16xi32>
          tpu.vector_store_idx %arg7[%get3A_45], %add3A_49 masked %eq3A_248 : memref<100000xi32, #tpu.memory_space<vmem>>[vector<16xi32>], vector<16xi32>, vector<16xi1>
          %eq3A_249 = arith.constant 11 : i32
          %eq3A_250 = vector.broadcast %eq3A_249 : i32 to vector<16xi32>
          %eq3A_251 = arith.cmpi eq, %iota3A, %eq3A_250 : vector<16xi32>
          tpu.vector_store_idx %arg7[%get3A_45], %add3A_49 masked %eq3A_251 : memref<100000xi32, #tpu.memory_space<vmem>>[vector<16xi32>], vector<16xi32>, vector<16xi1>
          %eq3A_252 = arith.constant 12 : i32
          %eq3A_253 = vector.broadcast %eq3A_252 : i32 to vector<16xi32>
          %eq3A_254 = arith.cmpi eq, %iota3A, %eq3A_253 : vector<16xi32>
          tpu.vector_store_idx %arg7[%get3A_45], %add3A_49 masked %eq3A_254 : memref<100000xi32, #tpu.memory_space<vmem>>[vector<16xi32>], vector<16xi32>, vector<16xi1>
          %eq3A_255 = arith.constant 13 : i32
          %eq3A_256 = vector.broadcast %eq3A_255 : i32 to vector<16xi32>
          %eq3A_257 = arith.cmpi eq, %iota3A, %eq3A_256 : vector<16xi32>
          tpu.vector_store_idx %arg7[%get3A_45], %add3A_49 masked %eq3A_257 : memref<100000xi32, #tpu.memory_space<vmem>>[vector<16xi32>], vector<16xi32>, vector<16xi1>
          %eq3A_258 = arith.constant 14 : i32
          %eq3A_259 = vector.broadcast %eq3A_258 : i32 to vector<16xi32>
          %eq3A_260 = arith.cmpi eq, %iota3A, %eq3A_259 : vector<16xi32>
          tpu.vector_store_idx %arg7[%get3A_45], %add3A_49 masked %eq3A_260 : memref<100000xi32, #tpu.memory_space<vmem>>[vector<16xi32>], vector<16xi32>, vector<16xi1>
          %eq3A_261 = arith.constant 15 : i32
          %eq3A_262 = vector.broadcast %eq3A_261 : i32 to vector<16xi32>
          %eq3A_263 = arith.cmpi eq, %iota3A, %eq3A_262 : vector<16xi32>
          tpu.vector_store_idx %arg7[%get3A_45], %add3A_49 masked %eq3A_263 : memref<100000xi32, #tpu.memory_space<vmem>>[vector<16xi32>], vector<16xi32>, vector<16xi1>
          %eq3A_264 = arith.constant 0 : i32
          %eq3A_265 = vector.broadcast %eq3A_264 : i32 to vector<16xi32>
          %eq3A_266 = arith.cmpi eq, %iota3A, %eq3A_265 : vector<16xi32>
          tpu.vector_store_idx %arg7[%get3A_52], %add3A_56 masked %eq3A_266 : memref<100000xi32, #tpu.memory_space<vmem>>[vector<16xi32>], vector<16xi32>, vector<16xi1>
          %eq3A_267 = arith.constant 1 : i32
          %eq3A_268 = vector.broadcast %eq3A_267 : i32 to vector<16xi32>
          %eq3A_269 = arith.cmpi eq, %iota3A, %eq3A_268 : vector<16xi32>
          tpu.vector_store_idx %arg7[%get3A_52], %add3A_56 masked %eq3A_269 : memref<100000xi32, #tpu.memory_space<vmem>>[vector<16xi32>], vector<16xi32>, vector<16xi1>
          %eq3A_270 = arith.constant 2 : i32
          %eq3A_271 = vector.broadcast %eq3A_270 : i32 to vector<16xi32>
          %eq3A_272 = arith.cmpi eq, %iota3A, %eq3A_271 : vector<16xi32>
          tpu.vector_store_idx %arg7[%get3A_52], %add3A_56 masked %eq3A_272 : memref<100000xi32, #tpu.memory_space<vmem>>[vector<16xi32>], vector<16xi32>, vector<16xi1>
          %eq3A_273 = arith.constant 3 : i32
          %eq3A_274 = vector.broadcast %eq3A_273 : i32 to vector<16xi32>
          %eq3A_275 = arith.cmpi eq, %iota3A, %eq3A_274 : vector<16xi32>
          tpu.vector_store_idx %arg7[%get3A_52], %add3A_56 masked %eq3A_275 : memref<100000xi32, #tpu.memory_space<vmem>>[vector<16xi32>], vector<16xi32>, vector<16xi1>
          %eq3A_276 = arith.constant 4 : i32
          %eq3A_277 = vector.broadcast %eq3A_276 : i32 to vector<16xi32>
          %eq3A_278 = arith.cmpi eq, %iota3A, %eq3A_277 : vector<16xi32>
          tpu.vector_store_idx %arg7[%get3A_52], %add3A_56 masked %eq3A_278 : memref<100000xi32, #tpu.memory_space<vmem>>[vector<16xi32>], vector<16xi32>, vector<16xi1>
          %eq3A_279 = arith.constant 5 : i32
          %eq3A_280 = vector.broadcast %eq3A_279 : i32 to vector<16xi32>
          %eq3A_281 = arith.cmpi eq, %iota3A, %eq3A_280 : vector<16xi32>
          tpu.vector_store_idx %arg7[%get3A_52], %add3A_56 masked %eq3A_281 : memref<100000xi32, #tpu.memory_space<vmem>>[vector<16xi32>], vector<16xi32>, vector<16xi1>
          %eq3A_282 = arith.constant 6 : i32
          %eq3A_283 = vector.broadcast %eq3A_282 : i32 to vector<16xi32>
          %eq3A_284 = arith.cmpi eq, %iota3A, %eq3A_283 : vector<16xi32>
          tpu.vector_store_idx %arg7[%get3A_52], %add3A_56 masked %eq3A_284 : memref<100000xi32, #tpu.memory_space<vmem>>[vector<16xi32>], vector<16xi32>, vector<16xi1>
          %eq3A_285 = arith.constant 7 : i32
          %eq3A_286 = vector.broadcast %eq3A_285 : i32 to vector<16xi32>
          %eq3A_287 = arith.cmpi eq, %iota3A, %eq3A_286 : vector<16xi32>
          tpu.vector_store_idx %arg7[%get3A_52], %add3A_56 masked %eq3A_287 : memref<100000xi32, #tpu.memory_space<vmem>>[vector<16xi32>], vector<16xi32>, vector<16xi1>
          %eq3A_288 = arith.constant 8 : i32
          %eq3A_289 = vector.broadcast %eq3A_288 : i32 to vector<16xi32>
          %eq3A_290 = arith.cmpi eq, %iota3A, %eq3A_289 : vector<16xi32>
          tpu.vector_store_idx %arg7[%get3A_52], %add3A_56 masked %eq3A_290 : memref<100000xi32, #tpu.memory_space<vmem>>[vector<16xi32>], vector<16xi32>, vector<16xi1>
          %eq3A_291 = arith.constant 9 : i32
          %eq3A_292 = vector.broadcast %eq3A_291 : i32 to vector<16xi32>
          %eq3A_293 = arith.cmpi eq, %iota3A, %eq3A_292 : vector<16xi32>
          tpu.vector_store_idx %arg7[%get3A_52], %add3A_56 masked %eq3A_293 : memref<100000xi32, #tpu.memory_space<vmem>>[vector<16xi32>], vector<16xi32>, vector<16xi1>
          %eq3A_294 = arith.constant 10 : i32
          %eq3A_295 = vector.broadcast %eq3A_294 : i32 to vector<16xi32>
          %eq3A_296 = arith.cmpi eq, %iota3A, %eq3A_295 : vector<16xi32>
          tpu.vector_store_idx %arg7[%get3A_52], %add3A_56 masked %eq3A_296 : memref<100000xi32, #tpu.memory_space<vmem>>[vector<16xi32>], vector<16xi32>, vector<16xi1>
          %eq3A_297 = arith.constant 11 : i32
          %eq3A_298 = vector.broadcast %eq3A_297 : i32 to vector<16xi32>
          %eq3A_299 = arith.cmpi eq, %iota3A, %eq3A_298 : vector<16xi32>
          tpu.vector_store_idx %arg7[%get3A_52], %add3A_56 masked %eq3A_299 : memref<100000xi32, #tpu.memory_space<vmem>>[vector<16xi32>], vector<16xi32>, vector<16xi1>
          %eq3A_300 = arith.constant 12 : i32
          %eq3A_301 = vector.broadcast %eq3A_300 : i32 to vector<16xi32>
          %eq3A_302 = arith.cmpi eq, %iota3A, %eq3A_301 : vector<16xi32>
          tpu.vector_store_idx %arg7[%get3A_52], %add3A_56 masked %eq3A_302 : memref<100000xi32, #tpu.memory_space<vmem>>[vector<16xi32>], vector<16xi32>, vector<16xi1>
          %eq3A_303 = arith.constant 13 : i32
          %eq3A_304 = vector.broadcast %eq3A_303 : i32 to vector<16xi32>
          %eq3A_305 = arith.cmpi eq, %iota3A, %eq3A_304 : vector<16xi32>
          tpu.vector_store_idx %arg7[%get3A_52], %add3A_56 masked %eq3A_305 : memref<100000xi32, #tpu.memory_space<vmem>>[vector<16xi32>], vector<16xi32>, vector<16xi1>
          %eq3A_306 = arith.constant 14 : i32
          %eq3A_307 = vector.broadcast %eq3A_306 : i32 to vector<16xi32>
          %eq3A_308 = arith.cmpi eq, %iota3A, %eq3A_307 : vector<16xi32>
          tpu.vector_store_idx %arg7[%get3A_52], %add3A_56 masked %eq3A_308 : memref<100000xi32, #tpu.memory_space<vmem>>[vector<16xi32>], vector<16xi32>, vector<16xi1>
          %eq3A_309 = arith.constant 15 : i32
          %eq3A_310 = vector.broadcast %eq3A_309 : i32 to vector<16xi32>
          %eq3A_311 = arith.cmpi eq, %iota3A, %eq3A_310 : vector<16xi32>
          tpu.vector_store_idx %arg7[%get3A_52], %add3A_56 masked %eq3A_311 : memref<100000xi32, #tpu.memory_space<vmem>>[vector<16xi32>], vector<16xi32>, vector<16xi1>
          %eq3A_312 = arith.constant 0 : i32
          %eq3A_313 = vector.broadcast %eq3A_312 : i32 to vector<16xi32>
          %eq3A_314 = arith.cmpi eq, %iota3A, %eq3A_313 : vector<16xi32>
          tpu.vector_store_idx %arg7[%get3A_59], %add3A_63 masked %eq3A_314 : memref<100000xi32, #tpu.memory_space<vmem>>[vector<16xi32>], vector<16xi32>, vector<16xi1>
          %eq3A_315 = arith.constant 1 : i32
          %eq3A_316 = vector.broadcast %eq3A_315 : i32 to vector<16xi32>
          %eq3A_317 = arith.cmpi eq, %iota3A, %eq3A_316 : vector<16xi32>
          tpu.vector_store_idx %arg7[%get3A_59], %add3A_63 masked %eq3A_317 : memref<100000xi32, #tpu.memory_space<vmem>>[vector<16xi32>], vector<16xi32>, vector<16xi1>
          %eq3A_318 = arith.constant 2 : i32
          %eq3A_319 = vector.broadcast %eq3A_318 : i32 to vector<16xi32>
          %eq3A_320 = arith.cmpi eq, %iota3A, %eq3A_319 : vector<16xi32>
          tpu.vector_store_idx %arg7[%get3A_59], %add3A_63 masked %eq3A_320 : memref<100000xi32, #tpu.memory_space<vmem>>[vector<16xi32>], vector<16xi32>, vector<16xi1>
          %eq3A_321 = arith.constant 3 : i32
          %eq3A_322 = vector.broadcast %eq3A_321 : i32 to vector<16xi32>
          %eq3A_323 = arith.cmpi eq, %iota3A, %eq3A_322 : vector<16xi32>
          tpu.vector_store_idx %arg7[%get3A_59], %add3A_63 masked %eq3A_323 : memref<100000xi32, #tpu.memory_space<vmem>>[vector<16xi32>], vector<16xi32>, vector<16xi1>
          %eq3A_324 = arith.constant 4 : i32
          %eq3A_325 = vector.broadcast %eq3A_324 : i32 to vector<16xi32>
          %eq3A_326 = arith.cmpi eq, %iota3A, %eq3A_325 : vector<16xi32>
          tpu.vector_store_idx %arg7[%get3A_59], %add3A_63 masked %eq3A_326 : memref<100000xi32, #tpu.memory_space<vmem>>[vector<16xi32>], vector<16xi32>, vector<16xi1>
          %eq3A_327 = arith.constant 5 : i32
          %eq3A_328 = vector.broadcast %eq3A_327 : i32 to vector<16xi32>
          %eq3A_329 = arith.cmpi eq, %iota3A, %eq3A_328 : vector<16xi32>
          tpu.vector_store_idx %arg7[%get3A_59], %add3A_63 masked %eq3A_329 : memref<100000xi32, #tpu.memory_space<vmem>>[vector<16xi32>], vector<16xi32>, vector<16xi1>
          %eq3A_330 = arith.constant 6 : i32
          %eq3A_331 = vector.broadcast %eq3A_330 : i32 to vector<16xi32>
          %eq3A_332 = arith.cmpi eq, %iota3A, %eq3A_331 : vector<16xi32>
          tpu.vector_store_idx %arg7[%get3A_59], %add3A_63 masked %eq3A_332 : memref<100000xi32, #tpu.memory_space<vmem>>[vector<16xi32>], vector<16xi32>, vector<16xi1>
          %eq3A_333 = arith.constant 7 : i32
          %eq3A_334 = vector.broadcast %eq3A_333 : i32 to vector<16xi32>
          %eq3A_335 = arith.cmpi eq, %iota3A, %eq3A_334 : vector<16xi32>
          tpu.vector_store_idx %arg7[%get3A_59], %add3A_63 masked %eq3A_335 : memref<100000xi32, #tpu.memory_space<vmem>>[vector<16xi32>], vector<16xi32>, vector<16xi1>
          %eq3A_336 = arith.constant 8 : i32
          %eq3A_337 = vector.broadcast %eq3A_336 : i32 to vector<16xi32>
          %eq3A_338 = arith.cmpi eq, %iota3A, %eq3A_337 : vector<16xi32>
          tpu.vector_store_idx %arg7[%get3A_59], %add3A_63 masked %eq3A_338 : memref<100000xi32, #tpu.memory_space<vmem>>[vector<16xi32>], vector<16xi32>, vector<16xi1>
          %eq3A_339 = arith.constant 9 : i32
          %eq3A_340 = vector.broadcast %eq3A_339 : i32 to vector<16xi32>
          %eq3A_341 = arith.cmpi eq, %iota3A, %eq3A_340 : vector<16xi32>
          tpu.vector_store_idx %arg7[%get3A_59], %add3A_63 masked %eq3A_341 : memref<100000xi32, #tpu.memory_space<vmem>>[vector<16xi32>], vector<16xi32>, vector<16xi1>
          %eq3A_342 = arith.constant 10 : i32
          %eq3A_343 = vector.broadcast %eq3A_342 : i32 to vector<16xi32>
          %eq3A_344 = arith.cmpi eq, %iota3A, %eq3A_343 : vector<16xi32>
          tpu.vector_store_idx %arg7[%get3A_59], %add3A_63 masked %eq3A_344 : memref<100000xi32, #tpu.memory_space<vmem>>[vector<16xi32>], vector<16xi32>, vector<16xi1>
          %eq3A_345 = arith.constant 11 : i32
          %eq3A_346 = vector.broadcast %eq3A_345 : i32 to vector<16xi32>
          %eq3A_347 = arith.cmpi eq, %iota3A, %eq3A_346 : vector<16xi32>
          tpu.vector_store_idx %arg7[%get3A_59], %add3A_63 masked %eq3A_347 : memref<100000xi32, #tpu.memory_space<vmem>>[vector<16xi32>], vector<16xi32>, vector<16xi1>
          %eq3A_348 = arith.constant 12 : i32
          %eq3A_349 = vector.broadcast %eq3A_348 : i32 to vector<16xi32>
          %eq3A_350 = arith.cmpi eq, %iota3A, %eq3A_349 : vector<16xi32>
          tpu.vector_store_idx %arg7[%get3A_59], %add3A_63 masked %eq3A_350 : memref<100000xi32, #tpu.memory_space<vmem>>[vector<16xi32>], vector<16xi32>, vector<16xi1>
          %eq3A_351 = arith.constant 13 : i32
          %eq3A_352 = vector.broadcast %eq3A_351 : i32 to vector<16xi32>
          %eq3A_353 = arith.cmpi eq, %iota3A, %eq3A_352 : vector<16xi32>
          tpu.vector_store_idx %arg7[%get3A_59], %add3A_63 masked %eq3A_353 : memref<100000xi32, #tpu.memory_space<vmem>>[vector<16xi32>], vector<16xi32>, vector<16xi1>
          %eq3A_354 = arith.constant 14 : i32
          %eq3A_355 = vector.broadcast %eq3A_354 : i32 to vector<16xi32>
          %eq3A_356 = arith.cmpi eq, %iota3A, %eq3A_355 : vector<16xi32>
          tpu.vector_store_idx %arg7[%get3A_59], %add3A_63 masked %eq3A_356 : memref<100000xi32, #tpu.memory_space<vmem>>[vector<16xi32>], vector<16xi32>, vector<16xi1>
          %eq3A_357 = arith.constant 15 : i32
          %eq3A_358 = vector.broadcast %eq3A_357 : i32 to vector<16xi32>
          %eq3A_359 = arith.cmpi eq, %iota3A, %eq3A_358 : vector<16xi32>
          tpu.vector_store_idx %arg7[%get3A_59], %add3A_63 masked %eq3A_359 : memref<100000xi32, #tpu.memory_space<vmem>>[vector<16xi32>], vector<16xi32>, vector<16xi1>
          %eq3A_360 = arith.constant 0 : i32
          %eq3A_361 = vector.broadcast %eq3A_360 : i32 to vector<16xi32>
          %eq3A_362 = arith.cmpi eq, %iota3A, %eq3A_361 : vector<16xi32>
          tpu.vector_store_idx %arg7[%get3A_66], %add3A_70 masked %eq3A_362 : memref<100000xi32, #tpu.memory_space<vmem>>[vector<16xi32>], vector<16xi32>, vector<16xi1>
          %eq3A_363 = arith.constant 1 : i32
          %eq3A_364 = vector.broadcast %eq3A_363 : i32 to vector<16xi32>
          %eq3A_365 = arith.cmpi eq, %iota3A, %eq3A_364 : vector<16xi32>
          tpu.vector_store_idx %arg7[%get3A_66], %add3A_70 masked %eq3A_365 : memref<100000xi32, #tpu.memory_space<vmem>>[vector<16xi32>], vector<16xi32>, vector<16xi1>
          %eq3A_366 = arith.constant 2 : i32
          %eq3A_367 = vector.broadcast %eq3A_366 : i32 to vector<16xi32>
          %eq3A_368 = arith.cmpi eq, %iota3A, %eq3A_367 : vector<16xi32>
          tpu.vector_store_idx %arg7[%get3A_66], %add3A_70 masked %eq3A_368 : memref<100000xi32, #tpu.memory_space<vmem>>[vector<16xi32>], vector<16xi32>, vector<16xi1>
          %eq3A_369 = arith.constant 3 : i32
          %eq3A_370 = vector.broadcast %eq3A_369 : i32 to vector<16xi32>
          %eq3A_371 = arith.cmpi eq, %iota3A, %eq3A_370 : vector<16xi32>
          tpu.vector_store_idx %arg7[%get3A_66], %add3A_70 masked %eq3A_371 : memref<100000xi32, #tpu.memory_space<vmem>>[vector<16xi32>], vector<16xi32>, vector<16xi1>
          %eq3A_372 = arith.constant 4 : i32
          %eq3A_373 = vector.broadcast %eq3A_372 : i32 to vector<16xi32>
          %eq3A_374 = arith.cmpi eq, %iota3A, %eq3A_373 : vector<16xi32>
          tpu.vector_store_idx %arg7[%get3A_66], %add3A_70 masked %eq3A_374 : memref<100000xi32, #tpu.memory_space<vmem>>[vector<16xi32>], vector<16xi32>, vector<16xi1>
          %eq3A_375 = arith.constant 5 : i32
          %eq3A_376 = vector.broadcast %eq3A_375 : i32 to vector<16xi32>
          %eq3A_377 = arith.cmpi eq, %iota3A, %eq3A_376 : vector<16xi32>
          tpu.vector_store_idx %arg7[%get3A_66], %add3A_70 masked %eq3A_377 : memref<100000xi32, #tpu.memory_space<vmem>>[vector<16xi32>], vector<16xi32>, vector<16xi1>
          %eq3A_378 = arith.constant 6 : i32
          %eq3A_379 = vector.broadcast %eq3A_378 : i32 to vector<16xi32>
          %eq3A_380 = arith.cmpi eq, %iota3A, %eq3A_379 : vector<16xi32>
          tpu.vector_store_idx %arg7[%get3A_66], %add3A_70 masked %eq3A_380 : memref<100000xi32, #tpu.memory_space<vmem>>[vector<16xi32>], vector<16xi32>, vector<16xi1>
          %eq3A_381 = arith.constant 7 : i32
          %eq3A_382 = vector.broadcast %eq3A_381 : i32 to vector<16xi32>
          %eq3A_383 = arith.cmpi eq, %iota3A, %eq3A_382 : vector<16xi32>
          tpu.vector_store_idx %arg7[%get3A_66], %add3A_70 masked %eq3A_383 : memref<100000xi32, #tpu.memory_space<vmem>>[vector<16xi32>], vector<16xi32>, vector<16xi1>
          %eq3A_384 = arith.constant 8 : i32
          %eq3A_385 = vector.broadcast %eq3A_384 : i32 to vector<16xi32>
          %eq3A_386 = arith.cmpi eq, %iota3A, %eq3A_385 : vector<16xi32>
          tpu.vector_store_idx %arg7[%get3A_66], %add3A_70 masked %eq3A_386 : memref<100000xi32, #tpu.memory_space<vmem>>[vector<16xi32>], vector<16xi32>, vector<16xi1>
          %eq3A_387 = arith.constant 9 : i32
          %eq3A_388 = vector.broadcast %eq3A_387 : i32 to vector<16xi32>
          %eq3A_389 = arith.cmpi eq, %iota3A, %eq3A_388 : vector<16xi32>
          tpu.vector_store_idx %arg7[%get3A_66], %add3A_70 masked %eq3A_389 : memref<100000xi32, #tpu.memory_space<vmem>>[vector<16xi32>], vector<16xi32>, vector<16xi1>
          %eq3A_390 = arith.constant 10 : i32
          %eq3A_391 = vector.broadcast %eq3A_390 : i32 to vector<16xi32>
          %eq3A_392 = arith.cmpi eq, %iota3A, %eq3A_391 : vector<16xi32>
          tpu.vector_store_idx %arg7[%get3A_66], %add3A_70 masked %eq3A_392 : memref<100000xi32, #tpu.memory_space<vmem>>[vector<16xi32>], vector<16xi32>, vector<16xi1>
          %eq3A_393 = arith.constant 11 : i32
          %eq3A_394 = vector.broadcast %eq3A_393 : i32 to vector<16xi32>
          %eq3A_395 = arith.cmpi eq, %iota3A, %eq3A_394 : vector<16xi32>
          tpu.vector_store_idx %arg7[%get3A_66], %add3A_70 masked %eq3A_395 : memref<100000xi32, #tpu.memory_space<vmem>>[vector<16xi32>], vector<16xi32>, vector<16xi1>
          %eq3A_396 = arith.constant 12 : i32
          %eq3A_397 = vector.broadcast %eq3A_396 : i32 to vector<16xi32>
          %eq3A_398 = arith.cmpi eq, %iota3A, %eq3A_397 : vector<16xi32>
          tpu.vector_store_idx %arg7[%get3A_66], %add3A_70 masked %eq3A_398 : memref<100000xi32, #tpu.memory_space<vmem>>[vector<16xi32>], vector<16xi32>, vector<16xi1>
          %eq3A_399 = arith.constant 13 : i32
          %eq3A_400 = vector.broadcast %eq3A_399 : i32 to vector<16xi32>
          %eq3A_401 = arith.cmpi eq, %iota3A, %eq3A_400 : vector<16xi32>
          tpu.vector_store_idx %arg7[%get3A_66], %add3A_70 masked %eq3A_401 : memref<100000xi32, #tpu.memory_space<vmem>>[vector<16xi32>], vector<16xi32>, vector<16xi1>
          %eq3A_402 = arith.constant 14 : i32
          %eq3A_403 = vector.broadcast %eq3A_402 : i32 to vector<16xi32>
          %eq3A_404 = arith.cmpi eq, %iota3A, %eq3A_403 : vector<16xi32>
          tpu.vector_store_idx %arg7[%get3A_66], %add3A_70 masked %eq3A_404 : memref<100000xi32, #tpu.memory_space<vmem>>[vector<16xi32>], vector<16xi32>, vector<16xi1>
          %eq3A_405 = arith.constant 15 : i32
          %eq3A_406 = vector.broadcast %eq3A_405 : i32 to vector<16xi32>
          %eq3A_407 = arith.cmpi eq, %iota3A, %eq3A_406 : vector<16xi32>
          tpu.vector_store_idx %arg7[%get3A_66], %add3A_70 masked %eq3A_407 : memref<100000xi32, #tpu.memory_space<vmem>>[vector<16xi32>], vector<16xi32>, vector<16xi1>
          %eq3A_408 = arith.constant 0 : i32
          %eq3A_409 = vector.broadcast %eq3A_408 : i32 to vector<16xi32>
          %eq3A_410 = arith.cmpi eq, %iota3A, %eq3A_409 : vector<16xi32>
          tpu.vector_store_idx %arg7[%get3A_73], %add3A_77 masked %eq3A_410 : memref<100000xi32, #tpu.memory_space<vmem>>[vector<16xi32>], vector<16xi32>, vector<16xi1>
          %eq3A_411 = arith.constant 1 : i32
          %eq3A_412 = vector.broadcast %eq3A_411 : i32 to vector<16xi32>
          %eq3A_413 = arith.cmpi eq, %iota3A, %eq3A_412 : vector<16xi32>
          tpu.vector_store_idx %arg7[%get3A_73], %add3A_77 masked %eq3A_413 : memref<100000xi32, #tpu.memory_space<vmem>>[vector<16xi32>], vector<16xi32>, vector<16xi1>
          %eq3A_414 = arith.constant 2 : i32
          %eq3A_415 = vector.broadcast %eq3A_414 : i32 to vector<16xi32>
          %eq3A_416 = arith.cmpi eq, %iota3A, %eq3A_415 : vector<16xi32>
          tpu.vector_store_idx %arg7[%get3A_73], %add3A_77 masked %eq3A_416 : memref<100000xi32, #tpu.memory_space<vmem>>[vector<16xi32>], vector<16xi32>, vector<16xi1>
          %eq3A_417 = arith.constant 3 : i32
          %eq3A_418 = vector.broadcast %eq3A_417 : i32 to vector<16xi32>
          %eq3A_419 = arith.cmpi eq, %iota3A, %eq3A_418 : vector<16xi32>
          tpu.vector_store_idx %arg7[%get3A_73], %add3A_77 masked %eq3A_419 : memref<100000xi32, #tpu.memory_space<vmem>>[vector<16xi32>], vector<16xi32>, vector<16xi1>
          %eq3A_420 = arith.constant 4 : i32
          %eq3A_421 = vector.broadcast %eq3A_420 : i32 to vector<16xi32>
          %eq3A_422 = arith.cmpi eq, %iota3A, %eq3A_421 : vector<16xi32>
          tpu.vector_store_idx %arg7[%get3A_73], %add3A_77 masked %eq3A_422 : memref<100000xi32, #tpu.memory_space<vmem>>[vector<16xi32>], vector<16xi32>, vector<16xi1>
          %eq3A_423 = arith.constant 5 : i32
          %eq3A_424 = vector.broadcast %eq3A_423 : i32 to vector<16xi32>
          %eq3A_425 = arith.cmpi eq, %iota3A, %eq3A_424 : vector<16xi32>
          tpu.vector_store_idx %arg7[%get3A_73], %add3A_77 masked %eq3A_425 : memref<100000xi32, #tpu.memory_space<vmem>>[vector<16xi32>], vector<16xi32>, vector<16xi1>
          %eq3A_426 = arith.constant 6 : i32
          %eq3A_427 = vector.broadcast %eq3A_426 : i32 to vector<16xi32>
          %eq3A_428 = arith.cmpi eq, %iota3A, %eq3A_427 : vector<16xi32>
          tpu.vector_store_idx %arg7[%get3A_73], %add3A_77 masked %eq3A_428 : memref<100000xi32, #tpu.memory_space<vmem>>[vector<16xi32>], vector<16xi32>, vector<16xi1>
          %eq3A_429 = arith.constant 7 : i32
          %eq3A_430 = vector.broadcast %eq3A_429 : i32 to vector<16xi32>
          %eq3A_431 = arith.cmpi eq, %iota3A, %eq3A_430 : vector<16xi32>
          tpu.vector_store_idx %arg7[%get3A_73], %add3A_77 masked %eq3A_431 : memref<100000xi32, #tpu.memory_space<vmem>>[vector<16xi32>], vector<16xi32>, vector<16xi1>
          %eq3A_432 = arith.constant 8 : i32
          %eq3A_433 = vector.broadcast %eq3A_432 : i32 to vector<16xi32>
          %eq3A_434 = arith.cmpi eq, %iota3A, %eq3A_433 : vector<16xi32>
          tpu.vector_store_idx %arg7[%get3A_73], %add3A_77 masked %eq3A_434 : memref<100000xi32, #tpu.memory_space<vmem>>[vector<16xi32>], vector<16xi32>, vector<16xi1>
          %eq3A_435 = arith.constant 9 : i32
          %eq3A_436 = vector.broadcast %eq3A_435 : i32 to vector<16xi32>
          %eq3A_437 = arith.cmpi eq, %iota3A, %eq3A_436 : vector<16xi32>
          tpu.vector_store_idx %arg7[%get3A_73], %add3A_77 masked %eq3A_437 : memref<100000xi32, #tpu.memory_space<vmem>>[vector<16xi32>], vector<16xi32>, vector<16xi1>
          %eq3A_438 = arith.constant 10 : i32
          %eq3A_439 = vector.broadcast %eq3A_438 : i32 to vector<16xi32>
          %eq3A_440 = arith.cmpi eq, %iota3A, %eq3A_439 : vector<16xi32>
          tpu.vector_store_idx %arg7[%get3A_73], %add3A_77 masked %eq3A_440 : memref<100000xi32, #tpu.memory_space<vmem>>[vector<16xi32>], vector<16xi32>, vector<16xi1>
          %eq3A_441 = arith.constant 11 : i32
          %eq3A_442 = vector.broadcast %eq3A_441 : i32 to vector<16xi32>
          %eq3A_443 = arith.cmpi eq, %iota3A, %eq3A_442 : vector<16xi32>
          tpu.vector_store_idx %arg7[%get3A_73], %add3A_77 masked %eq3A_443 : memref<100000xi32, #tpu.memory_space<vmem>>[vector<16xi32>], vector<16xi32>, vector<16xi1>
          %eq3A_444 = arith.constant 12 : i32
          %eq3A_445 = vector.broadcast %eq3A_444 : i32 to vector<16xi32>
          %eq3A_446 = arith.cmpi eq, %iota3A, %eq3A_445 : vector<16xi32>
          tpu.vector_store_idx %arg7[%get3A_73], %add3A_77 masked %eq3A_446 : memref<100000xi32, #tpu.memory_space<vmem>>[vector<16xi32>], vector<16xi32>, vector<16xi1>
          %eq3A_447 = arith.constant 13 : i32
          %eq3A_448 = vector.broadcast %eq3A_447 : i32 to vector<16xi32>
          %eq3A_449 = arith.cmpi eq, %iota3A, %eq3A_448 : vector<16xi32>
          tpu.vector_store_idx %arg7[%get3A_73], %add3A_77 masked %eq3A_449 : memref<100000xi32, #tpu.memory_space<vmem>>[vector<16xi32>], vector<16xi32>, vector<16xi1>
          %eq3A_450 = arith.constant 14 : i32
          %eq3A_451 = vector.broadcast %eq3A_450 : i32 to vector<16xi32>
          %eq3A_452 = arith.cmpi eq, %iota3A, %eq3A_451 : vector<16xi32>
          tpu.vector_store_idx %arg7[%get3A_73], %add3A_77 masked %eq3A_452 : memref<100000xi32, #tpu.memory_space<vmem>>[vector<16xi32>], vector<16xi32>, vector<16xi1>
          %eq3A_453 = arith.constant 15 : i32
          %eq3A_454 = vector.broadcast %eq3A_453 : i32 to vector<16xi32>
          %eq3A_455 = arith.cmpi eq, %iota3A, %eq3A_454 : vector<16xi32>
          tpu.vector_store_idx %arg7[%get3A_73], %add3A_77 masked %eq3A_455 : memref<100000xi32, #tpu.memory_space<vmem>>[vector<16xi32>], vector<16xi32>, vector<16xi1>
          %eq3A_456 = arith.constant 0 : i32
          %eq3A_457 = vector.broadcast %eq3A_456 : i32 to vector<16xi32>
          %eq3A_458 = arith.cmpi eq, %iota3A, %eq3A_457 : vector<16xi32>
          tpu.vector_store_idx %arg7[%get3A_80], %add3A_84 masked %eq3A_458 : memref<100000xi32, #tpu.memory_space<vmem>>[vector<16xi32>], vector<16xi32>, vector<16xi1>
          %eq3A_459 = arith.constant 1 : i32
          %eq3A_460 = vector.broadcast %eq3A_459 : i32 to vector<16xi32>
          %eq3A_461 = arith.cmpi eq, %iota3A, %eq3A_460 : vector<16xi32>
          tpu.vector_store_idx %arg7[%get3A_80], %add3A_84 masked %eq3A_461 : memref<100000xi32, #tpu.memory_space<vmem>>[vector<16xi32>], vector<16xi32>, vector<16xi1>
          %eq3A_462 = arith.constant 2 : i32
          %eq3A_463 = vector.broadcast %eq3A_462 : i32 to vector<16xi32>
          %eq3A_464 = arith.cmpi eq, %iota3A, %eq3A_463 : vector<16xi32>
          tpu.vector_store_idx %arg7[%get3A_80], %add3A_84 masked %eq3A_464 : memref<100000xi32, #tpu.memory_space<vmem>>[vector<16xi32>], vector<16xi32>, vector<16xi1>
          %eq3A_465 = arith.constant 3 : i32
          %eq3A_466 = vector.broadcast %eq3A_465 : i32 to vector<16xi32>
          %eq3A_467 = arith.cmpi eq, %iota3A, %eq3A_466 : vector<16xi32>
          tpu.vector_store_idx %arg7[%get3A_80], %add3A_84 masked %eq3A_467 : memref<100000xi32, #tpu.memory_space<vmem>>[vector<16xi32>], vector<16xi32>, vector<16xi1>
          %eq3A_468 = arith.constant 4 : i32
          %eq3A_469 = vector.broadcast %eq3A_468 : i32 to vector<16xi32>
          %eq3A_470 = arith.cmpi eq, %iota3A, %eq3A_469 : vector<16xi32>
          tpu.vector_store_idx %arg7[%get3A_80], %add3A_84 masked %eq3A_470 : memref<100000xi32, #tpu.memory_space<vmem>>[vector<16xi32>], vector<16xi32>, vector<16xi1>
          %eq3A_471 = arith.constant 5 : i32
          %eq3A_472 = vector.broadcast %eq3A_471 : i32 to vector<16xi32>
          %eq3A_473 = arith.cmpi eq, %iota3A, %eq3A_472 : vector<16xi32>
          tpu.vector_store_idx %arg7[%get3A_80], %add3A_84 masked %eq3A_473 : memref<100000xi32, #tpu.memory_space<vmem>>[vector<16xi32>], vector<16xi32>, vector<16xi1>
          %eq3A_474 = arith.constant 6 : i32
          %eq3A_475 = vector.broadcast %eq3A_474 : i32 to vector<16xi32>
          %eq3A_476 = arith.cmpi eq, %iota3A, %eq3A_475 : vector<16xi32>
          tpu.vector_store_idx %arg7[%get3A_80], %add3A_84 masked %eq3A_476 : memref<100000xi32, #tpu.memory_space<vmem>>[vector<16xi32>], vector<16xi32>, vector<16xi1>
          %eq3A_477 = arith.constant 7 : i32
          %eq3A_478 = vector.broadcast %eq3A_477 : i32 to vector<16xi32>
          %eq3A_479 = arith.cmpi eq, %iota3A, %eq3A_478 : vector<16xi32>
          tpu.vector_store_idx %arg7[%get3A_80], %add3A_84 masked %eq3A_479 : memref<100000xi32, #tpu.memory_space<vmem>>[vector<16xi32>], vector<16xi32>, vector<16xi1>
          %eq3A_480 = arith.constant 8 : i32
          %eq3A_481 = vector.broadcast %eq3A_480 : i32 to vector<16xi32>
          %eq3A_482 = arith.cmpi eq, %iota3A, %eq3A_481 : vector<16xi32>
          tpu.vector_store_idx %arg7[%get3A_80], %add3A_84 masked %eq3A_482 : memref<100000xi32, #tpu.memory_space<vmem>>[vector<16xi32>], vector<16xi32>, vector<16xi1>
          %eq3A_483 = arith.constant 9 : i32
          %eq3A_484 = vector.broadcast %eq3A_483 : i32 to vector<16xi32>
          %eq3A_485 = arith.cmpi eq, %iota3A, %eq3A_484 : vector<16xi32>
          tpu.vector_store_idx %arg7[%get3A_80], %add3A_84 masked %eq3A_485 : memref<100000xi32, #tpu.memory_space<vmem>>[vector<16xi32>], vector<16xi32>, vector<16xi1>
          %eq3A_486 = arith.constant 10 : i32
          %eq3A_487 = vector.broadcast %eq3A_486 : i32 to vector<16xi32>
          %eq3A_488 = arith.cmpi eq, %iota3A, %eq3A_487 : vector<16xi32>
          tpu.vector_store_idx %arg7[%get3A_80], %add3A_84 masked %eq3A_488 : memref<100000xi32, #tpu.memory_space<vmem>>[vector<16xi32>], vector<16xi32>, vector<16xi1>
          %eq3A_489 = arith.constant 11 : i32
          %eq3A_490 = vector.broadcast %eq3A_489 : i32 to vector<16xi32>
          %eq3A_491 = arith.cmpi eq, %iota3A, %eq3A_490 : vector<16xi32>
          tpu.vector_store_idx %arg7[%get3A_80], %add3A_84 masked %eq3A_491 : memref<100000xi32, #tpu.memory_space<vmem>>[vector<16xi32>], vector<16xi32>, vector<16xi1>
          %eq3A_492 = arith.constant 12 : i32
          %eq3A_493 = vector.broadcast %eq3A_492 : i32 to vector<16xi32>
          %eq3A_494 = arith.cmpi eq, %iota3A, %eq3A_493 : vector<16xi32>
          tpu.vector_store_idx %arg7[%get3A_80], %add3A_84 masked %eq3A_494 : memref<100000xi32, #tpu.memory_space<vmem>>[vector<16xi32>], vector<16xi32>, vector<16xi1>
          %eq3A_495 = arith.constant 13 : i32
          %eq3A_496 = vector.broadcast %eq3A_495 : i32 to vector<16xi32>
          %eq3A_497 = arith.cmpi eq, %iota3A, %eq3A_496 : vector<16xi32>
          tpu.vector_store_idx %arg7[%get3A_80], %add3A_84 masked %eq3A_497 : memref<100000xi32, #tpu.memory_space<vmem>>[vector<16xi32>], vector<16xi32>, vector<16xi1>
          %eq3A_498 = arith.constant 14 : i32
          %eq3A_499 = vector.broadcast %eq3A_498 : i32 to vector<16xi32>
          %eq3A_500 = arith.cmpi eq, %iota3A, %eq3A_499 : vector<16xi32>
          tpu.vector_store_idx %arg7[%get3A_80], %add3A_84 masked %eq3A_500 : memref<100000xi32, #tpu.memory_space<vmem>>[vector<16xi32>], vector<16xi32>, vector<16xi1>
          %eq3A_501 = arith.constant 15 : i32
          %eq3A_502 = vector.broadcast %eq3A_501 : i32 to vector<16xi32>
          %eq3A_503 = arith.cmpi eq, %iota3A, %eq3A_502 : vector<16xi32>
          tpu.vector_store_idx %arg7[%get3A_80], %add3A_84 masked %eq3A_503 : memref<100000xi32, #tpu.memory_space<vmem>>[vector<16xi32>], vector<16xi32>, vector<16xi1>
        } else {
        }
      }
      %scan3A_24 = arith.constant 64 : i32
      "tpu.region"() ({
        %run_scoped3A = tpu.sem_alloc : memref<!tpu.dma_semaphore, #tpu.memory_space<semaphore_mem>>
        tpu.enqueue_dma source(%arg7 : memref<100000xi32, #tpu.memory_space<vmem>>) target(%arg4 : memref<100000xi32, #tpu.memory_space<hbm>>) target_semaphore(%run_scoped3A : memref<!tpu.dma_semaphore, #tpu.memory_space<semaphore_mem>>)
        tpu.wait_dma2 semaphore(%run_scoped3A : memref<!tpu.dma_semaphore, #tpu.memory_space<semaphore_mem>>) src(%arg7 : memref<100000xi32, #tpu.memory_space<vmem>>) dst(%arg4 : memref<100000xi32, #tpu.memory_space<hbm>>)
        tpu.yield
      }) : () -> ()
    } else {
    }
    return
  }
}

#map = affine_map<(d0, d1) -> (0, 0)>
#map1 = affine_map<(d0, d1) -> (0)>
module attributes {stable_mosaic.version = 14 : i64} {
  func.func @new_body(%arg0: i32, %arg1: i32, %arg2: memref<100000x128xf32, #tpu.memory_space<hbm>>, %arg3: memref<100000xi32, #tpu.memory_space<hbm>>, %arg4: memref<128x128xi32, #tpu.memory_space<hbm>>, %arg5: memref<100000xi32, #tpu.memory_space<hbm>>, %arg6: memref<16384x128xf32, #tpu.memory_space<hbm>>, %arg7: memref<100000x128xf32, #tpu.memory_space<hbm>>, %arg8: memref<100000xi32, #tpu.memory_space<hbm>>, %arg9: memref<4x128xi32, #tpu.memory_space<vmem>>, %arg10: memref<4x128xi32, #tpu.memory_space<vmem>>, %arg11: memref<4x128x128xf32, #tpu.memory_space<vmem>>, %arg12: memref<4x128xi32, #tpu.memory_space<vmem>>, %arg13: memref<!tpu.dma_semaphore, #tpu.memory_space<semaphore_mem>>, %arg14: memref<!tpu.dma_semaphore, #tpu.memory_space<semaphore_mem>>, %arg15: memref<!tpu.dma_semaphore, #tpu.memory_space<semaphore_mem>>, %arg16: memref<!tpu.dma_semaphore, #tpu.memory_space<semaphore_mem>>, %arg17: memref<!tpu.dma_semaphore, #tpu.memory_space<semaphore_mem>>, %arg18: memref<!tpu.dma_semaphore, #tpu.memory_space<semaphore_mem>>, %arg19: memref<!tpu.dma_semaphore, #tpu.memory_space<semaphore_mem>>, %arg20: memref<!tpu.dma_semaphore, #tpu.memory_space<semaphore_mem>>, %arg21: memref<!tpu.dma_semaphore, #tpu.memory_space<semaphore_mem>>, %arg22: memref<!tpu.dma_semaphore, #tpu.memory_space<semaphore_mem>>) attributes {dimension_semantics = [#tpu.dimension_semantics<core_parallel>, #tpu.dimension_semantics<subcore_parallel>], iteration_bounds = array<i64: 2, 16>, scalar_prefetch = 0 : i64, scratch_operands = 14 : i64, tpu.core_type = #tpu.core_type<sc_vector_subcore>, window_params = [{transform_indices = #map}, {transform_indices = #map1}, {transform_indices = #map}, {transform_indices = #map1}, {transform_indices = #map}, {transform_indices = #map}, {transform_indices = #map1}]} {
    %mul3A = arith.constant 2 : i32
    %mul3A_0 = arith.muli %arg1, %mul3A : i32
    %add3A = arith.addi %mul3A_0, %arg0 : i32
    %iota3A = tpu.iota {dimensions = array<i32: 0>} : vector<16xi32>
    %mul3A_1 = arith.constant 4 : i32
    %mul3A_2 = arith.muli %add3A, %mul3A_1 : i32
    "tpu.region"() ({
      %run_scoped3A = tpu.sem_alloc : memref<!tpu.dma_semaphore, #tpu.memory_space<semaphore_mem>>
      %dma_start3A_765 = arith.constant 0 : i32
      %dma_start3A_766 = tpu.memref_slice %arg4[%mul3A_2, %dma_start3A_765] : memref<128x128xi32, #tpu.memory_space<hbm>> -> memref<4x128xi32, #tpu.memory_space<hbm>>
      %dma_start3A_767 = arith.constant 0 : i32
      %dma_start3A_768 = tpu.memref_slice %arg4[%mul3A_2, %dma_start3A_767] : memref<128x128xi32, #tpu.memory_space<hbm>> -> memref<4x128xi32, #tpu.memory_space<hbm>>
      tpu.enqueue_dma source(%dma_start3A_768 : memref<4x128xi32, #tpu.memory_space<hbm>>) target(%arg9 : memref<4x128xi32, #tpu.memory_space<vmem>>) target_semaphore(%run_scoped3A : memref<!tpu.dma_semaphore, #tpu.memory_space<semaphore_mem>>)
      %dma_wait3A_769 = arith.constant 0 : i32
      %dma_wait3A_770 = tpu.memref_slice %arg4[%mul3A_2, %dma_wait3A_769] : memref<128x128xi32, #tpu.memory_space<hbm>> -> memref<4x128xi32, #tpu.memory_space<hbm>>
      %dma_wait3A_771 = arith.constant 0 : i32
      %dma_wait3A_772 = tpu.memref_slice %arg4[%mul3A_2, %dma_wait3A_771] : memref<128x128xi32, #tpu.memory_space<hbm>> -> memref<4x128xi32, #tpu.memory_space<hbm>>
      tpu.wait_dma2 semaphore(%run_scoped3A : memref<!tpu.dma_semaphore, #tpu.memory_space<semaphore_mem>>) src(%dma_wait3A_772 : memref<4x128xi32, #tpu.memory_space<hbm>>) dst(%arg9 : memref<4x128xi32, #tpu.memory_space<vmem>>)
      tpu.yield
    }) : () -> ()
    %dma_start3A = arith.constant 0 : i32
    %dma_start3A_3 = arith.constant 0 : i32
    %dma_start3A_4 = arith.constant 0 : i32
    %dma_start3A_5 = tpu.memref_slice %arg10[%dma_start3A_3, %dma_start3A_4] : memref<4x128xi32, #tpu.memory_space<vmem>> -> memref<1x128xi32, #tpu.memory_space<vmem>>
    %dma_start3A_6 = tpu.memref_squeeze %dma_start3A_5 : memref<1x128xi32, #tpu.memory_space<vmem>> -> memref<128xi32, #tpu.memory_space<vmem>>
    %dma_start3A_7 = arith.constant 0 : i32
    %dma_start3A_8 = tpu.memref_slice %arg9[%dma_start3A, %dma_start3A_7] : memref<4x128xi32, #tpu.memory_space<vmem>> -> memref<1x128xi32, #tpu.memory_space<vmem>>
    %dma_start3A_9 = tpu.memref_squeeze %dma_start3A_8 : memref<1x128xi32, #tpu.memory_space<vmem>> -> memref<128xi32, #tpu.memory_space<vmem>>
    %dma_start3A_10 = arith.constant 0 : i32
    %dma_start3A_11 = tpu.memref_slice %arg5[%dma_start3A_10] : memref<100000xi32, #tpu.memory_space<hbm>> -> memref<100000xi32, #tpu.memory_space<hbm>>
    tpu.enqueue_indirect_dma source(%dma_start3A_11 : memref<100000xi32, #tpu.memory_space<hbm>>) target(%dma_start3A_6 : memref<128xi32, #tpu.memory_space<vmem>>) offsets(%dma_start3A_9 : memref<128xi32, #tpu.memory_space<vmem>>) semaphore(%arg13 : memref<!tpu.dma_semaphore, #tpu.memory_space<semaphore_mem>>)
    %dma_start3A_12 = arith.constant 1 : i32
    %dma_start3A_13 = arith.constant 1 : i32
    %dma_start3A_14 = arith.constant 0 : i32
    %dma_start3A_15 = tpu.memref_slice %arg10[%dma_start3A_13, %dma_start3A_14] : memref<4x128xi32, #tpu.memory_space<vmem>> -> memref<1x128xi32, #tpu.memory_space<vmem>>
    %dma_start3A_16 = tpu.memref_squeeze %dma_start3A_15 : memref<1x128xi32, #tpu.memory_space<vmem>> -> memref<128xi32, #tpu.memory_space<vmem>>
    %dma_start3A_17 = arith.constant 0 : i32
    %dma_start3A_18 = tpu.memref_slice %arg9[%dma_start3A_12, %dma_start3A_17] : memref<4x128xi32, #tpu.memory_space<vmem>> -> memref<1x128xi32, #tpu.memory_space<vmem>>
    %dma_start3A_19 = tpu.memref_squeeze %dma_start3A_18 : memref<1x128xi32, #tpu.memory_space<vmem>> -> memref<128xi32, #tpu.memory_space<vmem>>
    %dma_start3A_20 = arith.constant 0 : i32
    %dma_start3A_21 = tpu.memref_slice %arg5[%dma_start3A_20] : memref<100000xi32, #tpu.memory_space<hbm>> -> memref<100000xi32, #tpu.memory_space<hbm>>
    tpu.enqueue_indirect_dma source(%dma_start3A_21 : memref<100000xi32, #tpu.memory_space<hbm>>) target(%dma_start3A_16 : memref<128xi32, #tpu.memory_space<vmem>>) offsets(%dma_start3A_19 : memref<128xi32, #tpu.memory_space<vmem>>) semaphore(%arg14 : memref<!tpu.dma_semaphore, #tpu.memory_space<semaphore_mem>>)
    %dma_start3A_22 = arith.constant 2 : i32
    %dma_start3A_23 = arith.constant 2 : i32
    %dma_start3A_24 = arith.constant 0 : i32
    %dma_start3A_25 = tpu.memref_slice %arg10[%dma_start3A_23, %dma_start3A_24] : memref<4x128xi32, #tpu.memory_space<vmem>> -> memref<1x128xi32, #tpu.memory_space<vmem>>
    %dma_start3A_26 = tpu.memref_squeeze %dma_start3A_25 : memref<1x128xi32, #tpu.memory_space<vmem>> -> memref<128xi32, #tpu.memory_space<vmem>>
    %dma_start3A_27 = arith.constant 0 : i32
    %dma_start3A_28 = tpu.memref_slice %arg9[%dma_start3A_22, %dma_start3A_27] : memref<4x128xi32, #tpu.memory_space<vmem>> -> memref<1x128xi32, #tpu.memory_space<vmem>>
    %dma_start3A_29 = tpu.memref_squeeze %dma_start3A_28 : memref<1x128xi32, #tpu.memory_space<vmem>> -> memref<128xi32, #tpu.memory_space<vmem>>
    %dma_start3A_30 = arith.constant 0 : i32
    %dma_start3A_31 = tpu.memref_slice %arg5[%dma_start3A_30] : memref<100000xi32, #tpu.memory_space<hbm>> -> memref<100000xi32, #tpu.memory_space<hbm>>
    tpu.enqueue_indirect_dma source(%dma_start3A_31 : memref<100000xi32, #tpu.memory_space<hbm>>) target(%dma_start3A_26 : memref<128xi32, #tpu.memory_space<vmem>>) offsets(%dma_start3A_29 : memref<128xi32, #tpu.memory_space<vmem>>) semaphore(%arg15 : memref<!tpu.dma_semaphore, #tpu.memory_space<semaphore_mem>>)
    %dma_start3A_32 = arith.constant 3 : i32
    %dma_start3A_33 = arith.constant 3 : i32
    %dma_start3A_34 = arith.constant 0 : i32
    %dma_start3A_35 = tpu.memref_slice %arg10[%dma_start3A_33, %dma_start3A_34] : memref<4x128xi32, #tpu.memory_space<vmem>> -> memref<1x128xi32, #tpu.memory_space<vmem>>
    %dma_start3A_36 = tpu.memref_squeeze %dma_start3A_35 : memref<1x128xi32, #tpu.memory_space<vmem>> -> memref<128xi32, #tpu.memory_space<vmem>>
    %dma_start3A_37 = arith.constant 0 : i32
    %dma_start3A_38 = tpu.memref_slice %arg9[%dma_start3A_32, %dma_start3A_37] : memref<4x128xi32, #tpu.memory_space<vmem>> -> memref<1x128xi32, #tpu.memory_space<vmem>>
    %dma_start3A_39 = tpu.memref_squeeze %dma_start3A_38 : memref<1x128xi32, #tpu.memory_space<vmem>> -> memref<128xi32, #tpu.memory_space<vmem>>
    %dma_start3A_40 = arith.constant 0 : i32
    %dma_start3A_41 = tpu.memref_slice %arg5[%dma_start3A_40] : memref<100000xi32, #tpu.memory_space<hbm>> -> memref<100000xi32, #tpu.memory_space<hbm>>
    tpu.enqueue_indirect_dma source(%dma_start3A_41 : memref<100000xi32, #tpu.memory_space<hbm>>) target(%dma_start3A_36 : memref<128xi32, #tpu.memory_space<vmem>>) offsets(%dma_start3A_39 : memref<128xi32, #tpu.memory_space<vmem>>) semaphore(%arg16 : memref<!tpu.dma_semaphore, #tpu.memory_space<semaphore_mem>>)
    %dma_wait3A = arith.constant 0 : i32
    %dma_wait3A_42 = arith.constant 0 : i32
    %dma_wait3A_43 = arith.constant 0 : i32
    %dma_wait3A_44 = tpu.memref_slice %arg10[%dma_wait3A_42, %dma_wait3A_43] : memref<4x128xi32, #tpu.memory_space<vmem>> -> memref<1x128xi32, #tpu.memory_space<vmem>>
    %dma_wait3A_45 = tpu.memref_squeeze %dma_wait3A_44 : memref<1x128xi32, #tpu.memory_space<vmem>> -> memref<128xi32, #tpu.memory_space<vmem>>
    %dma_wait3A_46 = arith.constant 0 : i32
    %dma_wait3A_47 = tpu.memref_slice %arg9[%dma_wait3A, %dma_wait3A_46] : memref<4x128xi32, #tpu.memory_space<vmem>> -> memref<1x128xi32, #tpu.memory_space<vmem>>
    %dma_wait3A_48 = tpu.memref_squeeze %dma_wait3A_47 : memref<1x128xi32, #tpu.memory_space<vmem>> -> memref<128xi32, #tpu.memory_space<vmem>>
    %dma_wait3A_49 = arith.constant 0 : i32
    %dma_wait3A_50 = tpu.memref_slice %arg5[%dma_wait3A_49] : memref<100000xi32, #tpu.memory_space<hbm>> -> memref<100000xi32, #tpu.memory_space<hbm>>
    tpu.wait_indirect_dma semaphore(%arg13 : memref<!tpu.dma_semaphore, #tpu.memory_space<semaphore_mem>>) src(%dma_wait3A_50 : memref<100000xi32, #tpu.memory_space<hbm>>) dst(%dma_wait3A_45 : memref<128xi32, #tpu.memory_space<vmem>>)
    %dma_start3A_51 = arith.constant 0 : i32
    %dma_start3A_52 = arith.constant 0 : i32
    %dma_start3A_53 = arith.constant 0 : i32
    %dma_start3A_54 = arith.constant 0 : i32
    %dma_start3A_55 = tpu.memref_slice %arg11[%dma_start3A_52, %dma_start3A_53, %dma_start3A_54] : memref<4x128x128xf32, #tpu.memory_space<vmem>> -> memref<1x128x128xf32, #tpu.memory_space<vmem>>
    %dma_start3A_56 = tpu.memref_squeeze %dma_start3A_55 : memref<1x128x128xf32, #tpu.memory_space<vmem>> -> memref<128x128xf32, #tpu.memory_space<vmem>>
    %dma_start3A_57 = arith.constant 0 : i32
    %dma_start3A_58 = tpu.memref_slice %arg10[%dma_start3A_51, %dma_start3A_57] : memref<4x128xi32, #tpu.memory_space<vmem>> -> memref<1x128xi32, #tpu.memory_space<vmem>>
    %dma_start3A_59 = tpu.memref_squeeze %dma_start3A_58 : memref<1x128xi32, #tpu.memory_space<vmem>> -> memref<128xi32, #tpu.memory_space<vmem>>
    %dma_start3A_60 = arith.constant 0 : i32
    %dma_start3A_61 = arith.constant 0 : i32
    %dma_start3A_62 = tpu.memref_slice %arg6[%dma_start3A_60, %dma_start3A_61] : memref<16384x128xf32, #tpu.memory_space<hbm>> -> memref<16384x128xf32, #tpu.memory_space<hbm>>
    tpu.enqueue_indirect_dma source(%dma_start3A_62 : memref<16384x128xf32, #tpu.memory_space<hbm>>) target(%dma_start3A_56 : memref<128x128xf32, #tpu.memory_space<vmem>>) offsets(%dma_start3A_59 : memref<128xi32, #tpu.memory_space<vmem>>) semaphore(%arg17 : memref<!tpu.dma_semaphore, #tpu.memory_space<semaphore_mem>>)
    %dma_wait3A_63 = arith.constant 1 : i32
    %dma_wait3A_64 = arith.constant 1 : i32
    %dma_wait3A_65 = arith.constant 0 : i32
    %dma_wait3A_66 = tpu.memref_slice %arg10[%dma_wait3A_64, %dma_wait3A_65] : memref<4x128xi32, #tpu.memory_space<vmem>> -> memref<1x128xi32, #tpu.memory_space<vmem>>
    %dma_wait3A_67 = tpu.memref_squeeze %dma_wait3A_66 : memref<1x128xi32, #tpu.memory_space<vmem>> -> memref<128xi32, #tpu.memory_space<vmem>>
    %dma_wait3A_68 = arith.constant 0 : i32
    %dma_wait3A_69 = tpu.memref_slice %arg9[%dma_wait3A_63, %dma_wait3A_68] : memref<4x128xi32, #tpu.memory_space<vmem>> -> memref<1x128xi32, #tpu.memory_space<vmem>>
    %dma_wait3A_70 = tpu.memref_squeeze %dma_wait3A_69 : memref<1x128xi32, #tpu.memory_space<vmem>> -> memref<128xi32, #tpu.memory_space<vmem>>
    %dma_wait3A_71 = arith.constant 0 : i32
    %dma_wait3A_72 = tpu.memref_slice %arg5[%dma_wait3A_71] : memref<100000xi32, #tpu.memory_space<hbm>> -> memref<100000xi32, #tpu.memory_space<hbm>>
    tpu.wait_indirect_dma semaphore(%arg14 : memref<!tpu.dma_semaphore, #tpu.memory_space<semaphore_mem>>) src(%dma_wait3A_72 : memref<100000xi32, #tpu.memory_space<hbm>>) dst(%dma_wait3A_67 : memref<128xi32, #tpu.memory_space<vmem>>)
    %dma_start3A_73 = arith.constant 1 : i32
    %dma_start3A_74 = arith.constant 1 : i32
    %dma_start3A_75 = arith.constant 0 : i32
    %dma_start3A_76 = arith.constant 0 : i32
    %dma_start3A_77 = tpu.memref_slice %arg11[%dma_start3A_74, %dma_start3A_75, %dma_start3A_76] : memref<4x128x128xf32, #tpu.memory_space<vmem>> -> memref<1x128x128xf32, #tpu.memory_space<vmem>>
    %dma_start3A_78 = tpu.memref_squeeze %dma_start3A_77 : memref<1x128x128xf32, #tpu.memory_space<vmem>> -> memref<128x128xf32, #tpu.memory_space<vmem>>
    %dma_start3A_79 = arith.constant 0 : i32
    %dma_start3A_80 = tpu.memref_slice %arg10[%dma_start3A_73, %dma_start3A_79] : memref<4x128xi32, #tpu.memory_space<vmem>> -> memref<1x128xi32, #tpu.memory_space<vmem>>
    %dma_start3A_81 = tpu.memref_squeeze %dma_start3A_80 : memref<1x128xi32, #tpu.memory_space<vmem>> -> memref<128xi32, #tpu.memory_space<vmem>>
    %dma_start3A_82 = arith.constant 0 : i32
    %dma_start3A_83 = arith.constant 0 : i32
    %dma_start3A_84 = tpu.memref_slice %arg6[%dma_start3A_82, %dma_start3A_83] : memref<16384x128xf32, #tpu.memory_space<hbm>> -> memref<16384x128xf32, #tpu.memory_space<hbm>>
    tpu.enqueue_indirect_dma source(%dma_start3A_84 : memref<16384x128xf32, #tpu.memory_space<hbm>>) target(%dma_start3A_78 : memref<128x128xf32, #tpu.memory_space<vmem>>) offsets(%dma_start3A_81 : memref<128xi32, #tpu.memory_space<vmem>>) semaphore(%arg18 : memref<!tpu.dma_semaphore, #tpu.memory_space<semaphore_mem>>)
    %dma_wait3A_85 = arith.constant 2 : i32
    %dma_wait3A_86 = arith.constant 2 : i32
    %dma_wait3A_87 = arith.constant 0 : i32
    %dma_wait3A_88 = tpu.memref_slice %arg10[%dma_wait3A_86, %dma_wait3A_87] : memref<4x128xi32, #tpu.memory_space<vmem>> -> memref<1x128xi32, #tpu.memory_space<vmem>>
    %dma_wait3A_89 = tpu.memref_squeeze %dma_wait3A_88 : memref<1x128xi32, #tpu.memory_space<vmem>> -> memref<128xi32, #tpu.memory_space<vmem>>
    %dma_wait3A_90 = arith.constant 0 : i32
    %dma_wait3A_91 = tpu.memref_slice %arg9[%dma_wait3A_85, %dma_wait3A_90] : memref<4x128xi32, #tpu.memory_space<vmem>> -> memref<1x128xi32, #tpu.memory_space<vmem>>
    %dma_wait3A_92 = tpu.memref_squeeze %dma_wait3A_91 : memref<1x128xi32, #tpu.memory_space<vmem>> -> memref<128xi32, #tpu.memory_space<vmem>>
    %dma_wait3A_93 = arith.constant 0 : i32
    %dma_wait3A_94 = tpu.memref_slice %arg5[%dma_wait3A_93] : memref<100000xi32, #tpu.memory_space<hbm>> -> memref<100000xi32, #tpu.memory_space<hbm>>
    tpu.wait_indirect_dma semaphore(%arg15 : memref<!tpu.dma_semaphore, #tpu.memory_space<semaphore_mem>>) src(%dma_wait3A_94 : memref<100000xi32, #tpu.memory_space<hbm>>) dst(%dma_wait3A_89 : memref<128xi32, #tpu.memory_space<vmem>>)
    %dma_start3A_95 = arith.constant 2 : i32
    %dma_start3A_96 = arith.constant 2 : i32
    %dma_start3A_97 = arith.constant 0 : i32
    %dma_start3A_98 = arith.constant 0 : i32
    %dma_start3A_99 = tpu.memref_slice %arg11[%dma_start3A_96, %dma_start3A_97, %dma_start3A_98] : memref<4x128x128xf32, #tpu.memory_space<vmem>> -> memref<1x128x128xf32, #tpu.memory_space<vmem>>
    %dma_start3A_100 = tpu.memref_squeeze %dma_start3A_99 : memref<1x128x128xf32, #tpu.memory_space<vmem>> -> memref<128x128xf32, #tpu.memory_space<vmem>>
    %dma_start3A_101 = arith.constant 0 : i32
    %dma_start3A_102 = tpu.memref_slice %arg10[%dma_start3A_95, %dma_start3A_101] : memref<4x128xi32, #tpu.memory_space<vmem>> -> memref<1x128xi32, #tpu.memory_space<vmem>>
    %dma_start3A_103 = tpu.memref_squeeze %dma_start3A_102 : memref<1x128xi32, #tpu.memory_space<vmem>> -> memref<128xi32, #tpu.memory_space<vmem>>
    %dma_start3A_104 = arith.constant 0 : i32
    %dma_start3A_105 = arith.constant 0 : i32
    %dma_start3A_106 = tpu.memref_slice %arg6[%dma_start3A_104, %dma_start3A_105] : memref<16384x128xf32, #tpu.memory_space<hbm>> -> memref<16384x128xf32, #tpu.memory_space<hbm>>
    tpu.enqueue_indirect_dma source(%dma_start3A_106 : memref<16384x128xf32, #tpu.memory_space<hbm>>) target(%dma_start3A_100 : memref<128x128xf32, #tpu.memory_space<vmem>>) offsets(%dma_start3A_103 : memref<128xi32, #tpu.memory_space<vmem>>) semaphore(%arg19 : memref<!tpu.dma_semaphore, #tpu.memory_space<semaphore_mem>>)
    %dma_wait3A_107 = arith.constant 3 : i32
    %dma_wait3A_108 = arith.constant 3 : i32
    %dma_wait3A_109 = arith.constant 0 : i32
    %dma_wait3A_110 = tpu.memref_slice %arg10[%dma_wait3A_108, %dma_wait3A_109] : memref<4x128xi32, #tpu.memory_space<vmem>> -> memref<1x128xi32, #tpu.memory_space<vmem>>
    %dma_wait3A_111 = tpu.memref_squeeze %dma_wait3A_110 : memref<1x128xi32, #tpu.memory_space<vmem>> -> memref<128xi32, #tpu.memory_space<vmem>>
    %dma_wait3A_112 = arith.constant 0 : i32
    %dma_wait3A_113 = tpu.memref_slice %arg9[%dma_wait3A_107, %dma_wait3A_112] : memref<4x128xi32, #tpu.memory_space<vmem>> -> memref<1x128xi32, #tpu.memory_space<vmem>>
    %dma_wait3A_114 = tpu.memref_squeeze %dma_wait3A_113 : memref<1x128xi32, #tpu.memory_space<vmem>> -> memref<128xi32, #tpu.memory_space<vmem>>
    %dma_wait3A_115 = arith.constant 0 : i32
    %dma_wait3A_116 = tpu.memref_slice %arg5[%dma_wait3A_115] : memref<100000xi32, #tpu.memory_space<hbm>> -> memref<100000xi32, #tpu.memory_space<hbm>>
    tpu.wait_indirect_dma semaphore(%arg16 : memref<!tpu.dma_semaphore, #tpu.memory_space<semaphore_mem>>) src(%dma_wait3A_116 : memref<100000xi32, #tpu.memory_space<hbm>>) dst(%dma_wait3A_111 : memref<128xi32, #tpu.memory_space<vmem>>)
    %dma_start3A_117 = arith.constant 3 : i32
    %dma_start3A_118 = arith.constant 3 : i32
    %dma_start3A_119 = arith.constant 0 : i32
    %dma_start3A_120 = arith.constant 0 : i32
    %dma_start3A_121 = tpu.memref_slice %arg11[%dma_start3A_118, %dma_start3A_119, %dma_start3A_120] : memref<4x128x128xf32, #tpu.memory_space<vmem>> -> memref<1x128x128xf32, #tpu.memory_space<vmem>>
    %dma_start3A_122 = tpu.memref_squeeze %dma_start3A_121 : memref<1x128x128xf32, #tpu.memory_space<vmem>> -> memref<128x128xf32, #tpu.memory_space<vmem>>
    %dma_start3A_123 = arith.constant 0 : i32
    %dma_start3A_124 = tpu.memref_slice %arg10[%dma_start3A_117, %dma_start3A_123] : memref<4x128xi32, #tpu.memory_space<vmem>> -> memref<1x128xi32, #tpu.memory_space<vmem>>
    %dma_start3A_125 = tpu.memref_squeeze %dma_start3A_124 : memref<1x128xi32, #tpu.memory_space<vmem>> -> memref<128xi32, #tpu.memory_space<vmem>>
    %dma_start3A_126 = arith.constant 0 : i32
    %dma_start3A_127 = arith.constant 0 : i32
    %dma_start3A_128 = tpu.memref_slice %arg6[%dma_start3A_126, %dma_start3A_127] : memref<16384x128xf32, #tpu.memory_space<hbm>> -> memref<16384x128xf32, #tpu.memory_space<hbm>>
    tpu.enqueue_indirect_dma source(%dma_start3A_128 : memref<16384x128xf32, #tpu.memory_space<hbm>>) target(%dma_start3A_122 : memref<128x128xf32, #tpu.memory_space<vmem>>) offsets(%dma_start3A_125 : memref<128xi32, #tpu.memory_space<vmem>>) semaphore(%arg20 : memref<!tpu.dma_semaphore, #tpu.memory_space<semaphore_mem>>)
    %dma_wait3A_129 = arith.constant 0 : i32
    %dma_wait3A_130 = arith.constant 0 : i32
    %dma_wait3A_131 = arith.constant 0 : i32
    %dma_wait3A_132 = arith.constant 0 : i32
    %dma_wait3A_133 = tpu.memref_slice %arg11[%dma_wait3A_130, %dma_wait3A_131, %dma_wait3A_132] : memref<4x128x128xf32, #tpu.memory_space<vmem>> -> memref<1x128x128xf32, #tpu.memory_space<vmem>>
    %dma_wait3A_134 = tpu.memref_squeeze %dma_wait3A_133 : memref<1x128x128xf32, #tpu.memory_space<vmem>> -> memref<128x128xf32, #tpu.memory_space<vmem>>
    %dma_wait3A_135 = arith.constant 0 : i32
    %dma_wait3A_136 = tpu.memref_slice %arg10[%dma_wait3A_129, %dma_wait3A_135] : memref<4x128xi32, #tpu.memory_space<vmem>> -> memref<1x128xi32, #tpu.memory_space<vmem>>
    %dma_wait3A_137 = tpu.memref_squeeze %dma_wait3A_136 : memref<1x128xi32, #tpu.memory_space<vmem>> -> memref<128xi32, #tpu.memory_space<vmem>>
    %dma_wait3A_138 = arith.constant 0 : i32
    %dma_wait3A_139 = arith.constant 0 : i32
    %dma_wait3A_140 = tpu.memref_slice %arg6[%dma_wait3A_138, %dma_wait3A_139] : memref<16384x128xf32, #tpu.memory_space<hbm>> -> memref<16384x128xf32, #tpu.memory_space<hbm>>
    tpu.wait_indirect_dma semaphore(%arg17 : memref<!tpu.dma_semaphore, #tpu.memory_space<semaphore_mem>>) src(%dma_wait3A_140 : memref<16384x128xf32, #tpu.memory_space<hbm>>) dst(%dma_wait3A_134 : memref<128x128xf32, #tpu.memory_space<vmem>>)
    %broadcast_in_dim3A = arith.constant 0 : i32
    %broadcast_in_dim3A_141 = vector.broadcast %broadcast_in_dim3A : i32 to vector<16xi32>
    %add3A_142 = arith.constant 0 : i32
    %add3A_143 = vector.broadcast %add3A_142 : i32 to vector<16xi32>
    %add3A_144 = arith.addi %add3A_143, %iota3A : vector<16xi32>
    %broadcast_in_dim3A_145 = arith.constant 64 : i32
    %broadcast_in_dim3A_146 = vector.broadcast %broadcast_in_dim3A_145 : i32 to vector<16xi32>
    %gather3A = tpu.vector_load_idx %arg11[%broadcast_in_dim3A_141, %add3A_144, %broadcast_in_dim3A_146] : memref<4x128x128xf32, #tpu.memory_space<vmem>>[vector<16xi32>, vector<16xi32>, vector<16xi32>], vector<16xf32>,
    %bitcast3A = vector.bitcast %gather3A : vector<16xf32> to vector<16xi32>
    %swap3A = arith.constant 0 : i32
    %swap3A_147 = arith.index_cast %swap3A : i32 to index
    %swap3A_148 = arith.constant 0 : index
    %swap3A_149 = tpu.vector_load %arg12[%swap3A_147, %swap3A_148] {strides = array<i32>} : memref<4x128xi32, #tpu.memory_space<vmem>>, vector<16xi32>,
    tpu.vector_store %arg12[%swap3A_147, %swap3A_148], %bitcast3A {strides = array<i32>} : memref<4x128xi32, #tpu.memory_space<vmem>>, vector<16xi32>,
    %broadcast_in_dim3A_150 = arith.constant 0 : i32
    %broadcast_in_dim3A_151 = vector.broadcast %broadcast_in_dim3A_150 : i32 to vector<16xi32>
    %add3A_152 = arith.constant 16 : i32
    %add3A_153 = vector.broadcast %add3A_152 : i32 to vector<16xi32>
    %add3A_154 = arith.addi %add3A_153, %iota3A : vector<16xi32>
    %broadcast_in_dim3A_155 = arith.constant 64 : i32
    %broadcast_in_dim3A_156 = vector.broadcast %broadcast_in_dim3A_155 : i32 to vector<16xi32>
    %gather3A_157 = tpu.vector_load_idx %arg11[%broadcast_in_dim3A_151, %add3A_154, %broadcast_in_dim3A_156] : memref<4x128x128xf32, #tpu.memory_space<vmem>>[vector<16xi32>, vector<16xi32>, vector<16xi32>], vector<16xf32>,
    %bitcast3A_158 = vector.bitcast %gather3A_157 : vector<16xf32> to vector<16xi32>
    %swap3A_159 = arith.constant 0 : i32
    %swap3A_160 = arith.index_cast %swap3A_159 : i32 to index
    %swap3A_161 = arith.constant 16 : index
    %swap3A_162 = tpu.vector_load %arg12[%swap3A_160, %swap3A_161] {strides = array<i32>} : memref<4x128xi32, #tpu.memory_space<vmem>>, vector<16xi32>,
    tpu.vector_store %arg12[%swap3A_160, %swap3A_161], %bitcast3A_158 {strides = array<i32>} : memref<4x128xi32, #tpu.memory_space<vmem>>, vector<16xi32>,
    %broadcast_in_dim3A_163 = arith.constant 0 : i32
    %broadcast_in_dim3A_164 = vector.broadcast %broadcast_in_dim3A_163 : i32 to vector<16xi32>
    %add3A_165 = arith.constant 32 : i32
    %add3A_166 = vector.broadcast %add3A_165 : i32 to vector<16xi32>
    %add3A_167 = arith.addi %add3A_166, %iota3A : vector<16xi32>
    %broadcast_in_dim3A_168 = arith.constant 64 : i32
    %broadcast_in_dim3A_169 = vector.broadcast %broadcast_in_dim3A_168 : i32 to vector<16xi32>
    %gather3A_170 = tpu.vector_load_idx %arg11[%broadcast_in_dim3A_164, %add3A_167, %broadcast_in_dim3A_169] : memref<4x128x128xf32, #tpu.memory_space<vmem>>[vector<16xi32>, vector<16xi32>, vector<16xi32>], vector<16xf32>,
    %bitcast3A_171 = vector.bitcast %gather3A_170 : vector<16xf32> to vector<16xi32>
    %swap3A_172 = arith.constant 0 : i32
    %swap3A_173 = arith.index_cast %swap3A_172 : i32 to index
    %swap3A_174 = arith.constant 32 : index
    %swap3A_175 = tpu.vector_load %arg12[%swap3A_173, %swap3A_174] {strides = array<i32>} : memref<4x128xi32, #tpu.memory_space<vmem>>, vector<16xi32>,
    tpu.vector_store %arg12[%swap3A_173, %swap3A_174], %bitcast3A_171 {strides = array<i32>} : memref<4x128xi32, #tpu.memory_space<vmem>>, vector<16xi32>,
    %broadcast_in_dim3A_176 = arith.constant 0 : i32
    %broadcast_in_dim3A_177 = vector.broadcast %broadcast_in_dim3A_176 : i32 to vector<16xi32>
    %add3A_178 = arith.constant 48 : i32
    %add3A_179 = vector.broadcast %add3A_178 : i32 to vector<16xi32>
    %add3A_180 = arith.addi %add3A_179, %iota3A : vector<16xi32>
    %broadcast_in_dim3A_181 = arith.constant 64 : i32
    %broadcast_in_dim3A_182 = vector.broadcast %broadcast_in_dim3A_181 : i32 to vector<16xi32>
    %gather3A_183 = tpu.vector_load_idx %arg11[%broadcast_in_dim3A_177, %add3A_180, %broadcast_in_dim3A_182] : memref<4x128x128xf32, #tpu.memory_space<vmem>>[vector<16xi32>, vector<16xi32>, vector<16xi32>], vector<16xf32>,
    %bitcast3A_184 = vector.bitcast %gather3A_183 : vector<16xf32> to vector<16xi32>
    %swap3A_185 = arith.constant 0 : i32
    %swap3A_186 = arith.index_cast %swap3A_185 : i32 to index
    %swap3A_187 = arith.constant 48 : index
    %swap3A_188 = tpu.vector_load %arg12[%swap3A_186, %swap3A_187] {strides = array<i32>} : memref<4x128xi32, #tpu.memory_space<vmem>>, vector<16xi32>,
    tpu.vector_store %arg12[%swap3A_186, %swap3A_187], %bitcast3A_184 {strides = array<i32>} : memref<4x128xi32, #tpu.memory_space<vmem>>, vector<16xi32>,
    %broadcast_in_dim3A_189 = arith.constant 0 : i32
    %broadcast_in_dim3A_190 = vector.broadcast %broadcast_in_dim3A_189 : i32 to vector<16xi32>
    %add3A_191 = arith.constant 64 : i32
    %add3A_192 = vector.broadcast %add3A_191 : i32 to vector<16xi32>
    %add3A_193 = arith.addi %add3A_192, %iota3A : vector<16xi32>
    %broadcast_in_dim3A_194 = arith.constant 64 : i32
    %broadcast_in_dim3A_195 = vector.broadcast %broadcast_in_dim3A_194 : i32 to vector<16xi32>
    %gather3A_196 = tpu.vector_load_idx %arg11[%broadcast_in_dim3A_190, %add3A_193, %broadcast_in_dim3A_195] : memref<4x128x128xf32, #tpu.memory_space<vmem>>[vector<16xi32>, vector<16xi32>, vector<16xi32>], vector<16xf32>,
    %bitcast3A_197 = vector.bitcast %gather3A_196 : vector<16xf32> to vector<16xi32>
    %swap3A_198 = arith.constant 0 : i32
    %swap3A_199 = arith.index_cast %swap3A_198 : i32 to index
    %swap3A_200 = arith.constant 64 : index
    %swap3A_201 = tpu.vector_load %arg12[%swap3A_199, %swap3A_200] {strides = array<i32>} : memref<4x128xi32, #tpu.memory_space<vmem>>, vector<16xi32>,
    tpu.vector_store %arg12[%swap3A_199, %swap3A_200], %bitcast3A_197 {strides = array<i32>} : memref<4x128xi32, #tpu.memory_space<vmem>>, vector<16xi32>,
    %broadcast_in_dim3A_202 = arith.constant 0 : i32
    %broadcast_in_dim3A_203 = vector.broadcast %broadcast_in_dim3A_202 : i32 to vector<16xi32>
    %add3A_204 = arith.constant 80 : i32
    %add3A_205 = vector.broadcast %add3A_204 : i32 to vector<16xi32>
    %add3A_206 = arith.addi %add3A_205, %iota3A : vector<16xi32>
    %broadcast_in_dim3A_207 = arith.constant 64 : i32
    %broadcast_in_dim3A_208 = vector.broadcast %broadcast_in_dim3A_207 : i32 to vector<16xi32>
    %gather3A_209 = tpu.vector_load_idx %arg11[%broadcast_in_dim3A_203, %add3A_206, %broadcast_in_dim3A_208] : memref<4x128x128xf32, #tpu.memory_space<vmem>>[vector<16xi32>, vector<16xi32>, vector<16xi32>], vector<16xf32>,
    %bitcast3A_210 = vector.bitcast %gather3A_209 : vector<16xf32> to vector<16xi32>
    %swap3A_211 = arith.constant 0 : i32
    %swap3A_212 = arith.index_cast %swap3A_211 : i32 to index
    %swap3A_213 = arith.constant 80 : index
    %swap3A_214 = tpu.vector_load %arg12[%swap3A_212, %swap3A_213] {strides = array<i32>} : memref<4x128xi32, #tpu.memory_space<vmem>>, vector<16xi32>,
    tpu.vector_store %arg12[%swap3A_212, %swap3A_213], %bitcast3A_210 {strides = array<i32>} : memref<4x128xi32, #tpu.memory_space<vmem>>, vector<16xi32>,
    %broadcast_in_dim3A_215 = arith.constant 0 : i32
    %broadcast_in_dim3A_216 = vector.broadcast %broadcast_in_dim3A_215 : i32 to vector<16xi32>
    %add3A_217 = arith.constant 96 : i32
    %add3A_218 = vector.broadcast %add3A_217 : i32 to vector<16xi32>
    %add3A_219 = arith.addi %add3A_218, %iota3A : vector<16xi32>
    %broadcast_in_dim3A_220 = arith.constant 64 : i32
    %broadcast_in_dim3A_221 = vector.broadcast %broadcast_in_dim3A_220 : i32 to vector<16xi32>
    %gather3A_222 = tpu.vector_load_idx %arg11[%broadcast_in_dim3A_216, %add3A_219, %broadcast_in_dim3A_221] : memref<4x128x128xf32, #tpu.memory_space<vmem>>[vector<16xi32>, vector<16xi32>, vector<16xi32>], vector<16xf32>,
    %bitcast3A_223 = vector.bitcast %gather3A_222 : vector<16xf32> to vector<16xi32>
    %swap3A_224 = arith.constant 0 : i32
    %swap3A_225 = arith.index_cast %swap3A_224 : i32 to index
    %swap3A_226 = arith.constant 96 : index
    %swap3A_227 = tpu.vector_load %arg12[%swap3A_225, %swap3A_226] {strides = array<i32>} : memref<4x128xi32, #tpu.memory_space<vmem>>, vector<16xi32>,
    tpu.vector_store %arg12[%swap3A_225, %swap3A_226], %bitcast3A_223 {strides = array<i32>} : memref<4x128xi32, #tpu.memory_space<vmem>>, vector<16xi32>,
    %broadcast_in_dim3A_228 = arith.constant 0 : i32
    %broadcast_in_dim3A_229 = vector.broadcast %broadcast_in_dim3A_228 : i32 to vector<16xi32>
    %add3A_230 = arith.constant 112 : i32
    %add3A_231 = vector.broadcast %add3A_230 : i32 to vector<16xi32>
    %add3A_232 = arith.addi %add3A_231, %iota3A : vector<16xi32>
    %broadcast_in_dim3A_233 = arith.constant 64 : i32
    %broadcast_in_dim3A_234 = vector.broadcast %broadcast_in_dim3A_233 : i32 to vector<16xi32>
    %gather3A_235 = tpu.vector_load_idx %arg11[%broadcast_in_dim3A_229, %add3A_232, %broadcast_in_dim3A_234] : memref<4x128x128xf32, #tpu.memory_space<vmem>>[vector<16xi32>, vector<16xi32>, vector<16xi32>], vector<16xf32>,
    %bitcast3A_236 = vector.bitcast %gather3A_235 : vector<16xf32> to vector<16xi32>
    %swap3A_237 = arith.constant 0 : i32
    %swap3A_238 = arith.index_cast %swap3A_237 : i32 to index
    %swap3A_239 = arith.constant 112 : index
    %swap3A_240 = tpu.vector_load %arg12[%swap3A_238, %swap3A_239] {strides = array<i32>} : memref<4x128xi32, #tpu.memory_space<vmem>>, vector<16xi32>,
    tpu.vector_store %arg12[%swap3A_238, %swap3A_239], %bitcast3A_236 {strides = array<i32>} : memref<4x128xi32, #tpu.memory_space<vmem>>, vector<16xi32>,
    %dma_start3A_241 = arith.constant 0 : i32
    %dma_start3A_242 = arith.constant 0 : i32
    %dma_start3A_243 = arith.constant 0 : i32
    %dma_start3A_244 = arith.constant 0 : i32
    %dma_start3A_245 = tpu.memref_slice %arg11[%dma_start3A_241, %dma_start3A_243, %dma_start3A_244] : memref<4x128x128xf32, #tpu.memory_space<vmem>> -> memref<1x128x128xf32, #tpu.memory_space<vmem>>
    %dma_start3A_246 = tpu.memref_squeeze %dma_start3A_245 : memref<1x128x128xf32, #tpu.memory_space<vmem>> -> memref<128x128xf32, #tpu.memory_space<vmem>>
    %dma_start3A_247 = arith.constant 0 : i32
    %dma_start3A_248 = tpu.memref_slice %arg9[%dma_start3A_242, %dma_start3A_247] : memref<4x128xi32, #tpu.memory_space<vmem>> -> memref<1x128xi32, #tpu.memory_space<vmem>>
    %dma_start3A_249 = tpu.memref_squeeze %dma_start3A_248 : memref<1x128xi32, #tpu.memory_space<vmem>> -> memref<128xi32, #tpu.memory_space<vmem>>
    %dma_start3A_250 = arith.constant 0 : i32
    %dma_start3A_251 = arith.constant 0 : i32
    %dma_start3A_252 = tpu.memref_slice %arg2[%dma_start3A_250, %dma_start3A_251] : memref<100000x128xf32, #tpu.memory_space<hbm>> -> memref<100000x128xf32, #tpu.memory_space<hbm>>
    tpu.enqueue_indirect_dma source(%dma_start3A_246 : memref<128x128xf32, #tpu.memory_space<vmem>>) target(%dma_start3A_252 : memref<100000x128xf32, #tpu.memory_space<hbm>>) offsets(%dma_start3A_249 : memref<128xi32, #tpu.memory_space<vmem>>) semaphore(%arg21 : memref<!tpu.dma_semaphore, #tpu.memory_space<semaphore_mem>>)
    %dma_start3A_253 = arith.constant 0 : i32
    %dma_start3A_254 = arith.constant 0 : i32
    %dma_start3A_255 = arith.constant 0 : i32
    %dma_start3A_256 = tpu.memref_slice %arg12[%dma_start3A_253, %dma_start3A_255] : memref<4x128xi32, #tpu.memory_space<vmem>> -> memref<1x128xi32, #tpu.memory_space<vmem>>
    %dma_start3A_257 = tpu.memref_squeeze %dma_start3A_256 : memref<1x128xi32, #tpu.memory_space<vmem>> -> memref<128xi32, #tpu.memory_space<vmem>>
    %dma_start3A_258 = arith.constant 0 : i32
    %dma_start3A_259 = tpu.memref_slice %arg9[%dma_start3A_254, %dma_start3A_258] : memref<4x128xi32, #tpu.memory_space<vmem>> -> memref<1x128xi32, #tpu.memory_space<vmem>>
    %dma_start3A_260 = tpu.memref_squeeze %dma_start3A_259 : memref<1x128xi32, #tpu.memory_space<vmem>> -> memref<128xi32, #tpu.memory_space<vmem>>
    %dma_start3A_261 = arith.constant 0 : i32
    %dma_start3A_262 = tpu.memref_slice %arg3[%dma_start3A_261] : memref<100000xi32, #tpu.memory_space<hbm>> -> memref<100000xi32, #tpu.memory_space<hbm>>
    tpu.enqueue_indirect_dma source(%dma_start3A_257 : memref<128xi32, #tpu.memory_space<vmem>>) target(%dma_start3A_262 : memref<100000xi32, #tpu.memory_space<hbm>>) offsets(%dma_start3A_260 : memref<128xi32, #tpu.memory_space<vmem>>) semaphore(%arg22 : memref<!tpu.dma_semaphore, #tpu.memory_space<semaphore_mem>>)
    %dma_wait3A_263 = arith.constant 1 : i32
    %dma_wait3A_264 = arith.constant 1 : i32
    %dma_wait3A_265 = arith.constant 0 : i32
    %dma_wait3A_266 = arith.constant 0 : i32
    %dma_wait3A_267 = tpu.memref_slice %arg11[%dma_wait3A_264, %dma_wait3A_265, %dma_wait3A_266] : memref<4x128x128xf32, #tpu.memory_space<vmem>> -> memref<1x128x128xf32, #tpu.memory_space<vmem>>
    %dma_wait3A_268 = tpu.memref_squeeze %dma_wait3A_267 : memref<1x128x128xf32, #tpu.memory_space<vmem>> -> memref<128x128xf32, #tpu.memory_space<vmem>>
    %dma_wait3A_269 = arith.constant 0 : i32
    %dma_wait3A_270 = tpu.memref_slice %arg10[%dma_wait3A_263, %dma_wait3A_269] : memref<4x128xi32, #tpu.memory_space<vmem>> -> memref<1x128xi32, #tpu.memory_space<vmem>>
    %dma_wait3A_271 = tpu.memref_squeeze %dma_wait3A_270 : memref<1x128xi32, #tpu.memory_space<vmem>> -> memref<128xi32, #tpu.memory_space<vmem>>
    %dma_wait3A_272 = arith.constant 0 : i32
    %dma_wait3A_273 = arith.constant 0 : i32
    %dma_wait3A_274 = tpu.memref_slice %arg6[%dma_wait3A_272, %dma_wait3A_273] : memref<16384x128xf32, #tpu.memory_space<hbm>> -> memref<16384x128xf32, #tpu.memory_space<hbm>>
    tpu.wait_indirect_dma semaphore(%arg18 : memref<!tpu.dma_semaphore, #tpu.memory_space<semaphore_mem>>) src(%dma_wait3A_274 : memref<16384x128xf32, #tpu.memory_space<hbm>>) dst(%dma_wait3A_268 : memref<128x128xf32, #tpu.memory_space<vmem>>)
    %broadcast_in_dim3A_275 = arith.constant 1 : i32
    %broadcast_in_dim3A_276 = vector.broadcast %broadcast_in_dim3A_275 : i32 to vector<16xi32>
    %add3A_277 = arith.constant 0 : i32
    %add3A_278 = vector.broadcast %add3A_277 : i32 to vector<16xi32>
    %add3A_279 = arith.addi %add3A_278, %iota3A : vector<16xi32>
    %broadcast_in_dim3A_280 = arith.constant 64 : i32
    %broadcast_in_dim3A_281 = vector.broadcast %broadcast_in_dim3A_280 : i32 to vector<16xi32>
    %gather3A_282 = tpu.vector_load_idx %arg11[%broadcast_in_dim3A_276, %add3A_279, %broadcast_in_dim3A_281] : memref<4x128x128xf32, #tpu.memory_space<vmem>>[vector<16xi32>, vector<16xi32>, vector<16xi32>], vector<16xf32>,
    %bitcast3A_283 = vector.bitcast %gather3A_282 : vector<16xf32> to vector<16xi32>
    %swap3A_284 = arith.constant 1 : i32
    %swap3A_285 = arith.index_cast %swap3A_284 : i32 to index
    %swap3A_286 = arith.constant 0 : index
    %swap3A_287 = tpu.vector_load %arg12[%swap3A_285, %swap3A_286] {strides = array<i32>} : memref<4x128xi32, #tpu.memory_space<vmem>>, vector<16xi32>,
    tpu.vector_store %arg12[%swap3A_285, %swap3A_286], %bitcast3A_283 {strides = array<i32>} : memref<4x128xi32, #tpu.memory_space<vmem>>, vector<16xi32>,
    %broadcast_in_dim3A_288 = arith.constant 1 : i32
    %broadcast_in_dim3A_289 = vector.broadcast %broadcast_in_dim3A_288 : i32 to vector<16xi32>
    %add3A_290 = arith.constant 16 : i32
    %add3A_291 = vector.broadcast %add3A_290 : i32 to vector<16xi32>
    %add3A_292 = arith.addi %add3A_291, %iota3A : vector<16xi32>
    %broadcast_in_dim3A_293 = arith.constant 64 : i32
    %broadcast_in_dim3A_294 = vector.broadcast %broadcast_in_dim3A_293 : i32 to vector<16xi32>
    %gather3A_295 = tpu.vector_load_idx %arg11[%broadcast_in_dim3A_289, %add3A_292, %broadcast_in_dim3A_294] : memref<4x128x128xf32, #tpu.memory_space<vmem>>[vector<16xi32>, vector<16xi32>, vector<16xi32>], vector<16xf32>,
    %bitcast3A_296 = vector.bitcast %gather3A_295 : vector<16xf32> to vector<16xi32>
    %swap3A_297 = arith.constant 1 : i32
    %swap3A_298 = arith.index_cast %swap3A_297 : i32 to index
    %swap3A_299 = arith.constant 16 : index
    %swap3A_300 = tpu.vector_load %arg12[%swap3A_298, %swap3A_299] {strides = array<i32>} : memref<4x128xi32, #tpu.memory_space<vmem>>, vector<16xi32>,
    tpu.vector_store %arg12[%swap3A_298, %swap3A_299], %bitcast3A_296 {strides = array<i32>} : memref<4x128xi32, #tpu.memory_space<vmem>>, vector<16xi32>,
    %broadcast_in_dim3A_301 = arith.constant 1 : i32
    %broadcast_in_dim3A_302 = vector.broadcast %broadcast_in_dim3A_301 : i32 to vector<16xi32>
    %add3A_303 = arith.constant 32 : i32
    %add3A_304 = vector.broadcast %add3A_303 : i32 to vector<16xi32>
    %add3A_305 = arith.addi %add3A_304, %iota3A : vector<16xi32>
    %broadcast_in_dim3A_306 = arith.constant 64 : i32
    %broadcast_in_dim3A_307 = vector.broadcast %broadcast_in_dim3A_306 : i32 to vector<16xi32>
    %gather3A_308 = tpu.vector_load_idx %arg11[%broadcast_in_dim3A_302, %add3A_305, %broadcast_in_dim3A_307] : memref<4x128x128xf32, #tpu.memory_space<vmem>>[vector<16xi32>, vector<16xi32>, vector<16xi32>], vector<16xf32>,
    %bitcast3A_309 = vector.bitcast %gather3A_308 : vector<16xf32> to vector<16xi32>
    %swap3A_310 = arith.constant 1 : i32
    %swap3A_311 = arith.index_cast %swap3A_310 : i32 to index
    %swap3A_312 = arith.constant 32 : index
    %swap3A_313 = tpu.vector_load %arg12[%swap3A_311, %swap3A_312] {strides = array<i32>} : memref<4x128xi32, #tpu.memory_space<vmem>>, vector<16xi32>,
    tpu.vector_store %arg12[%swap3A_311, %swap3A_312], %bitcast3A_309 {strides = array<i32>} : memref<4x128xi32, #tpu.memory_space<vmem>>, vector<16xi32>,
    %broadcast_in_dim3A_314 = arith.constant 1 : i32
    %broadcast_in_dim3A_315 = vector.broadcast %broadcast_in_dim3A_314 : i32 to vector<16xi32>
    %add3A_316 = arith.constant 48 : i32
    %add3A_317 = vector.broadcast %add3A_316 : i32 to vector<16xi32>
    %add3A_318 = arith.addi %add3A_317, %iota3A : vector<16xi32>
    %broadcast_in_dim3A_319 = arith.constant 64 : i32
    %broadcast_in_dim3A_320 = vector.broadcast %broadcast_in_dim3A_319 : i32 to vector<16xi32>
    %gather3A_321 = tpu.vector_load_idx %arg11[%broadcast_in_dim3A_315, %add3A_318, %broadcast_in_dim3A_320] : memref<4x128x128xf32, #tpu.memory_space<vmem>>[vector<16xi32>, vector<16xi32>, vector<16xi32>], vector<16xf32>,
    %bitcast3A_322 = vector.bitcast %gather3A_321 : vector<16xf32> to vector<16xi32>
    %swap3A_323 = arith.constant 1 : i32
    %swap3A_324 = arith.index_cast %swap3A_323 : i32 to index
    %swap3A_325 = arith.constant 48 : index
    %swap3A_326 = tpu.vector_load %arg12[%swap3A_324, %swap3A_325] {strides = array<i32>} : memref<4x128xi32, #tpu.memory_space<vmem>>, vector<16xi32>,
    tpu.vector_store %arg12[%swap3A_324, %swap3A_325], %bitcast3A_322 {strides = array<i32>} : memref<4x128xi32, #tpu.memory_space<vmem>>, vector<16xi32>,
    %broadcast_in_dim3A_327 = arith.constant 1 : i32
    %broadcast_in_dim3A_328 = vector.broadcast %broadcast_in_dim3A_327 : i32 to vector<16xi32>
    %add3A_329 = arith.constant 64 : i32
    %add3A_330 = vector.broadcast %add3A_329 : i32 to vector<16xi32>
    %add3A_331 = arith.addi %add3A_330, %iota3A : vector<16xi32>
    %broadcast_in_dim3A_332 = arith.constant 64 : i32
    %broadcast_in_dim3A_333 = vector.broadcast %broadcast_in_dim3A_332 : i32 to vector<16xi32>
    %gather3A_334 = tpu.vector_load_idx %arg11[%broadcast_in_dim3A_328, %add3A_331, %broadcast_in_dim3A_333] : memref<4x128x128xf32, #tpu.memory_space<vmem>>[vector<16xi32>, vector<16xi32>, vector<16xi32>], vector<16xf32>,
    %bitcast3A_335 = vector.bitcast %gather3A_334 : vector<16xf32> to vector<16xi32>
    %swap3A_336 = arith.constant 1 : i32
    %swap3A_337 = arith.index_cast %swap3A_336 : i32 to index
    %swap3A_338 = arith.constant 64 : index
    %swap3A_339 = tpu.vector_load %arg12[%swap3A_337, %swap3A_338] {strides = array<i32>} : memref<4x128xi32, #tpu.memory_space<vmem>>, vector<16xi32>,
    tpu.vector_store %arg12[%swap3A_337, %swap3A_338], %bitcast3A_335 {strides = array<i32>} : memref<4x128xi32, #tpu.memory_space<vmem>>, vector<16xi32>,
    %broadcast_in_dim3A_340 = arith.constant 1 : i32
    %broadcast_in_dim3A_341 = vector.broadcast %broadcast_in_dim3A_340 : i32 to vector<16xi32>
    %add3A_342 = arith.constant 80 : i32
    %add3A_343 = vector.broadcast %add3A_342 : i32 to vector<16xi32>
    %add3A_344 = arith.addi %add3A_343, %iota3A : vector<16xi32>
    %broadcast_in_dim3A_345 = arith.constant 64 : i32
    %broadcast_in_dim3A_346 = vector.broadcast %broadcast_in_dim3A_345 : i32 to vector<16xi32>
    %gather3A_347 = tpu.vector_load_idx %arg11[%broadcast_in_dim3A_341, %add3A_344, %broadcast_in_dim3A_346] : memref<4x128x128xf32, #tpu.memory_space<vmem>>[vector<16xi32>, vector<16xi32>, vector<16xi32>], vector<16xf32>,
    %bitcast3A_348 = vector.bitcast %gather3A_347 : vector<16xf32> to vector<16xi32>
    %swap3A_349 = arith.constant 1 : i32
    %swap3A_350 = arith.index_cast %swap3A_349 : i32 to index
    %swap3A_351 = arith.constant 80 : index
    %swap3A_352 = tpu.vector_load %arg12[%swap3A_350, %swap3A_351] {strides = array<i32>} : memref<4x128xi32, #tpu.memory_space<vmem>>, vector<16xi32>,
    tpu.vector_store %arg12[%swap3A_350, %swap3A_351], %bitcast3A_348 {strides = array<i32>} : memref<4x128xi32, #tpu.memory_space<vmem>>, vector<16xi32>,
    %broadcast_in_dim3A_353 = arith.constant 1 : i32
    %broadcast_in_dim3A_354 = vector.broadcast %broadcast_in_dim3A_353 : i32 to vector<16xi32>
    %add3A_355 = arith.constant 96 : i32
    %add3A_356 = vector.broadcast %add3A_355 : i32 to vector<16xi32>
    %add3A_357 = arith.addi %add3A_356, %iota3A : vector<16xi32>
    %broadcast_in_dim3A_358 = arith.constant 64 : i32
    %broadcast_in_dim3A_359 = vector.broadcast %broadcast_in_dim3A_358 : i32 to vector<16xi32>
    %gather3A_360 = tpu.vector_load_idx %arg11[%broadcast_in_dim3A_354, %add3A_357, %broadcast_in_dim3A_359] : memref<4x128x128xf32, #tpu.memory_space<vmem>>[vector<16xi32>, vector<16xi32>, vector<16xi32>], vector<16xf32>,
    %bitcast3A_361 = vector.bitcast %gather3A_360 : vector<16xf32> to vector<16xi32>
    %swap3A_362 = arith.constant 1 : i32
    %swap3A_363 = arith.index_cast %swap3A_362 : i32 to index
    %swap3A_364 = arith.constant 96 : index
    %swap3A_365 = tpu.vector_load %arg12[%swap3A_363, %swap3A_364] {strides = array<i32>} : memref<4x128xi32, #tpu.memory_space<vmem>>, vector<16xi32>,
    tpu.vector_store %arg12[%swap3A_363, %swap3A_364], %bitcast3A_361 {strides = array<i32>} : memref<4x128xi32, #tpu.memory_space<vmem>>, vector<16xi32>,
    %broadcast_in_dim3A_366 = arith.constant 1 : i32
    %broadcast_in_dim3A_367 = vector.broadcast %broadcast_in_dim3A_366 : i32 to vector<16xi32>
    %add3A_368 = arith.constant 112 : i32
    %add3A_369 = vector.broadcast %add3A_368 : i32 to vector<16xi32>
    %add3A_370 = arith.addi %add3A_369, %iota3A : vector<16xi32>
    %broadcast_in_dim3A_371 = arith.constant 64 : i32
    %broadcast_in_dim3A_372 = vector.broadcast %broadcast_in_dim3A_371 : i32 to vector<16xi32>
    %gather3A_373 = tpu.vector_load_idx %arg11[%broadcast_in_dim3A_367, %add3A_370, %broadcast_in_dim3A_372] : memref<4x128x128xf32, #tpu.memory_space<vmem>>[vector<16xi32>, vector<16xi32>, vector<16xi32>], vector<16xf32>,
    %bitcast3A_374 = vector.bitcast %gather3A_373 : vector<16xf32> to vector<16xi32>
    %swap3A_375 = arith.constant 1 : i32
    %swap3A_376 = arith.index_cast %swap3A_375 : i32 to index
    %swap3A_377 = arith.constant 112 : index
    %swap3A_378 = tpu.vector_load %arg12[%swap3A_376, %swap3A_377] {strides = array<i32>} : memref<4x128xi32, #tpu.memory_space<vmem>>, vector<16xi32>,
    tpu.vector_store %arg12[%swap3A_376, %swap3A_377], %bitcast3A_374 {strides = array<i32>} : memref<4x128xi32, #tpu.memory_space<vmem>>, vector<16xi32>,
    %dma_start3A_379 = arith.constant 1 : i32
    %dma_start3A_380 = arith.constant 1 : i32
    %dma_start3A_381 = arith.constant 0 : i32
    %dma_start3A_382 = arith.constant 0 : i32
    %dma_start3A_383 = tpu.memref_slice %arg11[%dma_start3A_379, %dma_start3A_381, %dma_start3A_382] : memref<4x128x128xf32, #tpu.memory_space<vmem>> -> memref<1x128x128xf32, #tpu.memory_space<vmem>>
    %dma_start3A_384 = tpu.memref_squeeze %dma_start3A_383 : memref<1x128x128xf32, #tpu.memory_space<vmem>> -> memref<128x128xf32, #tpu.memory_space<vmem>>
    %dma_start3A_385 = arith.constant 0 : i32
    %dma_start3A_386 = tpu.memref_slice %arg9[%dma_start3A_380, %dma_start3A_385] : memref<4x128xi32, #tpu.memory_space<vmem>> -> memref<1x128xi32, #tpu.memory_space<vmem>>
    %dma_start3A_387 = tpu.memref_squeeze %dma_start3A_386 : memref<1x128xi32, #tpu.memory_space<vmem>> -> memref<128xi32, #tpu.memory_space<vmem>>
    %dma_start3A_388 = arith.constant 0 : i32
    %dma_start3A_389 = arith.constant 0 : i32
    %dma_start3A_390 = tpu.memref_slice %arg2[%dma_start3A_388, %dma_start3A_389] : memref<100000x128xf32, #tpu.memory_space<hbm>> -> memref<100000x128xf32, #tpu.memory_space<hbm>>
    tpu.enqueue_indirect_dma source(%dma_start3A_384 : memref<128x128xf32, #tpu.memory_space<vmem>>) target(%dma_start3A_390 : memref<100000x128xf32, #tpu.memory_space<hbm>>) offsets(%dma_start3A_387 : memref<128xi32, #tpu.memory_space<vmem>>) semaphore(%arg21 : memref<!tpu.dma_semaphore, #tpu.memory_space<semaphore_mem>>)
    %dma_start3A_391 = arith.constant 1 : i32
    %dma_start3A_392 = arith.constant 1 : i32
    %dma_start3A_393 = arith.constant 0 : i32
    %dma_start3A_394 = tpu.memref_slice %arg12[%dma_start3A_391, %dma_start3A_393] : memref<4x128xi32, #tpu.memory_space<vmem>> -> memref<1x128xi32, #tpu.memory_space<vmem>>
    %dma_start3A_395 = tpu.memref_squeeze %dma_start3A_394 : memref<1x128xi32, #tpu.memory_space<vmem>> -> memref<128xi32, #tpu.memory_space<vmem>>
    %dma_start3A_396 = arith.constant 0 : i32
    %dma_start3A_397 = tpu.memref_slice %arg9[%dma_start3A_392, %dma_start3A_396] : memref<4x128xi32, #tpu.memory_space<vmem>> -> memref<1x128xi32, #tpu.memory_space<vmem>>
    %dma_start3A_398 = tpu.memref_squeeze %dma_start3A_397 : memref<1x128xi32, #tpu.memory_space<vmem>> -> memref<128xi32, #tpu.memory_space<vmem>>
    %dma_start3A_399 = arith.constant 0 : i32
    %dma_start3A_400 = tpu.memref_slice %arg3[%dma_start3A_399] : memref<100000xi32, #tpu.memory_space<hbm>> -> memref<100000xi32, #tpu.memory_space<hbm>>
    tpu.enqueue_indirect_dma source(%dma_start3A_395 : memref<128xi32, #tpu.memory_space<vmem>>) target(%dma_start3A_400 : memref<100000xi32, #tpu.memory_space<hbm>>) offsets(%dma_start3A_398 : memref<128xi32, #tpu.memory_space<vmem>>) semaphore(%arg22 : memref<!tpu.dma_semaphore, #tpu.memory_space<semaphore_mem>>)
    %dma_wait3A_401 = arith.constant 2 : i32
    %dma_wait3A_402 = arith.constant 2 : i32
    %dma_wait3A_403 = arith.constant 0 : i32
    %dma_wait3A_404 = arith.constant 0 : i32
    %dma_wait3A_405 = tpu.memref_slice %arg11[%dma_wait3A_402, %dma_wait3A_403, %dma_wait3A_404] : memref<4x128x128xf32, #tpu.memory_space<vmem>> -> memref<1x128x128xf32, #tpu.memory_space<vmem>>
    %dma_wait3A_406 = tpu.memref_squeeze %dma_wait3A_405 : memref<1x128x128xf32, #tpu.memory_space<vmem>> -> memref<128x128xf32, #tpu.memory_space<vmem>>
    %dma_wait3A_407 = arith.constant 0 : i32
    %dma_wait3A_408 = tpu.memref_slice %arg10[%dma_wait3A_401, %dma_wait3A_407] : memref<4x128xi32, #tpu.memory_space<vmem>> -> memref<1x128xi32, #tpu.memory_space<vmem>>
    %dma_wait3A_409 = tpu.memref_squeeze %dma_wait3A_408 : memref<1x128xi32, #tpu.memory_space<vmem>> -> memref<128xi32, #tpu.memory_space<vmem>>
    %dma_wait3A_410 = arith.constant 0 : i32
    %dma_wait3A_411 = arith.constant 0 : i32
    %dma_wait3A_412 = tpu.memref_slice %arg6[%dma_wait3A_410, %dma_wait3A_411] : memref<16384x128xf32, #tpu.memory_space<hbm>> -> memref<16384x128xf32, #tpu.memory_space<hbm>>
    tpu.wait_indirect_dma semaphore(%arg19 : memref<!tpu.dma_semaphore, #tpu.memory_space<semaphore_mem>>) src(%dma_wait3A_412 : memref<16384x128xf32, #tpu.memory_space<hbm>>) dst(%dma_wait3A_406 : memref<128x128xf32, #tpu.memory_space<vmem>>)
    %broadcast_in_dim3A_413 = arith.constant 2 : i32
    %broadcast_in_dim3A_414 = vector.broadcast %broadcast_in_dim3A_413 : i32 to vector<16xi32>
    %add3A_415 = arith.constant 0 : i32
    %add3A_416 = vector.broadcast %add3A_415 : i32 to vector<16xi32>
    %add3A_417 = arith.addi %add3A_416, %iota3A : vector<16xi32>
    %broadcast_in_dim3A_418 = arith.constant 64 : i32
    %broadcast_in_dim3A_419 = vector.broadcast %broadcast_in_dim3A_418 : i32 to vector<16xi32>
    %gather3A_420 = tpu.vector_load_idx %arg11[%broadcast_in_dim3A_414, %add3A_417, %broadcast_in_dim3A_419] : memref<4x128x128xf32, #tpu.memory_space<vmem>>[vector<16xi32>, vector<16xi32>, vector<16xi32>], vector<16xf32>,
    %bitcast3A_421 = vector.bitcast %gather3A_420 : vector<16xf32> to vector<16xi32>
    %swap3A_422 = arith.constant 2 : i32
    %swap3A_423 = arith.index_cast %swap3A_422 : i32 to index
    %swap3A_424 = arith.constant 0 : index
    %swap3A_425 = tpu.vector_load %arg12[%swap3A_423, %swap3A_424] {strides = array<i32>} : memref<4x128xi32, #tpu.memory_space<vmem>>, vector<16xi32>,
    tpu.vector_store %arg12[%swap3A_423, %swap3A_424], %bitcast3A_421 {strides = array<i32>} : memref<4x128xi32, #tpu.memory_space<vmem>>, vector<16xi32>,
    %broadcast_in_dim3A_426 = arith.constant 2 : i32
    %broadcast_in_dim3A_427 = vector.broadcast %broadcast_in_dim3A_426 : i32 to vector<16xi32>
    %add3A_428 = arith.constant 16 : i32
    %add3A_429 = vector.broadcast %add3A_428 : i32 to vector<16xi32>
    %add3A_430 = arith.addi %add3A_429, %iota3A : vector<16xi32>
    %broadcast_in_dim3A_431 = arith.constant 64 : i32
    %broadcast_in_dim3A_432 = vector.broadcast %broadcast_in_dim3A_431 : i32 to vector<16xi32>
    %gather3A_433 = tpu.vector_load_idx %arg11[%broadcast_in_dim3A_427, %add3A_430, %broadcast_in_dim3A_432] : memref<4x128x128xf32, #tpu.memory_space<vmem>>[vector<16xi32>, vector<16xi32>, vector<16xi32>], vector<16xf32>,
    %bitcast3A_434 = vector.bitcast %gather3A_433 : vector<16xf32> to vector<16xi32>
    %swap3A_435 = arith.constant 2 : i32
    %swap3A_436 = arith.index_cast %swap3A_435 : i32 to index
    %swap3A_437 = arith.constant 16 : index
    %swap3A_438 = tpu.vector_load %arg12[%swap3A_436, %swap3A_437] {strides = array<i32>} : memref<4x128xi32, #tpu.memory_space<vmem>>, vector<16xi32>,
    tpu.vector_store %arg12[%swap3A_436, %swap3A_437], %bitcast3A_434 {strides = array<i32>} : memref<4x128xi32, #tpu.memory_space<vmem>>, vector<16xi32>,
    %broadcast_in_dim3A_439 = arith.constant 2 : i32
    %broadcast_in_dim3A_440 = vector.broadcast %broadcast_in_dim3A_439 : i32 to vector<16xi32>
    %add3A_441 = arith.constant 32 : i32
    %add3A_442 = vector.broadcast %add3A_441 : i32 to vector<16xi32>
    %add3A_443 = arith.addi %add3A_442, %iota3A : vector<16xi32>
    %broadcast_in_dim3A_444 = arith.constant 64 : i32
    %broadcast_in_dim3A_445 = vector.broadcast %broadcast_in_dim3A_444 : i32 to vector<16xi32>
    %gather3A_446 = tpu.vector_load_idx %arg11[%broadcast_in_dim3A_440, %add3A_443, %broadcast_in_dim3A_445] : memref<4x128x128xf32, #tpu.memory_space<vmem>>[vector<16xi32>, vector<16xi32>, vector<16xi32>], vector<16xf32>,
    %bitcast3A_447 = vector.bitcast %gather3A_446 : vector<16xf32> to vector<16xi32>
    %swap3A_448 = arith.constant 2 : i32
    %swap3A_449 = arith.index_cast %swap3A_448 : i32 to index
    %swap3A_450 = arith.constant 32 : index
    %swap3A_451 = tpu.vector_load %arg12[%swap3A_449, %swap3A_450] {strides = array<i32>} : memref<4x128xi32, #tpu.memory_space<vmem>>, vector<16xi32>,
    tpu.vector_store %arg12[%swap3A_449, %swap3A_450], %bitcast3A_447 {strides = array<i32>} : memref<4x128xi32, #tpu.memory_space<vmem>>, vector<16xi32>,
    %broadcast_in_dim3A_452 = arith.constant 2 : i32
    %broadcast_in_dim3A_453 = vector.broadcast %broadcast_in_dim3A_452 : i32 to vector<16xi32>
    %add3A_454 = arith.constant 48 : i32
    %add3A_455 = vector.broadcast %add3A_454 : i32 to vector<16xi32>
    %add3A_456 = arith.addi %add3A_455, %iota3A : vector<16xi32>
    %broadcast_in_dim3A_457 = arith.constant 64 : i32
    %broadcast_in_dim3A_458 = vector.broadcast %broadcast_in_dim3A_457 : i32 to vector<16xi32>
    %gather3A_459 = tpu.vector_load_idx %arg11[%broadcast_in_dim3A_453, %add3A_456, %broadcast_in_dim3A_458] : memref<4x128x128xf32, #tpu.memory_space<vmem>>[vector<16xi32>, vector<16xi32>, vector<16xi32>], vector<16xf32>,
    %bitcast3A_460 = vector.bitcast %gather3A_459 : vector<16xf32> to vector<16xi32>
    %swap3A_461 = arith.constant 2 : i32
    %swap3A_462 = arith.index_cast %swap3A_461 : i32 to index
    %swap3A_463 = arith.constant 48 : index
    %swap3A_464 = tpu.vector_load %arg12[%swap3A_462, %swap3A_463] {strides = array<i32>} : memref<4x128xi32, #tpu.memory_space<vmem>>, vector<16xi32>,
    tpu.vector_store %arg12[%swap3A_462, %swap3A_463], %bitcast3A_460 {strides = array<i32>} : memref<4x128xi32, #tpu.memory_space<vmem>>, vector<16xi32>,
    %broadcast_in_dim3A_465 = arith.constant 2 : i32
    %broadcast_in_dim3A_466 = vector.broadcast %broadcast_in_dim3A_465 : i32 to vector<16xi32>
    %add3A_467 = arith.constant 64 : i32
    %add3A_468 = vector.broadcast %add3A_467 : i32 to vector<16xi32>
    %add3A_469 = arith.addi %add3A_468, %iota3A : vector<16xi32>
    %broadcast_in_dim3A_470 = arith.constant 64 : i32
    %broadcast_in_dim3A_471 = vector.broadcast %broadcast_in_dim3A_470 : i32 to vector<16xi32>
    %gather3A_472 = tpu.vector_load_idx %arg11[%broadcast_in_dim3A_466, %add3A_469, %broadcast_in_dim3A_471] : memref<4x128x128xf32, #tpu.memory_space<vmem>>[vector<16xi32>, vector<16xi32>, vector<16xi32>], vector<16xf32>,
    %bitcast3A_473 = vector.bitcast %gather3A_472 : vector<16xf32> to vector<16xi32>
    %swap3A_474 = arith.constant 2 : i32
    %swap3A_475 = arith.index_cast %swap3A_474 : i32 to index
    %swap3A_476 = arith.constant 64 : index
    %swap3A_477 = tpu.vector_load %arg12[%swap3A_475, %swap3A_476] {strides = array<i32>} : memref<4x128xi32, #tpu.memory_space<vmem>>, vector<16xi32>,
    tpu.vector_store %arg12[%swap3A_475, %swap3A_476], %bitcast3A_473 {strides = array<i32>} : memref<4x128xi32, #tpu.memory_space<vmem>>, vector<16xi32>,
    %broadcast_in_dim3A_478 = arith.constant 2 : i32
    %broadcast_in_dim3A_479 = vector.broadcast %broadcast_in_dim3A_478 : i32 to vector<16xi32>
    %add3A_480 = arith.constant 80 : i32
    %add3A_481 = vector.broadcast %add3A_480 : i32 to vector<16xi32>
    %add3A_482 = arith.addi %add3A_481, %iota3A : vector<16xi32>
    %broadcast_in_dim3A_483 = arith.constant 64 : i32
    %broadcast_in_dim3A_484 = vector.broadcast %broadcast_in_dim3A_483 : i32 to vector<16xi32>
    %gather3A_485 = tpu.vector_load_idx %arg11[%broadcast_in_dim3A_479, %add3A_482, %broadcast_in_dim3A_484] : memref<4x128x128xf32, #tpu.memory_space<vmem>>[vector<16xi32>, vector<16xi32>, vector<16xi32>], vector<16xf32>,
    %bitcast3A_486 = vector.bitcast %gather3A_485 : vector<16xf32> to vector<16xi32>
    %swap3A_487 = arith.constant 2 : i32
    %swap3A_488 = arith.index_cast %swap3A_487 : i32 to index
    %swap3A_489 = arith.constant 80 : index
    %swap3A_490 = tpu.vector_load %arg12[%swap3A_488, %swap3A_489] {strides = array<i32>} : memref<4x128xi32, #tpu.memory_space<vmem>>, vector<16xi32>,
    tpu.vector_store %arg12[%swap3A_488, %swap3A_489], %bitcast3A_486 {strides = array<i32>} : memref<4x128xi32, #tpu.memory_space<vmem>>, vector<16xi32>,
    %broadcast_in_dim3A_491 = arith.constant 2 : i32
    %broadcast_in_dim3A_492 = vector.broadcast %broadcast_in_dim3A_491 : i32 to vector<16xi32>
    %add3A_493 = arith.constant 96 : i32
    %add3A_494 = vector.broadcast %add3A_493 : i32 to vector<16xi32>
    %add3A_495 = arith.addi %add3A_494, %iota3A : vector<16xi32>
    %broadcast_in_dim3A_496 = arith.constant 64 : i32
    %broadcast_in_dim3A_497 = vector.broadcast %broadcast_in_dim3A_496 : i32 to vector<16xi32>
    %gather3A_498 = tpu.vector_load_idx %arg11[%broadcast_in_dim3A_492, %add3A_495, %broadcast_in_dim3A_497] : memref<4x128x128xf32, #tpu.memory_space<vmem>>[vector<16xi32>, vector<16xi32>, vector<16xi32>], vector<16xf32>,
    %bitcast3A_499 = vector.bitcast %gather3A_498 : vector<16xf32> to vector<16xi32>
    %swap3A_500 = arith.constant 2 : i32
    %swap3A_501 = arith.index_cast %swap3A_500 : i32 to index
    %swap3A_502 = arith.constant 96 : index
    %swap3A_503 = tpu.vector_load %arg12[%swap3A_501, %swap3A_502] {strides = array<i32>} : memref<4x128xi32, #tpu.memory_space<vmem>>, vector<16xi32>,
    tpu.vector_store %arg12[%swap3A_501, %swap3A_502], %bitcast3A_499 {strides = array<i32>} : memref<4x128xi32, #tpu.memory_space<vmem>>, vector<16xi32>,
    %broadcast_in_dim3A_504 = arith.constant 2 : i32
    %broadcast_in_dim3A_505 = vector.broadcast %broadcast_in_dim3A_504 : i32 to vector<16xi32>
    %add3A_506 = arith.constant 112 : i32
    %add3A_507 = vector.broadcast %add3A_506 : i32 to vector<16xi32>
    %add3A_508 = arith.addi %add3A_507, %iota3A : vector<16xi32>
    %broadcast_in_dim3A_509 = arith.constant 64 : i32
    %broadcast_in_dim3A_510 = vector.broadcast %broadcast_in_dim3A_509 : i32 to vector<16xi32>
    %gather3A_511 = tpu.vector_load_idx %arg11[%broadcast_in_dim3A_505, %add3A_508, %broadcast_in_dim3A_510] : memref<4x128x128xf32, #tpu.memory_space<vmem>>[vector<16xi32>, vector<16xi32>, vector<16xi32>], vector<16xf32>,
    %bitcast3A_512 = vector.bitcast %gather3A_511 : vector<16xf32> to vector<16xi32>
    %swap3A_513 = arith.constant 2 : i32
    %swap3A_514 = arith.index_cast %swap3A_513 : i32 to index
    %swap3A_515 = arith.constant 112 : index
    %swap3A_516 = tpu.vector_load %arg12[%swap3A_514, %swap3A_515] {strides = array<i32>} : memref<4x128xi32, #tpu.memory_space<vmem>>, vector<16xi32>,
    tpu.vector_store %arg12[%swap3A_514, %swap3A_515], %bitcast3A_512 {strides = array<i32>} : memref<4x128xi32, #tpu.memory_space<vmem>>, vector<16xi32>,
    %dma_start3A_517 = arith.constant 2 : i32
    %dma_start3A_518 = arith.constant 2 : i32
    %dma_start3A_519 = arith.constant 0 : i32
    %dma_start3A_520 = arith.constant 0 : i32
    %dma_start3A_521 = tpu.memref_slice %arg11[%dma_start3A_517, %dma_start3A_519, %dma_start3A_520] : memref<4x128x128xf32, #tpu.memory_space<vmem>> -> memref<1x128x128xf32, #tpu.memory_space<vmem>>
    %dma_start3A_522 = tpu.memref_squeeze %dma_start3A_521 : memref<1x128x128xf32, #tpu.memory_space<vmem>> -> memref<128x128xf32, #tpu.memory_space<vmem>>
    %dma_start3A_523 = arith.constant 0 : i32
    %dma_start3A_524 = tpu.memref_slice %arg9[%dma_start3A_518, %dma_start3A_523] : memref<4x128xi32, #tpu.memory_space<vmem>> -> memref<1x128xi32, #tpu.memory_space<vmem>>
    %dma_start3A_525 = tpu.memref_squeeze %dma_start3A_524 : memref<1x128xi32, #tpu.memory_space<vmem>> -> memref<128xi32, #tpu.memory_space<vmem>>
    %dma_start3A_526 = arith.constant 0 : i32
    %dma_start3A_527 = arith.constant 0 : i32
    %dma_start3A_528 = tpu.memref_slice %arg2[%dma_start3A_526, %dma_start3A_527] : memref<100000x128xf32, #tpu.memory_space<hbm>> -> memref<100000x128xf32, #tpu.memory_space<hbm>>
    tpu.enqueue_indirect_dma source(%dma_start3A_522 : memref<128x128xf32, #tpu.memory_space<vmem>>) target(%dma_start3A_528 : memref<100000x128xf32, #tpu.memory_space<hbm>>) offsets(%dma_start3A_525 : memref<128xi32, #tpu.memory_space<vmem>>) semaphore(%arg21 : memref<!tpu.dma_semaphore, #tpu.memory_space<semaphore_mem>>)
    %dma_start3A_529 = arith.constant 2 : i32
    %dma_start3A_530 = arith.constant 2 : i32
    %dma_start3A_531 = arith.constant 0 : i32
    %dma_start3A_532 = tpu.memref_slice %arg12[%dma_start3A_529, %dma_start3A_531] : memref<4x128xi32, #tpu.memory_space<vmem>> -> memref<1x128xi32, #tpu.memory_space<vmem>>
    %dma_start3A_533 = tpu.memref_squeeze %dma_start3A_532 : memref<1x128xi32, #tpu.memory_space<vmem>> -> memref<128xi32, #tpu.memory_space<vmem>>
    %dma_start3A_534 = arith.constant 0 : i32
    %dma_start3A_535 = tpu.memref_slice %arg9[%dma_start3A_530, %dma_start3A_534] : memref<4x128xi32, #tpu.memory_space<vmem>> -> memref<1x128xi32, #tpu.memory_space<vmem>>
    %dma_start3A_536 = tpu.memref_squeeze %dma_start3A_535 : memref<1x128xi32, #tpu.memory_space<vmem>> -> memref<128xi32, #tpu.memory_space<vmem>>
    %dma_start3A_537 = arith.constant 0 : i32
    %dma_start3A_538 = tpu.memref_slice %arg3[%dma_start3A_537] : memref<100000xi32, #tpu.memory_space<hbm>> -> memref<100000xi32, #tpu.memory_space<hbm>>
    tpu.enqueue_indirect_dma source(%dma_start3A_533 : memref<128xi32, #tpu.memory_space<vmem>>) target(%dma_start3A_538 : memref<100000xi32, #tpu.memory_space<hbm>>) offsets(%dma_start3A_536 : memref<128xi32, #tpu.memory_space<vmem>>) semaphore(%arg22 : memref<!tpu.dma_semaphore, #tpu.memory_space<semaphore_mem>>)
    %dma_wait3A_539 = arith.constant 3 : i32
    %dma_wait3A_540 = arith.constant 3 : i32
    %dma_wait3A_541 = arith.constant 0 : i32
    %dma_wait3A_542 = arith.constant 0 : i32
    %dma_wait3A_543 = tpu.memref_slice %arg11[%dma_wait3A_540, %dma_wait3A_541, %dma_wait3A_542] : memref<4x128x128xf32, #tpu.memory_space<vmem>> -> memref<1x128x128xf32, #tpu.memory_space<vmem>>
    %dma_wait3A_544 = tpu.memref_squeeze %dma_wait3A_543 : memref<1x128x128xf32, #tpu.memory_space<vmem>> -> memref<128x128xf32, #tpu.memory_space<vmem>>
    %dma_wait3A_545 = arith.constant 0 : i32
    %dma_wait3A_546 = tpu.memref_slice %arg10[%dma_wait3A_539, %dma_wait3A_545] : memref<4x128xi32, #tpu.memory_space<vmem>> -> memref<1x128xi32, #tpu.memory_space<vmem>>
    %dma_wait3A_547 = tpu.memref_squeeze %dma_wait3A_546 : memref<1x128xi32, #tpu.memory_space<vmem>> -> memref<128xi32, #tpu.memory_space<vmem>>
    %dma_wait3A_548 = arith.constant 0 : i32
    %dma_wait3A_549 = arith.constant 0 : i32
    %dma_wait3A_550 = tpu.memref_slice %arg6[%dma_wait3A_548, %dma_wait3A_549] : memref<16384x128xf32, #tpu.memory_space<hbm>> -> memref<16384x128xf32, #tpu.memory_space<hbm>>
    tpu.wait_indirect_dma semaphore(%arg20 : memref<!tpu.dma_semaphore, #tpu.memory_space<semaphore_mem>>) src(%dma_wait3A_550 : memref<16384x128xf32, #tpu.memory_space<hbm>>) dst(%dma_wait3A_544 : memref<128x128xf32, #tpu.memory_space<vmem>>)
    %broadcast_in_dim3A_551 = arith.constant 3 : i32
    %broadcast_in_dim3A_552 = vector.broadcast %broadcast_in_dim3A_551 : i32 to vector<16xi32>
    %add3A_553 = arith.constant 0 : i32
    %add3A_554 = vector.broadcast %add3A_553 : i32 to vector<16xi32>
    %add3A_555 = arith.addi %add3A_554, %iota3A : vector<16xi32>
    %broadcast_in_dim3A_556 = arith.constant 64 : i32
    %broadcast_in_dim3A_557 = vector.broadcast %broadcast_in_dim3A_556 : i32 to vector<16xi32>
    %gather3A_558 = tpu.vector_load_idx %arg11[%broadcast_in_dim3A_552, %add3A_555, %broadcast_in_dim3A_557] : memref<4x128x128xf32, #tpu.memory_space<vmem>>[vector<16xi32>, vector<16xi32>, vector<16xi32>], vector<16xf32>,
    %bitcast3A_559 = vector.bitcast %gather3A_558 : vector<16xf32> to vector<16xi32>
    %swap3A_560 = arith.constant 3 : i32
    %swap3A_561 = arith.index_cast %swap3A_560 : i32 to index
    %swap3A_562 = arith.constant 0 : index
    %swap3A_563 = tpu.vector_load %arg12[%swap3A_561, %swap3A_562] {strides = array<i32>} : memref<4x128xi32, #tpu.memory_space<vmem>>, vector<16xi32>,
    tpu.vector_store %arg12[%swap3A_561, %swap3A_562], %bitcast3A_559 {strides = array<i32>} : memref<4x128xi32, #tpu.memory_space<vmem>>, vector<16xi32>,
    %broadcast_in_dim3A_564 = arith.constant 3 : i32
    %broadcast_in_dim3A_565 = vector.broadcast %broadcast_in_dim3A_564 : i32 to vector<16xi32>
    %add3A_566 = arith.constant 16 : i32
    %add3A_567 = vector.broadcast %add3A_566 : i32 to vector<16xi32>
    %add3A_568 = arith.addi %add3A_567, %iota3A : vector<16xi32>
    %broadcast_in_dim3A_569 = arith.constant 64 : i32
    %broadcast_in_dim3A_570 = vector.broadcast %broadcast_in_dim3A_569 : i32 to vector<16xi32>
    %gather3A_571 = tpu.vector_load_idx %arg11[%broadcast_in_dim3A_565, %add3A_568, %broadcast_in_dim3A_570] : memref<4x128x128xf32, #tpu.memory_space<vmem>>[vector<16xi32>, vector<16xi32>, vector<16xi32>], vector<16xf32>,
    %bitcast3A_572 = vector.bitcast %gather3A_571 : vector<16xf32> to vector<16xi32>
    %swap3A_573 = arith.constant 3 : i32
    %swap3A_574 = arith.index_cast %swap3A_573 : i32 to index
    %swap3A_575 = arith.constant 16 : index
    %swap3A_576 = tpu.vector_load %arg12[%swap3A_574, %swap3A_575] {strides = array<i32>} : memref<4x128xi32, #tpu.memory_space<vmem>>, vector<16xi32>,
    tpu.vector_store %arg12[%swap3A_574, %swap3A_575], %bitcast3A_572 {strides = array<i32>} : memref<4x128xi32, #tpu.memory_space<vmem>>, vector<16xi32>,
    %broadcast_in_dim3A_577 = arith.constant 3 : i32
    %broadcast_in_dim3A_578 = vector.broadcast %broadcast_in_dim3A_577 : i32 to vector<16xi32>
    %add3A_579 = arith.constant 32 : i32
    %add3A_580 = vector.broadcast %add3A_579 : i32 to vector<16xi32>
    %add3A_581 = arith.addi %add3A_580, %iota3A : vector<16xi32>
    %broadcast_in_dim3A_582 = arith.constant 64 : i32
    %broadcast_in_dim3A_583 = vector.broadcast %broadcast_in_dim3A_582 : i32 to vector<16xi32>
    %gather3A_584 = tpu.vector_load_idx %arg11[%broadcast_in_dim3A_578, %add3A_581, %broadcast_in_dim3A_583] : memref<4x128x128xf32, #tpu.memory_space<vmem>>[vector<16xi32>, vector<16xi32>, vector<16xi32>], vector<16xf32>,
    %bitcast3A_585 = vector.bitcast %gather3A_584 : vector<16xf32> to vector<16xi32>
    %swap3A_586 = arith.constant 3 : i32
    %swap3A_587 = arith.index_cast %swap3A_586 : i32 to index
    %swap3A_588 = arith.constant 32 : index
    %swap3A_589 = tpu.vector_load %arg12[%swap3A_587, %swap3A_588] {strides = array<i32>} : memref<4x128xi32, #tpu.memory_space<vmem>>, vector<16xi32>,
    tpu.vector_store %arg12[%swap3A_587, %swap3A_588], %bitcast3A_585 {strides = array<i32>} : memref<4x128xi32, #tpu.memory_space<vmem>>, vector<16xi32>,
    %broadcast_in_dim3A_590 = arith.constant 3 : i32
    %broadcast_in_dim3A_591 = vector.broadcast %broadcast_in_dim3A_590 : i32 to vector<16xi32>
    %add3A_592 = arith.constant 48 : i32
    %add3A_593 = vector.broadcast %add3A_592 : i32 to vector<16xi32>
    %add3A_594 = arith.addi %add3A_593, %iota3A : vector<16xi32>
    %broadcast_in_dim3A_595 = arith.constant 64 : i32
    %broadcast_in_dim3A_596 = vector.broadcast %broadcast_in_dim3A_595 : i32 to vector<16xi32>
    %gather3A_597 = tpu.vector_load_idx %arg11[%broadcast_in_dim3A_591, %add3A_594, %broadcast_in_dim3A_596] : memref<4x128x128xf32, #tpu.memory_space<vmem>>[vector<16xi32>, vector<16xi32>, vector<16xi32>], vector<16xf32>,
    %bitcast3A_598 = vector.bitcast %gather3A_597 : vector<16xf32> to vector<16xi32>
    %swap3A_599 = arith.constant 3 : i32
    %swap3A_600 = arith.index_cast %swap3A_599 : i32 to index
    %swap3A_601 = arith.constant 48 : index
    %swap3A_602 = tpu.vector_load %arg12[%swap3A_600, %swap3A_601] {strides = array<i32>} : memref<4x128xi32, #tpu.memory_space<vmem>>, vector<16xi32>,
    tpu.vector_store %arg12[%swap3A_600, %swap3A_601], %bitcast3A_598 {strides = array<i32>} : memref<4x128xi32, #tpu.memory_space<vmem>>, vector<16xi32>,
    %broadcast_in_dim3A_603 = arith.constant 3 : i32
    %broadcast_in_dim3A_604 = vector.broadcast %broadcast_in_dim3A_603 : i32 to vector<16xi32>
    %add3A_605 = arith.constant 64 : i32
    %add3A_606 = vector.broadcast %add3A_605 : i32 to vector<16xi32>
    %add3A_607 = arith.addi %add3A_606, %iota3A : vector<16xi32>
    %broadcast_in_dim3A_608 = arith.constant 64 : i32
    %broadcast_in_dim3A_609 = vector.broadcast %broadcast_in_dim3A_608 : i32 to vector<16xi32>
    %gather3A_610 = tpu.vector_load_idx %arg11[%broadcast_in_dim3A_604, %add3A_607, %broadcast_in_dim3A_609] : memref<4x128x128xf32, #tpu.memory_space<vmem>>[vector<16xi32>, vector<16xi32>, vector<16xi32>], vector<16xf32>,
    %bitcast3A_611 = vector.bitcast %gather3A_610 : vector<16xf32> to vector<16xi32>
    %swap3A_612 = arith.constant 3 : i32
    %swap3A_613 = arith.index_cast %swap3A_612 : i32 to index
    %swap3A_614 = arith.constant 64 : index
    %swap3A_615 = tpu.vector_load %arg12[%swap3A_613, %swap3A_614] {strides = array<i32>} : memref<4x128xi32, #tpu.memory_space<vmem>>, vector<16xi32>,
    tpu.vector_store %arg12[%swap3A_613, %swap3A_614], %bitcast3A_611 {strides = array<i32>} : memref<4x128xi32, #tpu.memory_space<vmem>>, vector<16xi32>,
    %broadcast_in_dim3A_616 = arith.constant 3 : i32
    %broadcast_in_dim3A_617 = vector.broadcast %broadcast_in_dim3A_616 : i32 to vector<16xi32>
    %add3A_618 = arith.constant 80 : i32
    %add3A_619 = vector.broadcast %add3A_618 : i32 to vector<16xi32>
    %add3A_620 = arith.addi %add3A_619, %iota3A : vector<16xi32>
    %broadcast_in_dim3A_621 = arith.constant 64 : i32
    %broadcast_in_dim3A_622 = vector.broadcast %broadcast_in_dim3A_621 : i32 to vector<16xi32>
    %gather3A_623 = tpu.vector_load_idx %arg11[%broadcast_in_dim3A_617, %add3A_620, %broadcast_in_dim3A_622] : memref<4x128x128xf32, #tpu.memory_space<vmem>>[vector<16xi32>, vector<16xi32>, vector<16xi32>], vector<16xf32>,
    %bitcast3A_624 = vector.bitcast %gather3A_623 : vector<16xf32> to vector<16xi32>
    %swap3A_625 = arith.constant 3 : i32
    %swap3A_626 = arith.index_cast %swap3A_625 : i32 to index
    %swap3A_627 = arith.constant 80 : index
    %swap3A_628 = tpu.vector_load %arg12[%swap3A_626, %swap3A_627] {strides = array<i32>} : memref<4x128xi32, #tpu.memory_space<vmem>>, vector<16xi32>,
    tpu.vector_store %arg12[%swap3A_626, %swap3A_627], %bitcast3A_624 {strides = array<i32>} : memref<4x128xi32, #tpu.memory_space<vmem>>, vector<16xi32>,
    %broadcast_in_dim3A_629 = arith.constant 3 : i32
    %broadcast_in_dim3A_630 = vector.broadcast %broadcast_in_dim3A_629 : i32 to vector<16xi32>
    %add3A_631 = arith.constant 96 : i32
    %add3A_632 = vector.broadcast %add3A_631 : i32 to vector<16xi32>
    %add3A_633 = arith.addi %add3A_632, %iota3A : vector<16xi32>
    %broadcast_in_dim3A_634 = arith.constant 64 : i32
    %broadcast_in_dim3A_635 = vector.broadcast %broadcast_in_dim3A_634 : i32 to vector<16xi32>
    %gather3A_636 = tpu.vector_load_idx %arg11[%broadcast_in_dim3A_630, %add3A_633, %broadcast_in_dim3A_635] : memref<4x128x128xf32, #tpu.memory_space<vmem>>[vector<16xi32>, vector<16xi32>, vector<16xi32>], vector<16xf32>,
    %bitcast3A_637 = vector.bitcast %gather3A_636 : vector<16xf32> to vector<16xi32>
    %swap3A_638 = arith.constant 3 : i32
    %swap3A_639 = arith.index_cast %swap3A_638 : i32 to index
    %swap3A_640 = arith.constant 96 : index
    %swap3A_641 = tpu.vector_load %arg12[%swap3A_639, %swap3A_640] {strides = array<i32>} : memref<4x128xi32, #tpu.memory_space<vmem>>, vector<16xi32>,
    tpu.vector_store %arg12[%swap3A_639, %swap3A_640], %bitcast3A_637 {strides = array<i32>} : memref<4x128xi32, #tpu.memory_space<vmem>>, vector<16xi32>,
    %broadcast_in_dim3A_642 = arith.constant 3 : i32
    %broadcast_in_dim3A_643 = vector.broadcast %broadcast_in_dim3A_642 : i32 to vector<16xi32>
    %add3A_644 = arith.constant 112 : i32
    %add3A_645 = vector.broadcast %add3A_644 : i32 to vector<16xi32>
    %add3A_646 = arith.addi %add3A_645, %iota3A : vector<16xi32>
    %broadcast_in_dim3A_647 = arith.constant 64 : i32
    %broadcast_in_dim3A_648 = vector.broadcast %broadcast_in_dim3A_647 : i32 to vector<16xi32>
    %gather3A_649 = tpu.vector_load_idx %arg11[%broadcast_in_dim3A_643, %add3A_646, %broadcast_in_dim3A_648] : memref<4x128x128xf32, #tpu.memory_space<vmem>>[vector<16xi32>, vector<16xi32>, vector<16xi32>], vector<16xf32>,
    %bitcast3A_650 = vector.bitcast %gather3A_649 : vector<16xf32> to vector<16xi32>
    %swap3A_651 = arith.constant 3 : i32
    %swap3A_652 = arith.index_cast %swap3A_651 : i32 to index
    %swap3A_653 = arith.constant 112 : index
    %swap3A_654 = tpu.vector_load %arg12[%swap3A_652, %swap3A_653] {strides = array<i32>} : memref<4x128xi32, #tpu.memory_space<vmem>>, vector<16xi32>,
    tpu.vector_store %arg12[%swap3A_652, %swap3A_653], %bitcast3A_650 {strides = array<i32>} : memref<4x128xi32, #tpu.memory_space<vmem>>, vector<16xi32>,
    %dma_start3A_655 = arith.constant 3 : i32
    %dma_start3A_656 = arith.constant 3 : i32
    %dma_start3A_657 = arith.constant 0 : i32
    %dma_start3A_658 = arith.constant 0 : i32
    %dma_start3A_659 = tpu.memref_slice %arg11[%dma_start3A_655, %dma_start3A_657, %dma_start3A_658] : memref<4x128x128xf32, #tpu.memory_space<vmem>> -> memref<1x128x128xf32, #tpu.memory_space<vmem>>
    %dma_start3A_660 = tpu.memref_squeeze %dma_start3A_659 : memref<1x128x128xf32, #tpu.memory_space<vmem>> -> memref<128x128xf32, #tpu.memory_space<vmem>>
    %dma_start3A_661 = arith.constant 0 : i32
    %dma_start3A_662 = tpu.memref_slice %arg9[%dma_start3A_656, %dma_start3A_661] : memref<4x128xi32, #tpu.memory_space<vmem>> -> memref<1x128xi32, #tpu.memory_space<vmem>>
    %dma_start3A_663 = tpu.memref_squeeze %dma_start3A_662 : memref<1x128xi32, #tpu.memory_space<vmem>> -> memref<128xi32, #tpu.memory_space<vmem>>
    %dma_start3A_664 = arith.constant 0 : i32
    %dma_start3A_665 = arith.constant 0 : i32
    %dma_start3A_666 = tpu.memref_slice %arg2[%dma_start3A_664, %dma_start3A_665] : memref<100000x128xf32, #tpu.memory_space<hbm>> -> memref<100000x128xf32, #tpu.memory_space<hbm>>
    tpu.enqueue_indirect_dma source(%dma_start3A_660 : memref<128x128xf32, #tpu.memory_space<vmem>>) target(%dma_start3A_666 : memref<100000x128xf32, #tpu.memory_space<hbm>>) offsets(%dma_start3A_663 : memref<128xi32, #tpu.memory_space<vmem>>) semaphore(%arg21 : memref<!tpu.dma_semaphore, #tpu.memory_space<semaphore_mem>>)
    %dma_start3A_667 = arith.constant 3 : i32
    %dma_start3A_668 = arith.constant 3 : i32
    %dma_start3A_669 = arith.constant 0 : i32
    %dma_start3A_670 = tpu.memref_slice %arg12[%dma_start3A_667, %dma_start3A_669] : memref<4x128xi32, #tpu.memory_space<vmem>> -> memref<1x128xi32, #tpu.memory_space<vmem>>
    %dma_start3A_671 = tpu.memref_squeeze %dma_start3A_670 : memref<1x128xi32, #tpu.memory_space<vmem>> -> memref<128xi32, #tpu.memory_space<vmem>>
    %dma_start3A_672 = arith.constant 0 : i32
    %dma_start3A_673 = tpu.memref_slice %arg9[%dma_start3A_668, %dma_start3A_672] : memref<4x128xi32, #tpu.memory_space<vmem>> -> memref<1x128xi32, #tpu.memory_space<vmem>>
    %dma_start3A_674 = tpu.memref_squeeze %dma_start3A_673 : memref<1x128xi32, #tpu.memory_space<vmem>> -> memref<128xi32, #tpu.memory_space<vmem>>
    %dma_start3A_675 = arith.constant 0 : i32
    %dma_start3A_676 = tpu.memref_slice %arg3[%dma_start3A_675] : memref<100000xi32, #tpu.memory_space<hbm>> -> memref<100000xi32, #tpu.memory_space<hbm>>
    tpu.enqueue_indirect_dma source(%dma_start3A_671 : memref<128xi32, #tpu.memory_space<vmem>>) target(%dma_start3A_676 : memref<100000xi32, #tpu.memory_space<hbm>>) offsets(%dma_start3A_674 : memref<128xi32, #tpu.memory_space<vmem>>) semaphore(%arg22 : memref<!tpu.dma_semaphore, #tpu.memory_space<semaphore_mem>>)
    %dma_wait3A_677 = arith.constant 0 : i32
    %dma_wait3A_678 = arith.constant 0 : i32
    %dma_wait3A_679 = arith.constant 0 : i32
    %dma_wait3A_680 = arith.constant 0 : i32
    %dma_wait3A_681 = tpu.memref_slice %arg11[%dma_wait3A_677, %dma_wait3A_679, %dma_wait3A_680] : memref<4x128x128xf32, #tpu.memory_space<vmem>> -> memref<1x128x128xf32, #tpu.memory_space<vmem>>
    %dma_wait3A_682 = tpu.memref_squeeze %dma_wait3A_681 : memref<1x128x128xf32, #tpu.memory_space<vmem>> -> memref<128x128xf32, #tpu.memory_space<vmem>>
    %dma_wait3A_683 = arith.constant 0 : i32
    %dma_wait3A_684 = tpu.memref_slice %arg9[%dma_wait3A_678, %dma_wait3A_683] : memref<4x128xi32, #tpu.memory_space<vmem>> -> memref<1x128xi32, #tpu.memory_space<vmem>>
    %dma_wait3A_685 = tpu.memref_squeeze %dma_wait3A_684 : memref<1x128xi32, #tpu.memory_space<vmem>> -> memref<128xi32, #tpu.memory_space<vmem>>
    %dma_wait3A_686 = arith.constant 0 : i32
    %dma_wait3A_687 = arith.constant 0 : i32
    %dma_wait3A_688 = tpu.memref_slice %arg2[%dma_wait3A_686, %dma_wait3A_687] : memref<100000x128xf32, #tpu.memory_space<hbm>> -> memref<100000x128xf32, #tpu.memory_space<hbm>>
    tpu.wait_indirect_dma semaphore(%arg21 : memref<!tpu.dma_semaphore, #tpu.memory_space<semaphore_mem>>) src(%dma_wait3A_682 : memref<128x128xf32, #tpu.memory_space<vmem>>) dst(%dma_wait3A_688 : memref<100000x128xf32, #tpu.memory_space<hbm>>)
    %dma_wait3A_689 = arith.constant 1 : i32
    %dma_wait3A_690 = arith.constant 1 : i32
    %dma_wait3A_691 = arith.constant 0 : i32
    %dma_wait3A_692 = arith.constant 0 : i32
    %dma_wait3A_693 = tpu.memref_slice %arg11[%dma_wait3A_689, %dma_wait3A_691, %dma_wait3A_692] : memref<4x128x128xf32, #tpu.memory_space<vmem>> -> memref<1x128x128xf32, #tpu.memory_space<vmem>>
    %dma_wait3A_694 = tpu.memref_squeeze %dma_wait3A_693 : memref<1x128x128xf32, #tpu.memory_space<vmem>> -> memref<128x128xf32, #tpu.memory_space<vmem>>
    %dma_wait3A_695 = arith.constant 0 : i32
    %dma_wait3A_696 = tpu.memref_slice %arg9[%dma_wait3A_690, %dma_wait3A_695] : memref<4x128xi32, #tpu.memory_space<vmem>> -> memref<1x128xi32, #tpu.memory_space<vmem>>
    %dma_wait3A_697 = tpu.memref_squeeze %dma_wait3A_696 : memref<1x128xi32, #tpu.memory_space<vmem>> -> memref<128xi32, #tpu.memory_space<vmem>>
    %dma_wait3A_698 = arith.constant 0 : i32
    %dma_wait3A_699 = arith.constant 0 : i32
    %dma_wait3A_700 = tpu.memref_slice %arg2[%dma_wait3A_698, %dma_wait3A_699] : memref<100000x128xf32, #tpu.memory_space<hbm>> -> memref<100000x128xf32, #tpu.memory_space<hbm>>
    tpu.wait_indirect_dma semaphore(%arg21 : memref<!tpu.dma_semaphore, #tpu.memory_space<semaphore_mem>>) src(%dma_wait3A_694 : memref<128x128xf32, #tpu.memory_space<vmem>>) dst(%dma_wait3A_700 : memref<100000x128xf32, #tpu.memory_space<hbm>>)
    %dma_wait3A_701 = arith.constant 2 : i32
    %dma_wait3A_702 = arith.constant 2 : i32
    %dma_wait3A_703 = arith.constant 0 : i32
    %dma_wait3A_704 = arith.constant 0 : i32
    %dma_wait3A_705 = tpu.memref_slice %arg11[%dma_wait3A_701, %dma_wait3A_703, %dma_wait3A_704] : memref<4x128x128xf32, #tpu.memory_space<vmem>> -> memref<1x128x128xf32, #tpu.memory_space<vmem>>
    %dma_wait3A_706 = tpu.memref_squeeze %dma_wait3A_705 : memref<1x128x128xf32, #tpu.memory_space<vmem>> -> memref<128x128xf32, #tpu.memory_space<vmem>>
    %dma_wait3A_707 = arith.constant 0 : i32
    %dma_wait3A_708 = tpu.memref_slice %arg9[%dma_wait3A_702, %dma_wait3A_707] : memref<4x128xi32, #tpu.memory_space<vmem>> -> memref<1x128xi32, #tpu.memory_space<vmem>>
    %dma_wait3A_709 = tpu.memref_squeeze %dma_wait3A_708 : memref<1x128xi32, #tpu.memory_space<vmem>> -> memref<128xi32, #tpu.memory_space<vmem>>
    %dma_wait3A_710 = arith.constant 0 : i32
    %dma_wait3A_711 = arith.constant 0 : i32
    %dma_wait3A_712 = tpu.memref_slice %arg2[%dma_wait3A_710, %dma_wait3A_711] : memref<100000x128xf32, #tpu.memory_space<hbm>> -> memref<100000x128xf32, #tpu.memory_space<hbm>>
    tpu.wait_indirect_dma semaphore(%arg21 : memref<!tpu.dma_semaphore, #tpu.memory_space<semaphore_mem>>) src(%dma_wait3A_706 : memref<128x128xf32, #tpu.memory_space<vmem>>) dst(%dma_wait3A_712 : memref<100000x128xf32, #tpu.memory_space<hbm>>)
    %dma_wait3A_713 = arith.constant 3 : i32
    %dma_wait3A_714 = arith.constant 3 : i32
    %dma_wait3A_715 = arith.constant 0 : i32
    %dma_wait3A_716 = arith.constant 0 : i32
    %dma_wait3A_717 = tpu.memref_slice %arg11[%dma_wait3A_713, %dma_wait3A_715, %dma_wait3A_716] : memref<4x128x128xf32, #tpu.memory_space<vmem>> -> memref<1x128x128xf32, #tpu.memory_space<vmem>>
    %dma_wait3A_718 = tpu.memref_squeeze %dma_wait3A_717 : memref<1x128x128xf32, #tpu.memory_space<vmem>> -> memref<128x128xf32, #tpu.memory_space<vmem>>
    %dma_wait3A_719 = arith.constant 0 : i32
    %dma_wait3A_720 = tpu.memref_slice %arg9[%dma_wait3A_714, %dma_wait3A_719] : memref<4x128xi32, #tpu.memory_space<vmem>> -> memref<1x128xi32, #tpu.memory_space<vmem>>
    %dma_wait3A_721 = tpu.memref_squeeze %dma_wait3A_720 : memref<1x128xi32, #tpu.memory_space<vmem>> -> memref<128xi32, #tpu.memory_space<vmem>>
    %dma_wait3A_722 = arith.constant 0 : i32
    %dma_wait3A_723 = arith.constant 0 : i32
    %dma_wait3A_724 = tpu.memref_slice %arg2[%dma_wait3A_722, %dma_wait3A_723] : memref<100000x128xf32, #tpu.memory_space<hbm>> -> memref<100000x128xf32, #tpu.memory_space<hbm>>
    tpu.wait_indirect_dma semaphore(%arg21 : memref<!tpu.dma_semaphore, #tpu.memory_space<semaphore_mem>>) src(%dma_wait3A_718 : memref<128x128xf32, #tpu.memory_space<vmem>>) dst(%dma_wait3A_724 : memref<100000x128xf32, #tpu.memory_space<hbm>>)
    %dma_wait3A_725 = arith.constant 0 : i32
    %dma_wait3A_726 = arith.constant 0 : i32
    %dma_wait3A_727 = arith.constant 0 : i32
    %dma_wait3A_728 = tpu.memref_slice %arg12[%dma_wait3A_725, %dma_wait3A_727] : memref<4x128xi32, #tpu.memory_space<vmem>> -> memref<1x128xi32, #tpu.memory_space<vmem>>
    %dma_wait3A_729 = tpu.memref_squeeze %dma_wait3A_728 : memref<1x128xi32, #tpu.memory_space<vmem>> -> memref<128xi32, #tpu.memory_space<vmem>>
    %dma_wait3A_730 = arith.constant 0 : i32
    %dma_wait3A_731 = tpu.memref_slice %arg9[%dma_wait3A_726, %dma_wait3A_730] : memref<4x128xi32, #tpu.memory_space<vmem>> -> memref<1x128xi32, #tpu.memory_space<vmem>>
    %dma_wait3A_732 = tpu.memref_squeeze %dma_wait3A_731 : memref<1x128xi32, #tpu.memory_space<vmem>> -> memref<128xi32, #tpu.memory_space<vmem>>
    %dma_wait3A_733 = arith.constant 0 : i32
    %dma_wait3A_734 = tpu.memref_slice %arg3[%dma_wait3A_733] : memref<100000xi32, #tpu.memory_space<hbm>> -> memref<100000xi32, #tpu.memory_space<hbm>>
    tpu.wait_indirect_dma semaphore(%arg22 : memref<!tpu.dma_semaphore, #tpu.memory_space<semaphore_mem>>) src(%dma_wait3A_729 : memref<128xi32, #tpu.memory_space<vmem>>) dst(%dma_wait3A_734 : memref<100000xi32, #tpu.memory_space<hbm>>)
    %dma_wait3A_735 = arith.constant 1 : i32
    %dma_wait3A_736 = arith.constant 1 : i32
    %dma_wait3A_737 = arith.constant 0 : i32
    %dma_wait3A_738 = tpu.memref_slice %arg12[%dma_wait3A_735, %dma_wait3A_737] : memref<4x128xi32, #tpu.memory_space<vmem>> -> memref<1x128xi32, #tpu.memory_space<vmem>>
    %dma_wait3A_739 = tpu.memref_squeeze %dma_wait3A_738 : memref<1x128xi32, #tpu.memory_space<vmem>> -> memref<128xi32, #tpu.memory_space<vmem>>
    %dma_wait3A_740 = arith.constant 0 : i32
    %dma_wait3A_741 = tpu.memref_slice %arg9[%dma_wait3A_736, %dma_wait3A_740] : memref<4x128xi32, #tpu.memory_space<vmem>> -> memref<1x128xi32, #tpu.memory_space<vmem>>
    %dma_wait3A_742 = tpu.memref_squeeze %dma_wait3A_741 : memref<1x128xi32, #tpu.memory_space<vmem>> -> memref<128xi32, #tpu.memory_space<vmem>>
    %dma_wait3A_743 = arith.constant 0 : i32
    %dma_wait3A_744 = tpu.memref_slice %arg3[%dma_wait3A_743] : memref<100000xi32, #tpu.memory_space<hbm>> -> memref<100000xi32, #tpu.memory_space<hbm>>
    tpu.wait_indirect_dma semaphore(%arg22 : memref<!tpu.dma_semaphore, #tpu.memory_space<semaphore_mem>>) src(%dma_wait3A_739 : memref<128xi32, #tpu.memory_space<vmem>>) dst(%dma_wait3A_744 : memref<100000xi32, #tpu.memory_space<hbm>>)
    %dma_wait3A_745 = arith.constant 2 : i32
    %dma_wait3A_746 = arith.constant 2 : i32
    %dma_wait3A_747 = arith.constant 0 : i32
    %dma_wait3A_748 = tpu.memref_slice %arg12[%dma_wait3A_745, %dma_wait3A_747] : memref<4x128xi32, #tpu.memory_space<vmem>> -> memref<1x128xi32, #tpu.memory_space<vmem>>
    %dma_wait3A_749 = tpu.memref_squeeze %dma_wait3A_748 : memref<1x128xi32, #tpu.memory_space<vmem>> -> memref<128xi32, #tpu.memory_space<vmem>>
    %dma_wait3A_750 = arith.constant 0 : i32
    %dma_wait3A_751 = tpu.memref_slice %arg9[%dma_wait3A_746, %dma_wait3A_750] : memref<4x128xi32, #tpu.memory_space<vmem>> -> memref<1x128xi32, #tpu.memory_space<vmem>>
    %dma_wait3A_752 = tpu.memref_squeeze %dma_wait3A_751 : memref<1x128xi32, #tpu.memory_space<vmem>> -> memref<128xi32, #tpu.memory_space<vmem>>
    %dma_wait3A_753 = arith.constant 0 : i32
    %dma_wait3A_754 = tpu.memref_slice %arg3[%dma_wait3A_753] : memref<100000xi32, #tpu.memory_space<hbm>> -> memref<100000xi32, #tpu.memory_space<hbm>>
    tpu.wait_indirect_dma semaphore(%arg22 : memref<!tpu.dma_semaphore, #tpu.memory_space<semaphore_mem>>) src(%dma_wait3A_749 : memref<128xi32, #tpu.memory_space<vmem>>) dst(%dma_wait3A_754 : memref<100000xi32, #tpu.memory_space<hbm>>)
    %dma_wait3A_755 = arith.constant 3 : i32
    %dma_wait3A_756 = arith.constant 3 : i32
    %dma_wait3A_757 = arith.constant 0 : i32
    %dma_wait3A_758 = tpu.memref_slice %arg12[%dma_wait3A_755, %dma_wait3A_757] : memref<4x128xi32, #tpu.memory_space<vmem>> -> memref<1x128xi32, #tpu.memory_space<vmem>>
    %dma_wait3A_759 = tpu.memref_squeeze %dma_wait3A_758 : memref<1x128xi32, #tpu.memory_space<vmem>> -> memref<128xi32, #tpu.memory_space<vmem>>
    %dma_wait3A_760 = arith.constant 0 : i32
    %dma_wait3A_761 = tpu.memref_slice %arg9[%dma_wait3A_756, %dma_wait3A_760] : memref<4x128xi32, #tpu.memory_space<vmem>> -> memref<1x128xi32, #tpu.memory_space<vmem>>
    %dma_wait3A_762 = tpu.memref_squeeze %dma_wait3A_761 : memref<1x128xi32, #tpu.memory_space<vmem>> -> memref<128xi32, #tpu.memory_space<vmem>>
    %dma_wait3A_763 = arith.constant 0 : i32
    %dma_wait3A_764 = tpu.memref_slice %arg3[%dma_wait3A_763] : memref<100000xi32, #tpu.memory_space<hbm>> -> memref<100000xi32, #tpu.memory_space<hbm>>
    tpu.wait_indirect_dma semaphore(%arg22 : memref<!tpu.dma_semaphore, #tpu.memory_space<semaphore_mem>>) src(%dma_wait3A_759 : memref<128xi32, #tpu.memory_space<vmem>>) dst(%dma_wait3A_764 : memref<100000xi32, #tpu.memory_space<hbm>>)
    return
  }
}

module attributes {stable_mosaic.version = 14 : i64} {
  func.func @body(%arg0: i32, %arg1: memref<2048x64xf32, #tpu.memory_space<vmem>>, %arg2: memref<2048x128xf32, #tpu.memory_space<vmem>>, %arg3: memref<1000x64xf32, #tpu.memory_space<vmem>>, %arg4: memref<2048x128xf32, #tpu.memory_space<vmem>>, %arg5: memref<1x1xf32, #tpu.memory_space<vmem>>) attributes {dimension_semantics = [#tpu.dimension_semantics<arbitrary>], iteration_bounds = array<i64: 8>, scalar_prefetch = 0 : i64, scratch_operands = 0 : i64, tpu.core_type = #tpu.core_type<tc>, window_params = [{transform_indices = @transform_0, window_bounds = array<i64: 2048, 64>}, {transform_indices = @transform_1, window_bounds = array<i64: 2048, 128>}, {pipeline_mode = #tpu.pipeline_mode<synchronous>, transform_indices = @transform_2, window_bounds = array<i64: 1000, 64>}, {transform_indices = @transform_3, window_bounds = array<i64: 2048, 128>}, {pipeline_mode = #tpu.pipeline_mode<synchronous>, transform_indices = @transform_4, window_bounds = array<i64: 1, 1>}]} {
    %get3A = arith.constant 0 : index
    %get3A_0 = arith.constant 0 : index
    %get3A_1 = vector.load %arg1[%get3A, %get3A_0] : memref<2048x64xf32, #tpu.memory_space<vmem>>, vector<2048x64xf32>
    %get3A_2 = arith.constant 0 : index
    %get3A_3 = arith.constant 0 : index
    %get3A_4 = vector.load %arg2[%get3A_2, %get3A_3] : memref<2048x128xf32, #tpu.memory_space<vmem>>, vector<2048x128xf32>
    %slice3A = vector.extract_strided_slice %get3A_4 {offsets = [0, 0], sizes = [2048, 64], strides = [1, 1]} : vector<2048x128xf32> to vector<2048x64xf32>
    %slice3A_5 = vector.extract_strided_slice %get3A_4 {offsets = [0, 64], sizes = [2048, 1], strides = [1, 1]} : vector<2048x128xf32> to vector<2048x1xf32>
    %bitcast_convert_type3A = tpu.bitcast %slice3A_5 : vector<2048x1xf32> -> vector<2048x1xi32>
    %get3A_6 = arith.constant 0 : index
    %get3A_7 = arith.constant 0 : index
    %get3A_8 = vector.load %arg3[%get3A_6, %get3A_7] : memref<1000x64xf32, #tpu.memory_space<vmem>>, vector<1000x64xf32>
    %mul3A = arith.mulf %get3A_1, %get3A_1 : vector<2048x64xf32>
    %reduce_sum3A = arith.constant dense<0.000000e+00> : vector<2048xf32>
    %reduce_sum3A_9 = vector.multi_reduction <add>, %mul3A, %reduce_sum3A [1] : vector<2048x64xf32> to vector<2048xf32>
    %broadcast_in_dim3A = vector.shape_cast %reduce_sum3A_9 : vector<2048xf32> to vector<2048x1xf32>
    %sqrt3A = math.sqrt %broadcast_in_dim3A : vector<2048x1xf32>
    %add3A = arith.constant 1.000000e-10 : f32
    %add3A_10 = vector.broadcast %add3A : f32 to vector<2048x1xf32>
    %add3A_11 = arith.addf %sqrt3A, %add3A_10 : vector<2048x1xf32>
    %div3A = vector.broadcast %add3A_11 : vector<2048x1xf32> to vector<2048x64xf32>
    %div3A_12 = arith.divf %get3A_1, %div3A : vector<2048x64xf32>
    %mul3A_13 = arith.constant 5.000000e-01 : f32
    %mul3A_14 = vector.broadcast %mul3A_13 : f32 to vector<2048x64xf32>
    %mul3A_15 = arith.mulf %mul3A_14, %slice3A : vector<2048x64xf32>
    %mul3A_16 = arith.constant 5.000000e-01 : f32
    %mul3A_17 = vector.broadcast %mul3A_16 : f32 to vector<2048x64xf32>
    %mul3A_18 = arith.mulf %mul3A_17, %div3A_12 : vector<2048x64xf32>
    %add3A_19 = arith.addf %mul3A_15, %mul3A_18 : vector<2048x64xf32>
    %mul3A_20 = arith.mulf %add3A_19, %add3A_19 : vector<2048x64xf32>
    %reduce_sum3A_21 = arith.constant dense<0.000000e+00> : vector<2048xf32>
    %reduce_sum3A_22 = vector.multi_reduction <add>, %mul3A_20, %reduce_sum3A_21 [1] : vector<2048x64xf32> to vector<2048xf32>
    %broadcast_in_dim3A_23 = vector.shape_cast %reduce_sum3A_22 : vector<2048xf32> to vector<2048x1xf32>
    %sqrt3A_24 = math.sqrt %broadcast_in_dim3A_23 : vector<2048x1xf32>
    %add3A_25 = arith.constant 1.000000e-10 : f32
    %add3A_26 = vector.broadcast %add3A_25 : f32 to vector<2048x1xf32>
    %add3A_27 = arith.addf %sqrt3A_24, %add3A_26 : vector<2048x1xf32>
    %div3A_28 = vector.broadcast %add3A_27 : vector<2048x1xf32> to vector<2048x64xf32>
    %div3A_29 = arith.divf %add3A_19, %div3A_28 : vector<2048x64xf32>
    %dot_general3A = arith.constant dense<0.000000e+00> : vector<2048x1000xf32>
    %dot_general3A_30 = tpu.matmul %div3A_29, %get3A_8, %dot_general3A {dimension_numbers = #tpu.dot_dimension_numbers<[1], [1], [0], [0], [0, 0, 1, 0], [], []>, transpose_lhs_hint = false} : vector<2048x64xf32>, vector<1000x64xf32>, vector<2048x1000xf32> -> vector<2048x1000xf32>
    %argmax3A = tpu.reduce_index %dot_general3A_30 {axis = 1 : i32, kind = #tpu.reduction_kind<arg_max>} : vector<2048x1000xf32> -> vector<2048xi32>
    %broadcast_in_dim3A_31 = vector.shape_cast %argmax3A : vector<2048xi32> to vector<2048x1xi32>
    %broadcast_in_dim3A_32 = arith.constant 0.000000e+00 : f32
    %broadcast_in_dim3A_33 = vector.broadcast %broadcast_in_dim3A_32 : f32 to vector<2048x63xf32>
    %bitcast_convert_type3A_34 = tpu.bitcast %broadcast_in_dim3A_31 : vector<2048x1xi32> -> vector<2048x1xf32>
    %concatenate3A = tpu.concatenate %div3A_29, %bitcast_convert_type3A_34, %broadcast_in_dim3A_33 in 1 : vector<2048x64xf32>, vector<2048x1xf32>, vector<2048x63xf32> -> vector<2048x128xf32>
    %swap3A = arith.constant 0 : index
    %swap3A_35 = arith.constant 0 : index
    %swap3A_36 = vector.load %arg4[%swap3A, %swap3A_35] : memref<2048x128xf32, #tpu.memory_space<vmem>>, vector<2048x128xf32>
    tpu.vector_store %arg4[%swap3A, %swap3A_35], %concatenate3A {strides = array<i32>} : memref<2048x128xf32, #tpu.memory_space<vmem>>, vector<2048x128xf32>,
    %ne3A = arith.cmpi ne, %broadcast_in_dim3A_31, %bitcast_convert_type3A : vector<2048x1xi32>
    %convert_element_type3A = arith.extui %ne3A : vector<2048x1xi1> to vector<2048x1xi32>
    %convert_element_type3A_37 = arith.sitofp %convert_element_type3A : vector<2048x1xi32> to vector<2048x1xf32>
    %reduce_sum3A_38 = arith.constant dense<0.000000e+00> : vector<1xf32>
    %reduce_sum3A_39 = vector.multi_reduction <add>, %convert_element_type3A_37, %reduce_sum3A_38 [0] : vector<2048x1xf32> to vector<1xf32>
    %broadcast_in_dim3A_40 = vector.shape_cast %reduce_sum3A_39 : vector<1xf32> to vector<1x1xf32>
    %eq3A = arith.constant 0 : i32
    %eq3A_41 = arith.cmpi eq, %arg0, %eq3A : i32
    %convert_element_type3A_42 = arith.extui %eq3A_41 : i1 to i32
    %cond3A = arith.constant 0 : i32
    %cond3A_43 = arith.cmpi ne, %convert_element_type3A_42, %cond3A : i32
    scf.if %cond3A_43 {
      %broadcast_in_dim3A_54 = arith.constant 0.000000e+00 : f32
      %broadcast_in_dim3A_55 = vector.broadcast %broadcast_in_dim3A_54 : f32 to vector<1x1xf32>
      %swap3A_56 = arith.constant 0 : index
      %swap3A_57 = arith.constant 0 : index
      %swap3A_58 = vector.load %arg5[%swap3A_56, %swap3A_57] : memref<1x1xf32, #tpu.memory_space<vmem>>, vector<1x1xf32>
      tpu.vector_store %arg5[%swap3A_56, %swap3A_57], %broadcast_in_dim3A_55 {strides = array<i32>} : memref<1x1xf32, #tpu.memory_space<vmem>>, vector<1x1xf32>,
    } else {
    }
    %get3A_44 = arith.constant 0 : index
    %get3A_45 = arith.constant 0 : index
    %get3A_46 = vector.load %arg5[%get3A_44, %get3A_45] : memref<1x1xf32, #tpu.memory_space<vmem>>, vector<1x1xf32>
    %mul3A_47 = arith.constant 6.10351563E-5 : f32
    %mul3A_48 = vector.broadcast %mul3A_47 : f32 to vector<1x1xf32>
    %mul3A_49 = arith.mulf %broadcast_in_dim3A_40, %mul3A_48 : vector<1x1xf32>
    %add3A_50 = arith.addf %get3A_46, %mul3A_49 : vector<1x1xf32>
    %swap3A_51 = arith.constant 0 : index
    %swap3A_52 = arith.constant 0 : index
    %swap3A_53 = vector.load %arg5[%swap3A_51, %swap3A_52] : memref<1x1xf32, #tpu.memory_space<vmem>>, vector<1x1xf32>
    tpu.vector_store %arg5[%swap3A_51, %swap3A_52], %add3A_50 {strides = array<i32>} : memref<1x1xf32, #tpu.memory_space<vmem>>, vector<1x1xf32>,
    return
  }
  func.func @transform_0(%arg0: i32) -> (i32, i32) {
    %c0_i32 = arith.constant 0 : i32
    %c0_i32_0 = arith.constant 0 : i32
    return %arg0, %c0_i32 : i32, i32
  }
  func.func @transform_1(%arg0: i32) -> (i32, i32) {
    %c0_i32 = arith.constant 0 : i32
    %c0_i32_0 = arith.constant 0 : i32
    return %arg0, %c0_i32 : i32, i32
  }
  func.func @transform_2(%arg0: i32) -> (i32, i32) {
    %c0_i32 = arith.constant 0 : i32
    %c0_i32_0 = arith.constant 0 : i32
    %c0_i32_1 = arith.constant 0 : i32
    return %c0_i32, %c0_i32_0 : i32, i32
  }
  func.func @transform_3(%arg0: i32) -> (i32, i32) {
    %c0_i32 = arith.constant 0 : i32
    %c0_i32_0 = arith.constant 0 : i32
    return %arg0, %c0_i32 : i32, i32
  }
  func.func @transform_4(%arg0: i32) -> (i32, i32) {
    %c0_i32 = arith.constant 0 : i32
    %c0_i32_0 = arith.constant 0 : i32
    %c0_i32_1 = arith.constant 0 : i32
    return %c0_i32, %c0_i32_0 : i32, i32
  }
}

</mosaic_0001>

<sc_bundles>
// kernel: kernel.12.cloned.1.call-start
scs
__scs_entry_jumppad:
0x0: {  	(pc) =	sbr.rel $0x88, $3  }
0x1: {  	(tag) =	ssettag $0x0;
	lr =	simm.s32 $0x1  }
0x2: {  	[smem:$0x3F9C] =	sst lr;
	_ =	strace $0xD0000000  }
0x3: {  	_ = 	snop  }
0x4: {  	_ = 	snop  }
0x5: {  	_ = 	snop  }
0x6: {  	_ = 	snop  }
0x7: {  	_ = 	snop  }
__scs_overlays_trampoline_lowered:
0x8: {  	[smem:$0x3FAB] =	sst s0  }
0x9: {  	[smem:$0x3FAC] =	sst s1  }
0xa: {  	[smem:$0x3FAD] =	sst s2  }
0xb: {  	[smem:$0x3FAE] =	sst s3  }
0xc: {  	[smem:$0x3FAF] =	sst s4  }
0xd: {  	[smem:$0x3FB0] =	sst s5  }
0xe: {  	[smem:$0x3FB1] =	sst s6  }
0xf: {  	[smem:$0x3FB2] =	sst s7  }
0x10: {  	[smem:$0x3FB3] =	sst s8  }
0x11: {  	[smem:$0x3FB4] =	sst s9;
	s0 =	simm.s32 @!p0 $0x0  }
0x12: {  	s1 =	sld [smem:$0x3F9A];
	s0 =	simm.s32 @p0 $0x1  }
0x13: {  	[smem:$0x3FB5] =	sst s0;
	s0 =	simm.s32 @!p1 $0x0  }
0x14: {  	s2 =	sld [smem:$0x3F99];
	s0 =	simm.s32 @p1 $0x1  }
0x15: {  	[smem:$0x3FB6] =	sst s0;
	s0 =	simm.s32 @!p2 $0x0  }
0x16: {  	s3 =	sld [smem:$0x3FDB];
	s0 =	simm.s32 @p2 $0x1  }
0x17: {  	s4 =	simm.s32 $0x1BF5;
	[smem:$0x3FB8] =	sst s0  }
0x18: {  	s0 =	sld [smem:$0x3F9B];
	_ =	swait.ge [sflag:s4], $0x0  }
0x19: {  	s7 =	sld [smem:$0x3F9C]  }
0x1a: {  	s8 =	sadd.s32 $0xFFFFE003, lr  }
0x1b: {  	s9 =	sadd.s32 $0xFFFFFEF7, lr;
	s5 =	simm.s32 $0xFFFFFFFF;
	p2 =	slt.u32 s8, $0xFFFFF086  }
0x1c: {  	p1 =	slt.u32 s9, $0xF7A;
	s5 =	simm.s32 @!p2 $0x0  }
0x1d: {  	s5 =	simm.s32 @p1 $0x1;
	p0 =	seq.s32 s7, s2  }
0x1e: {  	s7 =	smul.u32 @!p0 $0xF7A, s2;
	p2 =	seq.s32 @!p0 s5, $0x0  }
0x1f: {  	s9 =	smul.u32 $0xF7A, s1;
	s8 =	simm.s32 @!p0 $0x1BF5;
	p2 =	por !p2, p0  }
0x20: {  	[sflag:s8] =	ssyncset.s32 @!p0 $0xFFFFF086;
	s6 =	sadd.s32 @!p0 s3, s7;
	s7 =	simm.s32 @!p0 $0x108  }
0x21: {  	s3 =	sadd.s32 s3, s9;
	s6 =	sadd.s32 @!p0 $0x88, s6;
	s7 =	simm.s32 @p2 $0x1082  }
0x22: {  	[simem:s7], [sflag:s8] =	dma.local @!p0 [hbm:s6], $0xF7A  }
0x23: {  	s9 =	sor.u32 $0xD0000000, s2;
	s6 =	simm.s32 $0x108;
	_ =	swait.ge @!p0 [sflag:s8], $0x0  }
0x24: {  	s3 =	sadd.s32 $0x88, s3;
	s6 =	simm.s32 @!p1 $0x1082;
	[sflag:s4] =	ssyncset.s32 $0xFFFFF086  }
0x25: {  	[simem:s6], [sflag:s4] =	dma.local [hbm:s3], $0xF7A  }
0x26: {  	[smem:$0x3F9C] =	sst s1;
	(tag) =	ssettag s2;
	_ =	strace s9  }
0x27: {  	s1 =	sld [smem:$0x3FAC]  }
0x28: {  	s2 =	sld [smem:$0x3FAD]  }
0x29: {  	s4 =	sld [smem:$0x3FAF]  }
0x2a: {  	p0 =	seq.s32 s5, $0x0;
	s5 =	sld [smem:$0x3FB0]  }
0x2b: {  	s6 =	sld [smem:$0x3FB1]  }
0x2c: {  	s7 =	sld [smem:$0x3FB2]  }
0x2d: {  	s3 =	simm.s32 $0x108;
	s8 =	sld [smem:$0x3FB3]  }
0x2e: {  	s3 =	simm.s32 @!p0 $0x1082;
	s9 =	sld [smem:$0x3FB4]  }
0x2f: {  	lr =	sadd.s32 s0, s3;
	s0 =	sld [smem:$0x3FAB]  }
0x30: {  	s3 =	sld [smem:$0x3FAE]  }
0x31: {  	[smem:$0x3FB7] =	sst s10  }
0x32: {  	s10 =	sld [smem:$0x3FB5];
	_ =	sdelay $0x3  }
0x33: {  	p0 =	seq.s32 s10, $0x1;
	s10 =	sld [smem:$0x3FB7];
	_ =	sdelay $0x3  }
0x34: {  	[smem:$0x3FB7] =	sst s10  }
0x35: {  	s10 =	sld [smem:$0x3FB6];
	_ =	sdelay $0x3  }
0x36: {  	p1 =	seq.s32 s10, $0x1;
	s10 =	sld [smem:$0x3FB7];
	_ =	sdelay $0x3  }
0x37: {  	[smem:$0x3FB7] =	sst s10  }
0x38: {  	s10 =	sld [smem:$0x3FB8]  }
0x39: {  	_ = 	snop;
	(pc) =	sbr.ind lr, $3  }
0x3a: {  	_ = 	snop  }
0x3b: {  	_ = 	snop  }
0x3c: {  	p2 =	seq.s32 s10, $0x1;
	s10 =	sld [smem:$0x3FB7]  }
0x3d: {  	_ =	shalt  }
0x3e: {  	_ =	shalt  }
0x3f: {  	_ =	shalt  }
0x40: {  	_ =	shalt  }
0x41: {  	_ =	shalt  }
0x42: {  	_ =	shalt  }
0x43: {  	_ =	shalt  }
0x44: {  	_ =	shalt  }
0x45: {  	_ =	shalt  }
0x46: {  	_ =	shalt  }
0x47: {  	_ =	shalt  }
0x48: {  	_ =	shalt  }
0x49: {  	_ =	shalt  }
0x4a: {  	_ =	shalt  }
0x4b: {  	_ =	shalt  }
0x4c: {  	_ =	shalt  }
0x4d: {  	_ =	shalt  }
0x4e: {  	_ =	shalt  }
0x4f: {  	_ =	shalt  }
0x50: {  	_ =	shalt  }
0x51: {  	_ =	shalt  }
0x52: {  	_ =	shalt  }
0x53: {  	_ =	shalt  }
0x54: {  	_ =	shalt  }
0x55: {  	_ =	shalt  }
0x56: {  	_ =	shalt  }
0x57: {  	_ =	shalt  }
0x58: {  	_ =	shalt  }
0x59: {  	_ =	shalt  }
0x5a: {  	_ =	shalt  }
0x5b: {  	_ =	shalt  }
0x5c: {  	_ =	shalt  }
0x5d: {  	_ =	shalt  }
0x5e: {  	_ =	shalt  }
0x5f: {  	_ =	shalt  }
0x60: {  	_ =	shalt  }
0x61: {  	_ =	shalt  }
0x62: {  	_ =	shalt  }
0x63: {  	_ =	shalt  }
0x64: {  	_ =	shalt  }
0x65: {  	_ =	shalt  }
0x66: {  	_ =	shalt  }
0x67: {  	_ =	shalt  }
0x68: {  	_ =	shalt  }
0x69: {  	_ =	shalt  }
0x6a: {  	_ =	shalt  }
0x6b: {  	_ =	shalt  }
0x6c: {  	_ =	shalt  }
0x6d: {  	_ =	shalt  }
0x6e: {  	_ =	shalt  }
0x6f: {  	_ =	shalt  }
0x70: {  	_ =	shalt  }
0x71: {  	_ =	shalt  }
0x72: {  	_ =	shalt  }
0x73: {  	_ =	shalt  }
0x74: {  	_ =	shalt  }
0x75: {  	_ =	shalt  }
0x76: {  	_ =	shalt  }
0x77: {  	_ =	shalt  }
0x78: {  	_ =	shalt  }
0x79: {  	_ =	shalt  }
0x7a: {  	_ =	shalt  }
0x7b: {  	_ =	shalt  }
0x7c: {  	_ =	shalt  }
0x7d: {  	_ =	shalt  }
0x7e: {  	_ =	shalt  }
0x7f: {  	_ =	shalt  }
0x80: {  	_ =	shalt  }
0x81: {  	_ =	shalt  }
0x82: {  	_ =	shalt  }
0x83: {  	_ =	shalt  }
0x84: {  	_ =	shalt  }
0x85: {  	_ =	shalt  }
0x86: {  	_ =	shalt  }
0x87: {  	_ =	shalt  }
.Lfunc_end0:
.L_simem_size_0:
called_computation.2_lowered:
.L_overlay_start_0:
0x88: {  	s2 =	sld [smem:$0x3FD9]  }
0x89: {  	s3 =	sld [smem:$0x3FFE];
	_ =	sdelay $0x1  }
0x8a: {  	s1 =	srdreg.scid  }
0x8b: {  	s0 =	sand.u32 $0x1, s1  }
0x8c: {  	s14 =	sshll.u32 s0, $0xA;
	s2 =	sadd.s32 s3, s2  }
0x8d: {  	s2 =	sadd.s32 s2, s14  }
0x8e: {  	[smem:$0x3FC3] =	sst s2  }
0x8f: {  	_ = 	snop  }
0x90: {  	s2 =	sld [smem:$0x3FD0];
	_ =	sdelay $0x2  }
0x91: {  	s4 =	simm.s32 $0xB;
	s5 =	simm.s32 $0x10;
	s15 =	sld [smem:$0x3FC5]  }
0x92: {  	[smem:s5], [sflag:s4] =	dma.local [hbm:s2], $0x1  }
0x93: {  	_ =	swait.eq [sflag:s4], $0x1  }
0x94: {  	[sflag:s4] =	ssyncset.done $0x0  }
0x95: {  	s16 =	sld [smem:$0x10];
	[sflag:s4] =	ssyncadd.s32 $0xFFFFFFFF  }
0x96: {  	s17 =	sld [smem:$0x11];
	(tm) =	ssettm $0x1  }
0x97: {  	s18 =	sld [smem:$0x3FFB];
	_ =	sdelay $0x3  }
0x98: {  	_ =	strace s18  }
0x99: {  	s5 =	sld [smem:$0x3FFC];
	_ =	sdelay $0x3  }
0x9a: {  	_ =	strace s5  }
0x9b: {  	s5 =	sld [smem:$0x3FFD];
	_ =	sdelay $0x3  }
0x9c: {  	_ =	strace s5  }
0x9d: {  	_ =	strace $0x8FFFFFFF  }
0x9e: {  	s19 =	sld [smem:$0x3FDB];
	_ =	sdelay $0x1  }
0x9f: {  	s6 =	simm.s32 $_scs_section_size  }
0xa0: {  	s7 =	simm.s32 $_size__tile_overlayer_lowered;
	s8 =	simm.s32 $_tile_overlayer_lowered  }
0xa1: {  	s22 =	simm.s32 $0x1BFF;
	s21 =	sshll.u32 s8, $0x1;
	s5 =	sadd.s32 s6, s19  }
0xa2: {  	s9 =	simm.s32 $0x0;
	s20 =	sshll.u32 s7, $0x1;
	s7 =	sadd.s32 s21, s5  }
0xa3: {  	[timem:s9], [sflag:s22] =	dma.local [hbm:s7], s20  }
0xa4: {  	_ =	swait.ge [sflag:s22], s20  }
0xa5: {  	s6 =	ssub.s32 $0x0, s20;
	[sflag:s22] =	ssyncset.done $0x0  }
0xa6: {  	[sflag:s22] =	ssyncadd.s32 s6;
	_ =	sdelay $0x1  }
0xa7: {  	s23 =	simm.s32 $0x1B8B  }
0xa8: {  	_ =	swait.ge [sflag:s23], $0x1  }
0xa9: {  	[sflag:s23] =	ssyncset.done $0x0  }
0xaa: {  	s25 =	simm.s32 $0x1B8E;
	s24 =	sld [smem:$0x3FFE];
	[sflag:s23] =	ssyncadd.s32 $0xFFFFFFFF  }
0xab: {  	s26 =	simm.s32 $execute0_lowered;
	[smem:$0x3FD2] =	sst s25  }
0xac: {  	s7 =	sshll.u32 s26, $0x1;
	_ =	strace $0x8000004C;
	[dreg:$0x1] =	wrdreg $0xFFFFFFFF  }
0xad: {  	s28 =	simm.s32 $_size_execute0_lowered;
	s5 =	sadd.s32 s5, s7;
	[dreg:$0x0] =	wrdreg $0x0  }
0xae: {  	s7 =	sshll.u32 s28, $0x1;
	[dreg:$0x2] =	wrdreg s5  }
0xaf: {  	[dreg:$0x3] =	wrdreg s7  }
0xb0: {  	[dreg:$0x4] =	wrdreg $0xC0  }
0xb1: {  	_ =	task [dreg:s9], $0x5FFFF  }
0xb2: {  	[dreg:$0x1] =	wrdreg $0xFFFFFFFF  }
0xb3: {  	[dreg:$0x0] =	wrdreg $0x60  }
0xb4: {  	[dreg:$0x2] =	wrdreg s24  }
0xb5: {  	[dreg:$0x3] =	wrdreg s17  }
0xb6: {  	[dreg:$0x4] =	wrdreg s15  }
0xb7: {  	[dreg:$0x5] =	wrdreg s16  }
0xb8: {  	[dreg:$0x6] =	wrdreg $0x9  }
0xb9: {  	_ =	task.clear_ibuf [dreg:s9], $0x7FFFF;
	_ =	strace $0x9000004C  }
0xba: {  	s29 =	simm.s32 $0x9;
	_ =	strace $0x8000004E  }
0xbb: {  	_ =	swait.ge [sflag:s29], $0x1  }
0xbc: {  	[sflag:s29] =	ssyncadd.s32 $0xFFFFFFFF  }
0xbd: {  	_ =	strace $0x9000004E  }
0xbe: {  	_ =	sfence  }
0xbf: {  	s30 =	sld [smem:$0x0];
	_ =	sdelay $0x2  }
0xc0: {  	s31 =	sshll.u32 s1, $0xD;
	s1 =	sshrl.u32 s1, $0x2  }
0xc1: {  	s3 =	sand.u32 $0x4000, s31;
	s1 =	sadd.s32 s1, s30  }
0xc2: {  	s0 =	sor.u32 s3, s0;
	s1 =	sshll.u32 s1, $0x11  }
0xc3: {  	s0 =	sor.u32 s1, s0  }
0xc4: {  	s0 =	sadd.s32 $0x8F2B, s0  }
0xc5: {  	[sflag:s0] =	ssyncadd.remote.s32 $0x1  }
0xc6: {  	_ =	sfence.sel $0xFFFF  }
0xc7: {  	[dreg:$0x0] =	wrdreg $0xFFFFFFFF;
	(pc) =	sbr.abs _section_cstart, $3  }
0xc8: {  	[dreg:$0x1] =	wrdreg $0xFFFFFFFF  }
0xc9: {  	_ =	task.clear_ibuf [dreg:s9], $0x2FFFF;
	_ =	strace $0x9FFFFFFF  }
0xca: {  	(tm) =	ssettm $0x7FFFFFFF  }
0xcb: {  	_ =	shalt  }
tec
execute0_lowered:
.L_overlay_start_1:
0x0: {  	(tag) =	ssettag $0x1  }
0x1: {  	s0 =	rddreg [dreg:$0x0]  }
0x2: {  	s2 =	rddreg [dreg:$0x1]  }
0x3: {  	s1 =	rddreg [dreg:$0x2]  }
0x4: {  	s14 =	rddreg [dreg:$0x3];
	s10 =	simm.s32 $0x0;
	s3 =	srdreg.scid  }
0x5: {  	s6 =	stileid.u32;
	s25 =	simm.s32 $0xB;
	s23 =	simm.s32 $0x200  }
0x6: {  	s21 =	simm.s32 $0x280;
	s7 =	simm.s32 $0x100;
	s22 =	simm.s32 $0x300  }
0x7: {  	v0 =	vlaneseq.u32;
	s20 =	simm.s32 $0x380;
	s29 =	simm.s32 $0x1;
	s26 =	simm.s32 $0x2  }
0x8: {  	s15 =	simm.s32 $0x4400;
	s28 =	simm.s32 $0x3;
	s11 =	simm.s32 $0x8400;
	v2 =	vmul.u32 $0x80, v0  }
0x9: {  	s30 =	simm.s32 $0x4;
	s8 =	simm.s32 $0xC400;
	s18 =	simm.s32 $0x10400  }
0xa: {  	s31 =	simm.s32 $0x5;
	s24 =	simm.s32 $0x10480;
	s3 =	sand.u32 $0x1, s3;
	v27 =	vor.u32 $0x40, v2;
	v24 =	vor.u32 $0x840, v2  }
0xb: {  	p0 =	por $0x0, $0x0;
	s13 =	simm.s32 $0x10580;
	s5 =	ssub.s32 $0x2, s3;
	v30 =	vor.u32 $0x1040, v2;
	v28 =	vor.u32 $0x1840, v2;
	v25 =	vor.u32 $0x2040, v2  }
0xc: {  	s12 =	simm.s32 $0x9;
	s9 =	simm.s32 $0xA;
	s16 =	sshrl.u32 s5, $0x1;
	v31 =	vor.u32 $0x2840, v2;
	v29 =	vor.u32 $0x3040, v2;
	v26 =	vor.u32 $0x3840, v2  }
0xd: {  	[smem:$0x7FF] =	sst s10;
	s19 =	sadd.s32 $0x1C00, s0;
	v21 =	vor.u32 $0x4040, v2;
	v18 =	vor.u32 $0x4840, v2;
	v16 =	vor.u32 $0x5040, v2;
	s17 =	ssub.s32 s5, s16  }
0xe: {  	s4 =	sshll.u32 s3, $0x6;
	s3 =	sadd.s32 $0x188600, s0;
	v22 =	vor.u32 $0x5840, v2;
	v19 =	vor.u32 $0x6040, v2;
	v17 =	vor.u32 $0x6840, v2;
	s0 =	smax.u32 s17, $0x1  }
0xf: {  	_ =	strace $0x8000004D;
	[dreg:$0x6] =	wrdreg s18;
	v23 =	vor.u32 $0x7040, v2;
	v20 =	vor.u32 $0x7840, v2;
	v10 =	vor.u32 $0x8040, v2;
	p1 =	sne.s32 s0, $0x1  }
.Ltmp0:
0x10: {  	s6 =	sshll.u32 s6, $0x7;
	[dreg:$0x7] =	wrdreg s24;
	v15 =	vor.u32 $0x8840, v2;
	v13 =	vor.u32 $0x9040, v2;
	v11 =	vor.u32 $0x9840, v2;
	(pc) =	sbr.rel @!p1 .LBB2_3-.Ltmp0, $4  }
0x11: {  	s24 =	simm.s32 $0x6;
	s18 =	simm.s32 $0x7;
	s1 =	sadd.s32 s1, s4;
	v14 =	vor.u32 $0xA040, v2;
	v12 =	vor.u32 $0xA840, v2;
	v8 =	vor.u32 $0xB040, v2  }
0x12: {  	s4 =	simm.s32 $0x80;
	v9 =	vor.u32 $0xB840, v2;
	v3 =	vor.u32 $0xC040, v2;
	v0 =	vor.u32 $0xC840, v2;
	s1 =	sadd.s32 s6, s1;
	s5 =	simm.s32 $0x180  }
0x13: {  	v6 =	vor.u32 $0xD040, v2;
	v4 =	vor.u32 $0xD840, v2;
	v1 =	vor.u32 $0xE040, v2;
	s6 =	simm.s32 $0x400;
	s16 =	simm.s32 $0x8;
	[dreg:$0x5] =	wrdreg s1  }
0x14: {  	v7 =	vor.u32 $0xE840, v2;
	v5 =	vor.u32 $0xF040, v2;
	v2 =	vor.u32 $0xF840, v2;
	s17 =	simm.s32 $0x10500;
	s0 =	sadd.s32 $0xFFFFFFFF, s0;
	s1 =	rddreg [dreg:$0x5]  }
0x15: {  	[tilespmem:s10], [sflag:$0xB] =	stream.linear.gather [hbm4b:s1+s10], $0x200, $0x38;
	[tilespmem:$0x10600] =	vst v63  }
0x16: {  	_ =	swait.ge [sflag:s25], $0x200  }
0x17: {  	[sflag:s25] =	ssyncset.done $0x0  }
0x18: {  	[sflag:s25] =	ssyncadd.s32 $0xFFFFFE00  }
0x19: {  	[tilespmem:s23], [sflag:$0x1] =	stream.indirect.gather [hbm4b:s19+s4], $0x1, s10, s4, $0xb8;
	[tilespmem:$0x10600] =	vst v63  }
0x1a: {  	_ = 	snop  }
0x1b: {  	[tilespmem:s21], [sflag:$0x2] =	stream.indirect.gather [hbm4b:s19+s4], $0x1, s4, s4, $0xb8;
	[tilespmem:$0x10600] =	vst v63  }
0x1c: {  	_ = 	snop  }
0x1d: {  	[tilespmem:s22], [sflag:$0x3] =	stream.indirect.gather [hbm4b:s19+s4], $0x1, s7, s4, $0xb8;
	[tilespmem:$0x10600] =	vst v63  }
0x1e: {  	_ = 	snop  }
0x1f: {  	[tilespmem:s20], [sflag:$0x4] =	stream.indirect.gather [hbm4b:s19+s4], $0x1, s5, s4, $0xb8;
	[tilespmem:$0x10600] =	vst v63  }
0x20: {  	_ =	swait.ge [sflag:s29], $0x80  }
0x21: {  	[sflag:s29] =	ssyncset.done $0x0  }
0x22: {  	[sflag:s29] =	ssyncadd.s32 $0xFFFFFF80  }
0x23: {  	[tilespmem:s6], [sflag:$0x5] =	stream.indirect.gather [hbm4b:s14+s4], $0x80, s23, s4, $0xb8;
	[tilespmem:$0x10600] =	vst v63  }
0x24: {  	_ =	swait.ge [sflag:s26], $0x80  }
0x25: {  	[sflag:s26] =	ssyncset.done $0x0  }
0x26: {  	[sflag:s26] =	ssyncadd.s32 $0xFFFFFF80  }
0x27: {  	[tilespmem:s15], [sflag:$0x6] =	stream.indirect.gather [hbm4b:s14+s4], $0x80, s21, s4, $0xb8;
	[tilespmem:$0x10600] =	vst v63  }
0x28: {  	_ =	swait.ge [sflag:s28], $0x80  }
0x29: {  	[sflag:s28] =	ssyncset.done $0x0  }
0x2a: {  	[sflag:s28] =	ssyncadd.s32 $0xFFFFFF80  }
0x2b: {  	[tilespmem:s11], [sflag:$0x7] =	stream.indirect.gather [hbm4b:s14+s4], $0x80, s22, s4, $0xb8;
	[tilespmem:$0x10600] =	vst v63  }
0x2c: {  	_ =	swait.ge [sflag:s30], $0x80  }
0x2d: {  	[sflag:s30] =	ssyncset.done $0x0  }
0x2e: {  	[sflag:s30] =	ssyncadd.s32 $0xFFFFFF80  }
0x2f: {  	[tilespmem:s8], [sflag:$0x8] =	stream.indirect.gather [hbm4b:s14+s4], $0x80, s20, s4, $0xb8;
	[tilespmem:$0x10600] =	vst v63  }
0x30: {  	_ =	swait.ge [sflag:s31], $0x4000  }
0x31: {  	[sflag:s31] =	ssyncset.done $0x0  }
0x32: {  	[sflag:s31] =	ssyncadd.s32 $0xFFFFC000  }
0x33: {  	v32 =	vld.idx.msk [tilespmem:v27+s6+$0x0], $0xffff;
	_ =	sdelay $0x4  }
0x34: {  	[tilespmem:$0x10400] =	vst v32  }
0x35: {  	v32 =	vld.idx.msk [tilespmem:v24+s6+$0x0], $0xffff;
	_ =	sdelay $0x4  }
0x36: {  	[tilespmem:$0x10410] =	vst v32  }
0x37: {  	v32 =	vld.idx.msk [tilespmem:v30+s6+$0x0], $0xffff;
	_ =	sdelay $0x4  }
0x38: {  	[tilespmem:$0x10420] =	vst v32  }
0x39: {  	v32 =	vld.idx.msk [tilespmem:v28+s6+$0x0], $0xffff;
	_ =	sdelay $0x4  }
0x3a: {  	[tilespmem:$0x10430] =	vst v32  }
0x3b: {  	v32 =	vld.idx.msk [tilespmem:v25+s6+$0x0], $0xffff;
	_ =	sdelay $0x4  }
0x3c: {  	[tilespmem:$0x10440] =	vst v32  }
0x3d: {  	v32 =	vld.idx.msk [tilespmem:v31+s6+$0x0], $0xffff;
	_ =	sdelay $0x4  }
0x3e: {  	[tilespmem:$0x10450] =	vst v32  }
0x3f: {  	v32 =	vld.idx.msk [tilespmem:v29+s6+$0x0], $0xffff;
	_ =	sdelay $0x4  }
0x40: {  	[tilespmem:$0x10460] =	vst v32  }
0x41: {  	v32 =	vld.idx.msk [tilespmem:v26+s6+$0x0], $0xffff;
	_ =	sdelay $0x4  }
0x42: {  	[tilespmem:$0x10470] =	vst v32  }
0x43: {  	[hbm4b:s3+s4] =	stream.indirect.scatter [tilespmem:s6], [sflag:$0x9], $0x80, s10, s4, $0xb8;
	[tilespmem:$0x10600] =	vst v63  }
0x44: {  	s1 =	rddreg [dreg:$0x6]  }
0x45: {  	[hbm4b:s2+s4] =	stream.indirect.scatter [tilespmem:s1], [sflag:$0xA], $0x1, s10, s4, $0xb8;
	[tilespmem:$0x10600] =	vst v63  }
0x46: {  	_ =	swait.ge [sflag:s24], $0x4000  }
0x47: {  	[sflag:s24] =	ssyncset.done $0x0  }
0x48: {  	[sflag:s24] =	ssyncadd.s32 $0xFFFFC000  }
0x49: {  	v61 =	vld.idx.msk [tilespmem:v21+s6+$0x0], $0xffff;
	_ =	sdelay $0x4  }
0x4a: {  	[tilespmem:$0x10480] =	vst v61  }
0x4b: {  	v32 =	vld.idx.msk [tilespmem:v18+s6+$0x0], $0xffff;
	_ =	sdelay $0x4  }
0x4c: {  	[tilespmem:$0x10490] =	vst v32  }
0x4d: {  	v32 =	vld.idx.msk [tilespmem:v16+s6+$0x0], $0xffff;
	_ =	sdelay $0x4  }
0x4e: {  	[tilespmem:$0x104A0] =	vst v32  }
0x4f: {  	v32 =	vld.idx.msk [tilespmem:v22+s6+$0x0], $0xffff;
	_ =	sdelay $0x4  }
0x50: {  	[tilespmem:$0x104B0] =	vst v32  }
0x51: {  	v32 =	vld.idx.msk [tilespmem:v19+s6+$0x0], $0xffff;
	_ =	sdelay $0x4  }
0x52: {  	[tilespmem:$0x104C0] =	vst v32  }
0x53: {  	v32 =	vld.idx.msk [tilespmem:v17+s6+$0x0], $0xffff;
	_ =	sdelay $0x4  }
0x54: {  	[tilespmem:$0x104D0] =	vst v32  }
0x55: {  	v32 =	vld.idx.msk [tilespmem:v23+s6+$0x0], $0xffff;
	_ =	sdelay $0x4  }
0x56: {  	[tilespmem:$0x104E0] =	vst v32  }
0x57: {  	v32 =	vld.idx.msk [tilespmem:v20+s6+$0x0], $0xffff;
	_ =	sdelay $0x4  }
0x58: {  	[tilespmem:$0x104F0] =	vst v32  }
0x59: {  	[hbm4b:s3+s4] =	stream.indirect.scatter [tilespmem:s15], [sflag:$0x9], $0x80, s4, s4, $0xb8;
	[tilespmem:$0x10600] =	vst v63  }
0x5a: {  	s1 =	rddreg [dreg:$0x7]  }
0x5b: {  	[hbm4b:s2+s4] =	stream.indirect.scatter [tilespmem:s1], [sflag:$0xA], $0x1, s4, s4, $0xb8;
	[tilespmem:$0x10600] =	vst v63  }
0x5c: {  	_ =	swait.ge [sflag:s18], $0x4000  }
0x5d: {  	[sflag:s18] =	ssyncset.done $0x0  }
0x5e: {  	[sflag:s18] =	ssyncadd.s32 $0xFFFFC000  }
0x5f: {  	v62 =	vld.idx.msk [tilespmem:v10+s6+$0x0], $0xffff;
	_ =	sdelay $0x4  }
0x60: {  	[tilespmem:$0x10500] =	vst v62  }
0x61: {  	v32 =	vld.idx.msk [tilespmem:v15+s6+$0x0], $0xffff;
	_ =	sdelay $0x4  }
0x62: {  	[tilespmem:$0x10510] =	vst v32  }
0x63: {  	v32 =	vld.idx.msk [tilespmem:v13+s6+$0x0], $0xffff;
	_ =	sdelay $0x4  }
0x64: {  	[tilespmem:$0x10520] =	vst v32  }
0x65: {  	v32 =	vld.idx.msk [tilespmem:v11+s6+$0x0], $0xffff;
	_ =	sdelay $0x4  }
0x66: {  	[tilespmem:$0x10530] =	vst v32  }
0x67: {  	v32 =	vld.idx.msk [tilespmem:v14+s6+$0x0], $0xffff;
	_ =	sdelay $0x4  }
0x68: {  	[tilespmem:$0x10540] =	vst v32  }
0x69: {  	v32 =	vld.idx.msk [tilespmem:v12+s6+$0x0], $0xffff;
	_ =	sdelay $0x4  }
0x6a: {  	[tilespmem:$0x10550] =	vst v32  }
0x6b: {  	v32 =	vld.idx.msk [tilespmem:v8+s6+$0x0], $0xffff;
	_ =	sdelay $0x4  }
0x6c: {  	[tilespmem:$0x10560] =	vst v32  }
0x6d: {  	v32 =	vld.idx.msk [tilespmem:v9+s6+$0x0], $0xffff;
	_ =	sdelay $0x4  }
0x6e: {  	[tilespmem:$0x10570] =	vst v32  }
0x6f: {  	[hbm4b:s3+s4] =	stream.indirect.scatter [tilespmem:s11], [sflag:$0x9], $0x80, s7, s4, $0xb8;
	[tilespmem:$0x10600] =	vst v63  }
0x70: {  	_ = 	snop  }
0x71: {  	[hbm4b:s2+s4] =	stream.indirect.scatter [tilespmem:s17], [sflag:$0xA], $0x1, s7, s4, $0xb8;
	[tilespmem:$0x10600] =	vst v63  }
0x72: {  	_ =	swait.ge [sflag:s16], $0x4000  }
0x73: {  	[sflag:s16] =	ssyncset.done $0x0  }
0x74: {  	[sflag:s16] =	ssyncadd.s32 $0xFFFFC000  }
0x75: {  	v63 =	vld.idx.msk [tilespmem:v3+s6+$0x0], $0xffff;
	_ =	sdelay $0x4  }
0x76: {  	[tilespmem:$0x10580] =	vst v63  }
0x77: {  	v32 =	vld.idx.msk [tilespmem:v0+s6+$0x0], $0xffff;
	_ =	sdelay $0x4  }
0x78: {  	[tilespmem:$0x10590] =	vst v32  }
0x79: {  	v32 =	vld.idx.msk [tilespmem:v6+s6+$0x0], $0xffff;
	_ =	sdelay $0x4  }
0x7a: {  	[tilespmem:$0x105A0] =	vst v32  }
0x7b: {  	v32 =	vld.idx.msk [tilespmem:v4+s6+$0x0], $0xffff;
	_ =	sdelay $0x4  }
0x7c: {  	[tilespmem:$0x105B0] =	vst v32  }
0x7d: {  	v32 =	vld.idx.msk [tilespmem:v1+s6+$0x0], $0xffff;
	_ =	sdelay $0x4  }
0x7e: {  	[tilespmem:$0x105C0] =	vst v32  }
0x7f: {  	v32 =	vld.idx.msk [tilespmem:v7+s6+$0x0], $0xffff;
	_ =	sdelay $0x4  }
0x80: {  	[tilespmem:$0x105D0] =	vst v32  }
0x81: {  	v32 =	vld.idx.msk [tilespmem:v5+s6+$0x0], $0xffff;
	_ =	sdelay $0x4  }
0x82: {  	[tilespmem:$0x105E0] =	vst v32  }
0x83: {  	v32 =	vld.idx.msk [tilespmem:v2+s6+$0x0], $0xffff;
	_ =	sdelay $0x4  }
0x84: {  	[tilespmem:$0x105F0] =	vst v32  }
0x85: {  	[hbm4b:s3+s4] =	stream.indirect.scatter [tilespmem:s8], [sflag:$0x9], $0x80, s5, s4, $0xb8;
	[tilespmem:$0x10600] =	vst v63  }
0x86: {  	_ = 	snop  }
0x87: {  	[hbm4b:s2+s4] =	stream.indirect.scatter [tilespmem:s13], [sflag:$0xA], $0x1, s5, s4, $0xb8;
	[tilespmem:$0x10600] =	vst v63  }
0x88: {  	_ =	swait.ge [sflag:s12], $0x4000  }
0x89: {  	[sflag:s12] =	ssyncset.done $0x0  }
0x8a: {  	[sflag:s12] =	ssyncadd.s32 $0xFFFFC000  }
0x8b: {  	_ =	swait.ge [sflag:s12], $0x4000  }
0x8c: {  	[sflag:s12] =	ssyncset.done $0x0  }
0x8d: {  	[sflag:s12] =	ssyncadd.s32 $0xFFFFC000  }
0x8e: {  	_ =	swait.ge [sflag:s12], $0x4000  }
0x8f: {  	[sflag:s12] =	ssyncset.done $0x0  }
0x90: {  	[sflag:s12] =	ssyncadd.s32 $0xFFFFC000  }
0x91: {  	_ =	swait.ge [sflag:s12], $0x4000  }
0x92: {  	[sflag:s12] =	ssyncset.done $0x0  }
0x93: {  	[sflag:s12] =	ssyncadd.s32 $0xFFFFC000  }
0x94: {  	_ =	swait.ge [sflag:s9], $0x80  }
0x95: {  	[sflag:s9] =	ssyncset.done $0x0  }
0x96: {  	[sflag:s9] =	ssyncadd.s32 $0xFFFFFF80  }
0x97: {  	_ =	swait.ge [sflag:s9], $0x80  }
0x98: {  	[sflag:s9] =	ssyncset.done $0x0  }
0x99: {  	p1 =	sne.s32 s0, $0x1;
	[sflag:s9] =	ssyncadd.s32 $0xFFFFFF80  }
.Ltmp1:
0x9a: {  	_ =	swait.ge [sflag:s9], $0x80;
	(pc) =	sbr.rel @!p1 .LBB2_3-.Ltmp1, $4  }
0x9b: {  	[sflag:s9] =	ssyncset.done $0x0  }
0x9c: {  	[sflag:s9] =	ssyncadd.s32 $0xFFFFFF80  }
0x9d: {  	s0 =	sadd.s32 $0xFFFFFFFF, s0;
	_ =	swait.ge [sflag:s9], $0x80  }
0x9e: {  	p0 =	por $0x1, $0x1;
	s1 =	rddreg [dreg:$0x5];
	[sflag:s9] =	ssyncset.done $0x0  }
.LBB2_2:
0x9f: {  	[sflag:s9] =	ssyncadd.s32 $0xFFFFFF80  }
0xa0: {  	[tilespmem:s10], [sflag:$0xB] =	stream.linear.gather [hbm4b:s1+s10], $0x200, $0x38;
	[tilespmem:$0x10600] =	vst v63  }
0xa1: {  	_ =	swait.ge [sflag:s25], $0x200  }
0xa2: {  	[sflag:s25] =	ssyncset.done $0x0  }
0xa3: {  	[sflag:s25] =	ssyncadd.s32 $0xFFFFFE00  }
0xa4: {  	[tilespmem:s23], [sflag:$0x1] =	stream.indirect.gather [hbm4b:s19+s4], $0x1, s10, s4, $0xb8;
	[tilespmem:$0x10600] =	vst v63  }
0xa5: {  	_ = 	snop  }
0xa6: {  	[tilespmem:s21], [sflag:$0x2] =	stream.indirect.gather [hbm4b:s19+s4], $0x1, s4, s4, $0xb8;
	[tilespmem:$0x10600] =	vst v63  }
0xa7: {  	_ = 	snop  }
0xa8: {  	[tilespmem:s22], [sflag:$0x3] =	stream.indirect.gather [hbm4b:s19+s4], $0x1, s7, s4, $0xb8;
	[tilespmem:$0x10600] =	vst v63  }
0xa9: {  	_ = 	snop  }
0xaa: {  	[tilespmem:s20], [sflag:$0x4] =	stream.indirect.gather [hbm4b:s19+s4], $0x1, s5, s4, $0xb8;
	[tilespmem:$0x10600] =	vst v63  }
0xab: {  	_ =	swait.ge [sflag:s29], $0x80  }
0xac: {  	[sflag:s29] =	ssyncset.done $0x0  }
0xad: {  	[sflag:s29] =	ssyncadd.s32 $0xFFFFFF80  }
0xae: {  	[tilespmem:s6], [sflag:$0x5] =	stream.indirect.gather [hbm4b:s14+s4], $0x80, s23, s4, $0xb8;
	[tilespmem:$0x10600] =	vst v63  }
0xaf: {  	_ =	swait.ge [sflag:s26], $0x80  }
0xb0: {  	[sflag:s26] =	ssyncset.done $0x0  }
0xb1: {  	[sflag:s26] =	ssyncadd.s32 $0xFFFFFF80  }
0xb2: {  	[tilespmem:s15], [sflag:$0x6] =	stream.indirect.gather [hbm4b:s14+s4], $0x80, s21, s4, $0xb8;
	[tilespmem:$0x10600] =	vst v63  }
0xb3: {  	_ =	swait.ge [sflag:s28], $0x80  }
0xb4: {  	[sflag:s28] =	ssyncset.done $0x0  }
0xb5: {  	[sflag:s28] =	ssyncadd.s32 $0xFFFFFF80  }
0xb6: {  	[tilespmem:s11], [sflag:$0x7] =	stream.indirect.gather [hbm4b:s14+s4], $0x80, s22, s4, $0xb8;
	[tilespmem:$0x10600] =	vst v63  }
0xb7: {  	_ =	swait.ge [sflag:s30], $0x80  }
0xb8: {  	[sflag:s30] =	ssyncset.done $0x0  }
0xb9: {  	[sflag:s30] =	ssyncadd.s32 $0xFFFFFF80  }
0xba: {  	[tilespmem:s8], [sflag:$0x8] =	stream.indirect.gather [hbm4b:s14+s4], $0x80, s20, s4, $0xb8;
	[tilespmem:$0x10600] =	vst v63  }
0xbb: {  	_ =	swait.ge [sflag:s31], $0x4000  }
0xbc: {  	[sflag:s31] =	ssyncset.done $0x0  }
0xbd: {  	[sflag:s31] =	ssyncadd.s32 $0xFFFFC000  }
0xbe: {  	v32 =	vld.idx.msk [tilespmem:v27+s6+$0x0], $0xffff;
	_ =	sdelay $0x4  }
0xbf: {  	[tilespmem:$0x10400] =	vst v32  }
0xc0: {  	v32 =	vld.idx.msk [tilespmem:v24+s6+$0x0], $0xffff;
	_ =	sdelay $0x4  }
0xc1: {  	[tilespmem:$0x10410] =	vst v32  }
0xc2: {  	v32 =	vld.idx.msk [tilespmem:v30+s6+$0x0], $0xffff;
	_ =	sdelay $0x4  }
0xc3: {  	[tilespmem:$0x10420] =	vst v32  }
0xc4: {  	v32 =	vld.idx.msk [tilespmem:v28+s6+$0x0], $0xffff;
	_ =	sdelay $0x4  }
0xc5: {  	[tilespmem:$0x10430] =	vst v32  }
0xc6: {  	v32 =	vld.idx.msk [tilespmem:v25+s6+$0x0], $0xffff;
	_ =	sdelay $0x4  }
0xc7: {  	[tilespmem:$0x10440] =	vst v32  }
0xc8: {  	v32 =	vld.idx.msk [tilespmem:v31+s6+$0x0], $0xffff;
	_ =	sdelay $0x4  }
0xc9: {  	[tilespmem:$0x10450] =	vst v32  }
0xca: {  	v32 =	vld.idx.msk [tilespmem:v29+s6+$0x0], $0xffff;
	_ =	sdelay $0x4  }
0xcb: {  	[tilespmem:$0x10460] =	vst v32  }
0xcc: {  	v32 =	vld.idx.msk [tilespmem:v26+s6+$0x0], $0xffff;
	_ =	sdelay $0x4  }
0xcd: {  	[tilespmem:$0x10470] =	vst v32  }
0xce: {  	[hbm4b:s3+s4] =	stream.indirect.scatter [tilespmem:s6], [sflag:$0x9], $0x80, s10, s4, $0xb8;
	[tilespmem:$0x10600] =	vst v63  }
0xcf: {  	s1 =	rddreg [dreg:$0x6]  }
0xd0: {  	[hbm4b:s2+s4] =	stream.indirect.scatter [tilespmem:s1], [sflag:$0xA], $0x1, s10, s4, $0xb8;
	[tilespmem:$0x10600] =	vst v63  }
0xd1: {  	_ =	swait.ge [sflag:s24], $0x4000  }
0xd2: {  	[sflag:s24] =	ssyncset.done $0x0  }
0xd3: {  	[sflag:s24] =	ssyncadd.s32 $0xFFFFC000  }
0xd4: {  	v61 =	vld.idx.msk [tilespmem:v21+s6+$0x0], $0xffff;
	_ =	sdelay $0x4  }
0xd5: {  	[tilespmem:$0x10480] =	vst v61  }
0xd6: {  	v32 =	vld.idx.msk [tilespmem:v18+s6+$0x0], $0xffff;
	_ =	sdelay $0x4  }
0xd7: {  	[tilespmem:$0x10490] =	vst v32  }
0xd8: {  	v32 =	vld.idx.msk [tilespmem:v16+s6+$0x0], $0xffff;
	_ =	sdelay $0x4  }
0xd9: {  	[tilespmem:$0x104A0] =	vst v32  }
0xda: {  	v32 =	vld.idx.msk [tilespmem:v22+s6+$0x0], $0xffff;
	_ =	sdelay $0x4  }
0xdb: {  	[tilespmem:$0x104B0] =	vst v32  }
0xdc: {  	v32 =	vld.idx.msk [tilespmem:v19+s6+$0x0], $0xffff;
	_ =	sdelay $0x4  }
0xdd: {  	[tilespmem:$0x104C0] =	vst v32  }
0xde: {  	v32 =	vld.idx.msk [tilespmem:v17+s6+$0x0], $0xffff;
	_ =	sdelay $0x4  }
0xdf: {  	[tilespmem:$0x104D0] =	vst v32  }
0xe0: {  	v32 =	vld.idx.msk [tilespmem:v23+s6+$0x0], $0xffff;
	_ =	sdelay $0x4  }
0xe1: {  	[tilespmem:$0x104E0] =	vst v32  }
0xe2: {  	v32 =	vld.idx.msk [tilespmem:v20+s6+$0x0], $0xffff;
	_ =	sdelay $0x4  }
0xe3: {  	[tilespmem:$0x104F0] =	vst v32  }
0xe4: {  	[hbm4b:s3+s4] =	stream.indirect.scatter [tilespmem:s15], [sflag:$0x9], $0x80, s4, s4, $0xb8;
	[tilespmem:$0x10600] =	vst v63  }
0xe5: {  	s1 =	rddreg [dreg:$0x7]  }
0xe6: {  	[hbm4b:s2+s4] =	stream.indirect.scatter [tilespmem:s1], [sflag:$0xA], $0x1, s4, s4, $0xb8;
	[tilespmem:$0x10600] =	vst v63  }
0xe7: {  	_ =	swait.ge [sflag:s18], $0x4000  }
0xe8: {  	[sflag:s18] =	ssyncset.done $0x0  }
0xe9: {  	[sflag:s18] =	ssyncadd.s32 $0xFFFFC000  }
0xea: {  	v62 =	vld.idx.msk [tilespmem:v10+s6+$0x0], $0xffff;
	_ =	sdelay $0x4  }
0xeb: {  	[tilespmem:$0x10500] =	vst v62  }
0xec: {  	v32 =	vld.idx.msk [tilespmem:v15+s6+$0x0], $0xffff;
	_ =	sdelay $0x4  }
0xed: {  	[tilespmem:$0x10510] =	vst v32  }
0xee: {  	v32 =	vld.idx.msk [tilespmem:v13+s6+$0x0], $0xffff;
	_ =	sdelay $0x4  }
0xef: {  	[tilespmem:$0x10520] =	vst v32  }
0xf0: {  	v32 =	vld.idx.msk [tilespmem:v11+s6+$0x0], $0xffff;
	_ =	sdelay $0x4  }
0xf1: {  	[tilespmem:$0x10530] =	vst v32  }
0xf2: {  	v32 =	vld.idx.msk [tilespmem:v14+s6+$0x0], $0xffff;
	_ =	sdelay $0x4  }
0xf3: {  	[tilespmem:$0x10540] =	vst v32  }
0xf4: {  	v32 =	vld.idx.msk [tilespmem:v12+s6+$0x0], $0xffff;
	_ =	sdelay $0x4  }
0xf5: {  	[tilespmem:$0x10550] =	vst v32  }
0xf6: {  	v32 =	vld.idx.msk [tilespmem:v8+s6+$0x0], $0xffff;
	_ =	sdelay $0x4  }
0xf7: {  	[tilespmem:$0x10560] =	vst v32  }
0xf8: {  	v32 =	vld.idx.msk [tilespmem:v9+s6+$0x0], $0xffff;
	_ =	sdelay $0x4  }
0xf9: {  	[tilespmem:$0x10570] =	vst v32  }
0xfa: {  	[hbm4b:s3+s4] =	stream.indirect.scatter [tilespmem:s11], [sflag:$0x9], $0x80, s7, s4, $0xb8;
	[tilespmem:$0x10600] =	vst v63  }
0xfb: {  	_ = 	snop  }
0xfc: {  	[hbm4b:s2+s4] =	stream.indirect.scatter [tilespmem:s17], [sflag:$0xA], $0x1, s7, s4, $0xb8;
	[tilespmem:$0x10600] =	vst v63  }
0xfd: {  	_ =	swait.ge [sflag:s16], $0x4000  }
0xfe: {  	[sflag:s16] =	ssyncset.done $0x0  }
0xff: {  	[sflag:s16] =	ssyncadd.s32 $0xFFFFC000  }
0x100: {  	v63 =	vld.idx.msk [tilespmem:v3+s6+$0x0], $0xffff;
	_ =	sdelay $0x4  }
0x101: {  	[tilespmem:$0x10580] =	vst v63  }
0x102: {  	v32 =	vld.idx.msk [tilespmem:v0+s6+$0x0], $0xffff;
	_ =	sdelay $0x4  }
0x103: {  	[tilespmem:$0x10590] =	vst v32  }
0x104: {  	v32 =	vld.idx.msk [tilespmem:v6+s6+$0x0], $0xffff;
	_ =	sdelay $0x4  }
0x105: {  	[tilespmem:$0x105A0] =	vst v32  }
0x106: {  	v32 =	vld.idx.msk [tilespmem:v4+s6+$0x0], $0xffff;
	_ =	sdelay $0x4  }
0x107: {  	[tilespmem:$0x105B0] =	vst v32  }
0x108: {  	v32 =	vld.idx.msk [tilespmem:v1+s6+$0x0], $0xffff;
	_ =	sdelay $0x4  }
0x109: {  	[tilespmem:$0x105C0] =	vst v32  }
0x10a: {  	v32 =	vld.idx.msk [tilespmem:v7+s6+$0x0], $0xffff;
	_ =	sdelay $0x4  }
0x10b: {  	[tilespmem:$0x105D0] =	vst v32  }
0x10c: {  	v32 =	vld.idx.msk [tilespmem:v5+s6+$0x0], $0xffff;
	_ =	sdelay $0x4  }
0x10d: {  	[tilespmem:$0x105E0] =	vst v32  }
0x10e: {  	v32 =	vld.idx.msk [tilespmem:v2+s6+$0x0], $0xffff;
	_ =	sdelay $0x4  }
0x10f: {  	[tilespmem:$0x105F0] =	vst v32  }
0x110: {  	[hbm4b:s3+s4] =	stream.indirect.scatter [tilespmem:s8], [sflag:$0x9], $0x80, s5, s4, $0xb8;
	[tilespmem:$0x10600] =	vst v63  }
0x111: {  	_ = 	snop  }
0x112: {  	[hbm4b:s2+s4] =	stream.indirect.scatter [tilespmem:s13], [sflag:$0xA], $0x1, s5, s4, $0xb8;
	[tilespmem:$0x10600] =	vst v63  }
0x113: {  	_ =	swait.ge [sflag:s12], $0x4000  }
0x114: {  	[sflag:s12] =	ssyncset.done $0x0  }
0x115: {  	[sflag:s12] =	ssyncadd.s32 $0xFFFFC000  }
0x116: {  	_ =	swait.ge [sflag:s12], $0x4000  }
0x117: {  	[sflag:s12] =	ssyncset.done $0x0  }
0x118: {  	[sflag:s12] =	ssyncadd.s32 $0xFFFFC000  }
0x119: {  	_ =	swait.ge [sflag:s12], $0x4000  }
0x11a: {  	[sflag:s12] =	ssyncset.done $0x0  }
0x11b: {  	[sflag:s12] =	ssyncadd.s32 $0xFFFFC000  }
0x11c: {  	_ =	swait.ge [sflag:s12], $0x4000  }
0x11d: {  	[sflag:s12] =	ssyncset.done $0x0  }
0x11e: {  	[sflag:s12] =	ssyncadd.s32 $0xFFFFC000  }
0x11f: {  	_ =	swait.ge [sflag:s9], $0x80  }
0x120: {  	[sflag:s9] =	ssyncset.done $0x0  }
0x121: {  	[sflag:s9] =	ssyncadd.s32 $0xFFFFFF80  }
0x122: {  	_ =	swait.ge [sflag:s9], $0x80  }
0x123: {  	[sflag:s9] =	ssyncset.done $0x0  }
0x124: {  	p1 =	sne.s32 s0, $0x1;
	[sflag:s9] =	ssyncadd.s32 $0xFFFFFF80  }
.Ltmp2:
0x125: {  	_ =	swait.ge [sflag:s9], $0x80;
	(pc) =	sbr.rel @p1 .LBB2_2-.Ltmp2, $4  }
0x126: {  	[sflag:s9] =	ssyncset.done $0x0  }
0x127: {  	[sflag:s9] =	ssyncadd.s32 $0xFFFFFF80  }
0x128: {  	_ =	swait.ge [sflag:s9], $0x80  }
0x129: {  	s0 =	sadd.s32 $0xFFFFFFFF, s0;
	s1 =	rddreg [dreg:$0x5];
	[sflag:s9] =	ssyncset.done $0x0  }
.LBB2_3:
0x12a: {  	[sflag:s9] =	ssyncadd.s32 @p0 $0xFFFFFF80  }
0x12b: {  	[tilespmem:s10], [sflag:$0xB] =	stream.linear.gather [hbm4b:s1+s10], $0x200, $0x38;
	[tilespmem:$0x10600] =	vst v63  }
0x12c: {  	_ =	swait.ge [sflag:s25], $0x200  }
0x12d: {  	[sflag:s25] =	ssyncset.done $0x0  }
0x12e: {  	[sflag:s25] =	ssyncadd.s32 $0xFFFFFE00  }
0x12f: {  	[tilespmem:s23], [sflag:$0x1] =	stream.indirect.gather [hbm4b:s19+s4], $0x1, s10, s4, $0xb8;
	[tilespmem:$0x10600] =	vst v63  }
0x130: {  	_ = 	snop  }
0x131: {  	[tilespmem:s21], [sflag:$0x2] =	stream.indirect.gather [hbm4b:s19+s4], $0x1, s4, s4, $0xb8;
	[tilespmem:$0x10600] =	vst v63  }
0x132: {  	_ = 	snop  }
0x133: {  	[tilespmem:s22], [sflag:$0x3] =	stream.indirect.gather [hbm4b:s19+s4], $0x1, s7, s4, $0xb8;
	[tilespmem:$0x10600] =	vst v63  }
0x134: {  	_ = 	snop  }
0x135: {  	[tilespmem:s20], [sflag:$0x4] =	stream.indirect.gather [hbm4b:s19+s4], $0x1, s5, s4, $0xb8;
	[tilespmem:$0x10600] =	vst v63  }
0x136: {  	_ =	swait.ge [sflag:s29], $0x80  }
0x137: {  	[sflag:s29] =	ssyncset.done $0x0  }
0x138: {  	[sflag:s29] =	ssyncadd.s32 $0xFFFFFF80  }
0x139: {  	[tilespmem:s6], [sflag:$0x5] =	stream.indirect.gather [hbm4b:s14+s4], $0x80, s23, s4, $0xb8;
	[tilespmem:$0x10600] =	vst v63  }
0x13a: {  	_ =	swait.ge [sflag:s26], $0x80  }
0x13b: {  	[sflag:s26] =	ssyncset.done $0x0  }
0x13c: {  	[sflag:s26] =	ssyncadd.s32 $0xFFFFFF80  }
0x13d: {  	[tilespmem:s15], [sflag:$0x6] =	stream.indirect.gather [hbm4b:s14+s4], $0x80, s21, s4, $0xb8;
	[tilespmem:$0x10600] =	vst v63  }
0x13e: {  	_ =	swait.ge [sflag:s28], $0x80  }
0x13f: {  	[sflag:s28] =	ssyncset.done $0x0  }
0x140: {  	[sflag:s28] =	ssyncadd.s32 $0xFFFFFF80  }
0x141: {  	[tilespmem:s11], [sflag:$0x7] =	stream.indirect.gather [hbm4b:s14+s4], $0x80, s22, s4, $0xb8;
	[tilespmem:$0x10600] =	vst v63  }
0x142: {  	_ =	swait.ge [sflag:s30], $0x80  }
0x143: {  	[sflag:s30] =	ssyncset.done $0x0  }
0x144: {  	[sflag:s30] =	ssyncadd.s32 $0xFFFFFF80  }
0x145: {  	[tilespmem:s8], [sflag:$0x8] =	stream.indirect.gather [hbm4b:s14+s4], $0x80, s20, s4, $0xb8;
	[tilespmem:$0x10600] =	vst v63  }
0x146: {  	_ =	swait.ge [sflag:s31], $0x4000  }
0x147: {  	[sflag:s31] =	ssyncset.done $0x0  }
0x148: {  	[sflag:s31] =	ssyncadd.s32 $0xFFFFC000  }
0x149: {  	v27 =	vld.idx.msk [tilespmem:v27+s6+$0x0], $0xffff;
	_ =	sdelay $0x4  }
0x14a: {  	[tilespmem:$0x10400] =	vst v27  }
0x14b: {  	v24 =	vld.idx.msk [tilespmem:v24+s6+$0x0], $0xffff;
	_ =	sdelay $0x4  }
0x14c: {  	[tilespmem:$0x10410] =	vst v24  }
0x14d: {  	v24 =	vld.idx.msk [tilespmem:v30+s6+$0x0], $0xffff;
	_ =	sdelay $0x4  }
0x14e: {  	[tilespmem:$0x10420] =	vst v24  }
0x14f: {  	v24 =	vld.idx.msk [tilespmem:v28+s6+$0x0], $0xffff;
	_ =	sdelay $0x4  }
0x150: {  	[tilespmem:$0x10430] =	vst v24  }
0x151: {  	v24 =	vld.idx.msk [tilespmem:v25+s6+$0x0], $0xffff;
	_ =	sdelay $0x4  }
0x152: {  	[tilespmem:$0x10440] =	vst v24  }
0x153: {  	v24 =	vld.idx.msk [tilespmem:v31+s6+$0x0], $0xffff;
	_ =	sdelay $0x4  }
0x154: {  	[tilespmem:$0x10450] =	vst v24  }
0x155: {  	v24 =	vld.idx.msk [tilespmem:v29+s6+$0x0], $0xffff;
	_ =	sdelay $0x4  }
0x156: {  	[tilespmem:$0x10460] =	vst v24  }
0x157: {  	v24 =	vld.idx.msk [tilespmem:v26+s6+$0x0], $0xffff;
	_ =	sdelay $0x4  }
0x158: {  	[tilespmem:$0x10470] =	vst v24  }
0x159: {  	[hbm4b:s3+s4] =	stream.indirect.scatter [tilespmem:s6], [sflag:$0x9], $0x80, s10, s4, $0xb8;
	[tilespmem:$0x10600] =	vst v63  }
0x15a: {  	s0 =	rddreg [dreg:$0x6]  }
0x15b: {  	[hbm4b:s2+s4] =	stream.indirect.scatter [tilespmem:s0], [sflag:$0xA], $0x1, s10, s4, $0xb8;
	[tilespmem:$0x10600] =	vst v63  }
0x15c: {  	_ =	swait.ge [sflag:s24], $0x4000  }
0x15d: {  	[sflag:s24] =	ssyncset.done $0x0  }
0x15e: {  	[sflag:s24] =	ssyncadd.s32 $0xFFFFC000  }
0x15f: {  	v21 =	vld.idx.msk [tilespmem:v21+s6+$0x0], $0xffff;
	_ =	sdelay $0x4  }
0x160: {  	[tilespmem:$0x10480] =	vst v21  }
0x161: {  	v18 =	vld.idx.msk [tilespmem:v18+s6+$0x0], $0xffff;
	_ =	sdelay $0x4  }
0x162: {  	[tilespmem:$0x10490] =	vst v18  }
0x163: {  	v16 =	vld.idx.msk [tilespmem:v16+s6+$0x0], $0xffff;
	_ =	sdelay $0x4  }
0x164: {  	[tilespmem:$0x104A0] =	vst v16  }
0x165: {  	v16 =	vld.idx.msk [tilespmem:v22+s6+$0x0], $0xffff;
	_ =	sdelay $0x4  }
0x166: {  	[tilespmem:$0x104B0] =	vst v16  }
0x167: {  	v16 =	vld.idx.msk [tilespmem:v19+s6+$0x0], $0xffff;
	_ =	sdelay $0x4  }
0x168: {  	[tilespmem:$0x104C0] =	vst v16  }
0x169: {  	v16 =	vld.idx.msk [tilespmem:v17+s6+$0x0], $0xffff;
	_ =	sdelay $0x4  }
0x16a: {  	[tilespmem:$0x104D0] =	vst v16  }
0x16b: {  	v16 =	vld.idx.msk [tilespmem:v23+s6+$0x0], $0xffff;
	_ =	sdelay $0x4  }
0x16c: {  	[tilespmem:$0x104E0] =	vst v16  }
0x16d: {  	v16 =	vld.idx.msk [tilespmem:v20+s6+$0x0], $0xffff;
	_ =	sdelay $0x4  }
0x16e: {  	[tilespmem:$0x104F0] =	vst v16  }
0x16f: {  	[hbm4b:s3+s4] =	stream.indirect.scatter [tilespmem:s15], [sflag:$0x9], $0x80, s4, s4, $0xb8;
	[tilespmem:$0x10600] =	vst v63  }
0x170: {  	s30 =	rddreg [dreg:$0x7]  }
0x171: {  	[hbm4b:s2+s4] =	stream.indirect.scatter [tilespmem:s30], [sflag:$0xA], $0x1, s4, s4, $0xb8;
	[tilespmem:$0x10600] =	vst v63  }
0x172: {  	_ =	swait.ge [sflag:s18], $0x4000  }
0x173: {  	[sflag:s18] =	ssyncset.done $0x0  }
0x174: {  	[sflag:s18] =	ssyncadd.s32 $0xFFFFC000  }
0x175: {  	v10 =	vld.idx.msk [tilespmem:v10+s6+$0x0], $0xffff;
	_ =	sdelay $0x4  }
0x176: {  	[tilespmem:$0x10500] =	vst v10  }
0x177: {  	v10 =	vld.idx.msk [tilespmem:v15+s6+$0x0], $0xffff;
	_ =	sdelay $0x4  }
0x178: {  	[tilespmem:$0x10510] =	vst v10  }
0x179: {  	v10 =	vld.idx.msk [tilespmem:v13+s6+$0x0], $0xffff;
	_ =	sdelay $0x4  }
0x17a: {  	[tilespmem:$0x10520] =	vst v10  }
0x17b: {  	v10 =	vld.idx.msk [tilespmem:v11+s6+$0x0], $0xffff;
	_ =	sdelay $0x4  }
0x17c: {  	[tilespmem:$0x10530] =	vst v10  }
0x17d: {  	v10 =	vld.idx.msk [tilespmem:v14+s6+$0x0], $0xffff;
	_ =	sdelay $0x4  }
0x17e: {  	[tilespmem:$0x10540] =	vst v10  }
0x17f: {  	v10 =	vld.idx.msk [tilespmem:v12+s6+$0x0], $0xffff;
	_ =	sdelay $0x4  }
0x180: {  	[tilespmem:$0x10550] =	vst v10  }
0x181: {  	v8 =	vld.idx.msk [tilespmem:v8+s6+$0x0], $0xffff;
	_ =	sdelay $0x4  }
0x182: {  	[tilespmem:$0x10560] =	vst v8  }
0x183: {  	v8 =	vld.idx.msk [tilespmem:v9+s6+$0x0], $0xffff;
	_ =	sdelay $0x4  }
0x184: {  	[tilespmem:$0x10570] =	vst v8  }
0x185: {  	[hbm4b:s3+s4] =	stream.indirect.scatter [tilespmem:s11], [sflag:$0x9], $0x80, s7, s4, $0xb8;
	[tilespmem:$0x10600] =	vst v63  }
0x186: {  	_ = 	snop  }
0x187: {  	[hbm4b:s2+s4] =	stream.indirect.scatter [tilespmem:s17], [sflag:$0xA], $0x1, s7, s4, $0xb8;
	[tilespmem:$0x10600] =	vst v63  }
0x188: {  	_ =	swait.ge [sflag:s16], $0x4000  }
0x189: {  	[sflag:s16] =	ssyncset.done $0x0  }
0x18a: {  	[sflag:s16] =	ssyncadd.s32 $0xFFFFC000  }
0x18b: {  	v3 =	vld.idx.msk [tilespmem:v3+s6+$0x0], $0xffff;
	_ =	sdelay $0x4  }
0x18c: {  	[tilespmem:$0x10580] =	vst v3  }
0x18d: {  	v0 =	vld.idx.msk [tilespmem:v0+s6+$0x0], $0xffff;
	_ =	sdelay $0x4  }
0x18e: {  	[tilespmem:$0x10590] =	vst v0  }
0x18f: {  	v0 =	vld.idx.msk [tilespmem:v6+s6+$0x0], $0xffff;
	_ =	sdelay $0x4  }
0x190: {  	[tilespmem:$0x105A0] =	vst v0  }
0x191: {  	v0 =	vld.idx.msk [tilespmem:v4+s6+$0x0], $0xffff;
	_ =	sdelay $0x4  }
0x192: {  	[tilespmem:$0x105B0] =	vst v0  }
0x193: {  	v0 =	vld.idx.msk [tilespmem:v1+s6+$0x0], $0xffff;
	_ =	sdelay $0x4  }
0x194: {  	[tilespmem:$0x105C0] =	vst v0  }
0x195: {  	v0 =	vld.idx.msk [tilespmem:v7+s6+$0x0], $0xffff;
	_ =	sdelay $0x4  }
0x196: {  	[tilespmem:$0x105D0] =	vst v0  }
0x197: {  	v0 =	vld.idx.msk [tilespmem:v5+s6+$0x0], $0xffff;
	_ =	sdelay $0x4  }
0x198: {  	[tilespmem:$0x105E0] =	vst v0  }
0x199: {  	v0 =	vld.idx.msk [tilespmem:v2+s6+$0x0], $0xffff;
	_ =	sdelay $0x4  }
0x19a: {  	[tilespmem:$0x105F0] =	vst v0  }
0x19b: {  	[hbm4b:s3+s4] =	stream.indirect.scatter [tilespmem:s8], [sflag:$0x9], $0x80, s5, s4, $0xb8;
	[tilespmem:$0x10600] =	vst v63  }
0x19c: {  	_ = 	snop  }
0x19d: {  	[hbm4b:s2+s4] =	stream.indirect.scatter [tilespmem:s13], [sflag:$0xA], $0x1, s5, s4, $0xb8;
	[tilespmem:$0x10600] =	vst v63  }
0x19e: {  	_ =	swait.ge [sflag:s12], $0x4000  }
0x19f: {  	[sflag:s12] =	ssyncset.done $0x0  }
0x1a0: {  	[sflag:s12] =	ssyncadd.s32 $0xFFFFC000  }
0x1a1: {  	_ =	swait.ge [sflag:s12], $0x4000  }
0x1a2: {  	[sflag:s12] =	ssyncset.done $0x0  }
0x1a3: {  	[sflag:s12] =	ssyncadd.s32 $0xFFFFC000  }
0x1a4: {  	_ =	swait.ge [sflag:s12], $0x4000  }
0x1a5: {  	[sflag:s12] =	ssyncset.done $0x0  }
0x1a6: {  	[sflag:s12] =	ssyncadd.s32 $0xFFFFC000  }
0x1a7: {  	_ =	swait.ge [sflag:s12], $0x4000  }
0x1a8: {  	[sflag:s12] =	ssyncset.done $0x0  }
0x1a9: {  	[sflag:s12] =	ssyncadd.s32 $0xFFFFC000  }
0x1aa: {  	_ =	swait.ge [sflag:s9], $0x80  }
0x1ab: {  	[sflag:s9] =	ssyncset.done $0x0  }
0x1ac: {  	[sflag:s9] =	ssyncadd.s32 $0xFFFFFF80  }
0x1ad: {  	_ =	swait.ge [sflag:s9], $0x80  }
0x1ae: {  	[sflag:s9] =	ssyncset.done $0x0  }
0x1af: {  	[sflag:s9] =	ssyncadd.s32 $0xFFFFFF80  }
0x1b0: {  	_ =	swait.ge [sflag:s9], $0x80  }
0x1b1: {  	[sflag:s9] =	ssyncset.done $0x0  }
0x1b2: {  	[sflag:s9] =	ssyncadd.s32 $0xFFFFFF80  }
0x1b3: {  	_ =	swait.ge [sflag:s9], $0x80  }
0x1b4: {  	[sflag:s9] =	ssyncset.done $0x0  }
0x1b5: {  	[sflag:s9] =	ssyncadd.s32 $0xFFFFFF80  }
0x1b6: {  	_ =	sfence.sel $0x180000  }
0x1b7: {  	[bflag:$0x0] =	sbarrier.arrive $0xFFFF  }
0x1b8: {  	_ =	strace $0x9000004D  }
0x1b9: {  	s31 =	stileid.u32;
	[bflag:$0x2] =	sbarrier.arrive $0xFFFF  }
0x1ba: {  	p0 =	sne.s32 s31, $0x0;
	s0 =	rddreg [dreg:$0x4]  }
0x1bb: {  	s0 =	sadd.s32 @!p0 $0x100000, s0  }
0x1bc: {  	[sflag:s0] =	ssyncadd.tile.s32 @!p0 $0x1;
	_ =	shalt  }
.Lfunc_end2:
_tile_overlayer_lowered:
.L_overlay_start_2:
0x1bd: {  	(tag) =	ssettag $0x2  }
0x1be: {  	s0 =	rddreg [dreg:$0x0];
	s2 =	stileid.u32  }
0x1bf: {  	s1 =	rddreg [dreg:$0x1];
	p0 =	sne.s32 s2, $0x0  }
0x1c0: {  	s3 =	rddreg [dreg:$0x2];
	[bflag:$0x3] =	sbarrier.arrive $0xFFFF;
	s2 =	simm.s32 @!p0 $0x1C0B  }
0x1c1: {  	[timem:s3], [sflag:s2] =	dma.local @!p0 [hbm:s0], s1  }
0x1c2: {  	s0 =	simm.s32 @!p0 $0xB  }
0x1c3: {  	_ =	swait.ge @!p0 [sflag:s0], s1  }
0x1c4: {  	s1 =	ssub.s32 @!p0 $0x0, s1;
	[sflag:s0] =	ssyncset.done @!p0 $0x0  }
0x1c5: {  	[sflag:s0] =	ssyncadd.s32 @!p0 s1  }
0x1c6: {  	[bflag:$0x3] =	sbarrier.arrive $0xFFFF  }
0x1c7: {  	_ =	shalt  }

// kernel: kernel.6.cloned.1.call-start
scs
__scs_entry_jumppad:
0x0: {  	(pc) =	sbr.rel $0x88, $3  }
0x1: {  	(tag) =	ssettag $0x0;
	lr =	simm.s32 $0x1  }
0x2: {  	[smem:$0x3F9C] =	sst lr;
	_ =	strace $0xD0000000  }
0x3: {  	_ = 	snop  }
0x4: {  	_ = 	snop  }
0x5: {  	_ = 	snop  }
0x6: {  	_ = 	snop  }
0x7: {  	_ = 	snop  }
__scs_overlays_trampoline_lowered:
0x8: {  	[smem:$0x3FAB] =	sst s0  }
0x9: {  	[smem:$0x3FAC] =	sst s1  }
0xa: {  	[smem:$0x3FAD] =	sst s2  }
0xb: {  	[smem:$0x3FAE] =	sst s3  }
0xc: {  	[smem:$0x3FAF] =	sst s4  }
0xd: {  	[smem:$0x3FB0] =	sst s5  }
0xe: {  	[smem:$0x3FB1] =	sst s6  }
0xf: {  	[smem:$0x3FB2] =	sst s7  }
0x10: {  	[smem:$0x3FB3] =	sst s8  }
0x11: {  	[smem:$0x3FB4] =	sst s9;
	s0 =	simm.s32 @!p0 $0x0  }
0x12: {  	s1 =	sld [smem:$0x3F9A];
	s0 =	simm.s32 @p0 $0x1  }
0x13: {  	[smem:$0x3FB5] =	sst s0;
	s0 =	simm.s32 @!p1 $0x0  }
0x14: {  	s2 =	sld [smem:$0x3F99];
	s0 =	simm.s32 @p1 $0x1  }
0x15: {  	[smem:$0x3FB6] =	sst s0;
	s0 =	simm.s32 @!p2 $0x0  }
0x16: {  	s3 =	sld [smem:$0x3FDB];
	s0 =	simm.s32 @p2 $0x1  }
0x17: {  	s4 =	simm.s32 $0x1BF5;
	[smem:$0x3FB8] =	sst s0  }
0x18: {  	s0 =	sld [smem:$0x3F9B];
	_ =	swait.ge [sflag:s4], $0x0  }
0x19: {  	s7 =	sld [smem:$0x3F9C]  }
0x1a: {  	s8 =	sadd.s32 $0xFFFFE003, lr  }
0x1b: {  	s9 =	sadd.s32 $0xFFFFFEF7, lr;
	s5 =	simm.s32 $0xFFFFFFFF;
	p2 =	slt.u32 s8, $0xFFFFF086  }
0x1c: {  	p1 =	slt.u32 s9, $0xF7A;
	s5 =	simm.s32 @!p2 $0x0  }
0x1d: {  	s5 =	simm.s32 @p1 $0x1;
	p0 =	seq.s32 s7, s2  }
0x1e: {  	s7 =	smul.u32 @!p0 $0xF7A, s2;
	p2 =	seq.s32 @!p0 s5, $0x0  }
0x1f: {  	s9 =	smul.u32 $0xF7A, s1;
	s8 =	simm.s32 @!p0 $0x1BF5;
	p2 =	por !p2, p0  }
0x20: {  	[sflag:s8] =	ssyncset.s32 @!p0 $0xFFFFF086;
	s6 =	sadd.s32 @!p0 s3, s7;
	s7 =	simm.s32 @!p0 $0x108  }
0x21: {  	s3 =	sadd.s32 s3, s9;
	s6 =	sadd.s32 @!p0 $0x88, s6;
	s7 =	simm.s32 @p2 $0x1082  }
0x22: {  	[simem:s7], [sflag:s8] =	dma.local @!p0 [hbm:s6], $0xF7A  }
0x23: {  	s9 =	sor.u32 $0xD0000000, s2;
	s6 =	simm.s32 $0x108;
	_ =	swait.ge @!p0 [sflag:s8], $0x0  }
0x24: {  	s3 =	sadd.s32 $0x88, s3;
	s6 =	simm.s32 @!p1 $0x1082;
	[sflag:s4] =	ssyncset.s32 $0xFFFFF086  }
0x25: {  	[simem:s6], [sflag:s4] =	dma.local [hbm:s3], $0xF7A  }
0x26: {  	[smem:$0x3F9C] =	sst s1;
	(tag) =	ssettag s2;
	_ =	strace s9  }
0x27: {  	s1 =	sld [smem:$0x3FAC]  }
0x28: {  	s2 =	sld [smem:$0x3FAD]  }
0x29: {  	s4 =	sld [smem:$0x3FAF]  }
0x2a: {  	p0 =	seq.s32 s5, $0x0;
	s5 =	sld [smem:$0x3FB0]  }
0x2b: {  	s6 =	sld [smem:$0x3FB1]  }
0x2c: {  	s7 =	sld [smem:$0x3FB2]  }
0x2d: {  	s3 =	simm.s32 $0x108;
	s8 =	sld [smem:$0x3FB3]  }
0x2e: {  	s3 =	simm.s32 @!p0 $0x1082;
	s9 =	sld [smem:$0x3FB4]  }
0x2f: {  	lr =	sadd.s32 s0, s3;
	s0 =	sld [smem:$0x3FAB]  }
0x30: {  	s3 =	sld [smem:$0x3FAE]  }
0x31: {  	[smem:$0x3FB7] =	sst s10  }
0x32: {  	s10 =	sld [smem:$0x3FB5];
	_ =	sdelay $0x3  }
0x33: {  	p0 =	seq.s32 s10, $0x1;
	s10 =	sld [smem:$0x3FB7];
	_ =	sdelay $0x3  }
0x34: {  	[smem:$0x3FB7] =	sst s10  }
0x35: {  	s10 =	sld [smem:$0x3FB6];
	_ =	sdelay $0x3  }
0x36: {  	p1 =	seq.s32 s10, $0x1;
	s10 =	sld [smem:$0x3FB7];
	_ =	sdelay $0x3  }
0x37: {  	[smem:$0x3FB7] =	sst s10  }
0x38: {  	s10 =	sld [smem:$0x3FB8]  }
0x39: {  	_ = 	snop;
	(pc) =	sbr.ind lr, $3  }
0x3a: {  	_ = 	snop  }
0x3b: {  	_ = 	snop  }
0x3c: {  	p2 =	seq.s32 s10, $0x1;
	s10 =	sld [smem:$0x3FB7]  }
0x3d: {  	_ =	shalt  }
0x3e: {  	_ =	shalt  }
0x3f: {  	_ =	shalt  }
0x40: {  	_ =	shalt  }
0x41: {  	_ =	shalt  }
0x42: {  	_ =	shalt  }
0x43: {  	_ =	shalt  }
0x44: {  	_ =	shalt  }
0x45: {  	_ =	shalt  }
0x46: {  	_ =	shalt  }
0x47: {  	_ =	shalt  }
0x48: {  	_ =	shalt  }
0x49: {  	_ =	shalt  }
0x4a: {  	_ =	shalt  }
0x4b: {  	_ =	shalt  }
0x4c: {  	_ =	shalt  }
0x4d: {  	_ =	shalt  }
0x4e: {  	_ =	shalt  }
0x4f: {  	_ =	shalt  }
0x50: {  	_ =	shalt  }
0x51: {  	_ =	shalt  }
0x52: {  	_ =	shalt  }
0x53: {  	_ =	shalt  }
0x54: {  	_ =	shalt  }
0x55: {  	_ =	shalt  }
0x56: {  	_ =	shalt  }
0x57: {  	_ =	shalt  }
0x58: {  	_ =	shalt  }
0x59: {  	_ =	shalt  }
0x5a: {  	_ =	shalt  }
0x5b: {  	_ =	shalt  }
0x5c: {  	_ =	shalt  }
0x5d: {  	_ =	shalt  }
0x5e: {  	_ =	shalt  }
0x5f: {  	_ =	shalt  }
0x60: {  	_ =	shalt  }
0x61: {  	_ =	shalt  }
0x62: {  	_ =	shalt  }
0x63: {  	_ =	shalt  }
0x64: {  	_ =	shalt  }
0x65: {  	_ =	shalt  }
0x66: {  	_ =	shalt  }
0x67: {  	_ =	shalt  }
0x68: {  	_ =	shalt  }
0x69: {  	_ =	shalt  }
0x6a: {  	_ =	shalt  }
0x6b: {  	_ =	shalt  }
0x6c: {  	_ =	shalt  }
0x6d: {  	_ =	shalt  }
0x6e: {  	_ =	shalt  }
0x6f: {  	_ =	shalt  }
0x70: {  	_ =	shalt  }
0x71: {  	_ =	shalt  }
0x72: {  	_ =	shalt  }
0x73: {  	_ =	shalt  }
0x74: {  	_ =	shalt  }
0x75: {  	_ =	shalt  }
0x76: {  	_ =	shalt  }
0x77: {  	_ =	shalt  }
0x78: {  	_ =	shalt  }
0x79: {  	_ =	shalt  }
0x7a: {  	_ =	shalt  }
0x7b: {  	_ =	shalt  }
0x7c: {  	_ =	shalt  }
0x7d: {  	_ =	shalt  }
0x7e: {  	_ =	shalt  }
0x7f: {  	_ =	shalt  }
0x80: {  	_ =	shalt  }
0x81: {  	_ =	shalt  }
0x82: {  	_ =	shalt  }
0x83: {  	_ =	shalt  }
0x84: {  	_ =	shalt  }
0x85: {  	_ =	shalt  }
0x86: {  	_ =	shalt  }
0x87: {  	_ =	shalt  }
.Lfunc_end0:
.L_simem_size_0:
called_computation_lowered:
.L_overlay_start_0:
0x88: {  	s2 =	sld [smem:$0x3FD9]  }
0x89: {  	s3 =	sld [smem:$0x3FFE];
	_ =	sdelay $0x1  }
0x8a: {  	s1 =	srdreg.scid  }
0x8b: {  	s0 =	sand.u32 $0x1, s1  }
0x8c: {  	s15 =	sshll.u32 s0, $0xA;
	s2 =	sadd.s32 s3, s2  }
0x8d: {  	s2 =	sadd.s32 s2, s15  }
0x8e: {  	[smem:$0x3FC3] =	sst s2  }
0x8f: {  	_ = 	snop  }
0x90: {  	s4 =	sld [smem:$0x3FD0];
	_ =	sdelay $0x1  }
0x91: {  	s2 =	sld [smem:$0x3FC6]  }
0x92: {  	s5 =	simm.s32 $0xB;
	s6 =	simm.s32 $0x10;
	s16 =	sld [smem:$0x3FC5]  }
0x93: {  	[smem:s6], [sflag:s5] =	dma.local [hbm:s4], $0x1  }
0x94: {  	_ =	swait.eq [sflag:s5], $0x1  }
0x95: {  	[sflag:s5] =	ssyncset.done $0x0  }
0x96: {  	[sflag:s5] =	ssyncadd.s32 $0xFFFFFFFF  }
0x97: {  	s17 =	sld [smem:$0x11];
	(tm) =	ssettm $0x1  }
0x98: {  	s18 =	sld [smem:$0x3FFB];
	_ =	sdelay $0x3  }
0x99: {  	_ =	strace s18  }
0x9a: {  	s4 =	sld [smem:$0x3FFC];
	_ =	sdelay $0x3  }
0x9b: {  	_ =	strace s4  }
0x9c: {  	s4 =	sld [smem:$0x3FFD];
	_ =	sdelay $0x3  }
0x9d: {  	_ =	strace s4  }
0x9e: {  	_ =	strace $0x8FFFFFFF  }
0x9f: {  	s19 =	sld [smem:$0x3FDB];
	_ =	sdelay $0x1  }
0xa0: {  	s20 =	simm.s32 $_scs_section_size  }
0xa1: {  	s7 =	simm.s32 $_size__tile_overlayer_lowered;
	s8 =	simm.s32 $_tile_overlayer_lowered  }
0xa2: {  	s9 =	simm.s32 $0x1BFF;
	s21 =	sshll.u32 s8, $0x1;
	s6 =	sadd.s32 s20, s19  }
0xa3: {  	s22 =	simm.s32 $0x0;
	s7 =	sshll.u32 s7, $0x1;
	s8 =	sadd.s32 s21, s6  }
0xa4: {  	[timem:s22], [sflag:s9] =	dma.local [hbm:s8], s7  }
0xa5: {  	_ =	swait.ge [sflag:s9], s7  }
0xa6: {  	s7 =	ssub.s32 $0x0, s7;
	[sflag:s9] =	ssyncset.done $0x0  }
0xa7: {  	[sflag:s9] =	ssyncadd.s32 s7;
	_ =	sdelay $0x1  }
0xa8: {  	s23 =	simm.s32 $0x1B8B  }
0xa9: {  	_ =	swait.ge [sflag:s23], $0x1  }
0xaa: {  	[sflag:s23] =	ssyncset.done $0x0  }
0xab: {  	[sflag:s23] =	ssyncadd.s32 $0xFFFFFFFF  }
0xac: {  	s7 =	sld [smem:$0x0]  }
0xad: {  	s8 =	sand.u32 $0xFFFFFFFE, s1  }
0xae: {  	p0 =	sne.s32 s1, s8  }
0xaf: {  	s8 =	sshll.u32 @p0 s8, $0xE  }
0xb0: {  	s8 =	sadd.s32 @p0 $0x11B8D, s8;
	s9 =	sshll.u32 @p0 s7, $0x11  }
0xb1: {  	s8 =	sor.u32 @p0 s9, s8  }
0xb2: {  	[sflag:s8] =	ssyncadd.remote.s32 @p0 $0x1;
	_ =	sdelay $0x1  }
0xb3: {  	s8 =	simm.s32 @p0 $0x1B8D  }
0xb4: {  	_ =	swait.eq @p0 [sflag:s8], $0x1  }
0xb5: {  	[sflag:s8] =	ssyncadd.s32 @p0 $0xFFFFFFFF  }
0xb6: {  	s9 =	sshll.u32 @!p0 s1, $0xE  }
0xb7: {  	s9 =	sor.u32 @!p0 $0x4000, s9;
	s8 =	simm.s32 @!p0 $0x1B8D  }
0xb8: {  	s7 =	sshll.u32 @!p0 s7, $0x11;
	s9 =	sadd.s32 @!p0 $0x11B8D, s9;
	_ =	swait.eq @!p0 [sflag:s8], $0x1  }
0xb9: {  	s7 =	sor.u32 @!p0 s7, s9;
	[sflag:s8] =	ssyncadd.s32 @!p0 $0xFFFFFFFF  }
0xba: {  	s25 =	simm.s32 $0x1B8E;
	s24 =	sld [smem:$0x3FFE];
	[sflag:s7] =	ssyncadd.remote.s32 @!p0 $0x1  }
0xbb: {  	s26 =	simm.s32 $execute0_lowered;
	[smem:$0x3FD2] =	sst s25  }
0xbc: {  	s8 =	sshll.u32 s26, $0x1;
	_ =	strace $0x80000049;
	[dreg:$0x1] =	wrdreg $0xFFFFFFFF  }
0xbd: {  	s28 =	simm.s32 $_size_execute0_lowered;
	s6 =	sadd.s32 s6, s8;
	[dreg:$0x0] =	wrdreg $0x0  }
0xbe: {  	s8 =	sshll.u32 s28, $0x1;
	[dreg:$0x2] =	wrdreg s6  }
0xbf: {  	[dreg:$0x3] =	wrdreg s8  }
0xc0: {  	[dreg:$0x4] =	wrdreg $0xC0  }
0xc1: {  	_ =	task [dreg:s22], $0x5FFFF  }
0xc2: {  	[dreg:$0x1] =	wrdreg $0xFFFFFFFF  }
0xc3: {  	[dreg:$0x0] =	wrdreg $0x60  }
0xc4: {  	[dreg:$0x2] =	wrdreg s2  }
0xc5: {  	[dreg:$0x3] =	wrdreg s16  }
0xc6: {  	[dreg:$0x4] =	wrdreg s24  }
0xc7: {  	[dreg:$0x5] =	wrdreg s17  }
0xc8: {  	[dreg:$0x6] =	wrdreg $0x9  }
0xc9: {  	_ =	task.clear_ibuf [dreg:s22], $0x7FFFF;
	_ =	strace $0x90000049  }
0xca: {  	s29 =	simm.s32 $0x9;
	_ =	strace $0x8000004B  }
0xcb: {  	_ =	swait.ge [sflag:s29], $0x1  }
0xcc: {  	[sflag:s29] =	ssyncadd.s32 $0xFFFFFFFF  }
0xcd: {  	_ =	strace $0x9000004B  }
0xce: {  	_ =	sfence  }
0xcf: {  	s30 =	sld [smem:$0x0];
	_ =	sdelay $0x2  }
0xd0: {  	s31 =	sshll.u32 s1, $0xD;
	s1 =	sshrl.u32 s1, $0x2  }
0xd1: {  	s3 =	sand.u32 $0x4000, s31;
	s1 =	sadd.s32 s1, s30  }
0xd2: {  	s0 =	sor.u32 s3, s0;
	s1 =	sshll.u32 s1, $0x11  }
0xd3: {  	s0 =	sor.u32 s1, s0  }
0xd4: {  	s0 =	sadd.s32 $0x8F2B, s0  }
0xd5: {  	[sflag:s0] =	ssyncadd.remote.s32 $0x1  }
0xd6: {  	_ =	sfence.sel $0xFFFF  }
0xd7: {  	[dreg:$0x0] =	wrdreg $0xFFFFFFFF;
	(pc) =	sbr.abs _section_cstart, $3  }
0xd8: {  	[dreg:$0x1] =	wrdreg $0xFFFFFFFF  }
0xd9: {  	_ =	task.clear_ibuf [dreg:s22], $0x2FFFF;
	_ =	strace $0x9FFFFFFF  }
0xda: {  	(tm) =	ssettm $0x7FFFFFFF  }
0xdb: {  	_ =	shalt  }
tec
execute0_lowered:
.L_overlay_start_1:
0x0: {  	(tag) =	ssettag $0x1  }
0x1: {  	s9 =	rddreg [dreg:$0x0]  }
0x2: {  	s1 =	rddreg [dreg:$0x1]  }
0x3: {  	s4 =	rddreg [dreg:$0x2]  }
0x4: {  	s2 =	srdreg.scid;
	s0 =	stileid.u32  }
0x5: {  	s8 =	rddreg [dreg:$0x3];
	s3 =	simm.s32 $0x0;
	s12 =	simm.s32 $0x1  }
0x6: {  	s14 =	simm.s32 $0x0;
	s5 =	sand.u32 $0x1, s2;
	s2 =	rddreg [dreg:$0x4]  }
0x7: {  	s6 =	sshll.u32 s0, $0x1;
	[smem:$0x7FF] =	sst s3;
	s4 =	sadd.s32 $0x1C00, s4  }
0x8: {  	v0 =	vlaneseq.u32;
	s11 =	sshll.u32 s0, $0x6;
	s13 =	sor.u32 s5, s6;
	s5 =	ssub.s32 $0x2, s5  }
.Ltmp0:
0x9: {  	v1 =	vimm.f32 $0.0e+00;
	vm1 =	vcmask $0xB08;
	vm2 =	vcmask $0xF0C;
	_ =	strace $0x8000004A;
	s11 =	sor.u32 $0x1C01, s11;
	(pc) =	sbr.rel .LBB2_1-.Ltmp0, $4  }
0xa: {  	vm3 =	vcmask $0x1310;
	vm4 =	vcmask $0x1714;
	vm5 =	vcmask $0x1B18;
	s6 =	smul.u32 $0x187, s13;
	s7 =	sshrl.u32 s5, $0x1;
	p0 =	seq.s32 s13, $0x1F  }
0xb: {  	vm6 =	vcmask $0x1F1C;
	vm7 =	vcmask $0x2320;
	vm8 =	vcmask $0x2724;
	p1 =	seq.s32 s13, $0x0;
	s13 =	simm.s32 $0x2000;
	s10 =	ssub.s32 s5, s7  }
0xc: {  	vm9 =	vcmask $0x2B28;
	vm10 =	vcmask $0x2F2C;
	vm11 =	vcmask $0x3330;
	s7 =	sadd.s32 $0x400, s1;
	s5 =	sadd.s32 s8, s6;
	s6 =	sadd.s32 s9, s6  }
0xd: {  	vm12 =	vcmask $0x3734;
	vm13 =	vcmask $0x3B38;
	vm14 =	vcmask $0x3F3C;
	s8 =	sadd.s32 $0x2F59, s8;
	s9 =	sadd.s32 $0x2F59, s9;
	s10 =	smax.u32 s10, $0x1  }
.LBB2_14:
0xe: {  	[hbm:s8], [sflag:s11] =	dma.local [hbm:s9], $0x17B  }
0xf: {  	_ =	swait.ge [sflag:s12], $0x17B  }
0x10: {  	[sflag:s12] =	ssyncset.done $0x0  }
0x11: {  	[sflag:s12] =	ssyncadd.s32 $0xFFFFFE85  }
.LBB2_12:
0x12: {  	s14 =	sadd.s32 $0x1, s14  }
0x13: {  	p2 =	sne.s32 s14, s10  }
.Ltmp1:
0x14: {  	_ = 	snop;
	(pc) =	sbr.rel @!p2 .LBB2_13-.Ltmp1, $1  }
0x15: {  	_ =	sdelay $0x3  }
.LBB2_1:
.Ltmp2:
0x16: {  	(pc) =	sbr.rel @p0 .LBB2_14-.Ltmp2, $1  }
0x17: {  	_ =	sdelay $0x3  }
.Ltmp3:
0x18: {  	(pc) =	sbr.rel @!p1 .LBB2_12-.Ltmp3, $4  }
0x19: {  	[hbm:s5], [sflag:s11] =	dma.local [hbm:s6], $0x187  }
0x1a: {  	_ =	swait.ge [sflag:s12], $0x187  }
0x1b: {  	[sflag:s12] =	ssyncset.done $0x0  }
0x1c: {  	[sflag:s12] =	ssyncadd.s32 $0xFFFFFE79  }
.Ltmp4:
0x1d: {  	(pc) =	sbr.rel .LBB2_4-.Ltmp4, $4  }
0x1e: {  	[tilespmem:s3], [sflag:$0x1] =	stream.linear.gather [hbm4b:s1+s3], $0x2000, $0x38;
	[tilespmem:$0x1A6A0] =	vst v63  }
0x1f: {  	_ =	swait.ge [sflag:s12], $0x2000  }
0x20: {  	[sflag:s12] =	ssyncset.done $0x0  }
0x21: {  	s15 =	simm.s32 $0x70;
	s16 =	simm.s32 $0x40;
	[sflag:s12] =	ssyncadd.s32 $0xFFFFE000  }
.LBB2_6:
0x22: {  	s15 =	sadd.s32 $0x80, s15  }
0x23: {  	p2 =	sne.s32 s15, $0x2070  }
.Ltmp5:
0x24: {  	_ = 	snop;
	(pc) =	sbr.rel @!p2 .LBB2_7-.Ltmp5, $2  }
0x25: {  	_ =	sdelay $0x2  }
0x26: {  	s16 =	sadd.s32 $0x80, s16  }
.LBB2_4:
0x27: {  	v16 =	vld [tilespmem:s16+$0xFFFFFFC0];
	_ =	sdelay $0x5  }
0x28: {  	s17 =	sadd.s32 $0xFFFFFF90, s15  }
0x29: {  	v17 =	vor.u32 s17, v0  }
0x2a: {  	[tilespmem:v16+s13+$0x0] =	vst.idx.msk $0xffff, v17  }
0x2b: {  	v14 =	vld [tilespmem:s16+$0xFFFFFFD0];
	_ =	sdelay $0x5  }
0x2c: {  	s24 =	sadd.s32 $0xFFFFFFA0, s15  }
0x2d: {  	v15 =	vor.u32 s24, v0  }
0x2e: {  	[tilespmem:v14+s13+$0x0] =	vst.idx.msk $0xffff, v15  }
0x2f: {  	v12 =	vld [tilespmem:s16+$0xFFFFFFE0];
	_ =	sdelay $0x5  }
0x30: {  	s25 =	sadd.s32 $0xFFFFFFB0, s15  }
0x31: {  	v13 =	vor.u32 s25, v0  }
0x32: {  	[tilespmem:v12+s13+$0x0] =	vst.idx.msk $0xffff, v13  }
0x33: {  	v10 =	vld [tilespmem:s16+$0xFFFFFFF0];
	_ =	sdelay $0x5  }
0x34: {  	s26 =	sadd.s32 $0xFFFFFFC0, s15  }
0x35: {  	v11 =	vor.u32 s26, v0  }
0x36: {  	[tilespmem:v10+s13+$0x0] =	vst.idx.msk $0xffff, v11  }
0x37: {  	v8 =	vld [tilespmem:s16+$0x0];
	_ =	sdelay $0x5  }
0x38: {  	s28 =	sadd.s32 $0xFFFFFFD0, s15  }
0x39: {  	v9 =	vor.u32 s28, v0  }
0x3a: {  	[tilespmem:v8+s13+$0x0] =	vst.idx.msk $0xffff, v9  }
0x3b: {  	v6 =	vld [tilespmem:s16+$0x10];
	_ =	sdelay $0x5  }
0x3c: {  	s29 =	sadd.s32 $0xFFFFFFE0, s15  }
0x3d: {  	v7 =	vor.u32 s29, v0  }
0x3e: {  	[tilespmem:v6+s13+$0x0] =	vst.idx.msk $0xffff, v7  }
0x3f: {  	v4 =	vld [tilespmem:s16+$0x20];
	_ =	sdelay $0x5  }
0x40: {  	s30 =	sadd.s32 $0xFFFFFFF0, s15  }
0x41: {  	v5 =	vor.u32 s30, v0  }
0x42: {  	[tilespmem:v4+s13+$0x0] =	vst.idx.msk $0xffff, v5  }
0x43: {  	v2 =	vld [tilespmem:s16+$0x30];
	_ =	sdelay $0x6  }
0x44: {  	v3 =	vor.u32 s15, v0  }
0x45: {  	[tilespmem:v2+s13+$0x0] =	vst.idx.msk $0xffff, v3  }
0x46: {  	v18 =	vld.idx.msk [tilespmem:v16+s13+$0x0], $0xffff  }
0x47: {  	v19 =	vld.idx.msk [tilespmem:v14+s13+$0x0], $0xffff  }
0x48: {  	v20 =	vld.idx.msk [tilespmem:v12+s13+$0x0], $0xffff  }
0x49: {  	v21 =	vld.idx.msk [tilespmem:v10+s13+$0x0], $0xffff  }
0x4a: {  	v22 =	vld.idx.msk [tilespmem:v8+s13+$0x0], $0xffff  }
0x4b: {  	v23 =	vld.idx.msk [tilespmem:v6+s13+$0x0], $0xffff  }
0x4c: {  	vm15 =	veq.s32 v18, v17;
	vm0 =	veq.s32 v19, v15;
	v18 =	vld.idx.msk [tilespmem:v4+s13+$0x0], $0xffff  }
0x4d: {  	v19 =	vld.idx.msk [tilespmem:v2+s13+$0x0], $0xffff;
	vm0 =	vmand vm15, vm0;
	vm15 =	veq.s32 v20, v13  }
0x4e: {  	vm0 =	vmand vm0, vm15;
	vm15 =	veq.s32 v21, v11  }
0x4f: {  	vm0 =	vmand vm0, vm15;
	vm15 =	veq.s32 v22, v9  }
0x50: {  	vm0 =	vmand vm0, vm15;
	vm15 =	veq.s32 v23, v7  }
0x51: {  	vm0 =	vmand vm0, vm15;
	vm15 =	veq.s32 v18, v5  }
0x52: {  	vm0 =	vmand vm0, vm15;
	vm15 =	veq.s32 v19, v3  }
0x53: {  	vm0 =	vmand vm0, vm15  }
0x54: {  	v18 =	vsel vm0, $0x3F800000, v1  }
0x55: {  	(xrf0) =	vmin.scan.msk.f32 $0xffff, v18;
	_ =	sdelay $0x5  }
0x56: {  	v18, _, _ =	vpop (xrf0)  }
0x57: {  	(v2sf) =	vpush v18, $0xF;
	_ =	sdelay $0xe  }
0x58: {  	s31 =	spop (v2sf)  }
0x59: {  	p2 =	sgt.f32 s31, $0.0e+00  }
.Ltmp6:
0x5a: {  	_ = 	snop;
	(pc) =	sbr.rel @p2 .LBB2_6-.Ltmp6, $1  }
0x5b: {  	_ =	sdelay $0x3  }
0x5c: {  	vm0 =	vcmask $0x704;
	_ =	sdelay $0x4  }
0x5d: {  	[tilespmem:v16+s13+$0x0] =	vst.idx.msk $0x1, v17  }
0x5e: {  	[tilespmem:v16+s13+$0x0] =	vst.idx.msk vm0, v17  }
0x5f: {  	[tilespmem:v16+s13+$0x0] =	vst.idx.msk vm1, v17  }
0x60: {  	[tilespmem:v16+s13+$0x0] =	vst.idx.msk vm2, v17  }
0x61: {  	[tilespmem:v16+s13+$0x0] =	vst.idx.msk vm3, v17  }
0x62: {  	[tilespmem:v16+s13+$0x0] =	vst.idx.msk vm4, v17  }
0x63: {  	[tilespmem:v16+s13+$0x0] =	vst.idx.msk vm5, v17  }
0x64: {  	[tilespmem:v16+s13+$0x0] =	vst.idx.msk vm6, v17  }
0x65: {  	[tilespmem:v16+s13+$0x0] =	vst.idx.msk vm7, v17  }
0x66: {  	[tilespmem:v16+s13+$0x0] =	vst.idx.msk vm8, v17  }
0x67: {  	[tilespmem:v16+s13+$0x0] =	vst.idx.msk vm9, v17  }
0x68: {  	[tilespmem:v16+s13+$0x0] =	vst.idx.msk vm10, v17  }
0x69: {  	[tilespmem:v16+s13+$0x0] =	vst.idx.msk vm11, v17  }
0x6a: {  	[tilespmem:v16+s13+$0x0] =	vst.idx.msk vm12, v17  }
0x6b: {  	[tilespmem:v16+s13+$0x0] =	vst.idx.msk vm13, v17  }
0x6c: {  	[tilespmem:v16+s13+$0x0] =	vst.idx.msk vm14, v17  }
0x6d: {  	[tilespmem:v14+s13+$0x0] =	vst.idx.msk $0x1, v15  }
0x6e: {  	[tilespmem:v14+s13+$0x0] =	vst.idx.msk vm0, v15  }
0x6f: {  	[tilespmem:v14+s13+$0x0] =	vst.idx.msk vm1, v15  }
0x70: {  	[tilespmem:v14+s13+$0x0] =	vst.idx.msk vm2, v15  }
0x71: {  	[tilespmem:v14+s13+$0x0] =	vst.idx.msk vm3, v15  }
0x72: {  	[tilespmem:v14+s13+$0x0] =	vst.idx.msk vm4, v15  }
0x73: {  	[tilespmem:v14+s13+$0x0] =	vst.idx.msk vm5, v15  }
0x74: {  	[tilespmem:v14+s13+$0x0] =	vst.idx.msk vm6, v15  }
0x75: {  	[tilespmem:v14+s13+$0x0] =	vst.idx.msk vm7, v15  }
0x76: {  	[tilespmem:v14+s13+$0x0] =	vst.idx.msk vm8, v15  }
0x77: {  	[tilespmem:v14+s13+$0x0] =	vst.idx.msk vm9, v15  }
0x78: {  	[tilespmem:v14+s13+$0x0] =	vst.idx.msk vm10, v15  }
0x79: {  	[tilespmem:v14+s13+$0x0] =	vst.idx.msk vm11, v15  }
0x7a: {  	[tilespmem:v14+s13+$0x0] =	vst.idx.msk vm12, v15  }
0x7b: {  	[tilespmem:v14+s13+$0x0] =	vst.idx.msk vm13, v15  }
0x7c: {  	[tilespmem:v14+s13+$0x0] =	vst.idx.msk vm14, v15  }
0x7d: {  	[tilespmem:v12+s13+$0x0] =	vst.idx.msk $0x1, v13  }
0x7e: {  	[tilespmem:v12+s13+$0x0] =	vst.idx.msk vm0, v13  }
0x7f: {  	[tilespmem:v12+s13+$0x0] =	vst.idx.msk vm1, v13  }
0x80: {  	[tilespmem:v12+s13+$0x0] =	vst.idx.msk vm2, v13  }
0x81: {  	[tilespmem:v12+s13+$0x0] =	vst.idx.msk vm3, v13  }
0x82: {  	[tilespmem:v12+s13+$0x0] =	vst.idx.msk vm4, v13  }
0x83: {  	[tilespmem:v12+s13+$0x0] =	vst.idx.msk vm5, v13  }
0x84: {  	[tilespmem:v12+s13+$0x0] =	vst.idx.msk vm6, v13  }
0x85: {  	[tilespmem:v12+s13+$0x0] =	vst.idx.msk vm7, v13  }
0x86: {  	[tilespmem:v12+s13+$0x0] =	vst.idx.msk vm8, v13  }
0x87: {  	[tilespmem:v12+s13+$0x0] =	vst.idx.msk vm9, v13  }
0x88: {  	[tilespmem:v12+s13+$0x0] =	vst.idx.msk vm10, v13  }
0x89: {  	[tilespmem:v12+s13+$0x0] =	vst.idx.msk vm11, v13  }
0x8a: {  	[tilespmem:v12+s13+$0x0] =	vst.idx.msk vm12, v13  }
0x8b: {  	[tilespmem:v12+s13+$0x0] =	vst.idx.msk vm13, v13  }
0x8c: {  	[tilespmem:v12+s13+$0x0] =	vst.idx.msk vm14, v13  }
0x8d: {  	[tilespmem:v10+s13+$0x0] =	vst.idx.msk $0x1, v11  }
0x8e: {  	[tilespmem:v10+s13+$0x0] =	vst.idx.msk vm0, v11  }
0x8f: {  	[tilespmem:v10+s13+$0x0] =	vst.idx.msk vm1, v11  }
0x90: {  	[tilespmem:v10+s13+$0x0] =	vst.idx.msk vm2, v11  }
0x91: {  	[tilespmem:v10+s13+$0x0] =	vst.idx.msk vm3, v11  }
0x92: {  	[tilespmem:v10+s13+$0x0] =	vst.idx.msk vm4, v11  }
0x93: {  	[tilespmem:v10+s13+$0x0] =	vst.idx.msk vm5, v11  }
0x94: {  	[tilespmem:v10+s13+$0x0] =	vst.idx.msk vm6, v11  }
0x95: {  	[tilespmem:v10+s13+$0x0] =	vst.idx.msk vm7, v11  }
0x96: {  	[tilespmem:v10+s13+$0x0] =	vst.idx.msk vm8, v11  }
0x97: {  	[tilespmem:v10+s13+$0x0] =	vst.idx.msk vm9, v11  }
0x98: {  	[tilespmem:v10+s13+$0x0] =	vst.idx.msk vm10, v11  }
0x99: {  	[tilespmem:v10+s13+$0x0] =	vst.idx.msk vm11, v11  }
0x9a: {  	[tilespmem:v10+s13+$0x0] =	vst.idx.msk vm12, v11  }
0x9b: {  	[tilespmem:v10+s13+$0x0] =	vst.idx.msk vm13, v11  }
0x9c: {  	[tilespmem:v10+s13+$0x0] =	vst.idx.msk vm14, v11  }
0x9d: {  	[tilespmem:v8+s13+$0x0] =	vst.idx.msk $0x1, v9  }
0x9e: {  	[tilespmem:v8+s13+$0x0] =	vst.idx.msk vm0, v9  }
0x9f: {  	[tilespmem:v8+s13+$0x0] =	vst.idx.msk vm1, v9  }
0xa0: {  	[tilespmem:v8+s13+$0x0] =	vst.idx.msk vm2, v9  }
0xa1: {  	[tilespmem:v8+s13+$0x0] =	vst.idx.msk vm3, v9  }
0xa2: {  	[tilespmem:v8+s13+$0x0] =	vst.idx.msk vm4, v9  }
0xa3: {  	[tilespmem:v8+s13+$0x0] =	vst.idx.msk vm5, v9  }
0xa4: {  	[tilespmem:v8+s13+$0x0] =	vst.idx.msk vm6, v9  }
0xa5: {  	[tilespmem:v8+s13+$0x0] =	vst.idx.msk vm7, v9  }
0xa6: {  	[tilespmem:v8+s13+$0x0] =	vst.idx.msk vm8, v9  }
0xa7: {  	[tilespmem:v8+s13+$0x0] =	vst.idx.msk vm9, v9  }
0xa8: {  	[tilespmem:v8+s13+$0x0] =	vst.idx.msk vm10, v9  }
0xa9: {  	[tilespmem:v8+s13+$0x0] =	vst.idx.msk vm11, v9  }
0xaa: {  	[tilespmem:v8+s13+$0x0] =	vst.idx.msk vm12, v9  }
0xab: {  	[tilespmem:v8+s13+$0x0] =	vst.idx.msk vm13, v9  }
0xac: {  	[tilespmem:v8+s13+$0x0] =	vst.idx.msk vm14, v9  }
0xad: {  	[tilespmem:v6+s13+$0x0] =	vst.idx.msk $0x1, v7  }
0xae: {  	[tilespmem:v6+s13+$0x0] =	vst.idx.msk vm0, v7  }
0xaf: {  	[tilespmem:v6+s13+$0x0] =	vst.idx.msk vm1, v7  }
0xb0: {  	[tilespmem:v6+s13+$0x0] =	vst.idx.msk vm2, v7  }
0xb1: {  	[tilespmem:v6+s13+$0x0] =	vst.idx.msk vm3, v7  }
0xb2: {  	[tilespmem:v6+s13+$0x0] =	vst.idx.msk vm4, v7  }
0xb3: {  	[tilespmem:v6+s13+$0x0] =	vst.idx.msk vm5, v7  }
0xb4: {  	[tilespmem:v6+s13+$0x0] =	vst.idx.msk vm6, v7  }
0xb5: {  	[tilespmem:v6+s13+$0x0] =	vst.idx.msk vm7, v7  }
0xb6: {  	[tilespmem:v6+s13+$0x0] =	vst.idx.msk vm8, v7  }
0xb7: {  	[tilespmem:v6+s13+$0x0] =	vst.idx.msk vm9, v7  }
0xb8: {  	[tilespmem:v6+s13+$0x0] =	vst.idx.msk vm10, v7  }
0xb9: {  	[tilespmem:v6+s13+$0x0] =	vst.idx.msk vm11, v7  }
0xba: {  	[tilespmem:v6+s13+$0x0] =	vst.idx.msk vm12, v7  }
0xbb: {  	[tilespmem:v6+s13+$0x0] =	vst.idx.msk vm13, v7  }
0xbc: {  	[tilespmem:v6+s13+$0x0] =	vst.idx.msk vm14, v7  }
0xbd: {  	[tilespmem:v4+s13+$0x0] =	vst.idx.msk $0x1, v5  }
0xbe: {  	[tilespmem:v4+s13+$0x0] =	vst.idx.msk vm0, v5  }
0xbf: {  	[tilespmem:v4+s13+$0x0] =	vst.idx.msk vm1, v5  }
0xc0: {  	[tilespmem:v4+s13+$0x0] =	vst.idx.msk vm2, v5  }
0xc1: {  	[tilespmem:v4+s13+$0x0] =	vst.idx.msk vm3, v5  }
0xc2: {  	[tilespmem:v4+s13+$0x0] =	vst.idx.msk vm4, v5  }
0xc3: {  	[tilespmem:v4+s13+$0x0] =	vst.idx.msk vm5, v5  }
0xc4: {  	[tilespmem:v4+s13+$0x0] =	vst.idx.msk vm6, v5  }
0xc5: {  	[tilespmem:v4+s13+$0x0] =	vst.idx.msk vm7, v5  }
0xc6: {  	[tilespmem:v4+s13+$0x0] =	vst.idx.msk vm8, v5  }
0xc7: {  	[tilespmem:v4+s13+$0x0] =	vst.idx.msk vm9, v5  }
0xc8: {  	[tilespmem:v4+s13+$0x0] =	vst.idx.msk vm10, v5  }
0xc9: {  	[tilespmem:v4+s13+$0x0] =	vst.idx.msk vm11, v5  }
0xca: {  	[tilespmem:v4+s13+$0x0] =	vst.idx.msk vm12, v5  }
0xcb: {  	[tilespmem:v4+s13+$0x0] =	vst.idx.msk vm13, v5  }
0xcc: {  	[tilespmem:v4+s13+$0x0] =	vst.idx.msk vm14, v5  }
0xcd: {  	[tilespmem:v2+s13+$0x0] =	vst.idx.msk $0x1, v3  }
0xce: {  	[tilespmem:v2+s13+$0x0] =	vst.idx.msk vm0, v3  }
0xcf: {  	[tilespmem:v2+s13+$0x0] =	vst.idx.msk vm1, v3  }
0xd0: {  	[tilespmem:v2+s13+$0x0] =	vst.idx.msk vm2, v3  }
0xd1: {  	[tilespmem:v2+s13+$0x0] =	vst.idx.msk vm3, v3  }
0xd2: {  	[tilespmem:v2+s13+$0x0] =	vst.idx.msk vm4, v3  }
0xd3: {  	[tilespmem:v2+s13+$0x0] =	vst.idx.msk vm5, v3  }
0xd4: {  	[tilespmem:v2+s13+$0x0] =	vst.idx.msk vm6, v3  }
0xd5: {  	[tilespmem:v2+s13+$0x0] =	vst.idx.msk vm7, v3  }
0xd6: {  	[tilespmem:v2+s13+$0x0] =	vst.idx.msk vm8, v3  }
0xd7: {  	[tilespmem:v2+s13+$0x0] =	vst.idx.msk vm9, v3  }
.Ltmp7:
0xd8: {  	[tilespmem:v2+s13+$0x0] =	vst.idx.msk vm10, v3;
	(pc) =	sbr.rel .LBB2_6-.Ltmp7, $4  }
0xd9: {  	[tilespmem:v2+s13+$0x0] =	vst.idx.msk vm11, v3  }
0xda: {  	[tilespmem:v2+s13+$0x0] =	vst.idx.msk vm12, v3  }
0xdb: {  	[tilespmem:v2+s13+$0x0] =	vst.idx.msk vm13, v3  }
0xdc: {  	[tilespmem:v2+s13+$0x0] =	vst.idx.msk vm14, v3  }
.LBB2_7:
.Ltmp8:
0xdd: {  	(pc) =	sbr.rel .LBB2_8-.Ltmp8, $4  }
0xde: {  	[tilespmem:s3], [sflag:$0x1] =	stream.linear.gather [hbm4b:s7+s3], $0x2000, $0x38;
	[tilespmem:$0x1A6A0] =	vst v63  }
0xdf: {  	_ =	swait.ge [sflag:s12], $0x2000  }
0xe0: {  	[sflag:s12] =	ssyncset.done $0x0  }
0xe1: {  	s15 =	simm.s32 $0x2070;
	s16 =	simm.s32 $0x40;
	[sflag:s12] =	ssyncadd.s32 $0xFFFFE000  }
.LBB2_10:
0xe2: {  	s15 =	sadd.s32 $0x80, s15  }
0xe3: {  	p2 =	sne.s32 s15, $0x4070  }
.Ltmp9:
0xe4: {  	_ = 	snop;
	(pc) =	sbr.rel @!p2 .LBB2_11-.Ltmp9, $2  }
0xe5: {  	_ =	sdelay $0x2  }
0xe6: {  	s16 =	sadd.s32 $0x80, s16  }
.LBB2_8:
0xe7: {  	v16 =	vld [tilespmem:s16+$0xFFFFFFC0];
	_ =	sdelay $0x5  }
0xe8: {  	s17 =	sadd.s32 $0xFFFFFF90, s15  }
0xe9: {  	v17 =	vor.u32 s17, v0  }
0xea: {  	[tilespmem:v16+s13+$0x0] =	vst.idx.msk $0xffff, v17  }
0xeb: {  	v14 =	vld [tilespmem:s16+$0xFFFFFFD0];
	_ =	sdelay $0x5  }
0xec: {  	s24 =	sadd.s32 $0xFFFFFFA0, s15  }
0xed: {  	v15 =	vor.u32 s24, v0  }
0xee: {  	[tilespmem:v14+s13+$0x0] =	vst.idx.msk $0xffff, v15  }
0xef: {  	v12 =	vld [tilespmem:s16+$0xFFFFFFE0];
	_ =	sdelay $0x5  }
0xf0: {  	s25 =	sadd.s32 $0xFFFFFFB0, s15  }
0xf1: {  	v13 =	vor.u32 s25, v0  }
0xf2: {  	[tilespmem:v12+s13+$0x0] =	vst.idx.msk $0xffff, v13  }
0xf3: {  	v10 =	vld [tilespmem:s16+$0xFFFFFFF0];
	_ =	sdelay $0x5  }
0xf4: {  	s26 =	sadd.s32 $0xFFFFFFC0, s15  }
0xf5: {  	v11 =	vor.u32 s26, v0  }
0xf6: {  	[tilespmem:v10+s13+$0x0] =	vst.idx.msk $0xffff, v11  }
0xf7: {  	v8 =	vld [tilespmem:s16+$0x0];
	_ =	sdelay $0x5  }
0xf8: {  	s28 =	sadd.s32 $0xFFFFFFD0, s15  }
0xf9: {  	v9 =	vor.u32 s28, v0  }
0xfa: {  	[tilespmem:v8+s13+$0x0] =	vst.idx.msk $0xffff, v9  }
0xfb: {  	v6 =	vld [tilespmem:s16+$0x10];
	_ =	sdelay $0x5  }
0xfc: {  	s29 =	sadd.s32 $0xFFFFFFE0, s15  }
0xfd: {  	v7 =	vor.u32 s29, v0  }
0xfe: {  	[tilespmem:v6+s13+$0x0] =	vst.idx.msk $0xffff, v7  }
0xff: {  	v4 =	vld [tilespmem:s16+$0x20];
	_ =	sdelay $0x5  }
0x100: {  	s30 =	sadd.s32 $0xFFFFFFF0, s15  }
0x101: {  	v5 =	vor.u32 s30, v0  }
0x102: {  	[tilespmem:v4+s13+$0x0] =	vst.idx.msk $0xffff, v5  }
0x103: {  	v2 =	vld [tilespmem:s16+$0x30];
	_ =	sdelay $0x6  }
0x104: {  	v3 =	vor.u32 s15, v0  }
0x105: {  	[tilespmem:v2+s13+$0x0] =	vst.idx.msk $0xffff, v3  }
0x106: {  	v18 =	vld.idx.msk [tilespmem:v16+s13+$0x0], $0xffff  }
0x107: {  	v19 =	vld.idx.msk [tilespmem:v14+s13+$0x0], $0xffff  }
0x108: {  	v20 =	vld.idx.msk [tilespmem:v12+s13+$0x0], $0xffff  }
0x109: {  	v21 =	vld.idx.msk [tilespmem:v10+s13+$0x0], $0xffff  }
0x10a: {  	v22 =	vld.idx.msk [tilespmem:v8+s13+$0x0], $0xffff  }
0x10b: {  	v23 =	vld.idx.msk [tilespmem:v6+s13+$0x0], $0xffff  }
0x10c: {  	vm0 =	veq.s32 v18, v17;
	vm15 =	veq.s32 v19, v15;
	v18 =	vld.idx.msk [tilespmem:v4+s13+$0x0], $0xffff  }
0x10d: {  	v19 =	vld.idx.msk [tilespmem:v2+s13+$0x0], $0xffff;
	vm0 =	vmand vm0, vm15;
	vm15 =	veq.s32 v20, v13  }
0x10e: {  	vm0 =	vmand vm0, vm15;
	vm15 =	veq.s32 v21, v11  }
0x10f: {  	vm0 =	vmand vm0, vm15;
	vm15 =	veq.s32 v22, v9  }
0x110: {  	vm0 =	vmand vm0, vm15;
	vm15 =	veq.s32 v23, v7  }
0x111: {  	vm0 =	vmand vm0, vm15;
	vm15 =	veq.s32 v18, v5  }
0x112: {  	vm0 =	vmand vm0, vm15;
	vm15 =	veq.s32 v19, v3  }
0x113: {  	vm0 =	vmand vm0, vm15  }
0x114: {  	v18 =	vsel vm0, $0x3F800000, v1  }
0x115: {  	(xrf0) =	vmin.scan.msk.f32 $0xffff, v18;
	_ =	sdelay $0x5  }
0x116: {  	v18, _, _ =	vpop (xrf0)  }
0x117: {  	(v2sf) =	vpush v18, $0xF;
	_ =	sdelay $0xe  }
0x118: {  	s31 =	spop (v2sf)  }
0x119: {  	p2 =	sgt.f32 s31, $0.0e+00  }
.Ltmp10:
0x11a: {  	_ = 	snop;
	(pc) =	sbr.rel @p2 .LBB2_10-.Ltmp10, $1  }
0x11b: {  	_ =	sdelay $0x3  }
0x11c: {  	vm0 =	vcmask $0x704;
	_ =	sdelay $0x4  }
0x11d: {  	[tilespmem:v16+s13+$0x0] =	vst.idx.msk $0x1, v17  }
0x11e: {  	[tilespmem:v16+s13+$0x0] =	vst.idx.msk vm0, v17  }
0x11f: {  	[tilespmem:v16+s13+$0x0] =	vst.idx.msk vm1, v17  }
0x120: {  	[tilespmem:v16+s13+$0x0] =	vst.idx.msk vm2, v17  }
0x121: {  	[tilespmem:v16+s13+$0x0] =	vst.idx.msk vm3, v17  }
0x122: {  	[tilespmem:v16+s13+$0x0] =	vst.idx.msk vm4, v17  }
0x123: {  	[tilespmem:v16+s13+$0x0] =	vst.idx.msk vm5, v17  }
0x124: {  	[tilespmem:v16+s13+$0x0] =	vst.idx.msk vm6, v17  }
0x125: {  	[tilespmem:v16+s13+$0x0] =	vst.idx.msk vm7, v17  }
0x126: {  	[tilespmem:v16+s13+$0x0] =	vst.idx.msk vm8, v17  }
0x127: {  	[tilespmem:v16+s13+$0x0] =	vst.idx.msk vm9, v17  }
0x128: {  	[tilespmem:v16+s13+$0x0] =	vst.idx.msk vm10, v17  }
0x129: {  	[tilespmem:v16+s13+$0x0] =	vst.idx.msk vm11, v17  }
0x12a: {  	[tilespmem:v16+s13+$0x0] =	vst.idx.msk vm12, v17  }
0x12b: {  	[tilespmem:v16+s13+$0x0] =	vst.idx.msk vm13, v17  }
0x12c: {  	[tilespmem:v16+s13+$0x0] =	vst.idx.msk vm14, v17  }
0x12d: {  	[tilespmem:v14+s13+$0x0] =	vst.idx.msk $0x1, v15  }
0x12e: {  	[tilespmem:v14+s13+$0x0] =	vst.idx.msk vm0, v15  }
0x12f: {  	[tilespmem:v14+s13+$0x0] =	vst.idx.msk vm1, v15  }
0x130: {  	[tilespmem:v14+s13+$0x0] =	vst.idx.msk vm2, v15  }
0x131: {  	[tilespmem:v14+s13+$0x0] =	vst.idx.msk vm3, v15  }
0x132: {  	[tilespmem:v14+s13+$0x0] =	vst.idx.msk vm4, v15  }
0x133: {  	[tilespmem:v14+s13+$0x0] =	vst.idx.msk vm5, v15  }
0x134: {  	[tilespmem:v14+s13+$0x0] =	vst.idx.msk vm6, v15  }
0x135: {  	[tilespmem:v14+s13+$0x0] =	vst.idx.msk vm7, v15  }
0x136: {  	[tilespmem:v14+s13+$0x0] =	vst.idx.msk vm8, v15  }
0x137: {  	[tilespmem:v14+s13+$0x0] =	vst.idx.msk vm9, v15  }
0x138: {  	[tilespmem:v14+s13+$0x0] =	vst.idx.msk vm10, v15  }
0x139: {  	[tilespmem:v14+s13+$0x0] =	vst.idx.msk vm11, v15  }
0x13a: {  	[tilespmem:v14+s13+$0x0] =	vst.idx.msk vm12, v15  }
0x13b: {  	[tilespmem:v14+s13+$0x0] =	vst.idx.msk vm13, v15  }
0x13c: {  	[tilespmem:v14+s13+$0x0] =	vst.idx.msk vm14, v15  }
0x13d: {  	[tilespmem:v12+s13+$0x0] =	vst.idx.msk $0x1, v13  }
0x13e: {  	[tilespmem:v12+s13+$0x0] =	vst.idx.msk vm0, v13  }
0x13f: {  	[tilespmem:v12+s13+$0x0] =	vst.idx.msk vm1, v13  }
0x140: {  	[tilespmem:v12+s13+$0x0] =	vst.idx.msk vm2, v13  }
0x141: {  	[tilespmem:v12+s13+$0x0] =	vst.idx.msk vm3, v13  }
0x142: {  	[tilespmem:v12+s13+$0x0] =	vst.idx.msk vm4, v13  }
0x143: {  	[tilespmem:v12+s13+$0x0] =	vst.idx.msk vm5, v13  }
0x144: {  	[tilespmem:v12+s13+$0x0] =	vst.idx.msk vm6, v13  }
0x145: {  	[tilespmem:v12+s13+$0x0] =	vst.idx.msk vm7, v13  }
0x146: {  	[tilespmem:v12+s13+$0x0] =	vst.idx.msk vm8, v13  }
0x147: {  	[tilespmem:v12+s13+$0x0] =	vst.idx.msk vm9, v13  }
0x148: {  	[tilespmem:v12+s13+$0x0] =	vst.idx.msk vm10, v13  }
0x149: {  	[tilespmem:v12+s13+$0x0] =	vst.idx.msk vm11, v13  }
0x14a: {  	[tilespmem:v12+s13+$0x0] =	vst.idx.msk vm12, v13  }
0x14b: {  	[tilespmem:v12+s13+$0x0] =	vst.idx.msk vm13, v13  }
0x14c: {  	[tilespmem:v12+s13+$0x0] =	vst.idx.msk vm14, v13  }
0x14d: {  	[tilespmem:v10+s13+$0x0] =	vst.idx.msk $0x1, v11  }
0x14e: {  	[tilespmem:v10+s13+$0x0] =	vst.idx.msk vm0, v11  }
0x14f: {  	[tilespmem:v10+s13+$0x0] =	vst.idx.msk vm1, v11  }
0x150: {  	[tilespmem:v10+s13+$0x0] =	vst.idx.msk vm2, v11  }
0x151: {  	[tilespmem:v10+s13+$0x0] =	vst.idx.msk vm3, v11  }
0x152: {  	[tilespmem:v10+s13+$0x0] =	vst.idx.msk vm4, v11  }
0x153: {  	[tilespmem:v10+s13+$0x0] =	vst.idx.msk vm5, v11  }
0x154: {  	[tilespmem:v10+s13+$0x0] =	vst.idx.msk vm6, v11  }
0x155: {  	[tilespmem:v10+s13+$0x0] =	vst.idx.msk vm7, v11  }
0x156: {  	[tilespmem:v10+s13+$0x0] =	vst.idx.msk vm8, v11  }
0x157: {  	[tilespmem:v10+s13+$0x0] =	vst.idx.msk vm9, v11  }
0x158: {  	[tilespmem:v10+s13+$0x0] =	vst.idx.msk vm10, v11  }
0x159: {  	[tilespmem:v10+s13+$0x0] =	vst.idx.msk vm11, v11  }
0x15a: {  	[tilespmem:v10+s13+$0x0] =	vst.idx.msk vm12, v11  }
0x15b: {  	[tilespmem:v10+s13+$0x0] =	vst.idx.msk vm13, v11  }
0x15c: {  	[tilespmem:v10+s13+$0x0] =	vst.idx.msk vm14, v11  }
0x15d: {  	[tilespmem:v8+s13+$0x0] =	vst.idx.msk $0x1, v9  }
0x15e: {  	[tilespmem:v8+s13+$0x0] =	vst.idx.msk vm0, v9  }
0x15f: {  	[tilespmem:v8+s13+$0x0] =	vst.idx.msk vm1, v9  }
0x160: {  	[tilespmem:v8+s13+$0x0] =	vst.idx.msk vm2, v9  }
0x161: {  	[tilespmem:v8+s13+$0x0] =	vst.idx.msk vm3, v9  }
0x162: {  	[tilespmem:v8+s13+$0x0] =	vst.idx.msk vm4, v9  }
0x163: {  	[tilespmem:v8+s13+$0x0] =	vst.idx.msk vm5, v9  }
0x164: {  	[tilespmem:v8+s13+$0x0] =	vst.idx.msk vm6, v9  }
0x165: {  	[tilespmem:v8+s13+$0x0] =	vst.idx.msk vm7, v9  }
0x166: {  	[tilespmem:v8+s13+$0x0] =	vst.idx.msk vm8, v9  }
0x167: {  	[tilespmem:v8+s13+$0x0] =	vst.idx.msk vm9, v9  }
0x168: {  	[tilespmem:v8+s13+$0x0] =	vst.idx.msk vm10, v9  }
0x169: {  	[tilespmem:v8+s13+$0x0] =	vst.idx.msk vm11, v9  }
0x16a: {  	[tilespmem:v8+s13+$0x0] =	vst.idx.msk vm12, v9  }
0x16b: {  	[tilespmem:v8+s13+$0x0] =	vst.idx.msk vm13, v9  }
0x16c: {  	[tilespmem:v8+s13+$0x0] =	vst.idx.msk vm14, v9  }
0x16d: {  	[tilespmem:v6+s13+$0x0] =	vst.idx.msk $0x1, v7  }
0x16e: {  	[tilespmem:v6+s13+$0x0] =	vst.idx.msk vm0, v7  }
0x16f: {  	[tilespmem:v6+s13+$0x0] =	vst.idx.msk vm1, v7  }
0x170: {  	[tilespmem:v6+s13+$0x0] =	vst.idx.msk vm2, v7  }
0x171: {  	[tilespmem:v6+s13+$0x0] =	vst.idx.msk vm3, v7  }
0x172: {  	[tilespmem:v6+s13+$0x0] =	vst.idx.msk vm4, v7  }
0x173: {  	[tilespmem:v6+s13+$0x0] =	vst.idx.msk vm5, v7  }
0x174: {  	[tilespmem:v6+s13+$0x0] =	vst.idx.msk vm6, v7  }
0x175: {  	[tilespmem:v6+s13+$0x0] =	vst.idx.msk vm7, v7  }
0x176: {  	[tilespmem:v6+s13+$0x0] =	vst.idx.msk vm8, v7  }
0x177: {  	[tilespmem:v6+s13+$0x0] =	vst.idx.msk vm9, v7  }
0x178: {  	[tilespmem:v6+s13+$0x0] =	vst.idx.msk vm10, v7  }
0x179: {  	[tilespmem:v6+s13+$0x0] =	vst.idx.msk vm11, v7  }
0x17a: {  	[tilespmem:v6+s13+$0x0] =	vst.idx.msk vm12, v7  }
0x17b: {  	[tilespmem:v6+s13+$0x0] =	vst.idx.msk vm13, v7  }
0x17c: {  	[tilespmem:v6+s13+$0x0] =	vst.idx.msk vm14, v7  }
0x17d: {  	[tilespmem:v4+s13+$0x0] =	vst.idx.msk $0x1, v5  }
0x17e: {  	[tilespmem:v4+s13+$0x0] =	vst.idx.msk vm0, v5  }
0x17f: {  	[tilespmem:v4+s13+$0x0] =	vst.idx.msk vm1, v5  }
0x180: {  	[tilespmem:v4+s13+$0x0] =	vst.idx.msk vm2, v5  }
0x181: {  	[tilespmem:v4+s13+$0x0] =	vst.idx.msk vm3, v5  }
0x182: {  	[tilespmem:v4+s13+$0x0] =	vst.idx.msk vm4, v5  }
0x183: {  	[tilespmem:v4+s13+$0x0] =	vst.idx.msk vm5, v5  }
0x184: {  	[tilespmem:v4+s13+$0x0] =	vst.idx.msk vm6, v5  }
0x185: {  	[tilespmem:v4+s13+$0x0] =	vst.idx.msk vm7, v5  }
0x186: {  	[tilespmem:v4+s13+$0x0] =	vst.idx.msk vm8, v5  }
0x187: {  	[tilespmem:v4+s13+$0x0] =	vst.idx.msk vm9, v5  }
0x188: {  	[tilespmem:v4+s13+$0x0] =	vst.idx.msk vm10, v5  }
0x189: {  	[tilespmem:v4+s13+$0x0] =	vst.idx.msk vm11, v5  }
0x18a: {  	[tilespmem:v4+s13+$0x0] =	vst.idx.msk vm12, v5  }
0x18b: {  	[tilespmem:v4+s13+$0x0] =	vst.idx.msk vm13, v5  }
0x18c: {  	[tilespmem:v4+s13+$0x0] =	vst.idx.msk vm14, v5  }
0x18d: {  	[tilespmem:v2+s13+$0x0] =	vst.idx.msk $0x1, v3  }
0x18e: {  	[tilespmem:v2+s13+$0x0] =	vst.idx.msk vm0, v3  }
0x18f: {  	[tilespmem:v2+s13+$0x0] =	vst.idx.msk vm1, v3  }
0x190: {  	[tilespmem:v2+s13+$0x0] =	vst.idx.msk vm2, v3  }
0x191: {  	[tilespmem:v2+s13+$0x0] =	vst.idx.msk vm3, v3  }
0x192: {  	[tilespmem:v2+s13+$0x0] =	vst.idx.msk vm4, v3  }
0x193: {  	[tilespmem:v2+s13+$0x0] =	vst.idx.msk vm5, v3  }
0x194: {  	[tilespmem:v2+s13+$0x0] =	vst.idx.msk vm6, v3  }
0x195: {  	[tilespmem:v2+s13+$0x0] =	vst.idx.msk vm7, v3  }
0x196: {  	[tilespmem:v2+s13+$0x0] =	vst.idx.msk vm8, v3  }
0x197: {  	[tilespmem:v2+s13+$0x0] =	vst.idx.msk vm9, v3  }
.Ltmp11:
0x198: {  	[tilespmem:v2+s13+$0x0] =	vst.idx.msk vm10, v3;
	(pc) =	sbr.rel .LBB2_10-.Ltmp11, $4  }
0x199: {  	[tilespmem:v2+s13+$0x0] =	vst.idx.msk vm11, v3  }
0x19a: {  	[tilespmem:v2+s13+$0x0] =	vst.idx.msk vm12, v3  }
0x19b: {  	[tilespmem:v2+s13+$0x0] =	vst.idx.msk vm13, v3  }
0x19c: {  	[tilespmem:v2+s13+$0x0] =	vst.idx.msk vm14, v3  }
.LBB2_11:
.Ltmp12:
0x19d: {  	(pc) =	sbr.rel .LBB2_12-.Ltmp12, $4  }
0x19e: {  	[hbm4b:s4+s3] =	stream.linear.scatter [tilespmem:s13], [sflag:$0x1], $0x186A0, $0x38;
	[tilespmem:$0x1A6A0] =	vst v63  }
0x19f: {  	_ =	swait.ge [sflag:s12], $0x186A0  }
0x1a0: {  	[sflag:s12] =	ssyncset.done $0x0  }
0x1a1: {  	[sflag:s12] =	ssyncadd.s32 $0xFFFE7960  }
.LBB2_13:
0x1a2: {  	_ =	sfence.sel $0x180000  }
0x1a3: {  	[bflag:$0x0] =	sbarrier.arrive $0xFFFF  }
0x1a4: {  	p0 =	sne.s32 s0, $0x0;
	_ =	strace $0x9000004A  }
0x1a5: {  	s0 =	sadd.s32 @!p0 $0x100000, s2;
	[bflag:$0x2] =	sbarrier.arrive $0xFFFF  }
0x1a6: {  	[sflag:s0] =	ssyncadd.tile.s32 @!p0 $0x1;
	_ =	shalt  }
.Lfunc_end2:
_tile_overlayer_lowered:
.L_overlay_start_2:
0x1a7: {  	(tag) =	ssettag $0x2  }
0x1a8: {  	s0 =	rddreg [dreg:$0x0];
	s2 =	stileid.u32  }
0x1a9: {  	s1 =	rddreg [dreg:$0x1];
	p0 =	sne.s32 s2, $0x0  }
0x1aa: {  	s3 =	rddreg [dreg:$0x2];
	[bflag:$0x3] =	sbarrier.arrive $0xFFFF;
	s2 =	simm.s32 @!p0 $0x1C01  }
0x1ab: {  	[timem:s3], [sflag:s2] =	dma.local @!p0 [hbm:s0], s1  }
0x1ac: {  	s0 =	simm.s32 @!p0 $0x1  }
0x1ad: {  	_ =	swait.ge @!p0 [sflag:s0], s1  }
0x1ae: {  	s1 =	ssub.s32 @!p0 $0x0, s1;
	[sflag:s0] =	ssyncset.done @!p0 $0x0  }
0x1af: {  	[sflag:s0] =	ssyncadd.s32 @!p0 s1  }
0x1b0: {  	[bflag:$0x3] =	sbarrier.arrive $0xFFFF  }
0x1b1: {  	_ =	shalt  }

// kernel: kernel.9.cloned.1.call-start
scs
__scs_entry_jumppad:
0x0: {  	(pc) =	sbr.rel $0x88, $3  }
0x1: {  	(tag) =	ssettag $0x0;
	lr =	simm.s32 $0x1  }
0x2: {  	[smem:$0x3F9C] =	sst lr;
	_ =	strace $0xD0000000  }
0x3: {  	_ = 	snop  }
0x4: {  	_ = 	snop  }
0x5: {  	_ = 	snop  }
0x6: {  	_ = 	snop  }
0x7: {  	_ = 	snop  }
__scs_overlays_trampoline_lowered:
0x8: {  	[smem:$0x3FAB] =	sst s0  }
0x9: {  	[smem:$0x3FAC] =	sst s1  }
0xa: {  	[smem:$0x3FAD] =	sst s2  }
0xb: {  	[smem:$0x3FAE] =	sst s3  }
0xc: {  	[smem:$0x3FAF] =	sst s4  }
0xd: {  	[smem:$0x3FB0] =	sst s5  }
0xe: {  	[smem:$0x3FB1] =	sst s6  }
0xf: {  	[smem:$0x3FB2] =	sst s7  }
0x10: {  	[smem:$0x3FB3] =	sst s8  }
0x11: {  	[smem:$0x3FB4] =	sst s9;
	s0 =	simm.s32 @!p0 $0x0  }
0x12: {  	s1 =	sld [smem:$0x3F9A];
	s0 =	simm.s32 @p0 $0x1  }
0x13: {  	[smem:$0x3FB5] =	sst s0;
	s0 =	simm.s32 @!p1 $0x0  }
0x14: {  	s2 =	sld [smem:$0x3F99];
	s0 =	simm.s32 @p1 $0x1  }
0x15: {  	[smem:$0x3FB6] =	sst s0;
	s0 =	simm.s32 @!p2 $0x0  }
0x16: {  	s3 =	sld [smem:$0x3FDB];
	s0 =	simm.s32 @p2 $0x1  }
0x17: {  	s4 =	simm.s32 $0x1BF5;
	[smem:$0x3FB8] =	sst s0  }
0x18: {  	s0 =	sld [smem:$0x3F9B];
	_ =	swait.ge [sflag:s4], $0x0  }
0x19: {  	s7 =	sld [smem:$0x3F9C]  }
0x1a: {  	s8 =	sadd.s32 $0xFFFFE003, lr  }
0x1b: {  	s9 =	sadd.s32 $0xFFFFFEF7, lr;
	s5 =	simm.s32 $0xFFFFFFFF;
	p2 =	slt.u32 s8, $0xFFFFF086  }
0x1c: {  	p1 =	slt.u32 s9, $0xF7A;
	s5 =	simm.s32 @!p2 $0x0  }
0x1d: {  	s5 =	simm.s32 @p1 $0x1;
	p0 =	seq.s32 s7, s2  }
0x1e: {  	s7 =	smul.u32 @!p0 $0xF7A, s2;
	p2 =	seq.s32 @!p0 s5, $0x0  }
0x1f: {  	s9 =	smul.u32 $0xF7A, s1;
	s8 =	simm.s32 @!p0 $0x1BF5;
	p2 =	por !p2, p0  }
0x20: {  	[sflag:s8] =	ssyncset.s32 @!p0 $0xFFFFF086;
	s6 =	sadd.s32 @!p0 s3, s7;
	s7 =	simm.s32 @!p0 $0x108  }
0x21: {  	s3 =	sadd.s32 s3, s9;
	s6 =	sadd.s32 @!p0 $0x88, s6;
	s7 =	simm.s32 @p2 $0x1082  }
0x22: {  	[simem:s7], [sflag:s8] =	dma.local @!p0 [hbm:s6], $0xF7A  }
0x23: {  	s9 =	sor.u32 $0xD0000000, s2;
	s6 =	simm.s32 $0x108;
	_ =	swait.ge @!p0 [sflag:s8], $0x0  }
0x24: {  	s3 =	sadd.s32 $0x88, s3;
	s6 =	simm.s32 @!p1 $0x1082;
	[sflag:s4] =	ssyncset.s32 $0xFFFFF086  }
0x25: {  	[simem:s6], [sflag:s4] =	dma.local [hbm:s3], $0xF7A  }
0x26: {  	[smem:$0x3F9C] =	sst s1;
	(tag) =	ssettag s2;
	_ =	strace s9  }
0x27: {  	s1 =	sld [smem:$0x3FAC]  }
0x28: {  	s2 =	sld [smem:$0x3FAD]  }
0x29: {  	s4 =	sld [smem:$0x3FAF]  }
0x2a: {  	p0 =	seq.s32 s5, $0x0;
	s5 =	sld [smem:$0x3FB0]  }
0x2b: {  	s6 =	sld [smem:$0x3FB1]  }
0x2c: {  	s7 =	sld [smem:$0x3FB2]  }
0x2d: {  	s3 =	simm.s32 $0x108;
	s8 =	sld [smem:$0x3FB3]  }
0x2e: {  	s3 =	simm.s32 @!p0 $0x1082;
	s9 =	sld [smem:$0x3FB4]  }
0x2f: {  	lr =	sadd.s32 s0, s3;
	s0 =	sld [smem:$0x3FAB]  }
0x30: {  	s3 =	sld [smem:$0x3FAE]  }
0x31: {  	[smem:$0x3FB7] =	sst s10  }
0x32: {  	s10 =	sld [smem:$0x3FB5];
	_ =	sdelay $0x3  }
0x33: {  	p0 =	seq.s32 s10, $0x1;
	s10 =	sld [smem:$0x3FB7];
	_ =	sdelay $0x3  }
0x34: {  	[smem:$0x3FB7] =	sst s10  }
0x35: {  	s10 =	sld [smem:$0x3FB6];
	_ =	sdelay $0x3  }
0x36: {  	p1 =	seq.s32 s10, $0x1;
	s10 =	sld [smem:$0x3FB7];
	_ =	sdelay $0x3  }
0x37: {  	[smem:$0x3FB7] =	sst s10  }
0x38: {  	s10 =	sld [smem:$0x3FB8]  }
0x39: {  	_ = 	snop;
	(pc) =	sbr.ind lr, $3  }
0x3a: {  	_ = 	snop  }
0x3b: {  	_ = 	snop  }
0x3c: {  	p2 =	seq.s32 s10, $0x1;
	s10 =	sld [smem:$0x3FB7]  }
0x3d: {  	_ =	shalt  }
0x3e: {  	_ =	shalt  }
0x3f: {  	_ =	shalt  }
0x40: {  	_ =	shalt  }
0x41: {  	_ =	shalt  }
0x42: {  	_ =	shalt  }
0x43: {  	_ =	shalt  }
0x44: {  	_ =	shalt  }
0x45: {  	_ =	shalt  }
0x46: {  	_ =	shalt  }
0x47: {  	_ =	shalt  }
0x48: {  	_ =	shalt  }
0x49: {  	_ =	shalt  }
0x4a: {  	_ =	shalt  }
0x4b: {  	_ =	shalt  }
0x4c: {  	_ =	shalt  }
0x4d: {  	_ =	shalt  }
0x4e: {  	_ =	shalt  }
0x4f: {  	_ =	shalt  }
0x50: {  	_ =	shalt  }
0x51: {  	_ =	shalt  }
0x52: {  	_ =	shalt  }
0x53: {  	_ =	shalt  }
0x54: {  	_ =	shalt  }
0x55: {  	_ =	shalt  }
0x56: {  	_ =	shalt  }
0x57: {  	_ =	shalt  }
0x58: {  	_ =	shalt  }
0x59: {  	_ =	shalt  }
0x5a: {  	_ =	shalt  }
0x5b: {  	_ =	shalt  }
0x5c: {  	_ =	shalt  }
0x5d: {  	_ =	shalt  }
0x5e: {  	_ =	shalt  }
0x5f: {  	_ =	shalt  }
0x60: {  	_ =	shalt  }
0x61: {  	_ =	shalt  }
0x62: {  	_ =	shalt  }
0x63: {  	_ =	shalt  }
0x64: {  	_ =	shalt  }
0x65: {  	_ =	shalt  }
0x66: {  	_ =	shalt  }
0x67: {  	_ =	shalt  }
0x68: {  	_ =	shalt  }
0x69: {  	_ =	shalt  }
0x6a: {  	_ =	shalt  }
0x6b: {  	_ =	shalt  }
0x6c: {  	_ =	shalt  }
0x6d: {  	_ =	shalt  }
0x6e: {  	_ =	shalt  }
0x6f: {  	_ =	shalt  }
0x70: {  	_ =	shalt  }
0x71: {  	_ =	shalt  }
0x72: {  	_ =	shalt  }
0x73: {  	_ =	shalt  }
0x74: {  	_ =	shalt  }
0x75: {  	_ =	shalt  }
0x76: {  	_ =	shalt  }
0x77: {  	_ =	shalt  }
0x78: {  	_ =	shalt  }
0x79: {  	_ =	shalt  }
0x7a: {  	_ =	shalt  }
0x7b: {  	_ =	shalt  }
0x7c: {  	_ =	shalt  }
0x7d: {  	_ =	shalt  }
0x7e: {  	_ =	shalt  }
0x7f: {  	_ =	shalt  }
0x80: {  	_ =	shalt  }
0x81: {  	_ =	shalt  }
0x82: {  	_ =	shalt  }
0x83: {  	_ =	shalt  }
0x84: {  	_ =	shalt  }
0x85: {  	_ =	shalt  }
0x86: {  	_ =	shalt  }
0x87: {  	_ =	shalt  }
.Lfunc_end0:
.L_simem_size_0:
called_computation.1_lowered:
.L_overlay_start_0:
0x88: {  	s2 =	sld [smem:$0x3FD9]  }
0x89: {  	s3 =	sld [smem:$0x3FFE];
	_ =	sdelay $0x1  }
0x8a: {  	s1 =	srdreg.scid  }
0x8b: {  	s0 =	sand.u32 $0x1, s1  }
0x8c: {  	s14 =	sshll.u32 s0, $0xA;
	s2 =	sadd.s32 s3, s2  }
0x8d: {  	s2 =	sadd.s32 s2, s14  }
0x8e: {  	[smem:$0x3FC3] =	sst s2  }
0x8f: {  	_ = 	snop  }
0x90: {  	s2 =	sld [smem:$0x3FD0];
	_ =	sdelay $0x1  }
0x91: {  	s15 =	sld [smem:$0x3FC6]  }
0x92: {  	s5 =	simm.s32 $0xB;
	s6 =	simm.s32 $0x10;
	s4 =	sld [smem:$0x3FC5]  }
0x93: {  	[smem:s6], [sflag:s5] =	dma.local [hbm:s2], $0x1  }
0x94: {  	_ =	swait.eq [sflag:s5], $0x1  }
0x95: {  	[sflag:s5] =	ssyncset.done $0x0  }
0x96: {  	[sflag:s5] =	ssyncadd.s32 $0xFFFFFFFF  }
0x97: {  	s16 =	sld [smem:$0x10];
	(tm) =	ssettm $0x1  }
0x98: {  	s17 =	sld [smem:$0x3FFB];
	_ =	sdelay $0x3  }
0x99: {  	_ =	strace s17  }
0x9a: {  	s5 =	sld [smem:$0x3FFC];
	_ =	sdelay $0x3  }
0x9b: {  	_ =	strace s5  }
0x9c: {  	s5 =	sld [smem:$0x3FFD];
	_ =	sdelay $0x3  }
0x9d: {  	_ =	strace s5  }
0x9e: {  	_ =	strace $0x8FFFFFFF  }
0x9f: {  	s18 =	sld [smem:$0x3FDB];
	_ =	sdelay $0x1  }
0xa0: {  	s19 =	simm.s32 $_scs_section_size  }
0xa1: {  	s7 =	simm.s32 $_size__tile_overlayer_lowered;
	s8 =	simm.s32 $_tile_overlayer_lowered  }
0xa2: {  	s22 =	simm.s32 $0x1BFF;
	s21 =	sshll.u32 s8, $0x1;
	s5 =	sadd.s32 s19, s18  }
0xa3: {  	s9 =	simm.s32 $0x0;
	s20 =	sshll.u32 s7, $0x1;
	s7 =	sadd.s32 s21, s5  }
0xa4: {  	[timem:s9], [sflag:s22] =	dma.local [hbm:s7], s20  }
0xa5: {  	_ =	swait.ge [sflag:s22], s20  }
0xa6: {  	s6 =	ssub.s32 $0x0, s20;
	[sflag:s22] =	ssyncset.done $0x0  }
0xa7: {  	[sflag:s22] =	ssyncadd.s32 s6;
	_ =	sdelay $0x1  }
0xa8: {  	s23 =	simm.s32 $0x1B8B  }
0xa9: {  	_ =	swait.ge [sflag:s23], $0x1  }
0xaa: {  	[sflag:s23] =	ssyncset.done $0x0  }
0xab: {  	s25 =	simm.s32 $0x1B8E;
	s24 =	sld [smem:$0x3FFE];
	[sflag:s23] =	ssyncadd.s32 $0xFFFFFFFF  }
0xac: {  	s26 =	simm.s32 $execute0_lowered;
	[smem:$0x3FD2] =	sst s25  }
0xad: {  	s7 =	sshll.u32 s26, $0x1;
	_ =	strace $0x80000046;
	[dreg:$0x1] =	wrdreg $0xFFFFFFFF  }
0xae: {  	s28 =	simm.s32 $_size_execute0_lowered;
	s5 =	sadd.s32 s5, s7;
	[dreg:$0x0] =	wrdreg $0x0  }
0xaf: {  	s7 =	sshll.u32 s28, $0x1;
	[dreg:$0x2] =	wrdreg s5  }
0xb0: {  	[dreg:$0x3] =	wrdreg s7  }
0xb1: {  	[dreg:$0x4] =	wrdreg $0xC0  }
0xb2: {  	_ =	task [dreg:s9], $0x5FFFF  }
0xb3: {  	[dreg:$0x1] =	wrdreg $0xFFFFFFFF  }
0xb4: {  	[dreg:$0x0] =	wrdreg $0x60  }
0xb5: {  	[dreg:$0x2] =	wrdreg s24  }
0xb6: {  	[dreg:$0x3] =	wrdreg s15  }
0xb7: {  	[dreg:$0x4] =	wrdreg s4  }
0xb8: {  	[dreg:$0x5] =	wrdreg s16  }
0xb9: {  	[dreg:$0x6] =	wrdreg $0xA  }
0xba: {  	_ =	task.clear_ibuf [dreg:s9], $0x7FFFF;
	_ =	strace $0x90000046  }
0xbb: {  	s29 =	simm.s32 $0xA;
	_ =	strace $0x80000048  }
0xbc: {  	_ =	swait.ge [sflag:s29], $0x1  }
0xbd: {  	[sflag:s29] =	ssyncadd.s32 $0xFFFFFFFF  }
0xbe: {  	_ =	strace $0x90000048  }
0xbf: {  	_ =	sfence  }
0xc0: {  	s30 =	sld [smem:$0x0];
	_ =	sdelay $0x2  }
0xc1: {  	s31 =	sshll.u32 s1, $0xD;
	s1 =	sshrl.u32 s1, $0x2  }
0xc2: {  	s3 =	sand.u32 $0x4000, s31;
	s1 =	sadd.s32 s1, s30  }
0xc3: {  	s0 =	sor.u32 s3, s0;
	s1 =	sshll.u32 s1, $0x11  }
0xc4: {  	s0 =	sor.u32 s1, s0  }
0xc5: {  	s0 =	sadd.s32 $0x8F2B, s0  }
0xc6: {  	[sflag:s0] =	ssyncadd.remote.s32 $0x1  }
0xc7: {  	_ =	sfence.sel $0xFFFF  }
0xc8: {  	[dreg:$0x0] =	wrdreg $0xFFFFFFFF;
	(pc) =	sbr.abs _section_cstart, $3  }
0xc9: {  	[dreg:$0x1] =	wrdreg $0xFFFFFFFF  }
0xca: {  	_ =	task.clear_ibuf [dreg:s9], $0x2FFFF;
	_ =	strace $0x9FFFFFFF  }
0xcb: {  	(tm) =	ssettm $0x7FFFFFFF  }
tec
execute0_lowered:
.L_overlay_start_1:
0x0: {  	(tag) =	ssettag $0x1  }
0x1: {  	s13 =	rddreg [dreg:$0x0]  }
0x2: {  	s2 =	rddreg [dreg:$0x1]  }
0x3: {  	s4 =	rddreg [dreg:$0x2]  }
0x4: {  	s1 =	srdreg.scid;
	s0 =	stileid.u32  }
0x5: {  	s18 =	rddreg [dreg:$0x3];
	s21 =	sand.u32 $0x1, s1;
	s5 =	sshll.u32 s0, $0x1  }
0x6: {  	s3 =	simm.s32 $0x0;
	s1 =	rddreg [dreg:$0x4];
	s19 =	sor.u32 s21, s5  }
0x7: {  	[smem:$0x7FF] =	sst s3;
	s5 =	sshll.u32 s19, $0x6  }
0x8: {  	_ =	strace $0x80000047;
	s5 =	sadd.s32 s4, s5;
	s4 =	simm.s32 $0x3  }
0x9: {  	[tilespmem:s3], [sflag:$0x3] =	stream.linear.gather [hbm4b:s5+s3], $0x200, $0x38;
	[tilespmem:$0x8400] =	vst v63  }
0xa: {  	_ =	swait.ge [sflag:s4], $0x200  }
0xb: {  	[sflag:s4] =	ssyncset.done $0x0  }
0xc: {  	s6 =	simm.s32 $0x80;
	s7 =	simm.s32 $0x8200;
	[sflag:s4] =	ssyncadd.s32 $0xFFFFFE00  }
0xd: {  	[tilespmem:s7], [sflag:$0x2] =	stream.indirect.gather [hbm4b:s2+s6], $0x1, s3, s6, $0xb8;
	[tilespmem:$0x8400] =	vst v63  }
0xe: {  	s8 =	simm.s32 $0x8280  }
0xf: {  	[tilespmem:s8], [sflag:$0x2] =	stream.indirect.gather [hbm4b:s2+s6], $0x1, s6, s6, $0xb8;
	[tilespmem:$0x8400] =	vst v63  }
0x10: {  	s9 =	simm.s32 $0x100;
	s10 =	simm.s32 $0x8300  }
0x11: {  	[tilespmem:s10], [sflag:$0x2] =	stream.indirect.gather [hbm4b:s2+s6], $0x1, s9, s6, $0xb8;
	[tilespmem:$0x8400] =	vst v63  }
0x12: {  	s11 =	simm.s32 $0x180;
	s12 =	simm.s32 $0x8380  }
0x13: {  	[tilespmem:s12], [sflag:$0x2] =	stream.indirect.gather [hbm4b:s2+s6], $0x1, s11, s6, $0xb8;
	[tilespmem:$0x8400] =	vst v63  }
0x14: {  	s14 =	simm.s32 $0x200;
	s13 =	sadd.s32 $0x188600, s13  }
0x15: {  	[tilespmem:s14], [sflag:$0x1] =	stream.indirect.gather [hbm4b:s13+s6], $0x80, s3, s6, $0xb8;
	[tilespmem:$0x8400] =	vst v63  }
0x16: {  	s15 =	simm.s32 $0x4200;
	s16 =	simm.s32 $0x1  }
0x17: {  	[tilespmem:s15], [sflag:$0x1] =	stream.indirect.gather [hbm4b:s13+s6], $0x80, s6, s6, $0xb8;
	[tilespmem:$0x8400] =	vst v63  }
0x18: {  	_ =	swait.ge [sflag:s16], $0x4000  }
0x19: {  	[sflag:s16] =	ssyncset.done $0x0  }
0x1a: {  	s17 =	simm.s32 $0x2;
	[sflag:s16] =	ssyncadd.s32 $0xFFFFC000  }
0x1b: {  	v0 =	vlaneseq.u32;
	_ =	swait.ge [sflag:s17], $0x80  }
0x1c: {  	v15 =	vmul.u32 $0x80, v0;
	[sflag:s17] =	ssyncset.done $0x0  }
0x1d: {  	[sflag:s17] =	ssyncadd.s32 $0xFFFFFF80  }
0x1e: {  	v0 =	vor.u32 $0x40, v15;
	v1 =	vld [tilespmem:$0x8200];
	_ =	sdelay $0x4  }
0x1f: {  	[tilespmem:v0+s14+$0x0] =	vst.idx.msk $0xffff, v1  }
0x20: {  	v1 =	vor.u32 $0x840, v15;
	v2 =	vld [tilespmem:$0x8210];
	_ =	sdelay $0x4  }
0x21: {  	[tilespmem:v1+s14+$0x0] =	vst.idx.msk $0xffff, v2  }
0x22: {  	v2 =	vor.u32 $0x1040, v15;
	v3 =	vld [tilespmem:$0x8220];
	_ =	sdelay $0x4  }
0x23: {  	[tilespmem:v2+s14+$0x0] =	vst.idx.msk $0xffff, v3  }
0x24: {  	v3 =	vor.u32 $0x1840, v15;
	v4 =	vld [tilespmem:$0x8230];
	_ =	sdelay $0x4  }
0x25: {  	[tilespmem:v3+s14+$0x0] =	vst.idx.msk $0xffff, v4  }
0x26: {  	v4 =	vor.u32 $0x2040, v15;
	v5 =	vld [tilespmem:$0x8240];
	_ =	sdelay $0x4  }
0x27: {  	[tilespmem:v4+s14+$0x0] =	vst.idx.msk $0xffff, v5  }
0x28: {  	v5 =	vor.u32 $0x2840, v15;
	v6 =	vld [tilespmem:$0x8250];
	_ =	sdelay $0x4  }
0x29: {  	[tilespmem:v5+s14+$0x0] =	vst.idx.msk $0xffff, v6  }
0x2a: {  	v6 =	vor.u32 $0x3040, v15;
	v7 =	vld [tilespmem:$0x8260];
	_ =	sdelay $0x4  }
0x2b: {  	[tilespmem:v6+s14+$0x0] =	vst.idx.msk $0xffff, v7  }
0x2c: {  	v7 =	vor.u32 $0x3840, v15;
	v8 =	vld [tilespmem:$0x8270];
	_ =	sdelay $0x3  }
0x2d: {  	s19 =	sshll.u32 s19, $0xD  }
0x2e: {  	s18 =	sadd.s32 s18, s19;
	[tilespmem:v7+s14+$0x0] =	vst.idx.msk $0xffff, v8  }
0x2f: {  	[hbm4b:s18+s3] =	stream.linear.scatter [tilespmem:s14], [sflag:$0x3], $0x4000, $0x38;
	[tilespmem:$0x8400] =	vst v63  }
0x30: {  	_ =	swait.ge [sflag:s4], $0x4000  }
0x31: {  	[sflag:s4] =	ssyncset.done $0x0  }
0x32: {  	[sflag:s4] =	ssyncadd.s32 $0xFFFFC000  }
0x33: {  	[tilespmem:s14], [sflag:$0x1] =	stream.indirect.gather [hbm4b:s13+s6], $0x80, s9, s6, $0xb8;
	[tilespmem:$0x8400] =	vst v63  }
0x34: {  	_ =	swait.ge [sflag:s16], $0x4000  }
0x35: {  	[sflag:s16] =	ssyncset.done $0x0  }
0x36: {  	[sflag:s16] =	ssyncadd.s32 $0xFFFFC000  }
0x37: {  	_ =	swait.ge [sflag:s17], $0x80  }
0x38: {  	[sflag:s17] =	ssyncset.done $0x0  }
0x39: {  	[sflag:s17] =	ssyncadd.s32 $0xFFFFFF80  }
0x3a: {  	v8 =	vor.u32 $0x4040, v15;
	v9 =	vld [tilespmem:$0x8280];
	_ =	sdelay $0x4  }
0x3b: {  	[tilespmem:v8+s14+$0x0] =	vst.idx.msk $0xffff, v9  }
0x3c: {  	v9 =	vor.u32 $0x4840, v15;
	v10 =	vld [tilespmem:$0x8290];
	_ =	sdelay $0x4  }
0x3d: {  	[tilespmem:v9+s14+$0x0] =	vst.idx.msk $0xffff, v10  }
0x3e: {  	v10 =	vor.u32 $0x5040, v15;
	v11 =	vld [tilespmem:$0x82A0];
	_ =	sdelay $0x4  }
0x3f: {  	[tilespmem:v10+s14+$0x0] =	vst.idx.msk $0xffff, v11  }
0x40: {  	v11 =	vor.u32 $0x5840, v15;
	v12 =	vld [tilespmem:$0x82B0];
	_ =	sdelay $0x4  }
0x41: {  	[tilespmem:v11+s14+$0x0] =	vst.idx.msk $0xffff, v12  }
0x42: {  	v12 =	vor.u32 $0x6040, v15;
	v13 =	vld [tilespmem:$0x82C0];
	_ =	sdelay $0x4  }
0x43: {  	[tilespmem:v12+s14+$0x0] =	vst.idx.msk $0xffff, v13  }
0x44: {  	v13 =	vor.u32 $0x6840, v15;
	v14 =	vld [tilespmem:$0x82D0];
	_ =	sdelay $0x4  }
0x45: {  	[tilespmem:v13+s14+$0x0] =	vst.idx.msk $0xffff, v14  }
0x46: {  	v14 =	vor.u32 $0x7040, v15;
	v16 =	vld [tilespmem:$0x82E0];
	_ =	sdelay $0x4  }
0x47: {  	[tilespmem:v14+s14+$0x0] =	vst.idx.msk $0xffff, v16  }
0x48: {  	v15 =	vor.u32 $0x7840, v15;
	v16 =	vld [tilespmem:$0x82F0];
	_ =	sdelay $0x4  }
0x49: {  	s19 =	sadd.s32 $0x800, s18;
	[tilespmem:v15+s14+$0x0] =	vst.idx.msk $0xffff, v16  }
0x4a: {  	[hbm4b:s19+s3] =	stream.linear.scatter [tilespmem:s15], [sflag:$0x3], $0x4000, $0x38;
	[tilespmem:$0x8400] =	vst v63  }
0x4b: {  	_ =	swait.ge [sflag:s4], $0x4000  }
0x4c: {  	[sflag:s4] =	ssyncset.done $0x0  }
0x4d: {  	[sflag:s4] =	ssyncadd.s32 $0xFFFFC000  }
0x4e: {  	[tilespmem:s15], [sflag:$0x1] =	stream.indirect.gather [hbm4b:s13+s6], $0x80, s11, s6, $0xb8;
	[tilespmem:$0x8400] =	vst v63  }
0x4f: {  	_ =	swait.ge [sflag:s16], $0x4000  }
0x50: {  	[sflag:s16] =	ssyncset.done $0x0  }
0x51: {  	[sflag:s16] =	ssyncadd.s32 $0xFFFFC000  }
0x52: {  	_ =	swait.ge [sflag:s17], $0x80  }
0x53: {  	[sflag:s17] =	ssyncset.done $0x0  }
0x54: {  	[sflag:s17] =	ssyncadd.s32 $0xFFFFFF80  }
0x55: {  	v16 =	vld [tilespmem:$0x8300];
	_ =	sdelay $0x4  }
0x56: {  	[tilespmem:v0+s14+$0x0] =	vst.idx.msk $0xffff, v16  }
0x57: {  	v16 =	vld [tilespmem:$0x8310];
	_ =	sdelay $0x4  }
0x58: {  	[tilespmem:v1+s14+$0x0] =	vst.idx.msk $0xffff, v16  }
0x59: {  	v16 =	vld [tilespmem:$0x8320];
	_ =	sdelay $0x4  }
0x5a: {  	[tilespmem:v2+s14+$0x0] =	vst.idx.msk $0xffff, v16  }
0x5b: {  	v16 =	vld [tilespmem:$0x8330];
	_ =	sdelay $0x4  }
0x5c: {  	[tilespmem:v3+s14+$0x0] =	vst.idx.msk $0xffff, v16  }
0x5d: {  	v16 =	vld [tilespmem:$0x8340];
	_ =	sdelay $0x4  }
0x5e: {  	[tilespmem:v4+s14+$0x0] =	vst.idx.msk $0xffff, v16  }
0x5f: {  	v16 =	vld [tilespmem:$0x8350];
	_ =	sdelay $0x4  }
0x60: {  	[tilespmem:v5+s14+$0x0] =	vst.idx.msk $0xffff, v16  }
0x61: {  	v16 =	vld [tilespmem:$0x8360];
	_ =	sdelay $0x4  }
0x62: {  	[tilespmem:v6+s14+$0x0] =	vst.idx.msk $0xffff, v16  }
0x63: {  	v16 =	vld [tilespmem:$0x8370];
	_ =	sdelay $0x4  }
0x64: {  	s20 =	sadd.s32 $0x1000, s18;
	[tilespmem:v7+s14+$0x0] =	vst.idx.msk $0xffff, v16  }
0x65: {  	[hbm4b:s20+s3] =	stream.linear.scatter [tilespmem:s14], [sflag:$0x3], $0x4000, $0x38;
	[tilespmem:$0x8400] =	vst v63  }
0x66: {  	_ =	swait.ge [sflag:s4], $0x4000  }
0x67: {  	[sflag:s4] =	ssyncset.done $0x0  }
0x68: {  	[sflag:s4] =	ssyncadd.s32 $0xFFFFC000  }
0x69: {  	_ =	swait.ge [sflag:s16], $0x4000  }
0x6a: {  	[sflag:s16] =	ssyncset.done $0x0  }
0x6b: {  	[sflag:s16] =	ssyncadd.s32 $0xFFFFC000  }
0x6c: {  	_ =	swait.ge [sflag:s17], $0x80  }
0x6d: {  	[sflag:s17] =	ssyncset.done $0x0  }
0x6e: {  	[sflag:s17] =	ssyncadd.s32 $0xFFFFFF80  }
0x6f: {  	v16 =	vld [tilespmem:$0x8380];
	_ =	sdelay $0x4  }
0x70: {  	[tilespmem:v8+s14+$0x0] =	vst.idx.msk $0xffff, v16  }
0x71: {  	v16 =	vld [tilespmem:$0x8390];
	_ =	sdelay $0x4  }
0x72: {  	[tilespmem:v9+s14+$0x0] =	vst.idx.msk $0xffff, v16  }
0x73: {  	v16 =	vld [tilespmem:$0x83A0];
	_ =	sdelay $0x4  }
0x74: {  	[tilespmem:v10+s14+$0x0] =	vst.idx.msk $0xffff, v16  }
0x75: {  	v16 =	vld [tilespmem:$0x83B0];
	_ =	sdelay $0x4  }
0x76: {  	[tilespmem:v11+s14+$0x0] =	vst.idx.msk $0xffff, v16  }
0x77: {  	v16 =	vld [tilespmem:$0x83C0];
	_ =	sdelay $0x4  }
0x78: {  	[tilespmem:v12+s14+$0x0] =	vst.idx.msk $0xffff, v16  }
0x79: {  	v16 =	vld [tilespmem:$0x83D0];
	_ =	sdelay $0x4  }
0x7a: {  	[tilespmem:v13+s14+$0x0] =	vst.idx.msk $0xffff, v16  }
0x7b: {  	v16 =	vld [tilespmem:$0x83E0];
	_ =	sdelay $0x4  }
0x7c: {  	s21 =	ssub.s32 $0x2, s21;
	[tilespmem:v14+s14+$0x0] =	vst.idx.msk $0xffff, v16  }
0x7d: {  	s22 =	sshrl.u32 s21, $0x1;
	v16 =	vld [tilespmem:$0x83F0]  }
0x7e: {  	s22 =	ssub.s32 s21, s22  }
0x7f: {  	s22 =	smax.u32 s22, $0x1  }
0x80: {  	p0 =	sne.s32 s22, $0x1  }
.Ltmp0:
0x81: {  	_ = 	snop;
	(pc) =	sbr.rel @!p0 .LBB2_2-.Ltmp0, $4  }
0x82: {  	s21 =	sadd.s32 $0x1800, s18;
	[tilespmem:v15+s14+$0x0] =	vst.idx.msk $0xffff, v16  }
0x83: {  	[hbm4b:s21+s3] =	stream.linear.scatter [tilespmem:s15], [sflag:$0x3], $0x4000, $0x38;
	[tilespmem:$0x8400] =	vst v63  }
0x84: {  	_ =	swait.ge [sflag:s4], $0x4000  }
0x85: {  	s22 =	sadd.s32 $0xFFFFFFFF, s22;
	[sflag:s4] =	ssyncset.done $0x0  }
.LBB2_1:
0x86: {  	p0 =	sne.s32 s22, $0x1;
	s22 =	sadd.s32 $0xFFFFFFFF, s22;
	[sflag:s4] =	ssyncadd.s32 $0xFFFFC000  }
0x87: {  	[tilespmem:s3], [sflag:$0x3] =	stream.linear.gather [hbm4b:s5+s3], $0x200, $0x38;
	[tilespmem:$0x8400] =	vst v63  }
0x88: {  	_ =	swait.ge [sflag:s4], $0x200  }
0x89: {  	[sflag:s4] =	ssyncset.done $0x0  }
0x8a: {  	[sflag:s4] =	ssyncadd.s32 $0xFFFFFE00  }
0x8b: {  	[tilespmem:s7], [sflag:$0x2] =	stream.indirect.gather [hbm4b:s2+s6], $0x1, s3, s6, $0xb8;
	[tilespmem:$0x8400] =	vst v63  }
0x8c: {  	_ = 	snop  }
0x8d: {  	[tilespmem:s8], [sflag:$0x2] =	stream.indirect.gather [hbm4b:s2+s6], $0x1, s6, s6, $0xb8;
	[tilespmem:$0x8400] =	vst v63  }
0x8e: {  	_ = 	snop  }
0x8f: {  	[tilespmem:s10], [sflag:$0x2] =	stream.indirect.gather [hbm4b:s2+s6], $0x1, s9, s6, $0xb8;
	[tilespmem:$0x8400] =	vst v63  }
0x90: {  	_ = 	snop  }
0x91: {  	[tilespmem:s12], [sflag:$0x2] =	stream.indirect.gather [hbm4b:s2+s6], $0x1, s11, s6, $0xb8;
	[tilespmem:$0x8400] =	vst v63  }
0x92: {  	_ = 	snop  }
0x93: {  	[tilespmem:s14], [sflag:$0x1] =	stream.indirect.gather [hbm4b:s13+s6], $0x80, s3, s6, $0xb8;
	[tilespmem:$0x8400] =	vst v63  }
0x94: {  	_ = 	snop  }
0x95: {  	[tilespmem:s15], [sflag:$0x1] =	stream.indirect.gather [hbm4b:s13+s6], $0x80, s6, s6, $0xb8;
	[tilespmem:$0x8400] =	vst v63  }
0x96: {  	_ =	swait.ge [sflag:s16], $0x4000  }
0x97: {  	[sflag:s16] =	ssyncset.done $0x0  }
0x98: {  	[sflag:s16] =	ssyncadd.s32 $0xFFFFC000  }
0x99: {  	_ =	swait.ge [sflag:s17], $0x80  }
0x9a: {  	[sflag:s17] =	ssyncset.done $0x0  }
0x9b: {  	[sflag:s17] =	ssyncadd.s32 $0xFFFFFF80  }
0x9c: {  	v16 =	vld [tilespmem:$0x8200];
	_ =	sdelay $0x4  }
0x9d: {  	[tilespmem:v0+s14+$0x0] =	vst.idx.msk $0xffff, v16  }
0x9e: {  	v16 =	vld [tilespmem:$0x8210];
	_ =	sdelay $0x4  }
0x9f: {  	[tilespmem:v1+s14+$0x0] =	vst.idx.msk $0xffff, v16  }
0xa0: {  	v16 =	vld [tilespmem:$0x8220];
	_ =	sdelay $0x4  }
0xa1: {  	[tilespmem:v2+s14+$0x0] =	vst.idx.msk $0xffff, v16  }
0xa2: {  	v16 =	vld [tilespmem:$0x8230];
	_ =	sdelay $0x4  }
0xa3: {  	[tilespmem:v3+s14+$0x0] =	vst.idx.msk $0xffff, v16  }
0xa4: {  	v16 =	vld [tilespmem:$0x8240];
	_ =	sdelay $0x4  }
0xa5: {  	[tilespmem:v4+s14+$0x0] =	vst.idx.msk $0xffff, v16  }
0xa6: {  	v16 =	vld [tilespmem:$0x8250];
	_ =	sdelay $0x4  }
0xa7: {  	[tilespmem:v5+s14+$0x0] =	vst.idx.msk $0xffff, v16  }
0xa8: {  	v16 =	vld [tilespmem:$0x8260];
	_ =	sdelay $0x4  }
0xa9: {  	[tilespmem:v6+s14+$0x0] =	vst.idx.msk $0xffff, v16  }
0xaa: {  	v16 =	vld [tilespmem:$0x8270];
	_ =	sdelay $0x4  }
0xab: {  	[tilespmem:v7+s14+$0x0] =	vst.idx.msk $0xffff, v16  }
0xac: {  	[hbm4b:s18+s3] =	stream.linear.scatter [tilespmem:s14], [sflag:$0x3], $0x4000, $0x38;
	[tilespmem:$0x8400] =	vst v63  }
0xad: {  	_ =	swait.ge [sflag:s4], $0x4000  }
0xae: {  	[sflag:s4] =	ssyncset.done $0x0  }
0xaf: {  	[sflag:s4] =	ssyncadd.s32 $0xFFFFC000  }
0xb0: {  	[tilespmem:s14], [sflag:$0x1] =	stream.indirect.gather [hbm4b:s13+s6], $0x80, s9, s6, $0xb8;
	[tilespmem:$0x8400] =	vst v63  }
0xb1: {  	_ =	swait.ge [sflag:s16], $0x4000  }
0xb2: {  	[sflag:s16] =	ssyncset.done $0x0  }
0xb3: {  	[sflag:s16] =	ssyncadd.s32 $0xFFFFC000  }
0xb4: {  	_ =	swait.ge [sflag:s17], $0x80  }
0xb5: {  	[sflag:s17] =	ssyncset.done $0x0  }
0xb6: {  	[sflag:s17] =	ssyncadd.s32 $0xFFFFFF80  }
0xb7: {  	v16 =	vld [tilespmem:$0x8280];
	_ =	sdelay $0x4  }
0xb8: {  	[tilespmem:v8+s14+$0x0] =	vst.idx.msk $0xffff, v16  }
0xb9: {  	v16 =	vld [tilespmem:$0x8290];
	_ =	sdelay $0x4  }
0xba: {  	[tilespmem:v9+s14+$0x0] =	vst.idx.msk $0xffff, v16  }
0xbb: {  	v16 =	vld [tilespmem:$0x82A0];
	_ =	sdelay $0x4  }
0xbc: {  	[tilespmem:v10+s14+$0x0] =	vst.idx.msk $0xffff, v16  }
0xbd: {  	v16 =	vld [tilespmem:$0x82B0];
	_ =	sdelay $0x4  }
0xbe: {  	[tilespmem:v11+s14+$0x0] =	vst.idx.msk $0xffff, v16  }
0xbf: {  	v16 =	vld [tilespmem:$0x82C0];
	_ =	sdelay $0x4  }
0xc0: {  	[tilespmem:v12+s14+$0x0] =	vst.idx.msk $0xffff, v16  }
0xc1: {  	v16 =	vld [tilespmem:$0x82D0];
	_ =	sdelay $0x4  }
0xc2: {  	[tilespmem:v13+s14+$0x0] =	vst.idx.msk $0xffff, v16  }
0xc3: {  	v16 =	vld [tilespmem:$0x82E0];
	_ =	sdelay $0x4  }
0xc4: {  	[tilespmem:v14+s14+$0x0] =	vst.idx.msk $0xffff, v16  }
0xc5: {  	v16 =	vld [tilespmem:$0x82F0];
	_ =	sdelay $0x4  }
0xc6: {  	[tilespmem:v15+s14+$0x0] =	vst.idx.msk $0xffff, v16  }
0xc7: {  	[hbm4b:s19+s3] =	stream.linear.scatter [tilespmem:s15], [sflag:$0x3], $0x4000, $0x38;
	[tilespmem:$0x8400] =	vst v63  }
0xc8: {  	_ =	swait.ge [sflag:s4], $0x4000  }
0xc9: {  	[sflag:s4] =	ssyncset.done $0x0  }
0xca: {  	[sflag:s4] =	ssyncadd.s32 $0xFFFFC000  }
0xcb: {  	[tilespmem:s15], [sflag:$0x1] =	stream.indirect.gather [hbm4b:s13+s6], $0x80, s11, s6, $0xb8;
	[tilespmem:$0x8400] =	vst v63  }
0xcc: {  	_ =	swait.ge [sflag:s16], $0x4000  }
0xcd: {  	[sflag:s16] =	ssyncset.done $0x0  }
0xce: {  	[sflag:s16] =	ssyncadd.s32 $0xFFFFC000  }
0xcf: {  	_ =	swait.ge [sflag:s17], $0x80  }
0xd0: {  	[sflag:s17] =	ssyncset.done $0x0  }
0xd1: {  	[sflag:s17] =	ssyncadd.s32 $0xFFFFFF80  }
0xd2: {  	v16 =	vld [tilespmem:$0x8300];
	_ =	sdelay $0x4  }
0xd3: {  	[tilespmem:v0+s14+$0x0] =	vst.idx.msk $0xffff, v16  }
0xd4: {  	v16 =	vld [tilespmem:$0x8310];
	_ =	sdelay $0x4  }
0xd5: {  	[tilespmem:v1+s14+$0x0] =	vst.idx.msk $0xffff, v16  }
0xd6: {  	v16 =	vld [tilespmem:$0x8320];
	_ =	sdelay $0x4  }
0xd7: {  	[tilespmem:v2+s14+$0x0] =	vst.idx.msk $0xffff, v16  }
0xd8: {  	v16 =	vld [tilespmem:$0x8330];
	_ =	sdelay $0x4  }
0xd9: {  	[tilespmem:v3+s14+$0x0] =	vst.idx.msk $0xffff, v16  }
0xda: {  	v16 =	vld [tilespmem:$0x8340];
	_ =	sdelay $0x4  }
0xdb: {  	[tilespmem:v4+s14+$0x0] =	vst.idx.msk $0xffff, v16  }
0xdc: {  	v16 =	vld [tilespmem:$0x8350];
	_ =	sdelay $0x4  }
0xdd: {  	[tilespmem:v5+s14+$0x0] =	vst.idx.msk $0xffff, v16  }
0xde: {  	v16 =	vld [tilespmem:$0x8360];
	_ =	sdelay $0x4  }
0xdf: {  	[tilespmem:v6+s14+$0x0] =	vst.idx.msk $0xffff, v16  }
0xe0: {  	v16 =	vld [tilespmem:$0x8370];
	_ =	sdelay $0x4  }
0xe1: {  	[tilespmem:v7+s14+$0x0] =	vst.idx.msk $0xffff, v16  }
0xe2: {  	[hbm4b:s20+s3] =	stream.linear.scatter [tilespmem:s14], [sflag:$0x3], $0x4000, $0x38;
	[tilespmem:$0x8400] =	vst v63  }
0xe3: {  	_ =	swait.ge [sflag:s4], $0x4000  }
0xe4: {  	[sflag:s4] =	ssyncset.done $0x0  }
0xe5: {  	[sflag:s4] =	ssyncadd.s32 $0xFFFFC000  }
0xe6: {  	_ =	swait.ge [sflag:s16], $0x4000  }
0xe7: {  	[sflag:s16] =	ssyncset.done $0x0  }
0xe8: {  	[sflag:s16] =	ssyncadd.s32 $0xFFFFC000  }
0xe9: {  	_ =	swait.ge [sflag:s17], $0x80  }
0xea: {  	[sflag:s17] =	ssyncset.done $0x0  }
0xeb: {  	[sflag:s17] =	ssyncadd.s32 $0xFFFFFF80  }
0xec: {  	v16 =	vld [tilespmem:$0x8380];
	_ =	sdelay $0x4  }
0xed: {  	[tilespmem:v8+s14+$0x0] =	vst.idx.msk $0xffff, v16  }
0xee: {  	v16 =	vld [tilespmem:$0x8390];
	_ =	sdelay $0x4  }
0xef: {  	[tilespmem:v9+s14+$0x0] =	vst.idx.msk $0xffff, v16  }
0xf0: {  	v16 =	vld [tilespmem:$0x83A0];
	_ =	sdelay $0x4  }
0xf1: {  	[tilespmem:v10+s14+$0x0] =	vst.idx.msk $0xffff, v16  }
0xf2: {  	v16 =	vld [tilespmem:$0x83B0];
	_ =	sdelay $0x4  }
0xf3: {  	[tilespmem:v11+s14+$0x0] =	vst.idx.msk $0xffff, v16  }
0xf4: {  	v16 =	vld [tilespmem:$0x83C0];
	_ =	sdelay $0x4  }
0xf5: {  	[tilespmem:v12+s14+$0x0] =	vst.idx.msk $0xffff, v16  }
0xf6: {  	v16 =	vld [tilespmem:$0x83D0];
	_ =	sdelay $0x4  }
0xf7: {  	[tilespmem:v13+s14+$0x0] =	vst.idx.msk $0xffff, v16  }
0xf8: {  	v16 =	vld [tilespmem:$0x83E0];
	_ =	sdelay $0x4  }
0xf9: {  	[tilespmem:v14+s14+$0x0] =	vst.idx.msk $0xffff, v16  }
0xfa: {  	v16 =	vld [tilespmem:$0x83F0];
	_ =	sdelay $0x3  }
.Ltmp1:
0xfb: {  	(pc) =	sbr.rel @p0 .LBB2_1-.Ltmp1, $4  }
0xfc: {  	[tilespmem:v15+s14+$0x0] =	vst.idx.msk $0xffff, v16  }
0xfd: {  	[hbm4b:s21+s3] =	stream.linear.scatter [tilespmem:s15], [sflag:$0x3], $0x4000, $0x38;
	[tilespmem:$0x8400] =	vst v63  }
0xfe: {  	_ =	swait.ge [sflag:s4], $0x4000  }
0xff: {  	[sflag:s4] =	ssyncset.done $0x0  }
.LBB2_2:
0x100: {  	[sflag:s4] =	ssyncadd.s32 $0xFFFFC000  }
0x101: {  	_ =	sfence.sel $0x180000  }
0x102: {  	[bflag:$0x0] =	sbarrier.arrive $0xFFFF  }
0x103: {  	p0 =	sne.s32 s0, $0x0;
	_ =	strace $0x90000047  }
0x104: {  	s0 =	sadd.s32 @!p0 $0x100000, s1;
	[bflag:$0x2] =	sbarrier.arrive $0xFFFF  }
0x105: {  	[sflag:s0] =	ssyncadd.tile.s32 @!p0 $0x1;
	_ =	shalt  }
.Lfunc_end2:
_tile_overlayer_lowered:
.L_overlay_start_2:
0x106: {  	(tag) =	ssettag $0x2  }
0x107: {  	s0 =	rddreg [dreg:$0x0];
	s2 =	stileid.u32  }
0x108: {  	s1 =	rddreg [dreg:$0x1];
	p0 =	sne.s32 s2, $0x0  }
0x109: {  	s3 =	rddreg [dreg:$0x2];
	[bflag:$0x3] =	sbarrier.arrive $0xFFFF;
	s2 =	simm.s32 @!p0 $0x1C03  }
0x10a: {  	[timem:s3], [sflag:s2] =	dma.local @!p0 [hbm:s0], s1  }
0x10b: {  	s0 =	simm.s32 @!p0 $0x3  }
0x10c: {  	_ =	swait.ge @!p0 [sflag:s0], s1  }
0x10d: {  	s1 =	ssub.s32 @!p0 $0x0, s1;
	[sflag:s0] =	ssyncset.done @!p0 $0x0  }
0x10e: {  	[sflag:s0] =	ssyncadd.s32 @!p0 s1  }
0x10f: {  	[bflag:$0x3] =	sbarrier.arrive $0xFFFF  }
0x110: {  	_ =	shalt  }

</sc_bundles>
